<compile_context>
chip_gen: v7x
topology: tpu7x:2x2x1
jax: 0.10.2.dev20260603
libtpu: 0.0.44.dev20260713+nightly
codegen_flags: <defaults>
</compile_context>

<pallas_src>
import functools

import jax
import jax.numpy as jnp
from jax import lax
from jax.experimental import pallas as pl
from jax.experimental.pallas import tpu as pltpu
from jax.experimental.pallas import tpu_sc as plsc

_NC, _NS = 2, 16
_NW = _NC * _NS
_B, _K, _T = 64, 1000, 100
_KP = 1024
_NCHUNK = 1008 // 16
_BPW = _B // _NW
_BIG = 1e30


def _rsqrt_newton(x):
    i = lax.bitcast_convert_type(x, jnp.int32)
    y = lax.bitcast_convert_type(
        jnp.int32(0x5F3759DF) - lax.shift_right_arithmetic(i, 1), jnp.float32)
    for _ in range(3):
        y = y * (1.5 - 0.5 * x * y * y)
    return y


def _dyn_gather(x, idx):
    dn = lax.GatherDimensionNumbers(offset_dims=(), collapsed_slice_dims=(0,),
                                    start_index_map=(0,))
    return lax.gather(x, idx[:, None], dn, (1,),
                      mode=lax.GatherScatterMode.PROMISE_IN_BOUNDS)


def _sc_match(pred_flat, conf, tgt_flat):
    mesh = plsc.VectorSubcoreMesh(core_axis_name="c", subcore_axis_name="s")
    fkp = lambda: pltpu.VMEM((_KP,), jnp.float32)
    per_batch = [fkp(), fkp(), fkp(), fkp(), fkp(),
                 pltpu.VMEM((512,), jnp.float32),
                 pltpu.VMEM((128,), jnp.int32),
                 pltpu.VMEM((4096,), jnp.float32)]
    sems = [pltpu.SemaphoreType.DMA] * 6

    @functools.partial(
        pl.kernel,
        out_type=jax.ShapeDtypeStruct((_B, 16), jnp.float32),
        mesh=mesh,
        scratch_types=per_batch + per_batch
                      + [pltpu.VMEM((16,), jnp.float32)] + sems,
        compiler_params=pltpu.CompilerParams(needs_layout_passes=False),
    )
    def k(pred_h, conf_h, tgt_h, out_h,
          p0a, p1a, p2a, basea, confa, tgta, idxa_v, stga,
          p0b, p1b, p2b, baseb, confb, tgtb, idxb_v, stgb, rowv,
          s0, s1, s2, s3, s4, s5):
        wid = lax.axis_index("s") * _NC + lax.axis_index("c")
        iota = lax.iota(jnp.int32, 16)
        lane0 = iota == 0
        ip0 = iota * 4
        ip1 = ip0 + 1
        ip2 = ip0 + 2
        big16 = jnp.full((16,), _BIG, jnp.float32)
        zeroi = jnp.zeros((16,), jnp.int32)

        batches = ((p0a, p1a, p2a, basea, confa, tgta, idxa_v, stga),
                   (p0b, p1b, p2b, baseb, confb, tgtb, idxb_v, stgb))

        ba = wid * _BPW
        cps = (pltpu.async_copy(pred_h.at[ba], stga, s0),
               pltpu.async_copy(conf_h.at[ba], confa, s1),
               pltpu.async_copy(tgt_h.at[ba], tgta, s2),
               pltpu.async_copy(pred_h.at[ba + 1], stgb, s3),
               pltpu.async_copy(conf_h.at[ba + 1], confb, s4),
               pltpu.async_copy(tgt_h.at[ba + 1], tgtb, s5))
        for r in range(_BPW):
            p0v, p1v, p2v, basev, confv, tgtv, idxv, stagev = batches[r]
            for cp in cps[3 * r:3 * r + 3]:
                cp.wait()

            def stage_chunk(c, _):
                off = c * 16
                src = c * 64
                p0v[pl.ds(off, 16)] = plsc.load_gather(stagev, (src + ip0,))
                p1v[pl.ds(off, 16)] = plsc.load_gather(stagev, (src + ip1,))
                p2v[pl.ds(off, 16)] = plsc.load_gather(stagev, (src + ip2,))
                x = confv[pl.ds(off, 16)]
                basev[pl.ds(off, 16)] = -1.0 / (1.0 + jnp.exp(-x))
                return 0

            lax.fori_loop(0, _NCHUNK, stage_chunk, 0, unroll=7)
            idxv[pl.ds(96, 16)] = zeroi

        def jstep(j, carry):
            j4 = jnp.full((16,), j * 4, jnp.int32)
            ta0 = plsc.load_gather(tgta, (j4,))
            ta1 = plsc.load_gather(tgta, (j4 + 1,))
            ta2 = plsc.load_gather(tgta, (j4 + 2,))
            tb0 = plsc.load_gather(tgtb, (j4,))
            tb1 = plsc.load_gather(tgtb, (j4 + 1,))
            tb2 = plsc.load_gather(tgtb, (j4 + 2,))

            def cstep(c, cc):
                rma, ria, rmb, rib = cc
                off = c * 16
                va = (jnp.abs(p0a[pl.ds(off, 16)] - ta0)
                      + jnp.abs(p1a[pl.ds(off, 16)] - ta1)
                      + jnp.abs(p2a[pl.ds(off, 16)] - ta2)
                      ) + basea[pl.ds(off, 16)]
                vb = (jnp.abs(p0b[pl.ds(off, 16)] - tb0)
                      + jnp.abs(p1b[pl.ds(off, 16)] - tb1)
                      + jnp.abs(p2b[pl.ds(off, 16)] - tb2)
                      ) + baseb[pl.ds(off, 16)]
                ba = va < rma
                bb = vb < rmb
                rma = jnp.where(ba, va, rma)
                ria = jnp.where(ba, off + iota, ria)
                rmb = jnp.where(bb, vb, rmb)
                rib = jnp.where(bb, off + iota, rib)
                return rma, ria, rmb, rib

            rm0 = jnp.full((16,), 3e38, jnp.float32)
            ri0 = jnp.zeros((16,), jnp.int32)
            rma, ria, rmb, rib = lax.fori_loop(
                0, _NCHUNK, cstep, (rm0, ri0, rm0, ri0), unroll=9)

            j_s = jnp.full((16,), j, jnp.int32)
            mna = jnp.min(rma)
            la = plsc.all_reduce_ffs(rma == mna)
            ia = _dyn_gather(ria, jnp.broadcast_to(la, (16,)))
            plsc.store_scatter(basea, (ia,), big16, mask=lane0)
            plsc.store_scatter(idxa_v, (j_s,), ia, mask=lane0)

            mnb = jnp.min(rmb)
            lb = plsc.all_reduce_ffs(rmb == mnb)
            ib = _dyn_gather(rib, jnp.broadcast_to(lb, (16,)))
            plsc.store_scatter(baseb, (ib,), big16, mask=lane0)
            plsc.store_scatter(idxb_v, (j_s,), ib, mask=lane0)
            return 0

        lax.fori_loop(0, _T, jstep, 0)

        for r in range(_BPW):
            b = wid * _BPW + r
            p0v, p1v, p2v, _, confv, tgtv, idxv, _ = batches[r]
            dir_acc = jnp.zeros((16,), jnp.float32)
            off_acc = jnp.zeros((16,), jnp.float32)
            cm_acc = jnp.zeros((16,), jnp.float32)
            for cc in range((_T + 15) // 16):
                s = cc * 16
                iv = idxv[pl.ds(s, 16)]
                a0 = plsc.load_gather(p0v, (iv,))
                a1 = plsc.load_gather(p1v, (iv,))
                ad = plsc.load_gather(p2v, (iv,))
                cg = plsc.load_gather(confv, (iv,))
                s64 = s * 4
                b0 = plsc.load_gather(tgtv, (s64 + ip0,))
                b1 = plsc.load_gather(tgtv, (s64 + ip1,))
                bd = plsc.load_gather(tgtv, (s64 + ip2,))
                sp = jnp.maximum(a0 * a0 + a1 * a1, 1e-24)
                st = jnp.maximum(b0 * b0 + b1 * b1, 1e-24)
                rp = _rsqrt_newton(sp)
                rt = _rsqrt_newton(st)
                u = (a0 * b0 + a1 * b1) * (rp * rt)
                dirt = jnp.abs(1.0 - u)
                offt = jnp.abs(ad * rp - bd * rt)
                msk = (s + iota) < _T
                dir_acc = dir_acc + jnp.where(msk, dirt, 0.0)
                off_acc = off_acc + jnp.where(msk, offt, 0.0)
                cm_acc = cm_acc + jnp.where(msk, cg, 0.0)
            dir_s = jnp.sum(dir_acc)
            off_s = jnp.sum(off_acc)
            cm = jnp.sum(cm_acc)
            row = (jnp.where(iota == 0, dir_s, 0.0)
                   + jnp.where(iota == 1, off_s, 0.0)
                   + jnp.where(iota == 2, cm, 0.0))
            rowv[...] = row
            pltpu.sync_copy(rowv, out_h.at[b])

    return k(pred_flat, conf, tgt_flat)


def _tc_combine(conf, partials):
    def body(conf_ref, part_ref, out_ref):
        x = conf_ref[...]
        bce = jnp.sum(jnp.maximum(x, 0.0) + jnp.log1p(jnp.exp(-jnp.abs(x))))
        pr = part_ref[...]
        dir_tot = jnp.sum(pr[:, 0:1])
        off_tot = jnp.sum(pr[:, 1:2])
        cm_tot = jnp.sum(pr[:, 2:3])
        inv_bt = 1.0 / (_B * _T)
        loss_lines = (dir_tot * inv_bt + off_tot * inv_bt) * 0.5
        loss_conf = (bce - cm_tot) * (1.0 / (_B * _K))
        out_ref[0, 0] = (loss_lines + loss_conf) * 0.5

    return pl.pallas_call(
        body,
        out_shape=jax.ShapeDtypeStruct((1, 1), jnp.float32),
        out_specs=pl.BlockSpec(memory_space=pltpu.SMEM),
    )(conf, partials)


def kernel(pred_lines, confidence, targets):
    pred_flat = jnp.pad(pred_lines.reshape(_B, _K * 4), ((0, 0), (0, 96)),
                        constant_values=1e9)
    conf_pad = jnp.pad(confidence, ((0, 0), (0, _KP - _K)))
    tgt_flat = jnp.pad(targets.reshape(_B, _T * 4), ((0, 0), (0, 112)))
    partials = _sc_match(pred_flat, conf_pad, tgt_flat)
    out = _tc_combine(confidence, partials)
    return out[0, 0]

# --- scband reference (transcript-rebuilt; emitter-appended) ---
"""Pipeline reference for scband-set-criterion-87909390615099 (READ-ONLY COPY).

The authoritative reference and input builder live on the scoring server;
editing this copy changes nothing except your own understanding.
"""

import jax, jax.numpy as jnp
import numpy as np

DIRECTION_LOSS_WEIGHT = 1.0
CONF_LOSS_WEIGHT = 1.0


def _greedy_match(cost):
    # cost: [K, T]. Column-wise greedy Hungarian-style assignment:
    # for each target j in order, pick the unused prediction with min cost.
    K, T = cost.shape

    def body(j, carry):
        used, src = carry
        c = jnp.where(used, jnp.inf, cost[:, j])
        i = jnp.argmin(c).astype(jnp.int32)
        used = used.at[i].set(True)
        src = src.at[j].set(i)
        return used, src

    used0 = jnp.zeros((K,), dtype=bool)
    src0 = jnp.zeros((T,), dtype=jnp.int32)
    _, src = jax.lax.fori_loop(0, T, body, (used0, src0))
    return src


def setup_inputs(seed: int = 0) -> dict:
    key = jax.random.key(seed)
    k1, k2, k3 = jax.random.split(key, 3)
    pred_lines = jax.random.normal(k1, (64, 1000, 4), dtype=jnp.float32)
    confidence = jax.random.normal(k2, (64, 1000), dtype=jnp.float32)
    targets = jax.random.normal(k3, (64, 100, 4), dtype=jnp.float32)
    return {"pred_lines": pred_lines, "confidence": confidence, "targets": targets}


def _forward(pred_lines, confidence, targets,
             lambda_dir=DIRECTION_LOSS_WEIGHT, conf_w=CONF_LOSS_WEIGHT, eps=1e-12):
    B, K, _ = pred_lines.shape
    T = targets.shape[1]

    # --- HungarianMatcher (no_grad in torch -> stop_gradient here) ---
    cost = jnp.abs(pred_lines[:, :, None, :3] - targets[:, None, :, :3]).sum(-1)
    cost = cost - jax.nn.sigmoid(confidence)[:, :, None]
    cost = jax.lax.stop_gradient(cost)
    src_idx = jax.vmap(_greedy_match)(cost)  # [B, T] matched prediction index per target
    # tgt permutation index is arange(T) per batch (every target matched in order)

    batch_idx = jnp.broadcast_to(jnp.arange(B)[:, None], (B, T)).reshape(-1)
    src_flat = src_idx.reshape(-1)

    # --- loss_lines ---
    src = pred_lines[batch_idx, src_flat][:, :3]
    tgt = targets[..., :3].reshape(-1, 3)
    pn, pd = src[:, :2], src[:, 2]
    tn, td = tgt[:, :2], tgt[:, 2]
    pn_norm = jnp.clip(jnp.linalg.norm(pn, axis=1, keepdims=True), eps, None)
    tn_norm = jnp.clip(jnp.linalg.norm(tn, axis=1, keepdims=True), eps, None)
    pn_u = pn / pn_norm
    tn_u = tn / tn_norm
    pd = pd / pn_norm[:, 0]
    td = td / tn_norm[:, 0]
    dir_term = jnp.abs(1.0 - (pn_u * tn_u).sum(axis=1))
    loss_dir = dir_term.mean()
    off_term = jnp.abs(pd - td)
    loss_off = off_term.mean()
    lambda_off = 1.0
    loss_lines = (lambda_dir * loss_dir + lambda_off * loss_off) / (lambda_dir + lambda_off)

    # --- loss_confidence (BCE with logits, matched -> 1, unmatched -> 0) ---
    target_conf = jnp.zeros((B, K), dtype=jnp.float32).at[batch_idx, src_flat].set(1.0)
    x = confidence
    y = target_conf
    loss_conf = jnp.mean(jnp.maximum(x, 0.0) - x * y + jnp.log1p(jnp.exp(-jnp.abs(x))))

    return (loss_lines + conf_w * loss_conf) / (1.0 + conf_w)


def reference(pred_lines, confidence, targets):
    return _forward(pred_lines, confidence, targets)

if __name__ == "__main__":
    import jax
    _d = setup_inputs()
    print(jax.jit(kernel)(*tuple(_d.values())))

</pallas_src>

<mosaic_0001>
#map = affine_map<(d0, d1) -> (0, 0)>
module attributes {stable_mosaic.version = 14 : i64} {
  func.func @k(%arg0: i32, %arg1: i32, %arg2: memref<64x4096xf32, #tpu.memory_space<hbm>>, %arg3: memref<64x1024xf32, #tpu.memory_space<hbm>>, %arg4: memref<64x512xf32, #tpu.memory_space<hbm>>, %arg5: memref<64x16xf32, #tpu.memory_space<hbm>>, %arg6: memref<1024xf32, #tpu.memory_space<vmem>>, %arg7: memref<1024xf32, #tpu.memory_space<vmem>>, %arg8: memref<1024xf32, #tpu.memory_space<vmem>>, %arg9: memref<1024xf32, #tpu.memory_space<vmem>>, %arg10: memref<1024xf32, #tpu.memory_space<vmem>>, %arg11: memref<512xf32, #tpu.memory_space<vmem>>, %arg12: memref<128xi32, #tpu.memory_space<vmem>>, %arg13: memref<4096xf32, #tpu.memory_space<vmem>>, %arg14: memref<1024xf32, #tpu.memory_space<vmem>>, %arg15: memref<1024xf32, #tpu.memory_space<vmem>>, %arg16: memref<1024xf32, #tpu.memory_space<vmem>>, %arg17: memref<1024xf32, #tpu.memory_space<vmem>>, %arg18: memref<1024xf32, #tpu.memory_space<vmem>>, %arg19: memref<512xf32, #tpu.memory_space<vmem>>, %arg20: memref<128xi32, #tpu.memory_space<vmem>>, %arg21: memref<4096xf32, #tpu.memory_space<vmem>>, %arg22: memref<16xf32, #tpu.memory_space<vmem>>, %arg23: memref<!tpu.dma_semaphore, #tpu.memory_space<semaphore_mem>>, %arg24: memref<!tpu.dma_semaphore, #tpu.memory_space<semaphore_mem>>, %arg25: memref<!tpu.dma_semaphore, #tpu.memory_space<semaphore_mem>>, %arg26: memref<!tpu.dma_semaphore, #tpu.memory_space<semaphore_mem>>, %arg27: memref<!tpu.dma_semaphore, #tpu.memory_space<semaphore_mem>>, %arg28: memref<!tpu.dma_semaphore, #tpu.memory_space<semaphore_mem>>) attributes {dimension_semantics = [#tpu.dimension_semantics<core_parallel>, #tpu.dimension_semantics<subcore_parallel>], iteration_bounds = array<i64: 2, 16>, scalar_prefetch = 0 : i64, scratch_operands = 23 : i64, tpu.core_type = #tpu.core_type<sc_vector_subcore>, window_params = [{transform_indices = #map}, {transform_indices = #map}, {transform_indices = #map}, {transform_indices = #map}]} {
    %mul3A = arith.constant 2 : i32
    %mul3A_0 = arith.muli %arg1, %mul3A : i32
    %add3A = arith.addi %mul3A_0, %arg0 : i32
    %iota3A = tpu.iota {dimensions = array<i32: 0>} : vector<16xi32>
    %eq3A = arith.constant 0 : i32
    %eq3A_1 = vector.broadcast %eq3A : i32 to vector<16xi32>
    %eq3A_2 = arith.cmpi eq, %iota3A, %eq3A_1 : vector<16xi32>
    %mul3A_3 = arith.constant 4 : i32
    %mul3A_4 = vector.broadcast %mul3A_3 : i32 to vector<16xi32>
    %mul3A_5 = arith.muli %iota3A, %mul3A_4 : vector<16xi32>
    %add3A_6 = arith.constant 1 : i32
    %add3A_7 = vector.broadcast %add3A_6 : i32 to vector<16xi32>
    %add3A_8 = arith.addi %mul3A_5, %add3A_7 : vector<16xi32>
    %add3A_9 = arith.constant 2 : i32
    %add3A_10 = vector.broadcast %add3A_9 : i32 to vector<16xi32>
    %add3A_11 = arith.addi %mul3A_5, %add3A_10 : vector<16xi32>
    %broadcast_in_dim3A = arith.constant 1.000000e+30 : f32
    %broadcast_in_dim3A_12 = vector.broadcast %broadcast_in_dim3A : f32 to vector<16xf32>
    %broadcast_in_dim3A_13 = arith.constant 0 : i32
    %broadcast_in_dim3A_14 = vector.broadcast %broadcast_in_dim3A_13 : i32 to vector<16xi32>
    %mul3A_15 = arith.constant 2 : i32
    %mul3A_16 = arith.muli %add3A, %mul3A_15 : i32
    %dma_start3A = arith.constant 0 : i32
    %dma_start3A_17 = tpu.memref_slice %arg2[%mul3A_16, %dma_start3A] : memref<64x4096xf32, #tpu.memory_space<hbm>> -> memref<1x4096xf32, #tpu.memory_space<hbm>>
    %dma_start3A_18 = tpu.memref_squeeze %dma_start3A_17 : memref<1x4096xf32, #tpu.memory_space<hbm>> -> memref<4096xf32, #tpu.memory_space<hbm>>
    %dma_start3A_19 = arith.constant 0 : i32
    %dma_start3A_20 = tpu.memref_slice %arg2[%mul3A_16, %dma_start3A_19] : memref<64x4096xf32, #tpu.memory_space<hbm>> -> memref<1x4096xf32, #tpu.memory_space<hbm>>
    %dma_start3A_21 = tpu.memref_squeeze %dma_start3A_20 : memref<1x4096xf32, #tpu.memory_space<hbm>> -> memref<4096xf32, #tpu.memory_space<hbm>>
    tpu.enqueue_dma source(%dma_start3A_21 : memref<4096xf32, #tpu.memory_space<hbm>>) target(%arg13 : memref<4096xf32, #tpu.memory_space<vmem>>) target_semaphore(%arg23 : memref<!tpu.dma_semaphore, #tpu.memory_space<semaphore_mem>>)
    %dma_start3A_22 = arith.constant 0 : i32
    %dma_start3A_23 = tpu.memref_slice %arg3[%mul3A_16, %dma_start3A_22] : memref<64x1024xf32, #tpu.memory_space<hbm>> -> memref<1x1024xf32, #tpu.memory_space<hbm>>
    %dma_start3A_24 = tpu.memref_squeeze %dma_start3A_23 : memref<1x1024xf32, #tpu.memory_space<hbm>> -> memref<1024xf32, #tpu.memory_space<hbm>>
    %dma_start3A_25 = arith.constant 0 : i32
    %dma_start3A_26 = tpu.memref_slice %arg3[%mul3A_16, %dma_start3A_25] : memref<64x1024xf32, #tpu.memory_space<hbm>> -> memref<1x1024xf32, #tpu.memory_space<hbm>>
    %dma_start3A_27 = tpu.memref_squeeze %dma_start3A_26 : memref<1x1024xf32, #tpu.memory_space<hbm>> -> memref<1024xf32, #tpu.memory_space<hbm>>
    tpu.enqueue_dma source(%dma_start3A_27 : memref<1024xf32, #tpu.memory_space<hbm>>) target(%arg10 : memref<1024xf32, #tpu.memory_space<vmem>>) target_semaphore(%arg24 : memref<!tpu.dma_semaphore, #tpu.memory_space<semaphore_mem>>)
    %dma_start3A_28 = arith.constant 0 : i32
    %dma_start3A_29 = tpu.memref_slice %arg4[%mul3A_16, %dma_start3A_28] : memref<64x512xf32, #tpu.memory_space<hbm>> -> memref<1x512xf32, #tpu.memory_space<hbm>>
    %dma_start3A_30 = tpu.memref_squeeze %dma_start3A_29 : memref<1x512xf32, #tpu.memory_space<hbm>> -> memref<512xf32, #tpu.memory_space<hbm>>
    %dma_start3A_31 = arith.constant 0 : i32
    %dma_start3A_32 = tpu.memref_slice %arg4[%mul3A_16, %dma_start3A_31] : memref<64x512xf32, #tpu.memory_space<hbm>> -> memref<1x512xf32, #tpu.memory_space<hbm>>
    %dma_start3A_33 = tpu.memref_squeeze %dma_start3A_32 : memref<1x512xf32, #tpu.memory_space<hbm>> -> memref<512xf32, #tpu.memory_space<hbm>>
    tpu.enqueue_dma source(%dma_start3A_33 : memref<512xf32, #tpu.memory_space<hbm>>) target(%arg11 : memref<512xf32, #tpu.memory_space<vmem>>) target_semaphore(%arg25 : memref<!tpu.dma_semaphore, #tpu.memory_space<semaphore_mem>>)
    %add3A_34 = arith.constant 1 : i32
    %add3A_35 = arith.addi %mul3A_16, %add3A_34 : i32
    %dma_start3A_36 = arith.constant 0 : i32
    %dma_start3A_37 = tpu.memref_slice %arg2[%add3A_35, %dma_start3A_36] : memref<64x4096xf32, #tpu.memory_space<hbm>> -> memref<1x4096xf32, #tpu.memory_space<hbm>>
    %dma_start3A_38 = tpu.memref_squeeze %dma_start3A_37 : memref<1x4096xf32, #tpu.memory_space<hbm>> -> memref<4096xf32, #tpu.memory_space<hbm>>
    %dma_start3A_39 = arith.constant 0 : i32
    %dma_start3A_40 = tpu.memref_slice %arg2[%add3A_35, %dma_start3A_39] : memref<64x4096xf32, #tpu.memory_space<hbm>> -> memref<1x4096xf32, #tpu.memory_space<hbm>>
    %dma_start3A_41 = tpu.memref_squeeze %dma_start3A_40 : memref<1x4096xf32, #tpu.memory_space<hbm>> -> memref<4096xf32, #tpu.memory_space<hbm>>
    tpu.enqueue_dma source(%dma_start3A_41 : memref<4096xf32, #tpu.memory_space<hbm>>) target(%arg21 : memref<4096xf32, #tpu.memory_space<vmem>>) target_semaphore(%arg26 : memref<!tpu.dma_semaphore, #tpu.memory_space<semaphore_mem>>)
    %add3A_42 = arith.constant 1 : i32
    %add3A_43 = arith.addi %mul3A_16, %add3A_42 : i32
    %dma_start3A_44 = arith.constant 0 : i32
    %dma_start3A_45 = tpu.memref_slice %arg3[%add3A_43, %dma_start3A_44] : memref<64x1024xf32, #tpu.memory_space<hbm>> -> memref<1x1024xf32, #tpu.memory_space<hbm>>
    %dma_start3A_46 = tpu.memref_squeeze %dma_start3A_45 : memref<1x1024xf32, #tpu.memory_space<hbm>> -> memref<1024xf32, #tpu.memory_space<hbm>>
    %dma_start3A_47 = arith.constant 0 : i32
    %dma_start3A_48 = tpu.memref_slice %arg3[%add3A_43, %dma_start3A_47] : memref<64x1024xf32, #tpu.memory_space<hbm>> -> memref<1x1024xf32, #tpu.memory_space<hbm>>
    %dma_start3A_49 = tpu.memref_squeeze %dma_start3A_48 : memref<1x1024xf32, #tpu.memory_space<hbm>> -> memref<1024xf32, #tpu.memory_space<hbm>>
    tpu.enqueue_dma source(%dma_start3A_49 : memref<1024xf32, #tpu.memory_space<hbm>>) target(%arg18 : memref<1024xf32, #tpu.memory_space<vmem>>) target_semaphore(%arg27 : memref<!tpu.dma_semaphore, #tpu.memory_space<semaphore_mem>>)
    %add3A_50 = arith.constant 1 : i32
    %add3A_51 = arith.addi %mul3A_16, %add3A_50 : i32
    %dma_start3A_52 = arith.constant 0 : i32
    %dma_start3A_53 = tpu.memref_slice %arg4[%add3A_51, %dma_start3A_52] : memref<64x512xf32, #tpu.memory_space<hbm>> -> memref<1x512xf32, #tpu.memory_space<hbm>>
    %dma_start3A_54 = tpu.memref_squeeze %dma_start3A_53 : memref<1x512xf32, #tpu.memory_space<hbm>> -> memref<512xf32, #tpu.memory_space<hbm>>
    %dma_start3A_55 = arith.constant 0 : i32
    %dma_start3A_56 = tpu.memref_slice %arg4[%add3A_51, %dma_start3A_55] : memref<64x512xf32, #tpu.memory_space<hbm>> -> memref<1x512xf32, #tpu.memory_space<hbm>>
    %dma_start3A_57 = tpu.memref_squeeze %dma_start3A_56 : memref<1x512xf32, #tpu.memory_space<hbm>> -> memref<512xf32, #tpu.memory_space<hbm>>
    tpu.enqueue_dma source(%dma_start3A_57 : memref<512xf32, #tpu.memory_space<hbm>>) target(%arg19 : memref<512xf32, #tpu.memory_space<vmem>>) target_semaphore(%arg28 : memref<!tpu.dma_semaphore, #tpu.memory_space<semaphore_mem>>)
    %dma_wait3A = arith.constant 0 : i32
    %dma_wait3A_58 = tpu.memref_slice %arg2[%mul3A_16, %dma_wait3A] : memref<64x4096xf32, #tpu.memory_space<hbm>> -> memref<1x4096xf32, #tpu.memory_space<hbm>>
    %dma_wait3A_59 = tpu.memref_squeeze %dma_wait3A_58 : memref<1x4096xf32, #tpu.memory_space<hbm>> -> memref<4096xf32, #tpu.memory_space<hbm>>
    %dma_wait3A_60 = arith.constant 0 : i32
    %dma_wait3A_61 = tpu.memref_slice %arg2[%mul3A_16, %dma_wait3A_60] : memref<64x4096xf32, #tpu.memory_space<hbm>> -> memref<1x4096xf32, #tpu.memory_space<hbm>>
    %dma_wait3A_62 = tpu.memref_squeeze %dma_wait3A_61 : memref<1x4096xf32, #tpu.memory_space<hbm>> -> memref<4096xf32, #tpu.memory_space<hbm>>
    tpu.wait_dma2 semaphore(%arg23 : memref<!tpu.dma_semaphore, #tpu.memory_space<semaphore_mem>>) src(%dma_wait3A_62 : memref<4096xf32, #tpu.memory_space<hbm>>) dst(%arg13 : memref<4096xf32, #tpu.memory_space<vmem>>)
    %dma_wait3A_63 = arith.constant 0 : i32
    %dma_wait3A_64 = tpu.memref_slice %arg3[%mul3A_16, %dma_wait3A_63] : memref<64x1024xf32, #tpu.memory_space<hbm>> -> memref<1x1024xf32, #tpu.memory_space<hbm>>
    %dma_wait3A_65 = tpu.memref_squeeze %dma_wait3A_64 : memref<1x1024xf32, #tpu.memory_space<hbm>> -> memref<1024xf32, #tpu.memory_space<hbm>>
    %dma_wait3A_66 = arith.constant 0 : i32
    %dma_wait3A_67 = tpu.memref_slice %arg3[%mul3A_16, %dma_wait3A_66] : memref<64x1024xf32, #tpu.memory_space<hbm>> -> memref<1x1024xf32, #tpu.memory_space<hbm>>
    %dma_wait3A_68 = tpu.memref_squeeze %dma_wait3A_67 : memref<1x1024xf32, #tpu.memory_space<hbm>> -> memref<1024xf32, #tpu.memory_space<hbm>>
    tpu.wait_dma2 semaphore(%arg24 : memref<!tpu.dma_semaphore, #tpu.memory_space<semaphore_mem>>) src(%dma_wait3A_68 : memref<1024xf32, #tpu.memory_space<hbm>>) dst(%arg10 : memref<1024xf32, #tpu.memory_space<vmem>>)
    %dma_wait3A_69 = arith.constant 0 : i32
    %dma_wait3A_70 = tpu.memref_slice %arg4[%mul3A_16, %dma_wait3A_69] : memref<64x512xf32, #tpu.memory_space<hbm>> -> memref<1x512xf32, #tpu.memory_space<hbm>>
    %dma_wait3A_71 = tpu.memref_squeeze %dma_wait3A_70 : memref<1x512xf32, #tpu.memory_space<hbm>> -> memref<512xf32, #tpu.memory_space<hbm>>
    %dma_wait3A_72 = arith.constant 0 : i32
    %dma_wait3A_73 = tpu.memref_slice %arg4[%mul3A_16, %dma_wait3A_72] : memref<64x512xf32, #tpu.memory_space<hbm>> -> memref<1x512xf32, #tpu.memory_space<hbm>>
    %dma_wait3A_74 = tpu.memref_squeeze %dma_wait3A_73 : memref<1x512xf32, #tpu.memory_space<hbm>> -> memref<512xf32, #tpu.memory_space<hbm>>
    tpu.wait_dma2 semaphore(%arg25 : memref<!tpu.dma_semaphore, #tpu.memory_space<semaphore_mem>>) src(%dma_wait3A_74 : memref<512xf32, #tpu.memory_space<hbm>>) dst(%arg11 : memref<512xf32, #tpu.memory_space<vmem>>)
    %scan3A = arith.constant 0 : i32
    %scan3A_75 = arith.constant 0 : i32
    %scan3A_76 = arith.constant 63 : i32
    %scan3A_77 = arith.addi %scan3A_75, %scan3A_76 : i32
    %scan3A_78 = arith.constant 7 : i32
    %scan3A_79 = scf.for %scan3A_2033 = %scan3A_75 to %scan3A_77 step %scan3A_78 iter_args(%scan3A_2034 = %scan3A) -> (i32)  : i32 {
      %mul3A_2035 = arith.constant 16 : i32
      %mul3A_2036 = arith.muli %scan3A_2033, %mul3A_2035 : i32
      %mul3A_2037 = arith.constant 64 : i32
      %mul3A_2038 = arith.muli %scan3A_2033, %mul3A_2037 : i32
      %add3A_2039 = vector.broadcast %mul3A_2038 : i32 to vector<16xi32>
      %add3A_2040 = arith.addi %add3A_2039, %mul3A_5 : vector<16xi32>
      %gather3A_2041 = tpu.vector_load_idx %arg13[%add3A_2040] : memref<4096xf32, #tpu.memory_space<vmem>>[vector<16xi32>], vector<16xf32>,
      %swap3A_2042 = arith.index_cast %mul3A_2036 : i32 to index
      %swap3A_2043 = tpu.vector_load %arg6[%swap3A_2042] {strides = array<i32>} : memref<1024xf32, #tpu.memory_space<vmem>>, vector<16xf32>,
      tpu.vector_store %arg6[%swap3A_2042], %gather3A_2041 {strides = array<i32>} : memref<1024xf32, #tpu.memory_space<vmem>>, vector<16xf32>,
      %add3A_2044 = vector.broadcast %mul3A_2038 : i32 to vector<16xi32>
      %add3A_2045 = arith.addi %add3A_2044, %add3A_8 : vector<16xi32>
      %gather3A_2046 = tpu.vector_load_idx %arg13[%add3A_2045] : memref<4096xf32, #tpu.memory_space<vmem>>[vector<16xi32>], vector<16xf32>,
      %swap3A_2047 = arith.index_cast %mul3A_2036 : i32 to index
      %swap3A_2048 = tpu.vector_load %arg7[%swap3A_2047] {strides = array<i32>} : memref<1024xf32, #tpu.memory_space<vmem>>, vector<16xf32>,
      tpu.vector_store %arg7[%swap3A_2047], %gather3A_2046 {strides = array<i32>} : memref<1024xf32, #tpu.memory_space<vmem>>, vector<16xf32>,
      %add3A_2049 = vector.broadcast %mul3A_2038 : i32 to vector<16xi32>
      %add3A_2050 = arith.addi %add3A_2049, %add3A_11 : vector<16xi32>
      %gather3A_2051 = tpu.vector_load_idx %arg13[%add3A_2050] : memref<4096xf32, #tpu.memory_space<vmem>>[vector<16xi32>], vector<16xf32>,
      %swap3A_2052 = arith.index_cast %mul3A_2036 : i32 to index
      %swap3A_2053 = tpu.vector_load %arg8[%swap3A_2052] {strides = array<i32>} : memref<1024xf32, #tpu.memory_space<vmem>>, vector<16xf32>,
      tpu.vector_store %arg8[%swap3A_2052], %gather3A_2051 {strides = array<i32>} : memref<1024xf32, #tpu.memory_space<vmem>>, vector<16xf32>,
      %get3A_2054 = arith.index_cast %mul3A_2036 : i32 to index
      %get3A_2055 = tpu.vector_load %arg10[%get3A_2054] {strides = array<i32>} : memref<1024xf32, #tpu.memory_space<vmem>>, vector<16xf32>,
      %neg3A = arith.constant 0.000000e+00 : f32
      %neg3A_2056 = vector.broadcast %neg3A : f32 to vector<16xf32>
      %neg3A_2057 = arith.subf %neg3A_2056, %get3A_2055 : vector<16xf32>
      %exp3A = math.exp %neg3A_2057 : vector<16xf32>
      %add3A_2058 = arith.constant 1.000000e+00 : f32
      %add3A_2059 = vector.broadcast %add3A_2058 : f32 to vector<16xf32>
      %add3A_2060 = arith.addf %add3A_2059, %exp3A : vector<16xf32>
      %div3A = arith.constant -1.000000e+00 : f32
      %div3A_2061 = vector.broadcast %div3A : f32 to vector<16xf32>
      %div3A_2062 = arith.divf %div3A_2061, %add3A_2060 : vector<16xf32>
      %swap3A_2063 = arith.index_cast %mul3A_2036 : i32 to index
      %swap3A_2064 = tpu.vector_load %arg9[%swap3A_2063] {strides = array<i32>} : memref<1024xf32, #tpu.memory_space<vmem>>, vector<16xf32>,
      tpu.vector_store %arg9[%swap3A_2063], %div3A_2062 {strides = array<i32>} : memref<1024xf32, #tpu.memory_space<vmem>>, vector<16xf32>,
      %scan3A_2065 = arith.constant 0 : i32
      %scan3A_2066 = arith.constant 1 : i32
      %scan3A_2067 = arith.addi %scan3A_2033, %scan3A_2066 : i32
      %mul3A_2068 = arith.constant 16 : i32
      %mul3A_2069 = arith.muli %scan3A_2067, %mul3A_2068 : i32
      %mul3A_2070 = arith.constant 64 : i32
      %mul3A_2071 = arith.muli %scan3A_2067, %mul3A_2070 : i32
      %add3A_2072 = vector.broadcast %mul3A_2071 : i32 to vector<16xi32>
      %add3A_2073 = arith.addi %add3A_2072, %mul3A_5 : vector<16xi32>
      %gather3A_2074 = tpu.vector_load_idx %arg13[%add3A_2073] : memref<4096xf32, #tpu.memory_space<vmem>>[vector<16xi32>], vector<16xf32>,
      %swap3A_2075 = arith.index_cast %mul3A_2069 : i32 to index
      %swap3A_2076 = tpu.vector_load %arg6[%swap3A_2075] {strides = array<i32>} : memref<1024xf32, #tpu.memory_space<vmem>>, vector<16xf32>,
      tpu.vector_store %arg6[%swap3A_2075], %gather3A_2074 {strides = array<i32>} : memref<1024xf32, #tpu.memory_space<vmem>>, vector<16xf32>,
      %add3A_2077 = vector.broadcast %mul3A_2071 : i32 to vector<16xi32>
      %add3A_2078 = arith.addi %add3A_2077, %add3A_8 : vector<16xi32>
      %gather3A_2079 = tpu.vector_load_idx %arg13[%add3A_2078] : memref<4096xf32, #tpu.memory_space<vmem>>[vector<16xi32>], vector<16xf32>,
      %swap3A_2080 = arith.index_cast %mul3A_2069 : i32 to index
      %swap3A_2081 = tpu.vector_load %arg7[%swap3A_2080] {strides = array<i32>} : memref<1024xf32, #tpu.memory_space<vmem>>, vector<16xf32>,
      tpu.vector_store %arg7[%swap3A_2080], %gather3A_2079 {strides = array<i32>} : memref<1024xf32, #tpu.memory_space<vmem>>, vector<16xf32>,
      %add3A_2082 = vector.broadcast %mul3A_2071 : i32 to vector<16xi32>
      %add3A_2083 = arith.addi %add3A_2082, %add3A_11 : vector<16xi32>
      %gather3A_2084 = tpu.vector_load_idx %arg13[%add3A_2083] : memref<4096xf32, #tpu.memory_space<vmem>>[vector<16xi32>], vector<16xf32>,
      %swap3A_2085 = arith.index_cast %mul3A_2069 : i32 to index
      %swap3A_2086 = tpu.vector_load %arg8[%swap3A_2085] {strides = array<i32>} : memref<1024xf32, #tpu.memory_space<vmem>>, vector<16xf32>,
      tpu.vector_store %arg8[%swap3A_2085], %gather3A_2084 {strides = array<i32>} : memref<1024xf32, #tpu.memory_space<vmem>>, vector<16xf32>,
      %get3A_2087 = arith.index_cast %mul3A_2069 : i32 to index
      %get3A_2088 = tpu.vector_load %arg10[%get3A_2087] {strides = array<i32>} : memref<1024xf32, #tpu.memory_space<vmem>>, vector<16xf32>,
      %neg3A_2089 = arith.constant 0.000000e+00 : f32
      %neg3A_2090 = vector.broadcast %neg3A_2089 : f32 to vector<16xf32>
      %neg3A_2091 = arith.subf %neg3A_2090, %get3A_2088 : vector<16xf32>
      %exp3A_2092 = math.exp %neg3A_2091 : vector<16xf32>
      %add3A_2093 = arith.constant 1.000000e+00 : f32
      %add3A_2094 = vector.broadcast %add3A_2093 : f32 to vector<16xf32>
      %add3A_2095 = arith.addf %add3A_2094, %exp3A_2092 : vector<16xf32>
      %div3A_2096 = arith.constant -1.000000e+00 : f32
      %div3A_2097 = vector.broadcast %div3A_2096 : f32 to vector<16xf32>
      %div3A_2098 = arith.divf %div3A_2097, %add3A_2095 : vector<16xf32>
      %swap3A_2099 = arith.index_cast %mul3A_2069 : i32 to index
      %swap3A_2100 = tpu.vector_load %arg9[%swap3A_2099] {strides = array<i32>} : memref<1024xf32, #tpu.memory_space<vmem>>, vector<16xf32>,
      tpu.vector_store %arg9[%swap3A_2099], %div3A_2098 {strides = array<i32>} : memref<1024xf32, #tpu.memory_space<vmem>>, vector<16xf32>,
      %scan3A_2101 = arith.constant 0 : i32
      %scan3A_2102 = arith.constant 2 : i32
      %scan3A_2103 = arith.addi %scan3A_2033, %scan3A_2102 : i32
      %mul3A_2104 = arith.constant 16 : i32
      %mul3A_2105 = arith.muli %scan3A_2103, %mul3A_2104 : i32
      %mul3A_2106 = arith.constant 64 : i32
      %mul3A_2107 = arith.muli %scan3A_2103, %mul3A_2106 : i32
      %add3A_2108 = vector.broadcast %mul3A_2107 : i32 to vector<16xi32>
      %add3A_2109 = arith.addi %add3A_2108, %mul3A_5 : vector<16xi32>
      %gather3A_2110 = tpu.vector_load_idx %arg13[%add3A_2109] : memref<4096xf32, #tpu.memory_space<vmem>>[vector<16xi32>], vector<16xf32>,
      %swap3A_2111 = arith.index_cast %mul3A_2105 : i32 to index
      %swap3A_2112 = tpu.vector_load %arg6[%swap3A_2111] {strides = array<i32>} : memref<1024xf32, #tpu.memory_space<vmem>>, vector<16xf32>,
      tpu.vector_store %arg6[%swap3A_2111], %gather3A_2110 {strides = array<i32>} : memref<1024xf32, #tpu.memory_space<vmem>>, vector<16xf32>,
      %add3A_2113 = vector.broadcast %mul3A_2107 : i32 to vector<16xi32>
      %add3A_2114 = arith.addi %add3A_2113, %add3A_8 : vector<16xi32>
      %gather3A_2115 = tpu.vector_load_idx %arg13[%add3A_2114] : memref<4096xf32, #tpu.memory_space<vmem>>[vector<16xi32>], vector<16xf32>,
      %swap3A_2116 = arith.index_cast %mul3A_2105 : i32 to index
      %swap3A_2117 = tpu.vector_load %arg7[%swap3A_2116] {strides = array<i32>} : memref<1024xf32, #tpu.memory_space<vmem>>, vector<16xf32>,
      tpu.vector_store %arg7[%swap3A_2116], %gather3A_2115 {strides = array<i32>} : memref<1024xf32, #tpu.memory_space<vmem>>, vector<16xf32>,
      %add3A_2118 = vector.broadcast %mul3A_2107 : i32 to vector<16xi32>
      %add3A_2119 = arith.addi %add3A_2118, %add3A_11 : vector<16xi32>
      %gather3A_2120 = tpu.vector_load_idx %arg13[%add3A_2119] : memref<4096xf32, #tpu.memory_space<vmem>>[vector<16xi32>], vector<16xf32>,
      %swap3A_2121 = arith.index_cast %mul3A_2105 : i32 to index
      %swap3A_2122 = tpu.vector_load %arg8[%swap3A_2121] {strides = array<i32>} : memref<1024xf32, #tpu.memory_space<vmem>>, vector<16xf32>,
      tpu.vector_store %arg8[%swap3A_2121], %gather3A_2120 {strides = array<i32>} : memref<1024xf32, #tpu.memory_space<vmem>>, vector<16xf32>,
      %get3A_2123 = arith.index_cast %mul3A_2105 : i32 to index
      %get3A_2124 = tpu.vector_load %arg10[%get3A_2123] {strides = array<i32>} : memref<1024xf32, #tpu.memory_space<vmem>>, vector<16xf32>,
      %neg3A_2125 = arith.constant 0.000000e+00 : f32
      %neg3A_2126 = vector.broadcast %neg3A_2125 : f32 to vector<16xf32>
      %neg3A_2127 = arith.subf %neg3A_2126, %get3A_2124 : vector<16xf32>
      %exp3A_2128 = math.exp %neg3A_2127 : vector<16xf32>
      %add3A_2129 = arith.constant 1.000000e+00 : f32
      %add3A_2130 = vector.broadcast %add3A_2129 : f32 to vector<16xf32>
      %add3A_2131 = arith.addf %add3A_2130, %exp3A_2128 : vector<16xf32>
      %div3A_2132 = arith.constant -1.000000e+00 : f32
      %div3A_2133 = vector.broadcast %div3A_2132 : f32 to vector<16xf32>
      %div3A_2134 = arith.divf %div3A_2133, %add3A_2131 : vector<16xf32>
      %swap3A_2135 = arith.index_cast %mul3A_2105 : i32 to index
      %swap3A_2136 = tpu.vector_load %arg9[%swap3A_2135] {strides = array<i32>} : memref<1024xf32, #tpu.memory_space<vmem>>, vector<16xf32>,
      tpu.vector_store %arg9[%swap3A_2135], %div3A_2134 {strides = array<i32>} : memref<1024xf32, #tpu.memory_space<vmem>>, vector<16xf32>,
      %scan3A_2137 = arith.constant 0 : i32
      %scan3A_2138 = arith.constant 3 : i32
      %scan3A_2139 = arith.addi %scan3A_2033, %scan3A_2138 : i32
      %mul3A_2140 = arith.constant 16 : i32
      %mul3A_2141 = arith.muli %scan3A_2139, %mul3A_2140 : i32
      %mul3A_2142 = arith.constant 64 : i32
      %mul3A_2143 = arith.muli %scan3A_2139, %mul3A_2142 : i32
      %add3A_2144 = vector.broadcast %mul3A_2143 : i32 to vector<16xi32>
      %add3A_2145 = arith.addi %add3A_2144, %mul3A_5 : vector<16xi32>
      %gather3A_2146 = tpu.vector_load_idx %arg13[%add3A_2145] : memref<4096xf32, #tpu.memory_space<vmem>>[vector<16xi32>], vector<16xf32>,
      %swap3A_2147 = arith.index_cast %mul3A_2141 : i32 to index
      %swap3A_2148 = tpu.vector_load %arg6[%swap3A_2147] {strides = array<i32>} : memref<1024xf32, #tpu.memory_space<vmem>>, vector<16xf32>,
      tpu.vector_store %arg6[%swap3A_2147], %gather3A_2146 {strides = array<i32>} : memref<1024xf32, #tpu.memory_space<vmem>>, vector<16xf32>,
      %add3A_2149 = vector.broadcast %mul3A_2143 : i32 to vector<16xi32>
      %add3A_2150 = arith.addi %add3A_2149, %add3A_8 : vector<16xi32>
      %gather3A_2151 = tpu.vector_load_idx %arg13[%add3A_2150] : memref<4096xf32, #tpu.memory_space<vmem>>[vector<16xi32>], vector<16xf32>,
      %swap3A_2152 = arith.index_cast %mul3A_2141 : i32 to index
      %swap3A_2153 = tpu.vector_load %arg7[%swap3A_2152] {strides = array<i32>} : memref<1024xf32, #tpu.memory_space<vmem>>, vector<16xf32>,
      tpu.vector_store %arg7[%swap3A_2152], %gather3A_2151 {strides = array<i32>} : memref<1024xf32, #tpu.memory_space<vmem>>, vector<16xf32>,
      %add3A_2154 = vector.broadcast %mul3A_2143 : i32 to vector<16xi32>
      %add3A_2155 = arith.addi %add3A_2154, %add3A_11 : vector<16xi32>
      %gather3A_2156 = tpu.vector_load_idx %arg13[%add3A_2155] : memref<4096xf32, #tpu.memory_space<vmem>>[vector<16xi32>], vector<16xf32>,
      %swap3A_2157 = arith.index_cast %mul3A_2141 : i32 to index
      %swap3A_2158 = tpu.vector_load %arg8[%swap3A_2157] {strides = array<i32>} : memref<1024xf32, #tpu.memory_space<vmem>>, vector<16xf32>,
      tpu.vector_store %arg8[%swap3A_2157], %gather3A_2156 {strides = array<i32>} : memref<1024xf32, #tpu.memory_space<vmem>>, vector<16xf32>,
      %get3A_2159 = arith.index_cast %mul3A_2141 : i32 to index
      %get3A_2160 = tpu.vector_load %arg10[%get3A_2159] {strides = array<i32>} : memref<1024xf32, #tpu.memory_space<vmem>>, vector<16xf32>,
      %neg3A_2161 = arith.constant 0.000000e+00 : f32
      %neg3A_2162 = vector.broadcast %neg3A_2161 : f32 to vector<16xf32>
      %neg3A_2163 = arith.subf %neg3A_2162, %get3A_2160 : vector<16xf32>
      %exp3A_2164 = math.exp %neg3A_2163 : vector<16xf32>
      %add3A_2165 = arith.constant 1.000000e+00 : f32
      %add3A_2166 = vector.broadcast %add3A_2165 : f32 to vector<16xf32>
      %add3A_2167 = arith.addf %add3A_2166, %exp3A_2164 : vector<16xf32>
      %div3A_2168 = arith.constant -1.000000e+00 : f32
      %div3A_2169 = vector.broadcast %div3A_2168 : f32 to vector<16xf32>
      %div3A_2170 = arith.divf %div3A_2169, %add3A_2167 : vector<16xf32>
      %swap3A_2171 = arith.index_cast %mul3A_2141 : i32 to index
      %swap3A_2172 = tpu.vector_load %arg9[%swap3A_2171] {strides = array<i32>} : memref<1024xf32, #tpu.memory_space<vmem>>, vector<16xf32>,
      tpu.vector_store %arg9[%swap3A_2171], %div3A_2170 {strides = array<i32>} : memref<1024xf32, #tpu.memory_space<vmem>>, vector<16xf32>,
      %scan3A_2173 = arith.constant 0 : i32
      %scan3A_2174 = arith.constant 4 : i32
      %scan3A_2175 = arith.addi %scan3A_2033, %scan3A_2174 : i32
      %mul3A_2176 = arith.constant 16 : i32
      %mul3A_2177 = arith.muli %scan3A_2175, %mul3A_2176 : i32
      %mul3A_2178 = arith.constant 64 : i32
      %mul3A_2179 = arith.muli %scan3A_2175, %mul3A_2178 : i32
      %add3A_2180 = vector.broadcast %mul3A_2179 : i32 to vector<16xi32>
      %add3A_2181 = arith.addi %add3A_2180, %mul3A_5 : vector<16xi32>
      %gather3A_2182 = tpu.vector_load_idx %arg13[%add3A_2181] : memref<4096xf32, #tpu.memory_space<vmem>>[vector<16xi32>], vector<16xf32>,
      %swap3A_2183 = arith.index_cast %mul3A_2177 : i32 to index
      %swap3A_2184 = tpu.vector_load %arg6[%swap3A_2183] {strides = array<i32>} : memref<1024xf32, #tpu.memory_space<vmem>>, vector<16xf32>,
      tpu.vector_store %arg6[%swap3A_2183], %gather3A_2182 {strides = array<i32>} : memref<1024xf32, #tpu.memory_space<vmem>>, vector<16xf32>,
      %add3A_2185 = vector.broadcast %mul3A_2179 : i32 to vector<16xi32>
      %add3A_2186 = arith.addi %add3A_2185, %add3A_8 : vector<16xi32>
      %gather3A_2187 = tpu.vector_load_idx %arg13[%add3A_2186] : memref<4096xf32, #tpu.memory_space<vmem>>[vector<16xi32>], vector<16xf32>,
      %swap3A_2188 = arith.index_cast %mul3A_2177 : i32 to index
      %swap3A_2189 = tpu.vector_load %arg7[%swap3A_2188] {strides = array<i32>} : memref<1024xf32, #tpu.memory_space<vmem>>, vector<16xf32>,
      tpu.vector_store %arg7[%swap3A_2188], %gather3A_2187 {strides = array<i32>} : memref<1024xf32, #tpu.memory_space<vmem>>, vector<16xf32>,
      %add3A_2190 = vector.broadcast %mul3A_2179 : i32 to vector<16xi32>
      %add3A_2191 = arith.addi %add3A_2190, %add3A_11 : vector<16xi32>
      %gather3A_2192 = tpu.vector_load_idx %arg13[%add3A_2191] : memref<4096xf32, #tpu.memory_space<vmem>>[vector<16xi32>], vector<16xf32>,
      %swap3A_2193 = arith.index_cast %mul3A_2177 : i32 to index
      %swap3A_2194 = tpu.vector_load %arg8[%swap3A_2193] {strides = array<i32>} : memref<1024xf32, #tpu.memory_space<vmem>>, vector<16xf32>,
      tpu.vector_store %arg8[%swap3A_2193], %gather3A_2192 {strides = array<i32>} : memref<1024xf32, #tpu.memory_space<vmem>>, vector<16xf32>,
      %get3A_2195 = arith.index_cast %mul3A_2177 : i32 to index
      %get3A_2196 = tpu.vector_load %arg10[%get3A_2195] {strides = array<i32>} : memref<1024xf32, #tpu.memory_space<vmem>>, vector<16xf32>,
      %neg3A_2197 = arith.constant 0.000000e+00 : f32
      %neg3A_2198 = vector.broadcast %neg3A_2197 : f32 to vector<16xf32>
      %neg3A_2199 = arith.subf %neg3A_2198, %get3A_2196 : vector<16xf32>
      %exp3A_2200 = math.exp %neg3A_2199 : vector<16xf32>
      %add3A_2201 = arith.constant 1.000000e+00 : f32
      %add3A_2202 = vector.broadcast %add3A_2201 : f32 to vector<16xf32>
      %add3A_2203 = arith.addf %add3A_2202, %exp3A_2200 : vector<16xf32>
      %div3A_2204 = arith.constant -1.000000e+00 : f32
      %div3A_2205 = vector.broadcast %div3A_2204 : f32 to vector<16xf32>
      %div3A_2206 = arith.divf %div3A_2205, %add3A_2203 : vector<16xf32>
      %swap3A_2207 = arith.index_cast %mul3A_2177 : i32 to index
      %swap3A_2208 = tpu.vector_load %arg9[%swap3A_2207] {strides = array<i32>} : memref<1024xf32, #tpu.memory_space<vmem>>, vector<16xf32>,
      tpu.vector_store %arg9[%swap3A_2207], %div3A_2206 {strides = array<i32>} : memref<1024xf32, #tpu.memory_space<vmem>>, vector<16xf32>,
      %scan3A_2209 = arith.constant 0 : i32
      %scan3A_2210 = arith.constant 5 : i32
      %scan3A_2211 = arith.addi %scan3A_2033, %scan3A_2210 : i32
      %mul3A_2212 = arith.constant 16 : i32
      %mul3A_2213 = arith.muli %scan3A_2211, %mul3A_2212 : i32
      %mul3A_2214 = arith.constant 64 : i32
      %mul3A_2215 = arith.muli %scan3A_2211, %mul3A_2214 : i32
      %add3A_2216 = vector.broadcast %mul3A_2215 : i32 to vector<16xi32>
      %add3A_2217 = arith.addi %add3A_2216, %mul3A_5 : vector<16xi32>
      %gather3A_2218 = tpu.vector_load_idx %arg13[%add3A_2217] : memref<4096xf32, #tpu.memory_space<vmem>>[vector<16xi32>], vector<16xf32>,
      %swap3A_2219 = arith.index_cast %mul3A_2213 : i32 to index
      %swap3A_2220 = tpu.vector_load %arg6[%swap3A_2219] {strides = array<i32>} : memref<1024xf32, #tpu.memory_space<vmem>>, vector<16xf32>,
      tpu.vector_store %arg6[%swap3A_2219], %gather3A_2218 {strides = array<i32>} : memref<1024xf32, #tpu.memory_space<vmem>>, vector<16xf32>,
      %add3A_2221 = vector.broadcast %mul3A_2215 : i32 to vector<16xi32>
      %add3A_2222 = arith.addi %add3A_2221, %add3A_8 : vector<16xi32>
      %gather3A_2223 = tpu.vector_load_idx %arg13[%add3A_2222] : memref<4096xf32, #tpu.memory_space<vmem>>[vector<16xi32>], vector<16xf32>,
      %swap3A_2224 = arith.index_cast %mul3A_2213 : i32 to index
      %swap3A_2225 = tpu.vector_load %arg7[%swap3A_2224] {strides = array<i32>} : memref<1024xf32, #tpu.memory_space<vmem>>, vector<16xf32>,
      tpu.vector_store %arg7[%swap3A_2224], %gather3A_2223 {strides = array<i32>} : memref<1024xf32, #tpu.memory_space<vmem>>, vector<16xf32>,
      %add3A_2226 = vector.broadcast %mul3A_2215 : i32 to vector<16xi32>
      %add3A_2227 = arith.addi %add3A_2226, %add3A_11 : vector<16xi32>
      %gather3A_2228 = tpu.vector_load_idx %arg13[%add3A_2227] : memref<4096xf32, #tpu.memory_space<vmem>>[vector<16xi32>], vector<16xf32>,
      %swap3A_2229 = arith.index_cast %mul3A_2213 : i32 to index
      %swap3A_2230 = tpu.vector_load %arg8[%swap3A_2229] {strides = array<i32>} : memref<1024xf32, #tpu.memory_space<vmem>>, vector<16xf32>,
      tpu.vector_store %arg8[%swap3A_2229], %gather3A_2228 {strides = array<i32>} : memref<1024xf32, #tpu.memory_space<vmem>>, vector<16xf32>,
      %get3A_2231 = arith.index_cast %mul3A_2213 : i32 to index
      %get3A_2232 = tpu.vector_load %arg10[%get3A_2231] {strides = array<i32>} : memref<1024xf32, #tpu.memory_space<vmem>>, vector<16xf32>,
      %neg3A_2233 = arith.constant 0.000000e+00 : f32
      %neg3A_2234 = vector.broadcast %neg3A_2233 : f32 to vector<16xf32>
      %neg3A_2235 = arith.subf %neg3A_2234, %get3A_2232 : vector<16xf32>
      %exp3A_2236 = math.exp %neg3A_2235 : vector<16xf32>
      %add3A_2237 = arith.constant 1.000000e+00 : f32
      %add3A_2238 = vector.broadcast %add3A_2237 : f32 to vector<16xf32>
      %add3A_2239 = arith.addf %add3A_2238, %exp3A_2236 : vector<16xf32>
      %div3A_2240 = arith.constant -1.000000e+00 : f32
      %div3A_2241 = vector.broadcast %div3A_2240 : f32 to vector<16xf32>
      %div3A_2242 = arith.divf %div3A_2241, %add3A_2239 : vector<16xf32>
      %swap3A_2243 = arith.index_cast %mul3A_2213 : i32 to index
      %swap3A_2244 = tpu.vector_load %arg9[%swap3A_2243] {strides = array<i32>} : memref<1024xf32, #tpu.memory_space<vmem>>, vector<16xf32>,
      tpu.vector_store %arg9[%swap3A_2243], %div3A_2242 {strides = array<i32>} : memref<1024xf32, #tpu.memory_space<vmem>>, vector<16xf32>,
      %scan3A_2245 = arith.constant 0 : i32
      %scan3A_2246 = arith.constant 6 : i32
      %scan3A_2247 = arith.addi %scan3A_2033, %scan3A_2246 : i32
      %mul3A_2248 = arith.constant 16 : i32
      %mul3A_2249 = arith.muli %scan3A_2247, %mul3A_2248 : i32
      %mul3A_2250 = arith.constant 64 : i32
      %mul3A_2251 = arith.muli %scan3A_2247, %mul3A_2250 : i32
      %add3A_2252 = vector.broadcast %mul3A_2251 : i32 to vector<16xi32>
      %add3A_2253 = arith.addi %add3A_2252, %mul3A_5 : vector<16xi32>
      %gather3A_2254 = tpu.vector_load_idx %arg13[%add3A_2253] : memref<4096xf32, #tpu.memory_space<vmem>>[vector<16xi32>], vector<16xf32>,
      %swap3A_2255 = arith.index_cast %mul3A_2249 : i32 to index
      %swap3A_2256 = tpu.vector_load %arg6[%swap3A_2255] {strides = array<i32>} : memref<1024xf32, #tpu.memory_space<vmem>>, vector<16xf32>,
      tpu.vector_store %arg6[%swap3A_2255], %gather3A_2254 {strides = array<i32>} : memref<1024xf32, #tpu.memory_space<vmem>>, vector<16xf32>,
      %add3A_2257 = vector.broadcast %mul3A_2251 : i32 to vector<16xi32>
      %add3A_2258 = arith.addi %add3A_2257, %add3A_8 : vector<16xi32>
      %gather3A_2259 = tpu.vector_load_idx %arg13[%add3A_2258] : memref<4096xf32, #tpu.memory_space<vmem>>[vector<16xi32>], vector<16xf32>,
      %swap3A_2260 = arith.index_cast %mul3A_2249 : i32 to index
      %swap3A_2261 = tpu.vector_load %arg7[%swap3A_2260] {strides = array<i32>} : memref<1024xf32, #tpu.memory_space<vmem>>, vector<16xf32>,
      tpu.vector_store %arg7[%swap3A_2260], %gather3A_2259 {strides = array<i32>} : memref<1024xf32, #tpu.memory_space<vmem>>, vector<16xf32>,
      %add3A_2262 = vector.broadcast %mul3A_2251 : i32 to vector<16xi32>
      %add3A_2263 = arith.addi %add3A_2262, %add3A_11 : vector<16xi32>
      %gather3A_2264 = tpu.vector_load_idx %arg13[%add3A_2263] : memref<4096xf32, #tpu.memory_space<vmem>>[vector<16xi32>], vector<16xf32>,
      %swap3A_2265 = arith.index_cast %mul3A_2249 : i32 to index
      %swap3A_2266 = tpu.vector_load %arg8[%swap3A_2265] {strides = array<i32>} : memref<1024xf32, #tpu.memory_space<vmem>>, vector<16xf32>,
      tpu.vector_store %arg8[%swap3A_2265], %gather3A_2264 {strides = array<i32>} : memref<1024xf32, #tpu.memory_space<vmem>>, vector<16xf32>,
      %get3A_2267 = arith.index_cast %mul3A_2249 : i32 to index
      %get3A_2268 = tpu.vector_load %arg10[%get3A_2267] {strides = array<i32>} : memref<1024xf32, #tpu.memory_space<vmem>>, vector<16xf32>,
      %neg3A_2269 = arith.constant 0.000000e+00 : f32
      %neg3A_2270 = vector.broadcast %neg3A_2269 : f32 to vector<16xf32>
      %neg3A_2271 = arith.subf %neg3A_2270, %get3A_2268 : vector<16xf32>
      %exp3A_2272 = math.exp %neg3A_2271 : vector<16xf32>
      %add3A_2273 = arith.constant 1.000000e+00 : f32
      %add3A_2274 = vector.broadcast %add3A_2273 : f32 to vector<16xf32>
      %add3A_2275 = arith.addf %add3A_2274, %exp3A_2272 : vector<16xf32>
      %div3A_2276 = arith.constant -1.000000e+00 : f32
      %div3A_2277 = vector.broadcast %div3A_2276 : f32 to vector<16xf32>
      %div3A_2278 = arith.divf %div3A_2277, %add3A_2275 : vector<16xf32>
      %swap3A_2279 = arith.index_cast %mul3A_2249 : i32 to index
      %swap3A_2280 = tpu.vector_load %arg9[%swap3A_2279] {strides = array<i32>} : memref<1024xf32, #tpu.memory_space<vmem>>, vector<16xf32>,
      tpu.vector_store %arg9[%swap3A_2279], %div3A_2278 {strides = array<i32>} : memref<1024xf32, #tpu.memory_space<vmem>>, vector<16xf32>,
      %scan3A_2281 = arith.constant 0 : i32
      scf.yield %scan3A_2281 : i32
    }
    %scan3A_80 = arith.constant 63 : i32
    %swap3A = arith.constant 96 : index
    %swap3A_81 = tpu.vector_load %arg12[%swap3A] {strides = array<i32>} : memref<128xi32, #tpu.memory_space<vmem>>, vector<16xi32>,
    tpu.vector_store %arg12[%swap3A], %broadcast_in_dim3A_14 {strides = array<i32>} : memref<128xi32, #tpu.memory_space<vmem>>, vector<16xi32>,
    %dma_wait3A_82 = arith.constant 0 : i32
    %dma_wait3A_83 = tpu.memref_slice %arg2[%add3A_35, %dma_wait3A_82] : memref<64x4096xf32, #tpu.memory_space<hbm>> -> memref<1x4096xf32, #tpu.memory_space<hbm>>
    %dma_wait3A_84 = tpu.memref_squeeze %dma_wait3A_83 : memref<1x4096xf32, #tpu.memory_space<hbm>> -> memref<4096xf32, #tpu.memory_space<hbm>>
    %dma_wait3A_85 = arith.constant 0 : i32
    %dma_wait3A_86 = tpu.memref_slice %arg2[%add3A_35, %dma_wait3A_85] : memref<64x4096xf32, #tpu.memory_space<hbm>> -> memref<1x4096xf32, #tpu.memory_space<hbm>>
    %dma_wait3A_87 = tpu.memref_squeeze %dma_wait3A_86 : memref<1x4096xf32, #tpu.memory_space<hbm>> -> memref<4096xf32, #tpu.memory_space<hbm>>
    tpu.wait_dma2 semaphore(%arg26 : memref<!tpu.dma_semaphore, #tpu.memory_space<semaphore_mem>>) src(%dma_wait3A_87 : memref<4096xf32, #tpu.memory_space<hbm>>) dst(%arg21 : memref<4096xf32, #tpu.memory_space<vmem>>)
    %dma_wait3A_88 = arith.constant 0 : i32
    %dma_wait3A_89 = tpu.memref_slice %arg3[%add3A_43, %dma_wait3A_88] : memref<64x1024xf32, #tpu.memory_space<hbm>> -> memref<1x1024xf32, #tpu.memory_space<hbm>>
    %dma_wait3A_90 = tpu.memref_squeeze %dma_wait3A_89 : memref<1x1024xf32, #tpu.memory_space<hbm>> -> memref<1024xf32, #tpu.memory_space<hbm>>
    %dma_wait3A_91 = arith.constant 0 : i32
    %dma_wait3A_92 = tpu.memref_slice %arg3[%add3A_43, %dma_wait3A_91] : memref<64x1024xf32, #tpu.memory_space<hbm>> -> memref<1x1024xf32, #tpu.memory_space<hbm>>
    %dma_wait3A_93 = tpu.memref_squeeze %dma_wait3A_92 : memref<1x1024xf32, #tpu.memory_space<hbm>> -> memref<1024xf32, #tpu.memory_space<hbm>>
    tpu.wait_dma2 semaphore(%arg27 : memref<!tpu.dma_semaphore, #tpu.memory_space<semaphore_mem>>) src(%dma_wait3A_93 : memref<1024xf32, #tpu.memory_space<hbm>>) dst(%arg18 : memref<1024xf32, #tpu.memory_space<vmem>>)
    %dma_wait3A_94 = arith.constant 0 : i32
    %dma_wait3A_95 = tpu.memref_slice %arg4[%add3A_51, %dma_wait3A_94] : memref<64x512xf32, #tpu.memory_space<hbm>> -> memref<1x512xf32, #tpu.memory_space<hbm>>
    %dma_wait3A_96 = tpu.memref_squeeze %dma_wait3A_95 : memref<1x512xf32, #tpu.memory_space<hbm>> -> memref<512xf32, #tpu.memory_space<hbm>>
    %dma_wait3A_97 = arith.constant 0 : i32
    %dma_wait3A_98 = tpu.memref_slice %arg4[%add3A_51, %dma_wait3A_97] : memref<64x512xf32, #tpu.memory_space<hbm>> -> memref<1x512xf32, #tpu.memory_space<hbm>>
    %dma_wait3A_99 = tpu.memref_squeeze %dma_wait3A_98 : memref<1x512xf32, #tpu.memory_space<hbm>> -> memref<512xf32, #tpu.memory_space<hbm>>
    tpu.wait_dma2 semaphore(%arg28 : memref<!tpu.dma_semaphore, #tpu.memory_space<semaphore_mem>>) src(%dma_wait3A_99 : memref<512xf32, #tpu.memory_space<hbm>>) dst(%arg19 : memref<512xf32, #tpu.memory_space<vmem>>)
    %scan3A_100 = arith.constant 0 : i32
    %scan3A_101 = arith.constant 0 : i32
    %scan3A_102 = arith.constant 63 : i32
    %scan3A_103 = arith.addi %scan3A_101, %scan3A_102 : i32
    %scan3A_104 = arith.constant 7 : i32
    %scan3A_105 = scf.for %scan3A_2033 = %scan3A_101 to %scan3A_103 step %scan3A_104 iter_args(%scan3A_2034 = %scan3A_100) -> (i32)  : i32 {
      %mul3A_2035 = arith.constant 16 : i32
      %mul3A_2036 = arith.muli %scan3A_2033, %mul3A_2035 : i32
      %mul3A_2037 = arith.constant 64 : i32
      %mul3A_2038 = arith.muli %scan3A_2033, %mul3A_2037 : i32
      %add3A_2039 = vector.broadcast %mul3A_2038 : i32 to vector<16xi32>
      %add3A_2040 = arith.addi %add3A_2039, %mul3A_5 : vector<16xi32>
      %gather3A_2041 = tpu.vector_load_idx %arg21[%add3A_2040] : memref<4096xf32, #tpu.memory_space<vmem>>[vector<16xi32>], vector<16xf32>,
      %swap3A_2042 = arith.index_cast %mul3A_2036 : i32 to index
      %swap3A_2043 = tpu.vector_load %arg14[%swap3A_2042] {strides = array<i32>} : memref<1024xf32, #tpu.memory_space<vmem>>, vector<16xf32>,
      tpu.vector_store %arg14[%swap3A_2042], %gather3A_2041 {strides = array<i32>} : memref<1024xf32, #tpu.memory_space<vmem>>, vector<16xf32>,
      %add3A_2044 = vector.broadcast %mul3A_2038 : i32 to vector<16xi32>
      %add3A_2045 = arith.addi %add3A_2044, %add3A_8 : vector<16xi32>
      %gather3A_2046 = tpu.vector_load_idx %arg21[%add3A_2045] : memref<4096xf32, #tpu.memory_space<vmem>>[vector<16xi32>], vector<16xf32>,
      %swap3A_2047 = arith.index_cast %mul3A_2036 : i32 to index
      %swap3A_2048 = tpu.vector_load %arg15[%swap3A_2047] {strides = array<i32>} : memref<1024xf32, #tpu.memory_space<vmem>>, vector<16xf32>,
      tpu.vector_store %arg15[%swap3A_2047], %gather3A_2046 {strides = array<i32>} : memref<1024xf32, #tpu.memory_space<vmem>>, vector<16xf32>,
      %add3A_2049 = vector.broadcast %mul3A_2038 : i32 to vector<16xi32>
      %add3A_2050 = arith.addi %add3A_2049, %add3A_11 : vector<16xi32>
      %gather3A_2051 = tpu.vector_load_idx %arg21[%add3A_2050] : memref<4096xf32, #tpu.memory_space<vmem>>[vector<16xi32>], vector<16xf32>,
      %swap3A_2052 = arith.index_cast %mul3A_2036 : i32 to index
      %swap3A_2053 = tpu.vector_load %arg16[%swap3A_2052] {strides = array<i32>} : memref<1024xf32, #tpu.memory_space<vmem>>, vector<16xf32>,
      tpu.vector_store %arg16[%swap3A_2052], %gather3A_2051 {strides = array<i32>} : memref<1024xf32, #tpu.memory_space<vmem>>, vector<16xf32>,
      %get3A_2054 = arith.index_cast %mul3A_2036 : i32 to index
      %get3A_2055 = tpu.vector_load %arg18[%get3A_2054] {strides = array<i32>} : memref<1024xf32, #tpu.memory_space<vmem>>, vector<16xf32>,
      %neg3A = arith.constant 0.000000e+00 : f32
      %neg3A_2056 = vector.broadcast %neg3A : f32 to vector<16xf32>
      %neg3A_2057 = arith.subf %neg3A_2056, %get3A_2055 : vector<16xf32>
      %exp3A = math.exp %neg3A_2057 : vector<16xf32>
      %add3A_2058 = arith.constant 1.000000e+00 : f32
      %add3A_2059 = vector.broadcast %add3A_2058 : f32 to vector<16xf32>
      %add3A_2060 = arith.addf %add3A_2059, %exp3A : vector<16xf32>
      %div3A = arith.constant -1.000000e+00 : f32
      %div3A_2061 = vector.broadcast %div3A : f32 to vector<16xf32>
      %div3A_2062 = arith.divf %div3A_2061, %add3A_2060 : vector<16xf32>
      %swap3A_2063 = arith.index_cast %mul3A_2036 : i32 to index
      %swap3A_2064 = tpu.vector_load %arg17[%swap3A_2063] {strides = array<i32>} : memref<1024xf32, #tpu.memory_space<vmem>>, vector<16xf32>,
      tpu.vector_store %arg17[%swap3A_2063], %div3A_2062 {strides = array<i32>} : memref<1024xf32, #tpu.memory_space<vmem>>, vector<16xf32>,
      %scan3A_2065 = arith.constant 0 : i32
      %scan3A_2066 = arith.constant 1 : i32
      %scan3A_2067 = arith.addi %scan3A_2033, %scan3A_2066 : i32
      %mul3A_2068 = arith.constant 16 : i32
      %mul3A_2069 = arith.muli %scan3A_2067, %mul3A_2068 : i32
      %mul3A_2070 = arith.constant 64 : i32
      %mul3A_2071 = arith.muli %scan3A_2067, %mul3A_2070 : i32
      %add3A_2072 = vector.broadcast %mul3A_2071 : i32 to vector<16xi32>
      %add3A_2073 = arith.addi %add3A_2072, %mul3A_5 : vector<16xi32>
      %gather3A_2074 = tpu.vector_load_idx %arg21[%add3A_2073] : memref<4096xf32, #tpu.memory_space<vmem>>[vector<16xi32>], vector<16xf32>,
      %swap3A_2075 = arith.index_cast %mul3A_2069 : i32 to index
      %swap3A_2076 = tpu.vector_load %arg14[%swap3A_2075] {strides = array<i32>} : memref<1024xf32, #tpu.memory_space<vmem>>, vector<16xf32>,
      tpu.vector_store %arg14[%swap3A_2075], %gather3A_2074 {strides = array<i32>} : memref<1024xf32, #tpu.memory_space<vmem>>, vector<16xf32>,
      %add3A_2077 = vector.broadcast %mul3A_2071 : i32 to vector<16xi32>
      %add3A_2078 = arith.addi %add3A_2077, %add3A_8 : vector<16xi32>
      %gather3A_2079 = tpu.vector_load_idx %arg21[%add3A_2078] : memref<4096xf32, #tpu.memory_space<vmem>>[vector<16xi32>], vector<16xf32>,
      %swap3A_2080 = arith.index_cast %mul3A_2069 : i32 to index
      %swap3A_2081 = tpu.vector_load %arg15[%swap3A_2080] {strides = array<i32>} : memref<1024xf32, #tpu.memory_space<vmem>>, vector<16xf32>,
      tpu.vector_store %arg15[%swap3A_2080], %gather3A_2079 {strides = array<i32>} : memref<1024xf32, #tpu.memory_space<vmem>>, vector<16xf32>,
      %add3A_2082 = vector.broadcast %mul3A_2071 : i32 to vector<16xi32>
      %add3A_2083 = arith.addi %add3A_2082, %add3A_11 : vector<16xi32>
      %gather3A_2084 = tpu.vector_load_idx %arg21[%add3A_2083] : memref<4096xf32, #tpu.memory_space<vmem>>[vector<16xi32>], vector<16xf32>,
      %swap3A_2085 = arith.index_cast %mul3A_2069 : i32 to index
      %swap3A_2086 = tpu.vector_load %arg16[%swap3A_2085] {strides = array<i32>} : memref<1024xf32, #tpu.memory_space<vmem>>, vector<16xf32>,
      tpu.vector_store %arg16[%swap3A_2085], %gather3A_2084 {strides = array<i32>} : memref<1024xf32, #tpu.memory_space<vmem>>, vector<16xf32>,
      %get3A_2087 = arith.index_cast %mul3A_2069 : i32 to index
      %get3A_2088 = tpu.vector_load %arg18[%get3A_2087] {strides = array<i32>} : memref<1024xf32, #tpu.memory_space<vmem>>, vector<16xf32>,
      %neg3A_2089 = arith.constant 0.000000e+00 : f32
      %neg3A_2090 = vector.broadcast %neg3A_2089 : f32 to vector<16xf32>
      %neg3A_2091 = arith.subf %neg3A_2090, %get3A_2088 : vector<16xf32>
      %exp3A_2092 = math.exp %neg3A_2091 : vector<16xf32>
      %add3A_2093 = arith.constant 1.000000e+00 : f32
      %add3A_2094 = vector.broadcast %add3A_2093 : f32 to vector<16xf32>
      %add3A_2095 = arith.addf %add3A_2094, %exp3A_2092 : vector<16xf32>
      %div3A_2096 = arith.constant -1.000000e+00 : f32
      %div3A_2097 = vector.broadcast %div3A_2096 : f32 to vector<16xf32>
      %div3A_2098 = arith.divf %div3A_2097, %add3A_2095 : vector<16xf32>
      %swap3A_2099 = arith.index_cast %mul3A_2069 : i32 to index
      %swap3A_2100 = tpu.vector_load %arg17[%swap3A_2099] {strides = array<i32>} : memref<1024xf32, #tpu.memory_space<vmem>>, vector<16xf32>,
      tpu.vector_store %arg17[%swap3A_2099], %div3A_2098 {strides = array<i32>} : memref<1024xf32, #tpu.memory_space<vmem>>, vector<16xf32>,
      %scan3A_2101 = arith.constant 0 : i32
      %scan3A_2102 = arith.constant 2 : i32
      %scan3A_2103 = arith.addi %scan3A_2033, %scan3A_2102 : i32
      %mul3A_2104 = arith.constant 16 : i32
      %mul3A_2105 = arith.muli %scan3A_2103, %mul3A_2104 : i32
      %mul3A_2106 = arith.constant 64 : i32
      %mul3A_2107 = arith.muli %scan3A_2103, %mul3A_2106 : i32
      %add3A_2108 = vector.broadcast %mul3A_2107 : i32 to vector<16xi32>
      %add3A_2109 = arith.addi %add3A_2108, %mul3A_5 : vector<16xi32>
      %gather3A_2110 = tpu.vector_load_idx %arg21[%add3A_2109] : memref<4096xf32, #tpu.memory_space<vmem>>[vector<16xi32>], vector<16xf32>,
      %swap3A_2111 = arith.index_cast %mul3A_2105 : i32 to index
      %swap3A_2112 = tpu.vector_load %arg14[%swap3A_2111] {strides = array<i32>} : memref<1024xf32, #tpu.memory_space<vmem>>, vector<16xf32>,
      tpu.vector_store %arg14[%swap3A_2111], %gather3A_2110 {strides = array<i32>} : memref<1024xf32, #tpu.memory_space<vmem>>, vector<16xf32>,
      %add3A_2113 = vector.broadcast %mul3A_2107 : i32 to vector<16xi32>
      %add3A_2114 = arith.addi %add3A_2113, %add3A_8 : vector<16xi32>
      %gather3A_2115 = tpu.vector_load_idx %arg21[%add3A_2114] : memref<4096xf32, #tpu.memory_space<vmem>>[vector<16xi32>], vector<16xf32>,
      %swap3A_2116 = arith.index_cast %mul3A_2105 : i32 to index
      %swap3A_2117 = tpu.vector_load %arg15[%swap3A_2116] {strides = array<i32>} : memref<1024xf32, #tpu.memory_space<vmem>>, vector<16xf32>,
      tpu.vector_store %arg15[%swap3A_2116], %gather3A_2115 {strides = array<i32>} : memref<1024xf32, #tpu.memory_space<vmem>>, vector<16xf32>,
      %add3A_2118 = vector.broadcast %mul3A_2107 : i32 to vector<16xi32>
      %add3A_2119 = arith.addi %add3A_2118, %add3A_11 : vector<16xi32>
      %gather3A_2120 = tpu.vector_load_idx %arg21[%add3A_2119] : memref<4096xf32, #tpu.memory_space<vmem>>[vector<16xi32>], vector<16xf32>,
      %swap3A_2121 = arith.index_cast %mul3A_2105 : i32 to index
      %swap3A_2122 = tpu.vector_load %arg16[%swap3A_2121] {strides = array<i32>} : memref<1024xf32, #tpu.memory_space<vmem>>, vector<16xf32>,
      tpu.vector_store %arg16[%swap3A_2121], %gather3A_2120 {strides = array<i32>} : memref<1024xf32, #tpu.memory_space<vmem>>, vector<16xf32>,
      %get3A_2123 = arith.index_cast %mul3A_2105 : i32 to index
      %get3A_2124 = tpu.vector_load %arg18[%get3A_2123] {strides = array<i32>} : memref<1024xf32, #tpu.memory_space<vmem>>, vector<16xf32>,
      %neg3A_2125 = arith.constant 0.000000e+00 : f32
      %neg3A_2126 = vector.broadcast %neg3A_2125 : f32 to vector<16xf32>
      %neg3A_2127 = arith.subf %neg3A_2126, %get3A_2124 : vector<16xf32>
      %exp3A_2128 = math.exp %neg3A_2127 : vector<16xf32>
      %add3A_2129 = arith.constant 1.000000e+00 : f32
      %add3A_2130 = vector.broadcast %add3A_2129 : f32 to vector<16xf32>
      %add3A_2131 = arith.addf %add3A_2130, %exp3A_2128 : vector<16xf32>
      %div3A_2132 = arith.constant -1.000000e+00 : f32
      %div3A_2133 = vector.broadcast %div3A_2132 : f32 to vector<16xf32>
      %div3A_2134 = arith.divf %div3A_2133, %add3A_2131 : vector<16xf32>
      %swap3A_2135 = arith.index_cast %mul3A_2105 : i32 to index
      %swap3A_2136 = tpu.vector_load %arg17[%swap3A_2135] {strides = array<i32>} : memref<1024xf32, #tpu.memory_space<vmem>>, vector<16xf32>,
      tpu.vector_store %arg17[%swap3A_2135], %div3A_2134 {strides = array<i32>} : memref<1024xf32, #tpu.memory_space<vmem>>, vector<16xf32>,
      %scan3A_2137 = arith.constant 0 : i32
      %scan3A_2138 = arith.constant 3 : i32
      %scan3A_2139 = arith.addi %scan3A_2033, %scan3A_2138 : i32
      %mul3A_2140 = arith.constant 16 : i32
      %mul3A_2141 = arith.muli %scan3A_2139, %mul3A_2140 : i32
      %mul3A_2142 = arith.constant 64 : i32
      %mul3A_2143 = arith.muli %scan3A_2139, %mul3A_2142 : i32
      %add3A_2144 = vector.broadcast %mul3A_2143 : i32 to vector<16xi32>
      %add3A_2145 = arith.addi %add3A_2144, %mul3A_5 : vector<16xi32>
      %gather3A_2146 = tpu.vector_load_idx %arg21[%add3A_2145] : memref<4096xf32, #tpu.memory_space<vmem>>[vector<16xi32>], vector<16xf32>,
      %swap3A_2147 = arith.index_cast %mul3A_2141 : i32 to index
      %swap3A_2148 = tpu.vector_load %arg14[%swap3A_2147] {strides = array<i32>} : memref<1024xf32, #tpu.memory_space<vmem>>, vector<16xf32>,
      tpu.vector_store %arg14[%swap3A_2147], %gather3A_2146 {strides = array<i32>} : memref<1024xf32, #tpu.memory_space<vmem>>, vector<16xf32>,
      %add3A_2149 = vector.broadcast %mul3A_2143 : i32 to vector<16xi32>
      %add3A_2150 = arith.addi %add3A_2149, %add3A_8 : vector<16xi32>
      %gather3A_2151 = tpu.vector_load_idx %arg21[%add3A_2150] : memref<4096xf32, #tpu.memory_space<vmem>>[vector<16xi32>], vector<16xf32>,
      %swap3A_2152 = arith.index_cast %mul3A_2141 : i32 to index
      %swap3A_2153 = tpu.vector_load %arg15[%swap3A_2152] {strides = array<i32>} : memref<1024xf32, #tpu.memory_space<vmem>>, vector<16xf32>,
      tpu.vector_store %arg15[%swap3A_2152], %gather3A_2151 {strides = array<i32>} : memref<1024xf32, #tpu.memory_space<vmem>>, vector<16xf32>,
      %add3A_2154 = vector.broadcast %mul3A_2143 : i32 to vector<16xi32>
      %add3A_2155 = arith.addi %add3A_2154, %add3A_11 : vector<16xi32>
      %gather3A_2156 = tpu.vector_load_idx %arg21[%add3A_2155] : memref<4096xf32, #tpu.memory_space<vmem>>[vector<16xi32>], vector<16xf32>,
      %swap3A_2157 = arith.index_cast %mul3A_2141 : i32 to index
      %swap3A_2158 = tpu.vector_load %arg16[%swap3A_2157] {strides = array<i32>} : memref<1024xf32, #tpu.memory_space<vmem>>, vector<16xf32>,
      tpu.vector_store %arg16[%swap3A_2157], %gather3A_2156 {strides = array<i32>} : memref<1024xf32, #tpu.memory_space<vmem>>, vector<16xf32>,
      %get3A_2159 = arith.index_cast %mul3A_2141 : i32 to index
      %get3A_2160 = tpu.vector_load %arg18[%get3A_2159] {strides = array<i32>} : memref<1024xf32, #tpu.memory_space<vmem>>, vector<16xf32>,
      %neg3A_2161 = arith.constant 0.000000e+00 : f32
      %neg3A_2162 = vector.broadcast %neg3A_2161 : f32 to vector<16xf32>
      %neg3A_2163 = arith.subf %neg3A_2162, %get3A_2160 : vector<16xf32>
      %exp3A_2164 = math.exp %neg3A_2163 : vector<16xf32>
      %add3A_2165 = arith.constant 1.000000e+00 : f32
      %add3A_2166 = vector.broadcast %add3A_2165 : f32 to vector<16xf32>
      %add3A_2167 = arith.addf %add3A_2166, %exp3A_2164 : vector<16xf32>
      %div3A_2168 = arith.constant -1.000000e+00 : f32
      %div3A_2169 = vector.broadcast %div3A_2168 : f32 to vector<16xf32>
      %div3A_2170 = arith.divf %div3A_2169, %add3A_2167 : vector<16xf32>
      %swap3A_2171 = arith.index_cast %mul3A_2141 : i32 to index
      %swap3A_2172 = tpu.vector_load %arg17[%swap3A_2171] {strides = array<i32>} : memref<1024xf32, #tpu.memory_space<vmem>>, vector<16xf32>,
      tpu.vector_store %arg17[%swap3A_2171], %div3A_2170 {strides = array<i32>} : memref<1024xf32, #tpu.memory_space<vmem>>, vector<16xf32>,
      %scan3A_2173 = arith.constant 0 : i32
      %scan3A_2174 = arith.constant 4 : i32
      %scan3A_2175 = arith.addi %scan3A_2033, %scan3A_2174 : i32
      %mul3A_2176 = arith.constant 16 : i32
      %mul3A_2177 = arith.muli %scan3A_2175, %mul3A_2176 : i32
      %mul3A_2178 = arith.constant 64 : i32
      %mul3A_2179 = arith.muli %scan3A_2175, %mul3A_2178 : i32
      %add3A_2180 = vector.broadcast %mul3A_2179 : i32 to vector<16xi32>
      %add3A_2181 = arith.addi %add3A_2180, %mul3A_5 : vector<16xi32>
      %gather3A_2182 = tpu.vector_load_idx %arg21[%add3A_2181] : memref<4096xf32, #tpu.memory_space<vmem>>[vector<16xi32>], vector<16xf32>,
      %swap3A_2183 = arith.index_cast %mul3A_2177 : i32 to index
      %swap3A_2184 = tpu.vector_load %arg14[%swap3A_2183] {strides = array<i32>} : memref<1024xf32, #tpu.memory_space<vmem>>, vector<16xf32>,
      tpu.vector_store %arg14[%swap3A_2183], %gather3A_2182 {strides = array<i32>} : memref<1024xf32, #tpu.memory_space<vmem>>, vector<16xf32>,
      %add3A_2185 = vector.broadcast %mul3A_2179 : i32 to vector<16xi32>
      %add3A_2186 = arith.addi %add3A_2185, %add3A_8 : vector<16xi32>
      %gather3A_2187 = tpu.vector_load_idx %arg21[%add3A_2186] : memref<4096xf32, #tpu.memory_space<vmem>>[vector<16xi32>], vector<16xf32>,
      %swap3A_2188 = arith.index_cast %mul3A_2177 : i32 to index
      %swap3A_2189 = tpu.vector_load %arg15[%swap3A_2188] {strides = array<i32>} : memref<1024xf32, #tpu.memory_space<vmem>>, vector<16xf32>,
      tpu.vector_store %arg15[%swap3A_2188], %gather3A_2187 {strides = array<i32>} : memref<1024xf32, #tpu.memory_space<vmem>>, vector<16xf32>,
      %add3A_2190 = vector.broadcast %mul3A_2179 : i32 to vector<16xi32>
      %add3A_2191 = arith.addi %add3A_2190, %add3A_11 : vector<16xi32>
      %gather3A_2192 = tpu.vector_load_idx %arg21[%add3A_2191] : memref<4096xf32, #tpu.memory_space<vmem>>[vector<16xi32>], vector<16xf32>,
      %swap3A_2193 = arith.index_cast %mul3A_2177 : i32 to index
      %swap3A_2194 = tpu.vector_load %arg16[%swap3A_2193] {strides = array<i32>} : memref<1024xf32, #tpu.memory_space<vmem>>, vector<16xf32>,
      tpu.vector_store %arg16[%swap3A_2193], %gather3A_2192 {strides = array<i32>} : memref<1024xf32, #tpu.memory_space<vmem>>, vector<16xf32>,
      %get3A_2195 = arith.index_cast %mul3A_2177 : i32 to index
      %get3A_2196 = tpu.vector_load %arg18[%get3A_2195] {strides = array<i32>} : memref<1024xf32, #tpu.memory_space<vmem>>, vector<16xf32>,
      %neg3A_2197 = arith.constant 0.000000e+00 : f32
      %neg3A_2198 = vector.broadcast %neg3A_2197 : f32 to vector<16xf32>
      %neg3A_2199 = arith.subf %neg3A_2198, %get3A_2196 : vector<16xf32>
      %exp3A_2200 = math.exp %neg3A_2199 : vector<16xf32>
      %add3A_2201 = arith.constant 1.000000e+00 : f32
      %add3A_2202 = vector.broadcast %add3A_2201 : f32 to vector<16xf32>
      %add3A_2203 = arith.addf %add3A_2202, %exp3A_2200 : vector<16xf32>
      %div3A_2204 = arith.constant -1.000000e+00 : f32
      %div3A_2205 = vector.broadcast %div3A_2204 : f32 to vector<16xf32>
      %div3A_2206 = arith.divf %div3A_2205, %add3A_2203 : vector<16xf32>
      %swap3A_2207 = arith.index_cast %mul3A_2177 : i32 to index
      %swap3A_2208 = tpu.vector_load %arg17[%swap3A_2207] {strides = array<i32>} : memref<1024xf32, #tpu.memory_space<vmem>>, vector<16xf32>,
      tpu.vector_store %arg17[%swap3A_2207], %div3A_2206 {strides = array<i32>} : memref<1024xf32, #tpu.memory_space<vmem>>, vector<16xf32>,
      %scan3A_2209 = arith.constant 0 : i32
      %scan3A_2210 = arith.constant 5 : i32
      %scan3A_2211 = arith.addi %scan3A_2033, %scan3A_2210 : i32
      %mul3A_2212 = arith.constant 16 : i32
      %mul3A_2213 = arith.muli %scan3A_2211, %mul3A_2212 : i32
      %mul3A_2214 = arith.constant 64 : i32
      %mul3A_2215 = arith.muli %scan3A_2211, %mul3A_2214 : i32
      %add3A_2216 = vector.broadcast %mul3A_2215 : i32 to vector<16xi32>
      %add3A_2217 = arith.addi %add3A_2216, %mul3A_5 : vector<16xi32>
      %gather3A_2218 = tpu.vector_load_idx %arg21[%add3A_2217] : memref<4096xf32, #tpu.memory_space<vmem>>[vector<16xi32>], vector<16xf32>,
      %swap3A_2219 = arith.index_cast %mul3A_2213 : i32 to index
      %swap3A_2220 = tpu.vector_load %arg14[%swap3A_2219] {strides = array<i32>} : memref<1024xf32, #tpu.memory_space<vmem>>, vector<16xf32>,
      tpu.vector_store %arg14[%swap3A_2219], %gather3A_2218 {strides = array<i32>} : memref<1024xf32, #tpu.memory_space<vmem>>, vector<16xf32>,
      %add3A_2221 = vector.broadcast %mul3A_2215 : i32 to vector<16xi32>
      %add3A_2222 = arith.addi %add3A_2221, %add3A_8 : vector<16xi32>
      %gather3A_2223 = tpu.vector_load_idx %arg21[%add3A_2222] : memref<4096xf32, #tpu.memory_space<vmem>>[vector<16xi32>], vector<16xf32>,
      %swap3A_2224 = arith.index_cast %mul3A_2213 : i32 to index
      %swap3A_2225 = tpu.vector_load %arg15[%swap3A_2224] {strides = array<i32>} : memref<1024xf32, #tpu.memory_space<vmem>>, vector<16xf32>,
      tpu.vector_store %arg15[%swap3A_2224], %gather3A_2223 {strides = array<i32>} : memref<1024xf32, #tpu.memory_space<vmem>>, vector<16xf32>,
      %add3A_2226 = vector.broadcast %mul3A_2215 : i32 to vector<16xi32>
      %add3A_2227 = arith.addi %add3A_2226, %add3A_11 : vector<16xi32>
      %gather3A_2228 = tpu.vector_load_idx %arg21[%add3A_2227] : memref<4096xf32, #tpu.memory_space<vmem>>[vector<16xi32>], vector<16xf32>,
      %swap3A_2229 = arith.index_cast %mul3A_2213 : i32 to index
      %swap3A_2230 = tpu.vector_load %arg16[%swap3A_2229] {strides = array<i32>} : memref<1024xf32, #tpu.memory_space<vmem>>, vector<16xf32>,
      tpu.vector_store %arg16[%swap3A_2229], %gather3A_2228 {strides = array<i32>} : memref<1024xf32, #tpu.memory_space<vmem>>, vector<16xf32>,
      %get3A_2231 = arith.index_cast %mul3A_2213 : i32 to index
      %get3A_2232 = tpu.vector_load %arg18[%get3A_2231] {strides = array<i32>} : memref<1024xf32, #tpu.memory_space<vmem>>, vector<16xf32>,
      %neg3A_2233 = arith.constant 0.000000e+00 : f32
      %neg3A_2234 = vector.broadcast %neg3A_2233 : f32 to vector<16xf32>
      %neg3A_2235 = arith.subf %neg3A_2234, %get3A_2232 : vector<16xf32>
      %exp3A_2236 = math.exp %neg3A_2235 : vector<16xf32>
      %add3A_2237 = arith.constant 1.000000e+00 : f32
      %add3A_2238 = vector.broadcast %add3A_2237 : f32 to vector<16xf32>
      %add3A_2239 = arith.addf %add3A_2238, %exp3A_2236 : vector<16xf32>
      %div3A_2240 = arith.constant -1.000000e+00 : f32
      %div3A_2241 = vector.broadcast %div3A_2240 : f32 to vector<16xf32>
      %div3A_2242 = arith.divf %div3A_2241, %add3A_2239 : vector<16xf32>
      %swap3A_2243 = arith.index_cast %mul3A_2213 : i32 to index
      %swap3A_2244 = tpu.vector_load %arg17[%swap3A_2243] {strides = array<i32>} : memref<1024xf32, #tpu.memory_space<vmem>>, vector<16xf32>,
      tpu.vector_store %arg17[%swap3A_2243], %div3A_2242 {strides = array<i32>} : memref<1024xf32, #tpu.memory_space<vmem>>, vector<16xf32>,
      %scan3A_2245 = arith.constant 0 : i32
      %scan3A_2246 = arith.constant 6 : i32
      %scan3A_2247 = arith.addi %scan3A_2033, %scan3A_2246 : i32
      %mul3A_2248 = arith.constant 16 : i32
      %mul3A_2249 = arith.muli %scan3A_2247, %mul3A_2248 : i32
      %mul3A_2250 = arith.constant 64 : i32
      %mul3A_2251 = arith.muli %scan3A_2247, %mul3A_2250 : i32
      %add3A_2252 = vector.broadcast %mul3A_2251 : i32 to vector<16xi32>
      %add3A_2253 = arith.addi %add3A_2252, %mul3A_5 : vector<16xi32>
      %gather3A_2254 = tpu.vector_load_idx %arg21[%add3A_2253] : memref<4096xf32, #tpu.memory_space<vmem>>[vector<16xi32>], vector<16xf32>,
      %swap3A_2255 = arith.index_cast %mul3A_2249 : i32 to index
      %swap3A_2256 = tpu.vector_load %arg14[%swap3A_2255] {strides = array<i32>} : memref<1024xf32, #tpu.memory_space<vmem>>, vector<16xf32>,
      tpu.vector_store %arg14[%swap3A_2255], %gather3A_2254 {strides = array<i32>} : memref<1024xf32, #tpu.memory_space<vmem>>, vector<16xf32>,
      %add3A_2257 = vector.broadcast %mul3A_2251 : i32 to vector<16xi32>
      %add3A_2258 = arith.addi %add3A_2257, %add3A_8 : vector<16xi32>
      %gather3A_2259 = tpu.vector_load_idx %arg21[%add3A_2258] : memref<4096xf32, #tpu.memory_space<vmem>>[vector<16xi32>], vector<16xf32>,
      %swap3A_2260 = arith.index_cast %mul3A_2249 : i32 to index
      %swap3A_2261 = tpu.vector_load %arg15[%swap3A_2260] {strides = array<i32>} : memref<1024xf32, #tpu.memory_space<vmem>>, vector<16xf32>,
      tpu.vector_store %arg15[%swap3A_2260], %gather3A_2259 {strides = array<i32>} : memref<1024xf32, #tpu.memory_space<vmem>>, vector<16xf32>,
      %add3A_2262 = vector.broadcast %mul3A_2251 : i32 to vector<16xi32>
      %add3A_2263 = arith.addi %add3A_2262, %add3A_11 : vector<16xi32>
      %gather3A_2264 = tpu.vector_load_idx %arg21[%add3A_2263] : memref<4096xf32, #tpu.memory_space<vmem>>[vector<16xi32>], vector<16xf32>,
      %swap3A_2265 = arith.index_cast %mul3A_2249 : i32 to index
      %swap3A_2266 = tpu.vector_load %arg16[%swap3A_2265] {strides = array<i32>} : memref<1024xf32, #tpu.memory_space<vmem>>, vector<16xf32>,
      tpu.vector_store %arg16[%swap3A_2265], %gather3A_2264 {strides = array<i32>} : memref<1024xf32, #tpu.memory_space<vmem>>, vector<16xf32>,
      %get3A_2267 = arith.index_cast %mul3A_2249 : i32 to index
      %get3A_2268 = tpu.vector_load %arg18[%get3A_2267] {strides = array<i32>} : memref<1024xf32, #tpu.memory_space<vmem>>, vector<16xf32>,
      %neg3A_2269 = arith.constant 0.000000e+00 : f32
      %neg3A_2270 = vector.broadcast %neg3A_2269 : f32 to vector<16xf32>
      %neg3A_2271 = arith.subf %neg3A_2270, %get3A_2268 : vector<16xf32>
      %exp3A_2272 = math.exp %neg3A_2271 : vector<16xf32>
      %add3A_2273 = arith.constant 1.000000e+00 : f32
      %add3A_2274 = vector.broadcast %add3A_2273 : f32 to vector<16xf32>
      %add3A_2275 = arith.addf %add3A_2274, %exp3A_2272 : vector<16xf32>
      %div3A_2276 = arith.constant -1.000000e+00 : f32
      %div3A_2277 = vector.broadcast %div3A_2276 : f32 to vector<16xf32>
      %div3A_2278 = arith.divf %div3A_2277, %add3A_2275 : vector<16xf32>
      %swap3A_2279 = arith.index_cast %mul3A_2249 : i32 to index
      %swap3A_2280 = tpu.vector_load %arg17[%swap3A_2279] {strides = array<i32>} : memref<1024xf32, #tpu.memory_space<vmem>>, vector<16xf32>,
      tpu.vector_store %arg17[%swap3A_2279], %div3A_2278 {strides = array<i32>} : memref<1024xf32, #tpu.memory_space<vmem>>, vector<16xf32>,
      %scan3A_2281 = arith.constant 0 : i32
      scf.yield %scan3A_2281 : i32
    }
    %scan3A_106 = arith.constant 63 : i32
    %swap3A_107 = arith.constant 96 : index
    %swap3A_108 = tpu.vector_load %arg20[%swap3A_107] {strides = array<i32>} : memref<128xi32, #tpu.memory_space<vmem>>, vector<16xi32>,
    tpu.vector_store %arg20[%swap3A_107], %broadcast_in_dim3A_14 {strides = array<i32>} : memref<128xi32, #tpu.memory_space<vmem>>, vector<16xi32>,
    %scan3A_109 = arith.constant 0 : i32
    %scan3A_110 = arith.constant 0 : i32
    %scan3A_111 = arith.constant 100 : i32
    %scan3A_112 = arith.addi %scan3A_110, %scan3A_111 : i32
    %scan3A_113 = arith.constant 1 : i32
    %scan3A_114 = scf.for %scan3A_2033 = %scan3A_110 to %scan3A_112 step %scan3A_113 iter_args(%scan3A_2034 = %scan3A_109) -> (i32)  : i32 {
      %mul3A_2035 = arith.constant 4 : i32
      %mul3A_2036 = arith.muli %scan3A_2033, %mul3A_2035 : i32
      %broadcast_in_dim3A_2037 = vector.broadcast %mul3A_2036 : i32 to vector<16xi32>
      %gather3A_2038 = tpu.vector_load_idx %arg11[%broadcast_in_dim3A_2037] : memref<512xf32, #tpu.memory_space<vmem>>[vector<16xi32>], vector<16xf32>,
      %add3A_2039 = arith.constant 1 : i32
      %add3A_2040 = vector.broadcast %add3A_2039 : i32 to vector<16xi32>
      %add3A_2041 = arith.addi %broadcast_in_dim3A_2037, %add3A_2040 : vector<16xi32>
      %gather3A_2042 = tpu.vector_load_idx %arg11[%add3A_2041] : memref<512xf32, #tpu.memory_space<vmem>>[vector<16xi32>], vector<16xf32>,
      %add3A_2043 = arith.constant 2 : i32
      %add3A_2044 = vector.broadcast %add3A_2043 : i32 to vector<16xi32>
      %add3A_2045 = arith.addi %broadcast_in_dim3A_2037, %add3A_2044 : vector<16xi32>
      %gather3A_2046 = tpu.vector_load_idx %arg11[%add3A_2045] : memref<512xf32, #tpu.memory_space<vmem>>[vector<16xi32>], vector<16xf32>,
      %gather3A_2047 = tpu.vector_load_idx %arg19[%broadcast_in_dim3A_2037] : memref<512xf32, #tpu.memory_space<vmem>>[vector<16xi32>], vector<16xf32>,
      %add3A_2048 = arith.constant 1 : i32
      %add3A_2049 = vector.broadcast %add3A_2048 : i32 to vector<16xi32>
      %add3A_2050 = arith.addi %broadcast_in_dim3A_2037, %add3A_2049 : vector<16xi32>
      %gather3A_2051 = tpu.vector_load_idx %arg19[%add3A_2050] : memref<512xf32, #tpu.memory_space<vmem>>[vector<16xi32>], vector<16xf32>,
      %add3A_2052 = arith.constant 2 : i32
      %add3A_2053 = vector.broadcast %add3A_2052 : i32 to vector<16xi32>
      %add3A_2054 = arith.addi %broadcast_in_dim3A_2037, %add3A_2053 : vector<16xi32>
      %gather3A_2055 = tpu.vector_load_idx %arg19[%add3A_2054] : memref<512xf32, #tpu.memory_space<vmem>>[vector<16xi32>], vector<16xf32>,
      %broadcast_in_dim3A_2056 = arith.constant 3.000000e+38 : f32
      %broadcast_in_dim3A_2057 = vector.broadcast %broadcast_in_dim3A_2056 : f32 to vector<16xf32>
      %broadcast_in_dim3A_2058 = arith.constant 0 : i32
      %broadcast_in_dim3A_2059 = vector.broadcast %broadcast_in_dim3A_2058 : i32 to vector<16xi32>
      %scan3A_2060 = arith.constant 0 : i32
      %scan3A_2061 = arith.constant 63 : i32
      %scan3A_2062 = arith.addi %scan3A_2060, %scan3A_2061 : i32
      %scan3A_2063 = arith.constant 9 : i32
      %scan3A_2064:4 = scf.for %scan3A_2086 = %scan3A_2060 to %scan3A_2062 step %scan3A_2063 iter_args(%scan3A_2087 = %broadcast_in_dim3A_2057, %scan3A_2088 = %broadcast_in_dim3A_2059, %scan3A_2089 = %broadcast_in_dim3A_2057, %scan3A_2090 = %broadcast_in_dim3A_2059) -> (vector<16xf32>, vector<16xi32>, vector<16xf32>, vector<16xi32>)  : i32 {
        %mul3A_2091 = arith.constant 16 : i32
        %mul3A_2092 = arith.muli %scan3A_2086, %mul3A_2091 : i32
        %get3A_2093 = arith.index_cast %mul3A_2092 : i32 to index
        %get3A_2094 = tpu.vector_load %arg6[%get3A_2093] {strides = array<i32>} : memref<1024xf32, #tpu.memory_space<vmem>>, vector<16xf32>,
        %sub3A_2095 = arith.subf %get3A_2094, %gather3A_2038 : vector<16xf32>
        %abs3A_2096 = math.absf %sub3A_2095 : vector<16xf32>
        %get3A_2097 = arith.index_cast %mul3A_2092 : i32 to index
        %get3A_2098 = tpu.vector_load %arg7[%get3A_2097] {strides = array<i32>} : memref<1024xf32, #tpu.memory_space<vmem>>, vector<16xf32>,
        %sub3A_2099 = arith.subf %get3A_2098, %gather3A_2042 : vector<16xf32>
        %abs3A_2100 = math.absf %sub3A_2099 : vector<16xf32>
        %add3A_2101 = arith.addf %abs3A_2096, %abs3A_2100 : vector<16xf32>
        %get3A_2102 = arith.index_cast %mul3A_2092 : i32 to index
        %get3A_2103 = tpu.vector_load %arg8[%get3A_2102] {strides = array<i32>} : memref<1024xf32, #tpu.memory_space<vmem>>, vector<16xf32>,
        %sub3A_2104 = arith.subf %get3A_2103, %gather3A_2046 : vector<16xf32>
        %abs3A_2105 = math.absf %sub3A_2104 : vector<16xf32>
        %add3A_2106 = arith.addf %add3A_2101, %abs3A_2105 : vector<16xf32>
        %get3A_2107 = arith.index_cast %mul3A_2092 : i32 to index
        %get3A_2108 = tpu.vector_load %arg9[%get3A_2107] {strides = array<i32>} : memref<1024xf32, #tpu.memory_space<vmem>>, vector<16xf32>,
        %add3A_2109 = arith.addf %add3A_2106, %get3A_2108 : vector<16xf32>
        %get3A_2110 = arith.index_cast %mul3A_2092 : i32 to index
        %get3A_2111 = tpu.vector_load %arg14[%get3A_2110] {strides = array<i32>} : memref<1024xf32, #tpu.memory_space<vmem>>, vector<16xf32>,
        %sub3A_2112 = arith.subf %get3A_2111, %gather3A_2047 : vector<16xf32>
        %abs3A_2113 = math.absf %sub3A_2112 : vector<16xf32>
        %get3A_2114 = arith.index_cast %mul3A_2092 : i32 to index
        %get3A_2115 = tpu.vector_load %arg15[%get3A_2114] {strides = array<i32>} : memref<1024xf32, #tpu.memory_space<vmem>>, vector<16xf32>,
        %sub3A_2116 = arith.subf %get3A_2115, %gather3A_2051 : vector<16xf32>
        %abs3A_2117 = math.absf %sub3A_2116 : vector<16xf32>
        %add3A_2118 = arith.addf %abs3A_2113, %abs3A_2117 : vector<16xf32>
        %get3A_2119 = arith.index_cast %mul3A_2092 : i32 to index
        %get3A_2120 = tpu.vector_load %arg16[%get3A_2119] {strides = array<i32>} : memref<1024xf32, #tpu.memory_space<vmem>>, vector<16xf32>,
        %sub3A_2121 = arith.subf %get3A_2120, %gather3A_2055 : vector<16xf32>
        %abs3A_2122 = math.absf %sub3A_2121 : vector<16xf32>
        %add3A_2123 = arith.addf %add3A_2118, %abs3A_2122 : vector<16xf32>
        %get3A_2124 = arith.index_cast %mul3A_2092 : i32 to index
        %get3A_2125 = tpu.vector_load %arg17[%get3A_2124] {strides = array<i32>} : memref<1024xf32, #tpu.memory_space<vmem>>, vector<16xf32>,
        %add3A_2126 = arith.addf %add3A_2123, %get3A_2125 : vector<16xf32>
        %lt3A_2127 = arith.cmpf olt, %add3A_2109, %scan3A_2087 : vector<16xf32>
        %lt3A_2128 = arith.cmpf olt, %add3A_2126, %scan3A_2089 : vector<16xf32>
        %select_n3A_2129 = arith.select %lt3A_2127, %add3A_2109, %scan3A_2087 : vector<16xi1>, vector<16xf32>
        %add3A_2130 = vector.broadcast %mul3A_2092 : i32 to vector<16xi32>
        %add3A_2131 = arith.addi %add3A_2130, %iota3A : vector<16xi32>
        %select_n3A_2132 = arith.select %lt3A_2127, %add3A_2131, %scan3A_2088 : vector<16xi1>, vector<16xi32>
        %select_n3A_2133 = arith.select %lt3A_2128, %add3A_2126, %scan3A_2089 : vector<16xi1>, vector<16xf32>
        %add3A_2134 = vector.broadcast %mul3A_2092 : i32 to vector<16xi32>
        %add3A_2135 = arith.addi %add3A_2134, %iota3A : vector<16xi32>
        %select_n3A_2136 = arith.select %lt3A_2128, %add3A_2135, %scan3A_2090 : vector<16xi1>, vector<16xi32>
        %scan3A_2137 = arith.constant 1 : i32
        %scan3A_2138 = arith.addi %scan3A_2086, %scan3A_2137 : i32
        %mul3A_2139 = arith.constant 16 : i32
        %mul3A_2140 = arith.muli %scan3A_2138, %mul3A_2139 : i32
        %get3A_2141 = arith.index_cast %mul3A_2140 : i32 to index
        %get3A_2142 = tpu.vector_load %arg6[%get3A_2141] {strides = array<i32>} : memref<1024xf32, #tpu.memory_space<vmem>>, vector<16xf32>,
        %sub3A_2143 = arith.subf %get3A_2142, %gather3A_2038 : vector<16xf32>
        %abs3A_2144 = math.absf %sub3A_2143 : vector<16xf32>
        %get3A_2145 = arith.index_cast %mul3A_2140 : i32 to index
        %get3A_2146 = tpu.vector_load %arg7[%get3A_2145] {strides = array<i32>} : memref<1024xf32, #tpu.memory_space<vmem>>, vector<16xf32>,
        %sub3A_2147 = arith.subf %get3A_2146, %gather3A_2042 : vector<16xf32>
        %abs3A_2148 = math.absf %sub3A_2147 : vector<16xf32>
        %add3A_2149 = arith.addf %abs3A_2144, %abs3A_2148 : vector<16xf32>
        %get3A_2150 = arith.index_cast %mul3A_2140 : i32 to index
        %get3A_2151 = tpu.vector_load %arg8[%get3A_2150] {strides = array<i32>} : memref<1024xf32, #tpu.memory_space<vmem>>, vector<16xf32>,
        %sub3A_2152 = arith.subf %get3A_2151, %gather3A_2046 : vector<16xf32>
        %abs3A_2153 = math.absf %sub3A_2152 : vector<16xf32>
        %add3A_2154 = arith.addf %add3A_2149, %abs3A_2153 : vector<16xf32>
        %get3A_2155 = arith.index_cast %mul3A_2140 : i32 to index
        %get3A_2156 = tpu.vector_load %arg9[%get3A_2155] {strides = array<i32>} : memref<1024xf32, #tpu.memory_space<vmem>>, vector<16xf32>,
        %add3A_2157 = arith.addf %add3A_2154, %get3A_2156 : vector<16xf32>
        %get3A_2158 = arith.index_cast %mul3A_2140 : i32 to index
        %get3A_2159 = tpu.vector_load %arg14[%get3A_2158] {strides = array<i32>} : memref<1024xf32, #tpu.memory_space<vmem>>, vector<16xf32>,
        %sub3A_2160 = arith.subf %get3A_2159, %gather3A_2047 : vector<16xf32>
        %abs3A_2161 = math.absf %sub3A_2160 : vector<16xf32>
        %get3A_2162 = arith.index_cast %mul3A_2140 : i32 to index
        %get3A_2163 = tpu.vector_load %arg15[%get3A_2162] {strides = array<i32>} : memref<1024xf32, #tpu.memory_space<vmem>>, vector<16xf32>,
        %sub3A_2164 = arith.subf %get3A_2163, %gather3A_2051 : vector<16xf32>
        %abs3A_2165 = math.absf %sub3A_2164 : vector<16xf32>
        %add3A_2166 = arith.addf %abs3A_2161, %abs3A_2165 : vector<16xf32>
        %get3A_2167 = arith.index_cast %mul3A_2140 : i32 to index
        %get3A_2168 = tpu.vector_load %arg16[%get3A_2167] {strides = array<i32>} : memref<1024xf32, #tpu.memory_space<vmem>>, vector<16xf32>,
        %sub3A_2169 = arith.subf %get3A_2168, %gather3A_2055 : vector<16xf32>
        %abs3A_2170 = math.absf %sub3A_2169 : vector<16xf32>
        %add3A_2171 = arith.addf %add3A_2166, %abs3A_2170 : vector<16xf32>
        %get3A_2172 = arith.index_cast %mul3A_2140 : i32 to index
        %get3A_2173 = tpu.vector_load %arg17[%get3A_2172] {strides = array<i32>} : memref<1024xf32, #tpu.memory_space<vmem>>, vector<16xf32>,
        %add3A_2174 = arith.addf %add3A_2171, %get3A_2173 : vector<16xf32>
        %lt3A_2175 = arith.cmpf olt, %add3A_2157, %select_n3A_2129 : vector<16xf32>
        %lt3A_2176 = arith.cmpf olt, %add3A_2174, %select_n3A_2133 : vector<16xf32>
        %select_n3A_2177 = arith.select %lt3A_2175, %add3A_2157, %select_n3A_2129 : vector<16xi1>, vector<16xf32>
        %add3A_2178 = vector.broadcast %mul3A_2140 : i32 to vector<16xi32>
        %add3A_2179 = arith.addi %add3A_2178, %iota3A : vector<16xi32>
        %select_n3A_2180 = arith.select %lt3A_2175, %add3A_2179, %select_n3A_2132 : vector<16xi1>, vector<16xi32>
        %select_n3A_2181 = arith.select %lt3A_2176, %add3A_2174, %select_n3A_2133 : vector<16xi1>, vector<16xf32>
        %add3A_2182 = vector.broadcast %mul3A_2140 : i32 to vector<16xi32>
        %add3A_2183 = arith.addi %add3A_2182, %iota3A : vector<16xi32>
        %select_n3A_2184 = arith.select %lt3A_2176, %add3A_2183, %select_n3A_2136 : vector<16xi1>, vector<16xi32>
        %scan3A_2185 = arith.constant 2 : i32
        %scan3A_2186 = arith.addi %scan3A_2086, %scan3A_2185 : i32
        %mul3A_2187 = arith.constant 16 : i32
        %mul3A_2188 = arith.muli %scan3A_2186, %mul3A_2187 : i32
        %get3A_2189 = arith.index_cast %mul3A_2188 : i32 to index
        %get3A_2190 = tpu.vector_load %arg6[%get3A_2189] {strides = array<i32>} : memref<1024xf32, #tpu.memory_space<vmem>>, vector<16xf32>,
        %sub3A_2191 = arith.subf %get3A_2190, %gather3A_2038 : vector<16xf32>
        %abs3A_2192 = math.absf %sub3A_2191 : vector<16xf32>
        %get3A_2193 = arith.index_cast %mul3A_2188 : i32 to index
        %get3A_2194 = tpu.vector_load %arg7[%get3A_2193] {strides = array<i32>} : memref<1024xf32, #tpu.memory_space<vmem>>, vector<16xf32>,
        %sub3A_2195 = arith.subf %get3A_2194, %gather3A_2042 : vector<16xf32>
        %abs3A_2196 = math.absf %sub3A_2195 : vector<16xf32>
        %add3A_2197 = arith.addf %abs3A_2192, %abs3A_2196 : vector<16xf32>
        %get3A_2198 = arith.index_cast %mul3A_2188 : i32 to index
        %get3A_2199 = tpu.vector_load %arg8[%get3A_2198] {strides = array<i32>} : memref<1024xf32, #tpu.memory_space<vmem>>, vector<16xf32>,
        %sub3A_2200 = arith.subf %get3A_2199, %gather3A_2046 : vector<16xf32>
        %abs3A_2201 = math.absf %sub3A_2200 : vector<16xf32>
        %add3A_2202 = arith.addf %add3A_2197, %abs3A_2201 : vector<16xf32>
        %get3A_2203 = arith.index_cast %mul3A_2188 : i32 to index
        %get3A_2204 = tpu.vector_load %arg9[%get3A_2203] {strides = array<i32>} : memref<1024xf32, #tpu.memory_space<vmem>>, vector<16xf32>,
        %add3A_2205 = arith.addf %add3A_2202, %get3A_2204 : vector<16xf32>
        %get3A_2206 = arith.index_cast %mul3A_2188 : i32 to index
        %get3A_2207 = tpu.vector_load %arg14[%get3A_2206] {strides = array<i32>} : memref<1024xf32, #tpu.memory_space<vmem>>, vector<16xf32>,
        %sub3A_2208 = arith.subf %get3A_2207, %gather3A_2047 : vector<16xf32>
        %abs3A_2209 = math.absf %sub3A_2208 : vector<16xf32>
        %get3A_2210 = arith.index_cast %mul3A_2188 : i32 to index
        %get3A_2211 = tpu.vector_load %arg15[%get3A_2210] {strides = array<i32>} : memref<1024xf32, #tpu.memory_space<vmem>>, vector<16xf32>,
        %sub3A_2212 = arith.subf %get3A_2211, %gather3A_2051 : vector<16xf32>
        %abs3A_2213 = math.absf %sub3A_2212 : vector<16xf32>
        %add3A_2214 = arith.addf %abs3A_2209, %abs3A_2213 : vector<16xf32>
        %get3A_2215 = arith.index_cast %mul3A_2188 : i32 to index
        %get3A_2216 = tpu.vector_load %arg16[%get3A_2215] {strides = array<i32>} : memref<1024xf32, #tpu.memory_space<vmem>>, vector<16xf32>,
        %sub3A_2217 = arith.subf %get3A_2216, %gather3A_2055 : vector<16xf32>
        %abs3A_2218 = math.absf %sub3A_2217 : vector<16xf32>
        %add3A_2219 = arith.addf %add3A_2214, %abs3A_2218 : vector<16xf32>
        %get3A_2220 = arith.index_cast %mul3A_2188 : i32 to index
        %get3A_2221 = tpu.vector_load %arg17[%get3A_2220] {strides = array<i32>} : memref<1024xf32, #tpu.memory_space<vmem>>, vector<16xf32>,
        %add3A_2222 = arith.addf %add3A_2219, %get3A_2221 : vector<16xf32>
        %lt3A_2223 = arith.cmpf olt, %add3A_2205, %select_n3A_2177 : vector<16xf32>
        %lt3A_2224 = arith.cmpf olt, %add3A_2222, %select_n3A_2181 : vector<16xf32>
        %select_n3A_2225 = arith.select %lt3A_2223, %add3A_2205, %select_n3A_2177 : vector<16xi1>, vector<16xf32>
        %add3A_2226 = vector.broadcast %mul3A_2188 : i32 to vector<16xi32>
        %add3A_2227 = arith.addi %add3A_2226, %iota3A : vector<16xi32>
        %select_n3A_2228 = arith.select %lt3A_2223, %add3A_2227, %select_n3A_2180 : vector<16xi1>, vector<16xi32>
        %select_n3A_2229 = arith.select %lt3A_2224, %add3A_2222, %select_n3A_2181 : vector<16xi1>, vector<16xf32>
        %add3A_2230 = vector.broadcast %mul3A_2188 : i32 to vector<16xi32>
        %add3A_2231 = arith.addi %add3A_2230, %iota3A : vector<16xi32>
        %select_n3A_2232 = arith.select %lt3A_2224, %add3A_2231, %select_n3A_2184 : vector<16xi1>, vector<16xi32>
        %scan3A_2233 = arith.constant 3 : i32
        %scan3A_2234 = arith.addi %scan3A_2086, %scan3A_2233 : i32
        %mul3A_2235 = arith.constant 16 : i32
        %mul3A_2236 = arith.muli %scan3A_2234, %mul3A_2235 : i32
        %get3A_2237 = arith.index_cast %mul3A_2236 : i32 to index
        %get3A_2238 = tpu.vector_load %arg6[%get3A_2237] {strides = array<i32>} : memref<1024xf32, #tpu.memory_space<vmem>>, vector<16xf32>,
        %sub3A_2239 = arith.subf %get3A_2238, %gather3A_2038 : vector<16xf32>
        %abs3A_2240 = math.absf %sub3A_2239 : vector<16xf32>
        %get3A_2241 = arith.index_cast %mul3A_2236 : i32 to index
        %get3A_2242 = tpu.vector_load %arg7[%get3A_2241] {strides = array<i32>} : memref<1024xf32, #tpu.memory_space<vmem>>, vector<16xf32>,
        %sub3A_2243 = arith.subf %get3A_2242, %gather3A_2042 : vector<16xf32>
        %abs3A_2244 = math.absf %sub3A_2243 : vector<16xf32>
        %add3A_2245 = arith.addf %abs3A_2240, %abs3A_2244 : vector<16xf32>
        %get3A_2246 = arith.index_cast %mul3A_2236 : i32 to index
        %get3A_2247 = tpu.vector_load %arg8[%get3A_2246] {strides = array<i32>} : memref<1024xf32, #tpu.memory_space<vmem>>, vector<16xf32>,
        %sub3A_2248 = arith.subf %get3A_2247, %gather3A_2046 : vector<16xf32>
        %abs3A_2249 = math.absf %sub3A_2248 : vector<16xf32>
        %add3A_2250 = arith.addf %add3A_2245, %abs3A_2249 : vector<16xf32>
        %get3A_2251 = arith.index_cast %mul3A_2236 : i32 to index
        %get3A_2252 = tpu.vector_load %arg9[%get3A_2251] {strides = array<i32>} : memref<1024xf32, #tpu.memory_space<vmem>>, vector<16xf32>,
        %add3A_2253 = arith.addf %add3A_2250, %get3A_2252 : vector<16xf32>
        %get3A_2254 = arith.index_cast %mul3A_2236 : i32 to index
        %get3A_2255 = tpu.vector_load %arg14[%get3A_2254] {strides = array<i32>} : memref<1024xf32, #tpu.memory_space<vmem>>, vector<16xf32>,
        %sub3A_2256 = arith.subf %get3A_2255, %gather3A_2047 : vector<16xf32>
        %abs3A_2257 = math.absf %sub3A_2256 : vector<16xf32>
        %get3A_2258 = arith.index_cast %mul3A_2236 : i32 to index
        %get3A_2259 = tpu.vector_load %arg15[%get3A_2258] {strides = array<i32>} : memref<1024xf32, #tpu.memory_space<vmem>>, vector<16xf32>,
        %sub3A_2260 = arith.subf %get3A_2259, %gather3A_2051 : vector<16xf32>
        %abs3A_2261 = math.absf %sub3A_2260 : vector<16xf32>
        %add3A_2262 = arith.addf %abs3A_2257, %abs3A_2261 : vector<16xf32>
        %get3A_2263 = arith.index_cast %mul3A_2236 : i32 to index
        %get3A_2264 = tpu.vector_load %arg16[%get3A_2263] {strides = array<i32>} : memref<1024xf32, #tpu.memory_space<vmem>>, vector<16xf32>,
        %sub3A_2265 = arith.subf %get3A_2264, %gather3A_2055 : vector<16xf32>
        %abs3A_2266 = math.absf %sub3A_2265 : vector<16xf32>
        %add3A_2267 = arith.addf %add3A_2262, %abs3A_2266 : vector<16xf32>
        %get3A_2268 = arith.index_cast %mul3A_2236 : i32 to index
        %get3A_2269 = tpu.vector_load %arg17[%get3A_2268] {strides = array<i32>} : memref<1024xf32, #tpu.memory_space<vmem>>, vector<16xf32>,
        %add3A_2270 = arith.addf %add3A_2267, %get3A_2269 : vector<16xf32>
        %lt3A_2271 = arith.cmpf olt, %add3A_2253, %select_n3A_2225 : vector<16xf32>
        %lt3A_2272 = arith.cmpf olt, %add3A_2270, %select_n3A_2229 : vector<16xf32>
        %select_n3A_2273 = arith.select %lt3A_2271, %add3A_2253, %select_n3A_2225 : vector<16xi1>, vector<16xf32>
        %add3A_2274 = vector.broadcast %mul3A_2236 : i32 to vector<16xi32>
        %add3A_2275 = arith.addi %add3A_2274, %iota3A : vector<16xi32>
        %select_n3A_2276 = arith.select %lt3A_2271, %add3A_2275, %select_n3A_2228 : vector<16xi1>, vector<16xi32>
        %select_n3A_2277 = arith.select %lt3A_2272, %add3A_2270, %select_n3A_2229 : vector<16xi1>, vector<16xf32>
        %add3A_2278 = vector.broadcast %mul3A_2236 : i32 to vector<16xi32>
        %add3A_2279 = arith.addi %add3A_2278, %iota3A : vector<16xi32>
        %select_n3A_2280 = arith.select %lt3A_2272, %add3A_2279, %select_n3A_2232 : vector<16xi1>, vector<16xi32>
        %scan3A_2281 = arith.constant 4 : i32
        %scan3A_2282 = arith.addi %scan3A_2086, %scan3A_2281 : i32
        %mul3A_2283 = arith.constant 16 : i32
        %mul3A_2284 = arith.muli %scan3A_2282, %mul3A_2283 : i32
        %get3A_2285 = arith.index_cast %mul3A_2284 : i32 to index
        %get3A_2286 = tpu.vector_load %arg6[%get3A_2285] {strides = array<i32>} : memref<1024xf32, #tpu.memory_space<vmem>>, vector<16xf32>,
        %sub3A_2287 = arith.subf %get3A_2286, %gather3A_2038 : vector<16xf32>
        %abs3A_2288 = math.absf %sub3A_2287 : vector<16xf32>
        %get3A_2289 = arith.index_cast %mul3A_2284 : i32 to index
        %get3A_2290 = tpu.vector_load %arg7[%get3A_2289] {strides = array<i32>} : memref<1024xf32, #tpu.memory_space<vmem>>, vector<16xf32>,
        %sub3A_2291 = arith.subf %get3A_2290, %gather3A_2042 : vector<16xf32>
        %abs3A_2292 = math.absf %sub3A_2291 : vector<16xf32>
        %add3A_2293 = arith.addf %abs3A_2288, %abs3A_2292 : vector<16xf32>
        %get3A_2294 = arith.index_cast %mul3A_2284 : i32 to index
        %get3A_2295 = tpu.vector_load %arg8[%get3A_2294] {strides = array<i32>} : memref<1024xf32, #tpu.memory_space<vmem>>, vector<16xf32>,
        %sub3A_2296 = arith.subf %get3A_2295, %gather3A_2046 : vector<16xf32>
        %abs3A_2297 = math.absf %sub3A_2296 : vector<16xf32>
        %add3A_2298 = arith.addf %add3A_2293, %abs3A_2297 : vector<16xf32>
        %get3A_2299 = arith.index_cast %mul3A_2284 : i32 to index
        %get3A_2300 = tpu.vector_load %arg9[%get3A_2299] {strides = array<i32>} : memref<1024xf32, #tpu.memory_space<vmem>>, vector<16xf32>,
        %add3A_2301 = arith.addf %add3A_2298, %get3A_2300 : vector<16xf32>
        %get3A_2302 = arith.index_cast %mul3A_2284 : i32 to index
        %get3A_2303 = tpu.vector_load %arg14[%get3A_2302] {strides = array<i32>} : memref<1024xf32, #tpu.memory_space<vmem>>, vector<16xf32>,
        %sub3A_2304 = arith.subf %get3A_2303, %gather3A_2047 : vector<16xf32>
        %abs3A_2305 = math.absf %sub3A_2304 : vector<16xf32>
        %get3A_2306 = arith.index_cast %mul3A_2284 : i32 to index
        %get3A_2307 = tpu.vector_load %arg15[%get3A_2306] {strides = array<i32>} : memref<1024xf32, #tpu.memory_space<vmem>>, vector<16xf32>,
        %sub3A_2308 = arith.subf %get3A_2307, %gather3A_2051 : vector<16xf32>
        %abs3A_2309 = math.absf %sub3A_2308 : vector<16xf32>
        %add3A_2310 = arith.addf %abs3A_2305, %abs3A_2309 : vector<16xf32>
        %get3A_2311 = arith.index_cast %mul3A_2284 : i32 to index
        %get3A_2312 = tpu.vector_load %arg16[%get3A_2311] {strides = array<i32>} : memref<1024xf32, #tpu.memory_space<vmem>>, vector<16xf32>,
        %sub3A_2313 = arith.subf %get3A_2312, %gather3A_2055 : vector<16xf32>
        %abs3A_2314 = math.absf %sub3A_2313 : vector<16xf32>
        %add3A_2315 = arith.addf %add3A_2310, %abs3A_2314 : vector<16xf32>
        %get3A_2316 = arith.index_cast %mul3A_2284 : i32 to index
        %get3A_2317 = tpu.vector_load %arg17[%get3A_2316] {strides = array<i32>} : memref<1024xf32, #tpu.memory_space<vmem>>, vector<16xf32>,
        %add3A_2318 = arith.addf %add3A_2315, %get3A_2317 : vector<16xf32>
        %lt3A_2319 = arith.cmpf olt, %add3A_2301, %select_n3A_2273 : vector<16xf32>
        %lt3A_2320 = arith.cmpf olt, %add3A_2318, %select_n3A_2277 : vector<16xf32>
        %select_n3A_2321 = arith.select %lt3A_2319, %add3A_2301, %select_n3A_2273 : vector<16xi1>, vector<16xf32>
        %add3A_2322 = vector.broadcast %mul3A_2284 : i32 to vector<16xi32>
        %add3A_2323 = arith.addi %add3A_2322, %iota3A : vector<16xi32>
        %select_n3A_2324 = arith.select %lt3A_2319, %add3A_2323, %select_n3A_2276 : vector<16xi1>, vector<16xi32>
        %select_n3A_2325 = arith.select %lt3A_2320, %add3A_2318, %select_n3A_2277 : vector<16xi1>, vector<16xf32>
        %add3A_2326 = vector.broadcast %mul3A_2284 : i32 to vector<16xi32>
        %add3A_2327 = arith.addi %add3A_2326, %iota3A : vector<16xi32>
        %select_n3A_2328 = arith.select %lt3A_2320, %add3A_2327, %select_n3A_2280 : vector<16xi1>, vector<16xi32>
        %scan3A_2329 = arith.constant 5 : i32
        %scan3A_2330 = arith.addi %scan3A_2086, %scan3A_2329 : i32
        %mul3A_2331 = arith.constant 16 : i32
        %mul3A_2332 = arith.muli %scan3A_2330, %mul3A_2331 : i32
        %get3A_2333 = arith.index_cast %mul3A_2332 : i32 to index
        %get3A_2334 = tpu.vector_load %arg6[%get3A_2333] {strides = array<i32>} : memref<1024xf32, #tpu.memory_space<vmem>>, vector<16xf32>,
        %sub3A_2335 = arith.subf %get3A_2334, %gather3A_2038 : vector<16xf32>
        %abs3A_2336 = math.absf %sub3A_2335 : vector<16xf32>
        %get3A_2337 = arith.index_cast %mul3A_2332 : i32 to index
        %get3A_2338 = tpu.vector_load %arg7[%get3A_2337] {strides = array<i32>} : memref<1024xf32, #tpu.memory_space<vmem>>, vector<16xf32>,
        %sub3A_2339 = arith.subf %get3A_2338, %gather3A_2042 : vector<16xf32>
        %abs3A_2340 = math.absf %sub3A_2339 : vector<16xf32>
        %add3A_2341 = arith.addf %abs3A_2336, %abs3A_2340 : vector<16xf32>
        %get3A_2342 = arith.index_cast %mul3A_2332 : i32 to index
        %get3A_2343 = tpu.vector_load %arg8[%get3A_2342] {strides = array<i32>} : memref<1024xf32, #tpu.memory_space<vmem>>, vector<16xf32>,
        %sub3A_2344 = arith.subf %get3A_2343, %gather3A_2046 : vector<16xf32>
        %abs3A_2345 = math.absf %sub3A_2344 : vector<16xf32>
        %add3A_2346 = arith.addf %add3A_2341, %abs3A_2345 : vector<16xf32>
        %get3A_2347 = arith.index_cast %mul3A_2332 : i32 to index
        %get3A_2348 = tpu.vector_load %arg9[%get3A_2347] {strides = array<i32>} : memref<1024xf32, #tpu.memory_space<vmem>>, vector<16xf32>,
        %add3A_2349 = arith.addf %add3A_2346, %get3A_2348 : vector<16xf32>
        %get3A_2350 = arith.index_cast %mul3A_2332 : i32 to index
        %get3A_2351 = tpu.vector_load %arg14[%get3A_2350] {strides = array<i32>} : memref<1024xf32, #tpu.memory_space<vmem>>, vector<16xf32>,
        %sub3A_2352 = arith.subf %get3A_2351, %gather3A_2047 : vector<16xf32>
        %abs3A_2353 = math.absf %sub3A_2352 : vector<16xf32>
        %get3A_2354 = arith.index_cast %mul3A_2332 : i32 to index
        %get3A_2355 = tpu.vector_load %arg15[%get3A_2354] {strides = array<i32>} : memref<1024xf32, #tpu.memory_space<vmem>>, vector<16xf32>,
        %sub3A_2356 = arith.subf %get3A_2355, %gather3A_2051 : vector<16xf32>
        %abs3A_2357 = math.absf %sub3A_2356 : vector<16xf32>
        %add3A_2358 = arith.addf %abs3A_2353, %abs3A_2357 : vector<16xf32>
        %get3A_2359 = arith.index_cast %mul3A_2332 : i32 to index
        %get3A_2360 = tpu.vector_load %arg16[%get3A_2359] {strides = array<i32>} : memref<1024xf32, #tpu.memory_space<vmem>>, vector<16xf32>,
        %sub3A_2361 = arith.subf %get3A_2360, %gather3A_2055 : vector<16xf32>
        %abs3A_2362 = math.absf %sub3A_2361 : vector<16xf32>
        %add3A_2363 = arith.addf %add3A_2358, %abs3A_2362 : vector<16xf32>
        %get3A_2364 = arith.index_cast %mul3A_2332 : i32 to index
        %get3A_2365 = tpu.vector_load %arg17[%get3A_2364] {strides = array<i32>} : memref<1024xf32, #tpu.memory_space<vmem>>, vector<16xf32>,
        %add3A_2366 = arith.addf %add3A_2363, %get3A_2365 : vector<16xf32>
        %lt3A_2367 = arith.cmpf olt, %add3A_2349, %select_n3A_2321 : vector<16xf32>
        %lt3A_2368 = arith.cmpf olt, %add3A_2366, %select_n3A_2325 : vector<16xf32>
        %select_n3A_2369 = arith.select %lt3A_2367, %add3A_2349, %select_n3A_2321 : vector<16xi1>, vector<16xf32>
        %add3A_2370 = vector.broadcast %mul3A_2332 : i32 to vector<16xi32>
        %add3A_2371 = arith.addi %add3A_2370, %iota3A : vector<16xi32>
        %select_n3A_2372 = arith.select %lt3A_2367, %add3A_2371, %select_n3A_2324 : vector<16xi1>, vector<16xi32>
        %select_n3A_2373 = arith.select %lt3A_2368, %add3A_2366, %select_n3A_2325 : vector<16xi1>, vector<16xf32>
        %add3A_2374 = vector.broadcast %mul3A_2332 : i32 to vector<16xi32>
        %add3A_2375 = arith.addi %add3A_2374, %iota3A : vector<16xi32>
        %select_n3A_2376 = arith.select %lt3A_2368, %add3A_2375, %select_n3A_2328 : vector<16xi1>, vector<16xi32>
        %scan3A_2377 = arith.constant 6 : i32
        %scan3A_2378 = arith.addi %scan3A_2086, %scan3A_2377 : i32
        %mul3A_2379 = arith.constant 16 : i32
        %mul3A_2380 = arith.muli %scan3A_2378, %mul3A_2379 : i32
        %get3A_2381 = arith.index_cast %mul3A_2380 : i32 to index
        %get3A_2382 = tpu.vector_load %arg6[%get3A_2381] {strides = array<i32>} : memref<1024xf32, #tpu.memory_space<vmem>>, vector<16xf32>,
        %sub3A_2383 = arith.subf %get3A_2382, %gather3A_2038 : vector<16xf32>
        %abs3A_2384 = math.absf %sub3A_2383 : vector<16xf32>
        %get3A_2385 = arith.index_cast %mul3A_2380 : i32 to index
        %get3A_2386 = tpu.vector_load %arg7[%get3A_2385] {strides = array<i32>} : memref<1024xf32, #tpu.memory_space<vmem>>, vector<16xf32>,
        %sub3A_2387 = arith.subf %get3A_2386, %gather3A_2042 : vector<16xf32>
        %abs3A_2388 = math.absf %sub3A_2387 : vector<16xf32>
        %add3A_2389 = arith.addf %abs3A_2384, %abs3A_2388 : vector<16xf32>
        %get3A_2390 = arith.index_cast %mul3A_2380 : i32 to index
        %get3A_2391 = tpu.vector_load %arg8[%get3A_2390] {strides = array<i32>} : memref<1024xf32, #tpu.memory_space<vmem>>, vector<16xf32>,
        %sub3A_2392 = arith.subf %get3A_2391, %gather3A_2046 : vector<16xf32>
        %abs3A_2393 = math.absf %sub3A_2392 : vector<16xf32>
        %add3A_2394 = arith.addf %add3A_2389, %abs3A_2393 : vector<16xf32>
        %get3A_2395 = arith.index_cast %mul3A_2380 : i32 to index
        %get3A_2396 = tpu.vector_load %arg9[%get3A_2395] {strides = array<i32>} : memref<1024xf32, #tpu.memory_space<vmem>>, vector<16xf32>,
        %add3A_2397 = arith.addf %add3A_2394, %get3A_2396 : vector<16xf32>
        %get3A_2398 = arith.index_cast %mul3A_2380 : i32 to index
        %get3A_2399 = tpu.vector_load %arg14[%get3A_2398] {strides = array<i32>} : memref<1024xf32, #tpu.memory_space<vmem>>, vector<16xf32>,
        %sub3A_2400 = arith.subf %get3A_2399, %gather3A_2047 : vector<16xf32>
        %abs3A_2401 = math.absf %sub3A_2400 : vector<16xf32>
        %get3A_2402 = arith.index_cast %mul3A_2380 : i32 to index
        %get3A_2403 = tpu.vector_load %arg15[%get3A_2402] {strides = array<i32>} : memref<1024xf32, #tpu.memory_space<vmem>>, vector<16xf32>,
        %sub3A_2404 = arith.subf %get3A_2403, %gather3A_2051 : vector<16xf32>
        %abs3A_2405 = math.absf %sub3A_2404 : vector<16xf32>
        %add3A_2406 = arith.addf %abs3A_2401, %abs3A_2405 : vector<16xf32>
        %get3A_2407 = arith.index_cast %mul3A_2380 : i32 to index
        %get3A_2408 = tpu.vector_load %arg16[%get3A_2407] {strides = array<i32>} : memref<1024xf32, #tpu.memory_space<vmem>>, vector<16xf32>,
        %sub3A_2409 = arith.subf %get3A_2408, %gather3A_2055 : vector<16xf32>
        %abs3A_2410 = math.absf %sub3A_2409 : vector<16xf32>
        %add3A_2411 = arith.addf %add3A_2406, %abs3A_2410 : vector<16xf32>
        %get3A_2412 = arith.index_cast %mul3A_2380 : i32 to index
        %get3A_2413 = tpu.vector_load %arg17[%get3A_2412] {strides = array<i32>} : memref<1024xf32, #tpu.memory_space<vmem>>, vector<16xf32>,
        %add3A_2414 = arith.addf %add3A_2411, %get3A_2413 : vector<16xf32>
        %lt3A_2415 = arith.cmpf olt, %add3A_2397, %select_n3A_2369 : vector<16xf32>
        %lt3A_2416 = arith.cmpf olt, %add3A_2414, %select_n3A_2373 : vector<16xf32>
        %select_n3A_2417 = arith.select %lt3A_2415, %add3A_2397, %select_n3A_2369 : vector<16xi1>, vector<16xf32>
        %add3A_2418 = vector.broadcast %mul3A_2380 : i32 to vector<16xi32>
        %add3A_2419 = arith.addi %add3A_2418, %iota3A : vector<16xi32>
        %select_n3A_2420 = arith.select %lt3A_2415, %add3A_2419, %select_n3A_2372 : vector<16xi1>, vector<16xi32>
        %select_n3A_2421 = arith.select %lt3A_2416, %add3A_2414, %select_n3A_2373 : vector<16xi1>, vector<16xf32>
        %add3A_2422 = vector.broadcast %mul3A_2380 : i32 to vector<16xi32>
        %add3A_2423 = arith.addi %add3A_2422, %iota3A : vector<16xi32>
        %select_n3A_2424 = arith.select %lt3A_2416, %add3A_2423, %select_n3A_2376 : vector<16xi1>, vector<16xi32>
        %scan3A_2425 = arith.constant 7 : i32
        %scan3A_2426 = arith.addi %scan3A_2086, %scan3A_2425 : i32
        %mul3A_2427 = arith.constant 16 : i32
        %mul3A_2428 = arith.muli %scan3A_2426, %mul3A_2427 : i32
        %get3A_2429 = arith.index_cast %mul3A_2428 : i32 to index
        %get3A_2430 = tpu.vector_load %arg6[%get3A_2429] {strides = array<i32>} : memref<1024xf32, #tpu.memory_space<vmem>>, vector<16xf32>,
        %sub3A_2431 = arith.subf %get3A_2430, %gather3A_2038 : vector<16xf32>
        %abs3A_2432 = math.absf %sub3A_2431 : vector<16xf32>
        %get3A_2433 = arith.index_cast %mul3A_2428 : i32 to index
        %get3A_2434 = tpu.vector_load %arg7[%get3A_2433] {strides = array<i32>} : memref<1024xf32, #tpu.memory_space<vmem>>, vector<16xf32>,
        %sub3A_2435 = arith.subf %get3A_2434, %gather3A_2042 : vector<16xf32>
        %abs3A_2436 = math.absf %sub3A_2435 : vector<16xf32>
        %add3A_2437 = arith.addf %abs3A_2432, %abs3A_2436 : vector<16xf32>
        %get3A_2438 = arith.index_cast %mul3A_2428 : i32 to index
        %get3A_2439 = tpu.vector_load %arg8[%get3A_2438] {strides = array<i32>} : memref<1024xf32, #tpu.memory_space<vmem>>, vector<16xf32>,
        %sub3A_2440 = arith.subf %get3A_2439, %gather3A_2046 : vector<16xf32>
        %abs3A_2441 = math.absf %sub3A_2440 : vector<16xf32>
        %add3A_2442 = arith.addf %add3A_2437, %abs3A_2441 : vector<16xf32>
        %get3A_2443 = arith.index_cast %mul3A_2428 : i32 to index
        %get3A_2444 = tpu.vector_load %arg9[%get3A_2443] {strides = array<i32>} : memref<1024xf32, #tpu.memory_space<vmem>>, vector<16xf32>,
        %add3A_2445 = arith.addf %add3A_2442, %get3A_2444 : vector<16xf32>
        %get3A_2446 = arith.index_cast %mul3A_2428 : i32 to index
        %get3A_2447 = tpu.vector_load %arg14[%get3A_2446] {strides = array<i32>} : memref<1024xf32, #tpu.memory_space<vmem>>, vector<16xf32>,
        %sub3A_2448 = arith.subf %get3A_2447, %gather3A_2047 : vector<16xf32>
        %abs3A_2449 = math.absf %sub3A_2448 : vector<16xf32>
        %get3A_2450 = arith.index_cast %mul3A_2428 : i32 to index
        %get3A_2451 = tpu.vector_load %arg15[%get3A_2450] {strides = array<i32>} : memref<1024xf32, #tpu.memory_space<vmem>>, vector<16xf32>,
        %sub3A_2452 = arith.subf %get3A_2451, %gather3A_2051 : vector<16xf32>
        %abs3A_2453 = math.absf %sub3A_2452 : vector<16xf32>
        %add3A_2454 = arith.addf %abs3A_2449, %abs3A_2453 : vector<16xf32>
        %get3A_2455 = arith.index_cast %mul3A_2428 : i32 to index
        %get3A_2456 = tpu.vector_load %arg16[%get3A_2455] {strides = array<i32>} : memref<1024xf32, #tpu.memory_space<vmem>>, vector<16xf32>,
        %sub3A_2457 = arith.subf %get3A_2456, %gather3A_2055 : vector<16xf32>
        %abs3A_2458 = math.absf %sub3A_2457 : vector<16xf32>
        %add3A_2459 = arith.addf %add3A_2454, %abs3A_2458 : vector<16xf32>
        %get3A_2460 = arith.index_cast %mul3A_2428 : i32 to index
        %get3A_2461 = tpu.vector_load %arg17[%get3A_2460] {strides = array<i32>} : memref<1024xf32, #tpu.memory_space<vmem>>, vector<16xf32>,
        %add3A_2462 = arith.addf %add3A_2459, %get3A_2461 : vector<16xf32>
        %lt3A_2463 = arith.cmpf olt, %add3A_2445, %select_n3A_2417 : vector<16xf32>
        %lt3A_2464 = arith.cmpf olt, %add3A_2462, %select_n3A_2421 : vector<16xf32>
        %select_n3A_2465 = arith.select %lt3A_2463, %add3A_2445, %select_n3A_2417 : vector<16xi1>, vector<16xf32>
        %add3A_2466 = vector.broadcast %mul3A_2428 : i32 to vector<16xi32>
        %add3A_2467 = arith.addi %add3A_2466, %iota3A : vector<16xi32>
        %select_n3A_2468 = arith.select %lt3A_2463, %add3A_2467, %select_n3A_2420 : vector<16xi1>, vector<16xi32>
        %select_n3A_2469 = arith.select %lt3A_2464, %add3A_2462, %select_n3A_2421 : vector<16xi1>, vector<16xf32>
        %add3A_2470 = vector.broadcast %mul3A_2428 : i32 to vector<16xi32>
        %add3A_2471 = arith.addi %add3A_2470, %iota3A : vector<16xi32>
        %select_n3A_2472 = arith.select %lt3A_2464, %add3A_2471, %select_n3A_2424 : vector<16xi1>, vector<16xi32>
        %scan3A_2473 = arith.constant 8 : i32
        %scan3A_2474 = arith.addi %scan3A_2086, %scan3A_2473 : i32
        %mul3A_2475 = arith.constant 16 : i32
        %mul3A_2476 = arith.muli %scan3A_2474, %mul3A_2475 : i32
        %get3A_2477 = arith.index_cast %mul3A_2476 : i32 to index
        %get3A_2478 = tpu.vector_load %arg6[%get3A_2477] {strides = array<i32>} : memref<1024xf32, #tpu.memory_space<vmem>>, vector<16xf32>,
        %sub3A_2479 = arith.subf %get3A_2478, %gather3A_2038 : vector<16xf32>
        %abs3A_2480 = math.absf %sub3A_2479 : vector<16xf32>
        %get3A_2481 = arith.index_cast %mul3A_2476 : i32 to index
        %get3A_2482 = tpu.vector_load %arg7[%get3A_2481] {strides = array<i32>} : memref<1024xf32, #tpu.memory_space<vmem>>, vector<16xf32>,
        %sub3A_2483 = arith.subf %get3A_2482, %gather3A_2042 : vector<16xf32>
        %abs3A_2484 = math.absf %sub3A_2483 : vector<16xf32>
        %add3A_2485 = arith.addf %abs3A_2480, %abs3A_2484 : vector<16xf32>
        %get3A_2486 = arith.index_cast %mul3A_2476 : i32 to index
        %get3A_2487 = tpu.vector_load %arg8[%get3A_2486] {strides = array<i32>} : memref<1024xf32, #tpu.memory_space<vmem>>, vector<16xf32>,
        %sub3A_2488 = arith.subf %get3A_2487, %gather3A_2046 : vector<16xf32>
        %abs3A_2489 = math.absf %sub3A_2488 : vector<16xf32>
        %add3A_2490 = arith.addf %add3A_2485, %abs3A_2489 : vector<16xf32>
        %get3A_2491 = arith.index_cast %mul3A_2476 : i32 to index
        %get3A_2492 = tpu.vector_load %arg9[%get3A_2491] {strides = array<i32>} : memref<1024xf32, #tpu.memory_space<vmem>>, vector<16xf32>,
        %add3A_2493 = arith.addf %add3A_2490, %get3A_2492 : vector<16xf32>
        %get3A_2494 = arith.index_cast %mul3A_2476 : i32 to index
        %get3A_2495 = tpu.vector_load %arg14[%get3A_2494] {strides = array<i32>} : memref<1024xf32, #tpu.memory_space<vmem>>, vector<16xf32>,
        %sub3A_2496 = arith.subf %get3A_2495, %gather3A_2047 : vector<16xf32>
        %abs3A_2497 = math.absf %sub3A_2496 : vector<16xf32>
        %get3A_2498 = arith.index_cast %mul3A_2476 : i32 to index
        %get3A_2499 = tpu.vector_load %arg15[%get3A_2498] {strides = array<i32>} : memref<1024xf32, #tpu.memory_space<vmem>>, vector<16xf32>,
        %sub3A_2500 = arith.subf %get3A_2499, %gather3A_2051 : vector<16xf32>
        %abs3A_2501 = math.absf %sub3A_2500 : vector<16xf32>
        %add3A_2502 = arith.addf %abs3A_2497, %abs3A_2501 : vector<16xf32>
        %get3A_2503 = arith.index_cast %mul3A_2476 : i32 to index
        %get3A_2504 = tpu.vector_load %arg16[%get3A_2503] {strides = array<i32>} : memref<1024xf32, #tpu.memory_space<vmem>>, vector<16xf32>,
        %sub3A_2505 = arith.subf %get3A_2504, %gather3A_2055 : vector<16xf32>
        %abs3A_2506 = math.absf %sub3A_2505 : vector<16xf32>
        %add3A_2507 = arith.addf %add3A_2502, %abs3A_2506 : vector<16xf32>
        %get3A_2508 = arith.index_cast %mul3A_2476 : i32 to index
        %get3A_2509 = tpu.vector_load %arg17[%get3A_2508] {strides = array<i32>} : memref<1024xf32, #tpu.memory_space<vmem>>, vector<16xf32>,
        %add3A_2510 = arith.addf %add3A_2507, %get3A_2509 : vector<16xf32>
        %lt3A_2511 = arith.cmpf olt, %add3A_2493, %select_n3A_2465 : vector<16xf32>
        %lt3A_2512 = arith.cmpf olt, %add3A_2510, %select_n3A_2469 : vector<16xf32>
        %select_n3A_2513 = arith.select %lt3A_2511, %add3A_2493, %select_n3A_2465 : vector<16xi1>, vector<16xf32>
        %add3A_2514 = vector.broadcast %mul3A_2476 : i32 to vector<16xi32>
        %add3A_2515 = arith.addi %add3A_2514, %iota3A : vector<16xi32>
        %select_n3A_2516 = arith.select %lt3A_2511, %add3A_2515, %select_n3A_2468 : vector<16xi1>, vector<16xi32>
        %select_n3A_2517 = arith.select %lt3A_2512, %add3A_2510, %select_n3A_2469 : vector<16xi1>, vector<16xf32>
        %add3A_2518 = vector.broadcast %mul3A_2476 : i32 to vector<16xi32>
        %add3A_2519 = arith.addi %add3A_2518, %iota3A : vector<16xi32>
        %select_n3A_2520 = arith.select %lt3A_2512, %add3A_2519, %select_n3A_2472 : vector<16xi1>, vector<16xi32>
        scf.yield %select_n3A_2513, %select_n3A_2516, %select_n3A_2517, %select_n3A_2520 : vector<16xf32>, vector<16xi32>, vector<16xf32>, vector<16xi32>
      }
      %scan3A_2065 = arith.constant 63 : i32
      %broadcast_in_dim3A_2066 = vector.broadcast %scan3A_2033 : i32 to vector<16xi32>
      %reduce_min3A = arith.constant true
      %reduce_min3A_2067 = vector.broadcast %reduce_min3A : i1 to vector<16xi1>
      %reduce_min3A_2068 = tpu.scan <min>, %scan3A_2064#0 masked %reduce_min3A_2067 : vector<16xf32>, vector<16xi1> -> vector<16xf32>
      %reduce_min3A_2069 = vector.extract %reduce_min3A_2068[15] : f32 from vector<16xf32>
      %eq3A_2070 = vector.broadcast %reduce_min3A_2069 : f32 to vector<16xf32>
      %eq3A_2071 = arith.cmpf oeq, %scan3A_2064#0, %eq3A_2070 : vector<16xf32>
      %all_reduce_ffs3A = tpu.all_reduce %eq3A_2071 {dim = 0 : i64, kind = #tpu.reduction_kind<find_first_set>} : vector<16xi1> -> vector<16xi32>
      %broadcast_in_dim3A_2072 = vector.shape_cast %all_reduce_ffs3A : vector<16xi32> to vector<16x1xi32>
      %gather3A_2073 = vector.shape_cast %broadcast_in_dim3A_2072 : vector<16x1xi32> to vector<16xi32>
      %gather3A_2074 = tpu.dynamic_gather %scan3A_2064#1[%gather3A_2073] in [0] : vector<16xi32>, vector<16xi32> -> vector<16xi32>
      tpu.vector_store_idx %arg9[%gather3A_2074], %broadcast_in_dim3A_12 masked %eq3A_2 : memref<1024xf32, #tpu.memory_space<vmem>>[vector<16xi32>], vector<16xf32>, vector<16xi1>
      tpu.vector_store_idx %arg12[%broadcast_in_dim3A_2066], %gather3A_2074 masked %eq3A_2 : memref<128xi32, #tpu.memory_space<vmem>>[vector<16xi32>], vector<16xi32>, vector<16xi1>
      %reduce_min3A_2075 = arith.constant true
      %reduce_min3A_2076 = vector.broadcast %reduce_min3A_2075 : i1 to vector<16xi1>
      %reduce_min3A_2077 = tpu.scan <min>, %scan3A_2064#2 masked %reduce_min3A_2076 : vector<16xf32>, vector<16xi1> -> vector<16xf32>
      %reduce_min3A_2078 = vector.extract %reduce_min3A_2077[15] : f32 from vector<16xf32>
      %eq3A_2079 = vector.broadcast %reduce_min3A_2078 : f32 to vector<16xf32>
      %eq3A_2080 = arith.cmpf oeq, %scan3A_2064#2, %eq3A_2079 : vector<16xf32>
      %all_reduce_ffs3A_2081 = tpu.all_reduce %eq3A_2080 {dim = 0 : i64, kind = #tpu.reduction_kind<find_first_set>} : vector<16xi1> -> vector<16xi32>
      %broadcast_in_dim3A_2082 = vector.shape_cast %all_reduce_ffs3A_2081 : vector<16xi32> to vector<16x1xi32>
      %gather3A_2083 = vector.shape_cast %broadcast_in_dim3A_2082 : vector<16x1xi32> to vector<16xi32>
      %gather3A_2084 = tpu.dynamic_gather %scan3A_2064#3[%gather3A_2083] in [0] : vector<16xi32>, vector<16xi32> -> vector<16xi32>
      tpu.vector_store_idx %arg17[%gather3A_2084], %broadcast_in_dim3A_12 masked %eq3A_2 : memref<1024xf32, #tpu.memory_space<vmem>>[vector<16xi32>], vector<16xf32>, vector<16xi1>
      tpu.vector_store_idx %arg20[%broadcast_in_dim3A_2066], %gather3A_2084 masked %eq3A_2 : memref<128xi32, #tpu.memory_space<vmem>>[vector<16xi32>], vector<16xi32>, vector<16xi1>
      %scan3A_2085 = arith.constant 0 : i32
      scf.yield %scan3A_2085 : i32
    }
    %scan3A_115 = arith.constant 100 : i32
    %mul3A_116 = arith.constant 2 : i32
    %mul3A_117 = arith.muli %add3A, %mul3A_116 : i32
    %add3A_118 = arith.constant 0 : i32
    %add3A_119 = arith.addi %mul3A_117, %add3A_118 : i32
    %broadcast_in_dim3A_120 = arith.constant 0.000000e+00 : f32
    %broadcast_in_dim3A_121 = vector.broadcast %broadcast_in_dim3A_120 : f32 to vector<16xf32>
    %broadcast_in_dim3A_122 = arith.constant 0.000000e+00 : f32
    %broadcast_in_dim3A_123 = vector.broadcast %broadcast_in_dim3A_122 : f32 to vector<16xf32>
    %broadcast_in_dim3A_124 = arith.constant 0.000000e+00 : f32
    %broadcast_in_dim3A_125 = vector.broadcast %broadcast_in_dim3A_124 : f32 to vector<16xf32>
    %get3A = arith.constant 0 : index
    %get3A_126 = tpu.vector_load %arg12[%get3A] {strides = array<i32>} : memref<128xi32, #tpu.memory_space<vmem>>, vector<16xi32>,
    %gather3A = tpu.vector_load_idx %arg6[%get3A_126] : memref<1024xf32, #tpu.memory_space<vmem>>[vector<16xi32>], vector<16xf32>,
    %gather3A_127 = tpu.vector_load_idx %arg7[%get3A_126] : memref<1024xf32, #tpu.memory_space<vmem>>[vector<16xi32>], vector<16xf32>,
    %gather3A_128 = tpu.vector_load_idx %arg8[%get3A_126] : memref<1024xf32, #tpu.memory_space<vmem>>[vector<16xi32>], vector<16xf32>,
    %gather3A_129 = tpu.vector_load_idx %arg10[%get3A_126] : memref<1024xf32, #tpu.memory_space<vmem>>[vector<16xi32>], vector<16xf32>,
    %add3A_130 = arith.constant 0 : i32
    %add3A_131 = vector.broadcast %add3A_130 : i32 to vector<16xi32>
    %add3A_132 = arith.addi %add3A_131, %mul3A_5 : vector<16xi32>
    %gather3A_133 = tpu.vector_load_idx %arg11[%add3A_132] : memref<512xf32, #tpu.memory_space<vmem>>[vector<16xi32>], vector<16xf32>,
    %add3A_134 = arith.constant 0 : i32
    %add3A_135 = vector.broadcast %add3A_134 : i32 to vector<16xi32>
    %add3A_136 = arith.addi %add3A_135, %add3A_8 : vector<16xi32>
    %gather3A_137 = tpu.vector_load_idx %arg11[%add3A_136] : memref<512xf32, #tpu.memory_space<vmem>>[vector<16xi32>], vector<16xf32>,
    %add3A_138 = arith.constant 0 : i32
    %add3A_139 = vector.broadcast %add3A_138 : i32 to vector<16xi32>
    %add3A_140 = arith.addi %add3A_139, %add3A_11 : vector<16xi32>
    %gather3A_141 = tpu.vector_load_idx %arg11[%add3A_140] : memref<512xf32, #tpu.memory_space<vmem>>[vector<16xi32>], vector<16xf32>,
    %mul3A_142 = arith.mulf %gather3A, %gather3A : vector<16xf32>
    %mul3A_143 = arith.mulf %gather3A_127, %gather3A_127 : vector<16xf32>
    %add3A_144 = arith.addf %mul3A_142, %mul3A_143 : vector<16xf32>
    %max3A = arith.constant 1.000000e-24 : f32
    %max3A_145 = vector.broadcast %max3A : f32 to vector<16xf32>
    %max3A_146 = arith.maximumf %add3A_144, %max3A_145 : vector<16xf32>
    %mul3A_147 = arith.mulf %gather3A_133, %gather3A_133 : vector<16xf32>
    %mul3A_148 = arith.mulf %gather3A_137, %gather3A_137 : vector<16xf32>
    %add3A_149 = arith.addf %mul3A_147, %mul3A_148 : vector<16xf32>
    %max3A_150 = arith.constant 1.000000e-24 : f32
    %max3A_151 = vector.broadcast %max3A_150 : f32 to vector<16xf32>
    %max3A_152 = arith.maximumf %add3A_149, %max3A_151 : vector<16xf32>
    %bitcast_convert_type3A = tpu.bitcast %max3A_146 : vector<16xf32> -> vector<16xi32>
    %shift_right_arithmetic3A = arith.constant 1 : i32
    %shift_right_arithmetic3A_153 = vector.broadcast %shift_right_arithmetic3A : i32 to vector<16xi32>
    %shift_right_arithmetic3A_154 = arith.shrsi %bitcast_convert_type3A, %shift_right_arithmetic3A_153 : vector<16xi32>
    %sub3A = arith.constant 1597463007 : i32
    %sub3A_155 = vector.broadcast %sub3A : i32 to vector<16xi32>
    %sub3A_156 = arith.subi %sub3A_155, %shift_right_arithmetic3A_154 : vector<16xi32>
    %bitcast_convert_type3A_157 = tpu.bitcast %sub3A_156 : vector<16xi32> -> vector<16xf32>
    %mul3A_158 = arith.constant 5.000000e-01 : f32
    %mul3A_159 = vector.broadcast %mul3A_158 : f32 to vector<16xf32>
    %mul3A_160 = arith.mulf %mul3A_159, %max3A_146 : vector<16xf32>
    %mul3A_161 = arith.mulf %mul3A_160, %bitcast_convert_type3A_157 : vector<16xf32>
    %mul3A_162 = arith.mulf %mul3A_161, %bitcast_convert_type3A_157 : vector<16xf32>
    %sub3A_163 = arith.constant 1.500000e+00 : f32
    %sub3A_164 = vector.broadcast %sub3A_163 : f32 to vector<16xf32>
    %sub3A_165 = arith.subf %sub3A_164, %mul3A_162 : vector<16xf32>
    %mul3A_166 = arith.mulf %bitcast_convert_type3A_157, %sub3A_165 : vector<16xf32>
    %mul3A_167 = arith.constant 5.000000e-01 : f32
    %mul3A_168 = vector.broadcast %mul3A_167 : f32 to vector<16xf32>
    %mul3A_169 = arith.mulf %mul3A_168, %max3A_146 : vector<16xf32>
    %mul3A_170 = arith.mulf %mul3A_169, %mul3A_166 : vector<16xf32>
    %mul3A_171 = arith.mulf %mul3A_170, %mul3A_166 : vector<16xf32>
    %sub3A_172 = arith.constant 1.500000e+00 : f32
    %sub3A_173 = vector.broadcast %sub3A_172 : f32 to vector<16xf32>
    %sub3A_174 = arith.subf %sub3A_173, %mul3A_171 : vector<16xf32>
    %mul3A_175 = arith.mulf %mul3A_166, %sub3A_174 : vector<16xf32>
    %mul3A_176 = arith.constant 5.000000e-01 : f32
    %mul3A_177 = vector.broadcast %mul3A_176 : f32 to vector<16xf32>
    %mul3A_178 = arith.mulf %mul3A_177, %max3A_146 : vector<16xf32>
    %mul3A_179 = arith.mulf %mul3A_178, %mul3A_175 : vector<16xf32>
    %mul3A_180 = arith.mulf %mul3A_179, %mul3A_175 : vector<16xf32>
    %sub3A_181 = arith.constant 1.500000e+00 : f32
    %sub3A_182 = vector.broadcast %sub3A_181 : f32 to vector<16xf32>
    %sub3A_183 = arith.subf %sub3A_182, %mul3A_180 : vector<16xf32>
    %mul3A_184 = arith.mulf %mul3A_175, %sub3A_183 : vector<16xf32>
    %bitcast_convert_type3A_185 = tpu.bitcast %max3A_152 : vector<16xf32> -> vector<16xi32>
    %shift_right_arithmetic3A_186 = arith.constant 1 : i32
    %shift_right_arithmetic3A_187 = vector.broadcast %shift_right_arithmetic3A_186 : i32 to vector<16xi32>
    %shift_right_arithmetic3A_188 = arith.shrsi %bitcast_convert_type3A_185, %shift_right_arithmetic3A_187 : vector<16xi32>
    %sub3A_189 = arith.constant 1597463007 : i32
    %sub3A_190 = vector.broadcast %sub3A_189 : i32 to vector<16xi32>
    %sub3A_191 = arith.subi %sub3A_190, %shift_right_arithmetic3A_188 : vector<16xi32>
    %bitcast_convert_type3A_192 = tpu.bitcast %sub3A_191 : vector<16xi32> -> vector<16xf32>
    %mul3A_193 = arith.constant 5.000000e-01 : f32
    %mul3A_194 = vector.broadcast %mul3A_193 : f32 to vector<16xf32>
    %mul3A_195 = arith.mulf %mul3A_194, %max3A_152 : vector<16xf32>
    %mul3A_196 = arith.mulf %mul3A_195, %bitcast_convert_type3A_192 : vector<16xf32>
    %mul3A_197 = arith.mulf %mul3A_196, %bitcast_convert_type3A_192 : vector<16xf32>
    %sub3A_198 = arith.constant 1.500000e+00 : f32
    %sub3A_199 = vector.broadcast %sub3A_198 : f32 to vector<16xf32>
    %sub3A_200 = arith.subf %sub3A_199, %mul3A_197 : vector<16xf32>
    %mul3A_201 = arith.mulf %bitcast_convert_type3A_192, %sub3A_200 : vector<16xf32>
    %mul3A_202 = arith.constant 5.000000e-01 : f32
    %mul3A_203 = vector.broadcast %mul3A_202 : f32 to vector<16xf32>
    %mul3A_204 = arith.mulf %mul3A_203, %max3A_152 : vector<16xf32>
    %mul3A_205 = arith.mulf %mul3A_204, %mul3A_201 : vector<16xf32>
    %mul3A_206 = arith.mulf %mul3A_205, %mul3A_201 : vector<16xf32>
    %sub3A_207 = arith.constant 1.500000e+00 : f32
    %sub3A_208 = vector.broadcast %sub3A_207 : f32 to vector<16xf32>
    %sub3A_209 = arith.subf %sub3A_208, %mul3A_206 : vector<16xf32>
    %mul3A_210 = arith.mulf %mul3A_201, %sub3A_209 : vector<16xf32>
    %mul3A_211 = arith.constant 5.000000e-01 : f32
    %mul3A_212 = vector.broadcast %mul3A_211 : f32 to vector<16xf32>
    %mul3A_213 = arith.mulf %mul3A_212, %max3A_152 : vector<16xf32>
    %mul3A_214 = arith.mulf %mul3A_213, %mul3A_210 : vector<16xf32>
    %mul3A_215 = arith.mulf %mul3A_214, %mul3A_210 : vector<16xf32>
    %sub3A_216 = arith.constant 1.500000e+00 : f32
    %sub3A_217 = vector.broadcast %sub3A_216 : f32 to vector<16xf32>
    %sub3A_218 = arith.subf %sub3A_217, %mul3A_215 : vector<16xf32>
    %mul3A_219 = arith.mulf %mul3A_210, %sub3A_218 : vector<16xf32>
    %mul3A_220 = arith.mulf %gather3A, %gather3A_133 : vector<16xf32>
    %mul3A_221 = arith.mulf %gather3A_127, %gather3A_137 : vector<16xf32>
    %add3A_222 = arith.addf %mul3A_220, %mul3A_221 : vector<16xf32>
    %mul3A_223 = arith.mulf %mul3A_184, %mul3A_219 : vector<16xf32>
    %mul3A_224 = arith.mulf %add3A_222, %mul3A_223 : vector<16xf32>
    %sub3A_225 = arith.constant 1.000000e+00 : f32
    %sub3A_226 = vector.broadcast %sub3A_225 : f32 to vector<16xf32>
    %sub3A_227 = arith.subf %sub3A_226, %mul3A_224 : vector<16xf32>
    %abs3A = math.absf %sub3A_227 : vector<16xf32>
    %mul3A_228 = arith.mulf %gather3A_128, %mul3A_184 : vector<16xf32>
    %mul3A_229 = arith.mulf %gather3A_141, %mul3A_219 : vector<16xf32>
    %sub3A_230 = arith.subf %mul3A_228, %mul3A_229 : vector<16xf32>
    %abs3A_231 = math.absf %sub3A_230 : vector<16xf32>
    %add3A_232 = arith.constant 0 : i32
    %add3A_233 = vector.broadcast %add3A_232 : i32 to vector<16xi32>
    %add3A_234 = arith.addi %add3A_233, %iota3A : vector<16xi32>
    %lt3A = arith.constant 100 : i32
    %lt3A_235 = vector.broadcast %lt3A : i32 to vector<16xi32>
    %lt3A_236 = arith.cmpi slt, %add3A_234, %lt3A_235 : vector<16xi32>
    %jit3A = arith.constant 0.000000e+00 : f32
    %broadcast_in_dim3A_237 = vector.broadcast %jit3A : f32 to vector<16xf32>
    %select_n3A = arith.select %lt3A_236, %abs3A, %broadcast_in_dim3A_237 : vector<16xi1>, vector<16xf32>
    %add3A_238 = arith.addf %broadcast_in_dim3A_121, %select_n3A : vector<16xf32>
    %jit3A_239 = arith.constant 0.000000e+00 : f32
    %broadcast_in_dim3A_240 = vector.broadcast %jit3A_239 : f32 to vector<16xf32>
    %select_n3A_241 = arith.select %lt3A_236, %abs3A_231, %broadcast_in_dim3A_240 : vector<16xi1>, vector<16xf32>
    %add3A_242 = arith.addf %broadcast_in_dim3A_123, %select_n3A_241 : vector<16xf32>
    %jit3A_243 = arith.constant 0.000000e+00 : f32
    %broadcast_in_dim3A_244 = vector.broadcast %jit3A_243 : f32 to vector<16xf32>
    %select_n3A_245 = arith.select %lt3A_236, %gather3A_129, %broadcast_in_dim3A_244 : vector<16xi1>, vector<16xf32>
    %add3A_246 = arith.addf %broadcast_in_dim3A_125, %select_n3A_245 : vector<16xf32>
    %get3A_247 = arith.constant 16 : index
    %get3A_248 = tpu.vector_load %arg12[%get3A_247] {strides = array<i32>} : memref<128xi32, #tpu.memory_space<vmem>>, vector<16xi32>,
    %gather3A_249 = tpu.vector_load_idx %arg6[%get3A_248] : memref<1024xf32, #tpu.memory_space<vmem>>[vector<16xi32>], vector<16xf32>,
    %gather3A_250 = tpu.vector_load_idx %arg7[%get3A_248] : memref<1024xf32, #tpu.memory_space<vmem>>[vector<16xi32>], vector<16xf32>,
    %gather3A_251 = tpu.vector_load_idx %arg8[%get3A_248] : memref<1024xf32, #tpu.memory_space<vmem>>[vector<16xi32>], vector<16xf32>,
    %gather3A_252 = tpu.vector_load_idx %arg10[%get3A_248] : memref<1024xf32, #tpu.memory_space<vmem>>[vector<16xi32>], vector<16xf32>,
    %add3A_253 = arith.constant 64 : i32
    %add3A_254 = vector.broadcast %add3A_253 : i32 to vector<16xi32>
    %add3A_255 = arith.addi %add3A_254, %mul3A_5 : vector<16xi32>
    %gather3A_256 = tpu.vector_load_idx %arg11[%add3A_255] : memref<512xf32, #tpu.memory_space<vmem>>[vector<16xi32>], vector<16xf32>,
    %add3A_257 = arith.constant 64 : i32
    %add3A_258 = vector.broadcast %add3A_257 : i32 to vector<16xi32>
    %add3A_259 = arith.addi %add3A_258, %add3A_8 : vector<16xi32>
    %gather3A_260 = tpu.vector_load_idx %arg11[%add3A_259] : memref<512xf32, #tpu.memory_space<vmem>>[vector<16xi32>], vector<16xf32>,
    %add3A_261 = arith.constant 64 : i32
    %add3A_262 = vector.broadcast %add3A_261 : i32 to vector<16xi32>
    %add3A_263 = arith.addi %add3A_262, %add3A_11 : vector<16xi32>
    %gather3A_264 = tpu.vector_load_idx %arg11[%add3A_263] : memref<512xf32, #tpu.memory_space<vmem>>[vector<16xi32>], vector<16xf32>,
    %mul3A_265 = arith.mulf %gather3A_249, %gather3A_249 : vector<16xf32>
    %mul3A_266 = arith.mulf %gather3A_250, %gather3A_250 : vector<16xf32>
    %add3A_267 = arith.addf %mul3A_265, %mul3A_266 : vector<16xf32>
    %max3A_268 = arith.constant 1.000000e-24 : f32
    %max3A_269 = vector.broadcast %max3A_268 : f32 to vector<16xf32>
    %max3A_270 = arith.maximumf %add3A_267, %max3A_269 : vector<16xf32>
    %mul3A_271 = arith.mulf %gather3A_256, %gather3A_256 : vector<16xf32>
    %mul3A_272 = arith.mulf %gather3A_260, %gather3A_260 : vector<16xf32>
    %add3A_273 = arith.addf %mul3A_271, %mul3A_272 : vector<16xf32>
    %max3A_274 = arith.constant 1.000000e-24 : f32
    %max3A_275 = vector.broadcast %max3A_274 : f32 to vector<16xf32>
    %max3A_276 = arith.maximumf %add3A_273, %max3A_275 : vector<16xf32>
    %bitcast_convert_type3A_277 = tpu.bitcast %max3A_270 : vector<16xf32> -> vector<16xi32>
    %shift_right_arithmetic3A_278 = arith.constant 1 : i32
    %shift_right_arithmetic3A_279 = vector.broadcast %shift_right_arithmetic3A_278 : i32 to vector<16xi32>
    %shift_right_arithmetic3A_280 = arith.shrsi %bitcast_convert_type3A_277, %shift_right_arithmetic3A_279 : vector<16xi32>
    %sub3A_281 = arith.constant 1597463007 : i32
    %sub3A_282 = vector.broadcast %sub3A_281 : i32 to vector<16xi32>
    %sub3A_283 = arith.subi %sub3A_282, %shift_right_arithmetic3A_280 : vector<16xi32>
    %bitcast_convert_type3A_284 = tpu.bitcast %sub3A_283 : vector<16xi32> -> vector<16xf32>
    %mul3A_285 = arith.constant 5.000000e-01 : f32
    %mul3A_286 = vector.broadcast %mul3A_285 : f32 to vector<16xf32>
    %mul3A_287 = arith.mulf %mul3A_286, %max3A_270 : vector<16xf32>
    %mul3A_288 = arith.mulf %mul3A_287, %bitcast_convert_type3A_284 : vector<16xf32>
    %mul3A_289 = arith.mulf %mul3A_288, %bitcast_convert_type3A_284 : vector<16xf32>
    %sub3A_290 = arith.constant 1.500000e+00 : f32
    %sub3A_291 = vector.broadcast %sub3A_290 : f32 to vector<16xf32>
    %sub3A_292 = arith.subf %sub3A_291, %mul3A_289 : vector<16xf32>
    %mul3A_293 = arith.mulf %bitcast_convert_type3A_284, %sub3A_292 : vector<16xf32>
    %mul3A_294 = arith.constant 5.000000e-01 : f32
    %mul3A_295 = vector.broadcast %mul3A_294 : f32 to vector<16xf32>
    %mul3A_296 = arith.mulf %mul3A_295, %max3A_270 : vector<16xf32>
    %mul3A_297 = arith.mulf %mul3A_296, %mul3A_293 : vector<16xf32>
    %mul3A_298 = arith.mulf %mul3A_297, %mul3A_293 : vector<16xf32>
    %sub3A_299 = arith.constant 1.500000e+00 : f32
    %sub3A_300 = vector.broadcast %sub3A_299 : f32 to vector<16xf32>
    %sub3A_301 = arith.subf %sub3A_300, %mul3A_298 : vector<16xf32>
    %mul3A_302 = arith.mulf %mul3A_293, %sub3A_301 : vector<16xf32>
    %mul3A_303 = arith.constant 5.000000e-01 : f32
    %mul3A_304 = vector.broadcast %mul3A_303 : f32 to vector<16xf32>
    %mul3A_305 = arith.mulf %mul3A_304, %max3A_270 : vector<16xf32>
    %mul3A_306 = arith.mulf %mul3A_305, %mul3A_302 : vector<16xf32>
    %mul3A_307 = arith.mulf %mul3A_306, %mul3A_302 : vector<16xf32>
    %sub3A_308 = arith.constant 1.500000e+00 : f32
    %sub3A_309 = vector.broadcast %sub3A_308 : f32 to vector<16xf32>
    %sub3A_310 = arith.subf %sub3A_309, %mul3A_307 : vector<16xf32>
    %mul3A_311 = arith.mulf %mul3A_302, %sub3A_310 : vector<16xf32>
    %bitcast_convert_type3A_312 = tpu.bitcast %max3A_276 : vector<16xf32> -> vector<16xi32>
    %shift_right_arithmetic3A_313 = arith.constant 1 : i32
    %shift_right_arithmetic3A_314 = vector.broadcast %shift_right_arithmetic3A_313 : i32 to vector<16xi32>
    %shift_right_arithmetic3A_315 = arith.shrsi %bitcast_convert_type3A_312, %shift_right_arithmetic3A_314 : vector<16xi32>
    %sub3A_316 = arith.constant 1597463007 : i32
    %sub3A_317 = vector.broadcast %sub3A_316 : i32 to vector<16xi32>
    %sub3A_318 = arith.subi %sub3A_317, %shift_right_arithmetic3A_315 : vector<16xi32>
    %bitcast_convert_type3A_319 = tpu.bitcast %sub3A_318 : vector<16xi32> -> vector<16xf32>
    %mul3A_320 = arith.constant 5.000000e-01 : f32
    %mul3A_321 = vector.broadcast %mul3A_320 : f32 to vector<16xf32>
    %mul3A_322 = arith.mulf %mul3A_321, %max3A_276 : vector<16xf32>
    %mul3A_323 = arith.mulf %mul3A_322, %bitcast_convert_type3A_319 : vector<16xf32>
    %mul3A_324 = arith.mulf %mul3A_323, %bitcast_convert_type3A_319 : vector<16xf32>
    %sub3A_325 = arith.constant 1.500000e+00 : f32
    %sub3A_326 = vector.broadcast %sub3A_325 : f32 to vector<16xf32>
    %sub3A_327 = arith.subf %sub3A_326, %mul3A_324 : vector<16xf32>
    %mul3A_328 = arith.mulf %bitcast_convert_type3A_319, %sub3A_327 : vector<16xf32>
    %mul3A_329 = arith.constant 5.000000e-01 : f32
    %mul3A_330 = vector.broadcast %mul3A_329 : f32 to vector<16xf32>
    %mul3A_331 = arith.mulf %mul3A_330, %max3A_276 : vector<16xf32>
    %mul3A_332 = arith.mulf %mul3A_331, %mul3A_328 : vector<16xf32>
    %mul3A_333 = arith.mulf %mul3A_332, %mul3A_328 : vector<16xf32>
    %sub3A_334 = arith.constant 1.500000e+00 : f32
    %sub3A_335 = vector.broadcast %sub3A_334 : f32 to vector<16xf32>
    %sub3A_336 = arith.subf %sub3A_335, %mul3A_333 : vector<16xf32>
    %mul3A_337 = arith.mulf %mul3A_328, %sub3A_336 : vector<16xf32>
    %mul3A_338 = arith.constant 5.000000e-01 : f32
    %mul3A_339 = vector.broadcast %mul3A_338 : f32 to vector<16xf32>
    %mul3A_340 = arith.mulf %mul3A_339, %max3A_276 : vector<16xf32>
    %mul3A_341 = arith.mulf %mul3A_340, %mul3A_337 : vector<16xf32>
    %mul3A_342 = arith.mulf %mul3A_341, %mul3A_337 : vector<16xf32>
    %sub3A_343 = arith.constant 1.500000e+00 : f32
    %sub3A_344 = vector.broadcast %sub3A_343 : f32 to vector<16xf32>
    %sub3A_345 = arith.subf %sub3A_344, %mul3A_342 : vector<16xf32>
    %mul3A_346 = arith.mulf %mul3A_337, %sub3A_345 : vector<16xf32>
    %mul3A_347 = arith.mulf %gather3A_249, %gather3A_256 : vector<16xf32>
    %mul3A_348 = arith.mulf %gather3A_250, %gather3A_260 : vector<16xf32>
    %add3A_349 = arith.addf %mul3A_347, %mul3A_348 : vector<16xf32>
    %mul3A_350 = arith.mulf %mul3A_311, %mul3A_346 : vector<16xf32>
    %mul3A_351 = arith.mulf %add3A_349, %mul3A_350 : vector<16xf32>
    %sub3A_352 = arith.constant 1.000000e+00 : f32
    %sub3A_353 = vector.broadcast %sub3A_352 : f32 to vector<16xf32>
    %sub3A_354 = arith.subf %sub3A_353, %mul3A_351 : vector<16xf32>
    %abs3A_355 = math.absf %sub3A_354 : vector<16xf32>
    %mul3A_356 = arith.mulf %gather3A_251, %mul3A_311 : vector<16xf32>
    %mul3A_357 = arith.mulf %gather3A_264, %mul3A_346 : vector<16xf32>
    %sub3A_358 = arith.subf %mul3A_356, %mul3A_357 : vector<16xf32>
    %abs3A_359 = math.absf %sub3A_358 : vector<16xf32>
    %add3A_360 = arith.constant 16 : i32
    %add3A_361 = vector.broadcast %add3A_360 : i32 to vector<16xi32>
    %add3A_362 = arith.addi %add3A_361, %iota3A : vector<16xi32>
    %lt3A_363 = arith.constant 100 : i32
    %lt3A_364 = vector.broadcast %lt3A_363 : i32 to vector<16xi32>
    %lt3A_365 = arith.cmpi slt, %add3A_362, %lt3A_364 : vector<16xi32>
    %jit3A_366 = arith.constant 0.000000e+00 : f32
    %broadcast_in_dim3A_367 = vector.broadcast %jit3A_366 : f32 to vector<16xf32>
    %select_n3A_368 = arith.select %lt3A_365, %abs3A_355, %broadcast_in_dim3A_367 : vector<16xi1>, vector<16xf32>
    %add3A_369 = arith.addf %add3A_238, %select_n3A_368 : vector<16xf32>
    %jit3A_370 = arith.constant 0.000000e+00 : f32
    %broadcast_in_dim3A_371 = vector.broadcast %jit3A_370 : f32 to vector<16xf32>
    %select_n3A_372 = arith.select %lt3A_365, %abs3A_359, %broadcast_in_dim3A_371 : vector<16xi1>, vector<16xf32>
    %add3A_373 = arith.addf %add3A_242, %select_n3A_372 : vector<16xf32>
    %jit3A_374 = arith.constant 0.000000e+00 : f32
    %broadcast_in_dim3A_375 = vector.broadcast %jit3A_374 : f32 to vector<16xf32>
    %select_n3A_376 = arith.select %lt3A_365, %gather3A_252, %broadcast_in_dim3A_375 : vector<16xi1>, vector<16xf32>
    %add3A_377 = arith.addf %add3A_246, %select_n3A_376 : vector<16xf32>
    %get3A_378 = arith.constant 32 : index
    %get3A_379 = tpu.vector_load %arg12[%get3A_378] {strides = array<i32>} : memref<128xi32, #tpu.memory_space<vmem>>, vector<16xi32>,
    %gather3A_380 = tpu.vector_load_idx %arg6[%get3A_379] : memref<1024xf32, #tpu.memory_space<vmem>>[vector<16xi32>], vector<16xf32>,
    %gather3A_381 = tpu.vector_load_idx %arg7[%get3A_379] : memref<1024xf32, #tpu.memory_space<vmem>>[vector<16xi32>], vector<16xf32>,
    %gather3A_382 = tpu.vector_load_idx %arg8[%get3A_379] : memref<1024xf32, #tpu.memory_space<vmem>>[vector<16xi32>], vector<16xf32>,
    %gather3A_383 = tpu.vector_load_idx %arg10[%get3A_379] : memref<1024xf32, #tpu.memory_space<vmem>>[vector<16xi32>], vector<16xf32>,
    %add3A_384 = arith.constant 128 : i32
    %add3A_385 = vector.broadcast %add3A_384 : i32 to vector<16xi32>
    %add3A_386 = arith.addi %add3A_385, %mul3A_5 : vector<16xi32>
    %gather3A_387 = tpu.vector_load_idx %arg11[%add3A_386] : memref<512xf32, #tpu.memory_space<vmem>>[vector<16xi32>], vector<16xf32>,
    %add3A_388 = arith.constant 128 : i32
    %add3A_389 = vector.broadcast %add3A_388 : i32 to vector<16xi32>
    %add3A_390 = arith.addi %add3A_389, %add3A_8 : vector<16xi32>
    %gather3A_391 = tpu.vector_load_idx %arg11[%add3A_390] : memref<512xf32, #tpu.memory_space<vmem>>[vector<16xi32>], vector<16xf32>,
    %add3A_392 = arith.constant 128 : i32
    %add3A_393 = vector.broadcast %add3A_392 : i32 to vector<16xi32>
    %add3A_394 = arith.addi %add3A_393, %add3A_11 : vector<16xi32>
    %gather3A_395 = tpu.vector_load_idx %arg11[%add3A_394] : memref<512xf32, #tpu.memory_space<vmem>>[vector<16xi32>], vector<16xf32>,
    %mul3A_396 = arith.mulf %gather3A_380, %gather3A_380 : vector<16xf32>
    %mul3A_397 = arith.mulf %gather3A_381, %gather3A_381 : vector<16xf32>
    %add3A_398 = arith.addf %mul3A_396, %mul3A_397 : vector<16xf32>
    %max3A_399 = arith.constant 1.000000e-24 : f32
    %max3A_400 = vector.broadcast %max3A_399 : f32 to vector<16xf32>
    %max3A_401 = arith.maximumf %add3A_398, %max3A_400 : vector<16xf32>
    %mul3A_402 = arith.mulf %gather3A_387, %gather3A_387 : vector<16xf32>
    %mul3A_403 = arith.mulf %gather3A_391, %gather3A_391 : vector<16xf32>
    %add3A_404 = arith.addf %mul3A_402, %mul3A_403 : vector<16xf32>
    %max3A_405 = arith.constant 1.000000e-24 : f32
    %max3A_406 = vector.broadcast %max3A_405 : f32 to vector<16xf32>
    %max3A_407 = arith.maximumf %add3A_404, %max3A_406 : vector<16xf32>
    %bitcast_convert_type3A_408 = tpu.bitcast %max3A_401 : vector<16xf32> -> vector<16xi32>
    %shift_right_arithmetic3A_409 = arith.constant 1 : i32
    %shift_right_arithmetic3A_410 = vector.broadcast %shift_right_arithmetic3A_409 : i32 to vector<16xi32>
    %shift_right_arithmetic3A_411 = arith.shrsi %bitcast_convert_type3A_408, %shift_right_arithmetic3A_410 : vector<16xi32>
    %sub3A_412 = arith.constant 1597463007 : i32
    %sub3A_413 = vector.broadcast %sub3A_412 : i32 to vector<16xi32>
    %sub3A_414 = arith.subi %sub3A_413, %shift_right_arithmetic3A_411 : vector<16xi32>
    %bitcast_convert_type3A_415 = tpu.bitcast %sub3A_414 : vector<16xi32> -> vector<16xf32>
    %mul3A_416 = arith.constant 5.000000e-01 : f32
    %mul3A_417 = vector.broadcast %mul3A_416 : f32 to vector<16xf32>
    %mul3A_418 = arith.mulf %mul3A_417, %max3A_401 : vector<16xf32>
    %mul3A_419 = arith.mulf %mul3A_418, %bitcast_convert_type3A_415 : vector<16xf32>
    %mul3A_420 = arith.mulf %mul3A_419, %bitcast_convert_type3A_415 : vector<16xf32>
    %sub3A_421 = arith.constant 1.500000e+00 : f32
    %sub3A_422 = vector.broadcast %sub3A_421 : f32 to vector<16xf32>
    %sub3A_423 = arith.subf %sub3A_422, %mul3A_420 : vector<16xf32>
    %mul3A_424 = arith.mulf %bitcast_convert_type3A_415, %sub3A_423 : vector<16xf32>
    %mul3A_425 = arith.constant 5.000000e-01 : f32
    %mul3A_426 = vector.broadcast %mul3A_425 : f32 to vector<16xf32>
    %mul3A_427 = arith.mulf %mul3A_426, %max3A_401 : vector<16xf32>
    %mul3A_428 = arith.mulf %mul3A_427, %mul3A_424 : vector<16xf32>
    %mul3A_429 = arith.mulf %mul3A_428, %mul3A_424 : vector<16xf32>
    %sub3A_430 = arith.constant 1.500000e+00 : f32
    %sub3A_431 = vector.broadcast %sub3A_430 : f32 to vector<16xf32>
    %sub3A_432 = arith.subf %sub3A_431, %mul3A_429 : vector<16xf32>
    %mul3A_433 = arith.mulf %mul3A_424, %sub3A_432 : vector<16xf32>
    %mul3A_434 = arith.constant 5.000000e-01 : f32
    %mul3A_435 = vector.broadcast %mul3A_434 : f32 to vector<16xf32>
    %mul3A_436 = arith.mulf %mul3A_435, %max3A_401 : vector<16xf32>
    %mul3A_437 = arith.mulf %mul3A_436, %mul3A_433 : vector<16xf32>
    %mul3A_438 = arith.mulf %mul3A_437, %mul3A_433 : vector<16xf32>
    %sub3A_439 = arith.constant 1.500000e+00 : f32
    %sub3A_440 = vector.broadcast %sub3A_439 : f32 to vector<16xf32>
    %sub3A_441 = arith.subf %sub3A_440, %mul3A_438 : vector<16xf32>
    %mul3A_442 = arith.mulf %mul3A_433, %sub3A_441 : vector<16xf32>
    %bitcast_convert_type3A_443 = tpu.bitcast %max3A_407 : vector<16xf32> -> vector<16xi32>
    %shift_right_arithmetic3A_444 = arith.constant 1 : i32
    %shift_right_arithmetic3A_445 = vector.broadcast %shift_right_arithmetic3A_444 : i32 to vector<16xi32>
    %shift_right_arithmetic3A_446 = arith.shrsi %bitcast_convert_type3A_443, %shift_right_arithmetic3A_445 : vector<16xi32>
    %sub3A_447 = arith.constant 1597463007 : i32
    %sub3A_448 = vector.broadcast %sub3A_447 : i32 to vector<16xi32>
    %sub3A_449 = arith.subi %sub3A_448, %shift_right_arithmetic3A_446 : vector<16xi32>
    %bitcast_convert_type3A_450 = tpu.bitcast %sub3A_449 : vector<16xi32> -> vector<16xf32>
    %mul3A_451 = arith.constant 5.000000e-01 : f32
    %mul3A_452 = vector.broadcast %mul3A_451 : f32 to vector<16xf32>
    %mul3A_453 = arith.mulf %mul3A_452, %max3A_407 : vector<16xf32>
    %mul3A_454 = arith.mulf %mul3A_453, %bitcast_convert_type3A_450 : vector<16xf32>
    %mul3A_455 = arith.mulf %mul3A_454, %bitcast_convert_type3A_450 : vector<16xf32>
    %sub3A_456 = arith.constant 1.500000e+00 : f32
    %sub3A_457 = vector.broadcast %sub3A_456 : f32 to vector<16xf32>
    %sub3A_458 = arith.subf %sub3A_457, %mul3A_455 : vector<16xf32>
    %mul3A_459 = arith.mulf %bitcast_convert_type3A_450, %sub3A_458 : vector<16xf32>
    %mul3A_460 = arith.constant 5.000000e-01 : f32
    %mul3A_461 = vector.broadcast %mul3A_460 : f32 to vector<16xf32>
    %mul3A_462 = arith.mulf %mul3A_461, %max3A_407 : vector<16xf32>
    %mul3A_463 = arith.mulf %mul3A_462, %mul3A_459 : vector<16xf32>
    %mul3A_464 = arith.mulf %mul3A_463, %mul3A_459 : vector<16xf32>
    %sub3A_465 = arith.constant 1.500000e+00 : f32
    %sub3A_466 = vector.broadcast %sub3A_465 : f32 to vector<16xf32>
    %sub3A_467 = arith.subf %sub3A_466, %mul3A_464 : vector<16xf32>
    %mul3A_468 = arith.mulf %mul3A_459, %sub3A_467 : vector<16xf32>
    %mul3A_469 = arith.constant 5.000000e-01 : f32
    %mul3A_470 = vector.broadcast %mul3A_469 : f32 to vector<16xf32>
    %mul3A_471 = arith.mulf %mul3A_470, %max3A_407 : vector<16xf32>
    %mul3A_472 = arith.mulf %mul3A_471, %mul3A_468 : vector<16xf32>
    %mul3A_473 = arith.mulf %mul3A_472, %mul3A_468 : vector<16xf32>
    %sub3A_474 = arith.constant 1.500000e+00 : f32
    %sub3A_475 = vector.broadcast %sub3A_474 : f32 to vector<16xf32>
    %sub3A_476 = arith.subf %sub3A_475, %mul3A_473 : vector<16xf32>
    %mul3A_477 = arith.mulf %mul3A_468, %sub3A_476 : vector<16xf32>
    %mul3A_478 = arith.mulf %gather3A_380, %gather3A_387 : vector<16xf32>
    %mul3A_479 = arith.mulf %gather3A_381, %gather3A_391 : vector<16xf32>
    %add3A_480 = arith.addf %mul3A_478, %mul3A_479 : vector<16xf32>
    %mul3A_481 = arith.mulf %mul3A_442, %mul3A_477 : vector<16xf32>
    %mul3A_482 = arith.mulf %add3A_480, %mul3A_481 : vector<16xf32>
    %sub3A_483 = arith.constant 1.000000e+00 : f32
    %sub3A_484 = vector.broadcast %sub3A_483 : f32 to vector<16xf32>
    %sub3A_485 = arith.subf %sub3A_484, %mul3A_482 : vector<16xf32>
    %abs3A_486 = math.absf %sub3A_485 : vector<16xf32>
    %mul3A_487 = arith.mulf %gather3A_382, %mul3A_442 : vector<16xf32>
    %mul3A_488 = arith.mulf %gather3A_395, %mul3A_477 : vector<16xf32>
    %sub3A_489 = arith.subf %mul3A_487, %mul3A_488 : vector<16xf32>
    %abs3A_490 = math.absf %sub3A_489 : vector<16xf32>
    %add3A_491 = arith.constant 32 : i32
    %add3A_492 = vector.broadcast %add3A_491 : i32 to vector<16xi32>
    %add3A_493 = arith.addi %add3A_492, %iota3A : vector<16xi32>
    %lt3A_494 = arith.constant 100 : i32
    %lt3A_495 = vector.broadcast %lt3A_494 : i32 to vector<16xi32>
    %lt3A_496 = arith.cmpi slt, %add3A_493, %lt3A_495 : vector<16xi32>
    %jit3A_497 = arith.constant 0.000000e+00 : f32
    %broadcast_in_dim3A_498 = vector.broadcast %jit3A_497 : f32 to vector<16xf32>
    %select_n3A_499 = arith.select %lt3A_496, %abs3A_486, %broadcast_in_dim3A_498 : vector<16xi1>, vector<16xf32>
    %add3A_500 = arith.addf %add3A_369, %select_n3A_499 : vector<16xf32>
    %jit3A_501 = arith.constant 0.000000e+00 : f32
    %broadcast_in_dim3A_502 = vector.broadcast %jit3A_501 : f32 to vector<16xf32>
    %select_n3A_503 = arith.select %lt3A_496, %abs3A_490, %broadcast_in_dim3A_502 : vector<16xi1>, vector<16xf32>
    %add3A_504 = arith.addf %add3A_373, %select_n3A_503 : vector<16xf32>
    %jit3A_505 = arith.constant 0.000000e+00 : f32
    %broadcast_in_dim3A_506 = vector.broadcast %jit3A_505 : f32 to vector<16xf32>
    %select_n3A_507 = arith.select %lt3A_496, %gather3A_383, %broadcast_in_dim3A_506 : vector<16xi1>, vector<16xf32>
    %add3A_508 = arith.addf %add3A_377, %select_n3A_507 : vector<16xf32>
    %get3A_509 = arith.constant 48 : index
    %get3A_510 = tpu.vector_load %arg12[%get3A_509] {strides = array<i32>} : memref<128xi32, #tpu.memory_space<vmem>>, vector<16xi32>,
    %gather3A_511 = tpu.vector_load_idx %arg6[%get3A_510] : memref<1024xf32, #tpu.memory_space<vmem>>[vector<16xi32>], vector<16xf32>,
    %gather3A_512 = tpu.vector_load_idx %arg7[%get3A_510] : memref<1024xf32, #tpu.memory_space<vmem>>[vector<16xi32>], vector<16xf32>,
    %gather3A_513 = tpu.vector_load_idx %arg8[%get3A_510] : memref<1024xf32, #tpu.memory_space<vmem>>[vector<16xi32>], vector<16xf32>,
    %gather3A_514 = tpu.vector_load_idx %arg10[%get3A_510] : memref<1024xf32, #tpu.memory_space<vmem>>[vector<16xi32>], vector<16xf32>,
    %add3A_515 = arith.constant 192 : i32
    %add3A_516 = vector.broadcast %add3A_515 : i32 to vector<16xi32>
    %add3A_517 = arith.addi %add3A_516, %mul3A_5 : vector<16xi32>
    %gather3A_518 = tpu.vector_load_idx %arg11[%add3A_517] : memref<512xf32, #tpu.memory_space<vmem>>[vector<16xi32>], vector<16xf32>,
    %add3A_519 = arith.constant 192 : i32
    %add3A_520 = vector.broadcast %add3A_519 : i32 to vector<16xi32>
    %add3A_521 = arith.addi %add3A_520, %add3A_8 : vector<16xi32>
    %gather3A_522 = tpu.vector_load_idx %arg11[%add3A_521] : memref<512xf32, #tpu.memory_space<vmem>>[vector<16xi32>], vector<16xf32>,
    %add3A_523 = arith.constant 192 : i32
    %add3A_524 = vector.broadcast %add3A_523 : i32 to vector<16xi32>
    %add3A_525 = arith.addi %add3A_524, %add3A_11 : vector<16xi32>
    %gather3A_526 = tpu.vector_load_idx %arg11[%add3A_525] : memref<512xf32, #tpu.memory_space<vmem>>[vector<16xi32>], vector<16xf32>,
    %mul3A_527 = arith.mulf %gather3A_511, %gather3A_511 : vector<16xf32>
    %mul3A_528 = arith.mulf %gather3A_512, %gather3A_512 : vector<16xf32>
    %add3A_529 = arith.addf %mul3A_527, %mul3A_528 : vector<16xf32>
    %max3A_530 = arith.constant 1.000000e-24 : f32
    %max3A_531 = vector.broadcast %max3A_530 : f32 to vector<16xf32>
    %max3A_532 = arith.maximumf %add3A_529, %max3A_531 : vector<16xf32>
    %mul3A_533 = arith.mulf %gather3A_518, %gather3A_518 : vector<16xf32>
    %mul3A_534 = arith.mulf %gather3A_522, %gather3A_522 : vector<16xf32>
    %add3A_535 = arith.addf %mul3A_533, %mul3A_534 : vector<16xf32>
    %max3A_536 = arith.constant 1.000000e-24 : f32
    %max3A_537 = vector.broadcast %max3A_536 : f32 to vector<16xf32>
    %max3A_538 = arith.maximumf %add3A_535, %max3A_537 : vector<16xf32>
    %bitcast_convert_type3A_539 = tpu.bitcast %max3A_532 : vector<16xf32> -> vector<16xi32>
    %shift_right_arithmetic3A_540 = arith.constant 1 : i32
    %shift_right_arithmetic3A_541 = vector.broadcast %shift_right_arithmetic3A_540 : i32 to vector<16xi32>
    %shift_right_arithmetic3A_542 = arith.shrsi %bitcast_convert_type3A_539, %shift_right_arithmetic3A_541 : vector<16xi32>
    %sub3A_543 = arith.constant 1597463007 : i32
    %sub3A_544 = vector.broadcast %sub3A_543 : i32 to vector<16xi32>
    %sub3A_545 = arith.subi %sub3A_544, %shift_right_arithmetic3A_542 : vector<16xi32>
    %bitcast_convert_type3A_546 = tpu.bitcast %sub3A_545 : vector<16xi32> -> vector<16xf32>
    %mul3A_547 = arith.constant 5.000000e-01 : f32
    %mul3A_548 = vector.broadcast %mul3A_547 : f32 to vector<16xf32>
    %mul3A_549 = arith.mulf %mul3A_548, %max3A_532 : vector<16xf32>
    %mul3A_550 = arith.mulf %mul3A_549, %bitcast_convert_type3A_546 : vector<16xf32>
    %mul3A_551 = arith.mulf %mul3A_550, %bitcast_convert_type3A_546 : vector<16xf32>
    %sub3A_552 = arith.constant 1.500000e+00 : f32
    %sub3A_553 = vector.broadcast %sub3A_552 : f32 to vector<16xf32>
    %sub3A_554 = arith.subf %sub3A_553, %mul3A_551 : vector<16xf32>
    %mul3A_555 = arith.mulf %bitcast_convert_type3A_546, %sub3A_554 : vector<16xf32>
    %mul3A_556 = arith.constant 5.000000e-01 : f32
    %mul3A_557 = vector.broadcast %mul3A_556 : f32 to vector<16xf32>
    %mul3A_558 = arith.mulf %mul3A_557, %max3A_532 : vector<16xf32>
    %mul3A_559 = arith.mulf %mul3A_558, %mul3A_555 : vector<16xf32>
    %mul3A_560 = arith.mulf %mul3A_559, %mul3A_555 : vector<16xf32>
    %sub3A_561 = arith.constant 1.500000e+00 : f32
    %sub3A_562 = vector.broadcast %sub3A_561 : f32 to vector<16xf32>
    %sub3A_563 = arith.subf %sub3A_562, %mul3A_560 : vector<16xf32>
    %mul3A_564 = arith.mulf %mul3A_555, %sub3A_563 : vector<16xf32>
    %mul3A_565 = arith.constant 5.000000e-01 : f32
    %mul3A_566 = vector.broadcast %mul3A_565 : f32 to vector<16xf32>
    %mul3A_567 = arith.mulf %mul3A_566, %max3A_532 : vector<16xf32>
    %mul3A_568 = arith.mulf %mul3A_567, %mul3A_564 : vector<16xf32>
    %mul3A_569 = arith.mulf %mul3A_568, %mul3A_564 : vector<16xf32>
    %sub3A_570 = arith.constant 1.500000e+00 : f32
    %sub3A_571 = vector.broadcast %sub3A_570 : f32 to vector<16xf32>
    %sub3A_572 = arith.subf %sub3A_571, %mul3A_569 : vector<16xf32>
    %mul3A_573 = arith.mulf %mul3A_564, %sub3A_572 : vector<16xf32>
    %bitcast_convert_type3A_574 = tpu.bitcast %max3A_538 : vector<16xf32> -> vector<16xi32>
    %shift_right_arithmetic3A_575 = arith.constant 1 : i32
    %shift_right_arithmetic3A_576 = vector.broadcast %shift_right_arithmetic3A_575 : i32 to vector<16xi32>
    %shift_right_arithmetic3A_577 = arith.shrsi %bitcast_convert_type3A_574, %shift_right_arithmetic3A_576 : vector<16xi32>
    %sub3A_578 = arith.constant 1597463007 : i32
    %sub3A_579 = vector.broadcast %sub3A_578 : i32 to vector<16xi32>
    %sub3A_580 = arith.subi %sub3A_579, %shift_right_arithmetic3A_577 : vector<16xi32>
    %bitcast_convert_type3A_581 = tpu.bitcast %sub3A_580 : vector<16xi32> -> vector<16xf32>
    %mul3A_582 = arith.constant 5.000000e-01 : f32
    %mul3A_583 = vector.broadcast %mul3A_582 : f32 to vector<16xf32>
    %mul3A_584 = arith.mulf %mul3A_583, %max3A_538 : vector<16xf32>
    %mul3A_585 = arith.mulf %mul3A_584, %bitcast_convert_type3A_581 : vector<16xf32>
    %mul3A_586 = arith.mulf %mul3A_585, %bitcast_convert_type3A_581 : vector<16xf32>
    %sub3A_587 = arith.constant 1.500000e+00 : f32
    %sub3A_588 = vector.broadcast %sub3A_587 : f32 to vector<16xf32>
    %sub3A_589 = arith.subf %sub3A_588, %mul3A_586 : vector<16xf32>
    %mul3A_590 = arith.mulf %bitcast_convert_type3A_581, %sub3A_589 : vector<16xf32>
    %mul3A_591 = arith.constant 5.000000e-01 : f32
    %mul3A_592 = vector.broadcast %mul3A_591 : f32 to vector<16xf32>
    %mul3A_593 = arith.mulf %mul3A_592, %max3A_538 : vector<16xf32>
    %mul3A_594 = arith.mulf %mul3A_593, %mul3A_590 : vector<16xf32>
    %mul3A_595 = arith.mulf %mul3A_594, %mul3A_590 : vector<16xf32>
    %sub3A_596 = arith.constant 1.500000e+00 : f32
    %sub3A_597 = vector.broadcast %sub3A_596 : f32 to vector<16xf32>
    %sub3A_598 = arith.subf %sub3A_597, %mul3A_595 : vector<16xf32>
    %mul3A_599 = arith.mulf %mul3A_590, %sub3A_598 : vector<16xf32>
    %mul3A_600 = arith.constant 5.000000e-01 : f32
    %mul3A_601 = vector.broadcast %mul3A_600 : f32 to vector<16xf32>
    %mul3A_602 = arith.mulf %mul3A_601, %max3A_538 : vector<16xf32>
    %mul3A_603 = arith.mulf %mul3A_602, %mul3A_599 : vector<16xf32>
    %mul3A_604 = arith.mulf %mul3A_603, %mul3A_599 : vector<16xf32>
    %sub3A_605 = arith.constant 1.500000e+00 : f32
    %sub3A_606 = vector.broadcast %sub3A_605 : f32 to vector<16xf32>
    %sub3A_607 = arith.subf %sub3A_606, %mul3A_604 : vector<16xf32>
    %mul3A_608 = arith.mulf %mul3A_599, %sub3A_607 : vector<16xf32>
    %mul3A_609 = arith.mulf %gather3A_511, %gather3A_518 : vector<16xf32>
    %mul3A_610 = arith.mulf %gather3A_512, %gather3A_522 : vector<16xf32>
    %add3A_611 = arith.addf %mul3A_609, %mul3A_610 : vector<16xf32>
    %mul3A_612 = arith.mulf %mul3A_573, %mul3A_608 : vector<16xf32>
    %mul3A_613 = arith.mulf %add3A_611, %mul3A_612 : vector<16xf32>
    %sub3A_614 = arith.constant 1.000000e+00 : f32
    %sub3A_615 = vector.broadcast %sub3A_614 : f32 to vector<16xf32>
    %sub3A_616 = arith.subf %sub3A_615, %mul3A_613 : vector<16xf32>
    %abs3A_617 = math.absf %sub3A_616 : vector<16xf32>
    %mul3A_618 = arith.mulf %gather3A_513, %mul3A_573 : vector<16xf32>
    %mul3A_619 = arith.mulf %gather3A_526, %mul3A_608 : vector<16xf32>
    %sub3A_620 = arith.subf %mul3A_618, %mul3A_619 : vector<16xf32>
    %abs3A_621 = math.absf %sub3A_620 : vector<16xf32>
    %add3A_622 = arith.constant 48 : i32
    %add3A_623 = vector.broadcast %add3A_622 : i32 to vector<16xi32>
    %add3A_624 = arith.addi %add3A_623, %iota3A : vector<16xi32>
    %lt3A_625 = arith.constant 100 : i32
    %lt3A_626 = vector.broadcast %lt3A_625 : i32 to vector<16xi32>
    %lt3A_627 = arith.cmpi slt, %add3A_624, %lt3A_626 : vector<16xi32>
    %jit3A_628 = arith.constant 0.000000e+00 : f32
    %broadcast_in_dim3A_629 = vector.broadcast %jit3A_628 : f32 to vector<16xf32>
    %select_n3A_630 = arith.select %lt3A_627, %abs3A_617, %broadcast_in_dim3A_629 : vector<16xi1>, vector<16xf32>
    %add3A_631 = arith.addf %add3A_500, %select_n3A_630 : vector<16xf32>
    %jit3A_632 = arith.constant 0.000000e+00 : f32
    %broadcast_in_dim3A_633 = vector.broadcast %jit3A_632 : f32 to vector<16xf32>
    %select_n3A_634 = arith.select %lt3A_627, %abs3A_621, %broadcast_in_dim3A_633 : vector<16xi1>, vector<16xf32>
    %add3A_635 = arith.addf %add3A_504, %select_n3A_634 : vector<16xf32>
    %jit3A_636 = arith.constant 0.000000e+00 : f32
    %broadcast_in_dim3A_637 = vector.broadcast %jit3A_636 : f32 to vector<16xf32>
    %select_n3A_638 = arith.select %lt3A_627, %gather3A_514, %broadcast_in_dim3A_637 : vector<16xi1>, vector<16xf32>
    %add3A_639 = arith.addf %add3A_508, %select_n3A_638 : vector<16xf32>
    %get3A_640 = arith.constant 64 : index
    %get3A_641 = tpu.vector_load %arg12[%get3A_640] {strides = array<i32>} : memref<128xi32, #tpu.memory_space<vmem>>, vector<16xi32>,
    %gather3A_642 = tpu.vector_load_idx %arg6[%get3A_641] : memref<1024xf32, #tpu.memory_space<vmem>>[vector<16xi32>], vector<16xf32>,
    %gather3A_643 = tpu.vector_load_idx %arg7[%get3A_641] : memref<1024xf32, #tpu.memory_space<vmem>>[vector<16xi32>], vector<16xf32>,
    %gather3A_644 = tpu.vector_load_idx %arg8[%get3A_641] : memref<1024xf32, #tpu.memory_space<vmem>>[vector<16xi32>], vector<16xf32>,
    %gather3A_645 = tpu.vector_load_idx %arg10[%get3A_641] : memref<1024xf32, #tpu.memory_space<vmem>>[vector<16xi32>], vector<16xf32>,
    %add3A_646 = arith.constant 256 : i32
    %add3A_647 = vector.broadcast %add3A_646 : i32 to vector<16xi32>
    %add3A_648 = arith.addi %add3A_647, %mul3A_5 : vector<16xi32>
    %gather3A_649 = tpu.vector_load_idx %arg11[%add3A_648] : memref<512xf32, #tpu.memory_space<vmem>>[vector<16xi32>], vector<16xf32>,
    %add3A_650 = arith.constant 256 : i32
    %add3A_651 = vector.broadcast %add3A_650 : i32 to vector<16xi32>
    %add3A_652 = arith.addi %add3A_651, %add3A_8 : vector<16xi32>
    %gather3A_653 = tpu.vector_load_idx %arg11[%add3A_652] : memref<512xf32, #tpu.memory_space<vmem>>[vector<16xi32>], vector<16xf32>,
    %add3A_654 = arith.constant 256 : i32
    %add3A_655 = vector.broadcast %add3A_654 : i32 to vector<16xi32>
    %add3A_656 = arith.addi %add3A_655, %add3A_11 : vector<16xi32>
    %gather3A_657 = tpu.vector_load_idx %arg11[%add3A_656] : memref<512xf32, #tpu.memory_space<vmem>>[vector<16xi32>], vector<16xf32>,
    %mul3A_658 = arith.mulf %gather3A_642, %gather3A_642 : vector<16xf32>
    %mul3A_659 = arith.mulf %gather3A_643, %gather3A_643 : vector<16xf32>
    %add3A_660 = arith.addf %mul3A_658, %mul3A_659 : vector<16xf32>
    %max3A_661 = arith.constant 1.000000e-24 : f32
    %max3A_662 = vector.broadcast %max3A_661 : f32 to vector<16xf32>
    %max3A_663 = arith.maximumf %add3A_660, %max3A_662 : vector<16xf32>
    %mul3A_664 = arith.mulf %gather3A_649, %gather3A_649 : vector<16xf32>
    %mul3A_665 = arith.mulf %gather3A_653, %gather3A_653 : vector<16xf32>
    %add3A_666 = arith.addf %mul3A_664, %mul3A_665 : vector<16xf32>
    %max3A_667 = arith.constant 1.000000e-24 : f32
    %max3A_668 = vector.broadcast %max3A_667 : f32 to vector<16xf32>
    %max3A_669 = arith.maximumf %add3A_666, %max3A_668 : vector<16xf32>
    %bitcast_convert_type3A_670 = tpu.bitcast %max3A_663 : vector<16xf32> -> vector<16xi32>
    %shift_right_arithmetic3A_671 = arith.constant 1 : i32
    %shift_right_arithmetic3A_672 = vector.broadcast %shift_right_arithmetic3A_671 : i32 to vector<16xi32>
    %shift_right_arithmetic3A_673 = arith.shrsi %bitcast_convert_type3A_670, %shift_right_arithmetic3A_672 : vector<16xi32>
    %sub3A_674 = arith.constant 1597463007 : i32
    %sub3A_675 = vector.broadcast %sub3A_674 : i32 to vector<16xi32>
    %sub3A_676 = arith.subi %sub3A_675, %shift_right_arithmetic3A_673 : vector<16xi32>
    %bitcast_convert_type3A_677 = tpu.bitcast %sub3A_676 : vector<16xi32> -> vector<16xf32>
    %mul3A_678 = arith.constant 5.000000e-01 : f32
    %mul3A_679 = vector.broadcast %mul3A_678 : f32 to vector<16xf32>
    %mul3A_680 = arith.mulf %mul3A_679, %max3A_663 : vector<16xf32>
    %mul3A_681 = arith.mulf %mul3A_680, %bitcast_convert_type3A_677 : vector<16xf32>
    %mul3A_682 = arith.mulf %mul3A_681, %bitcast_convert_type3A_677 : vector<16xf32>
    %sub3A_683 = arith.constant 1.500000e+00 : f32
    %sub3A_684 = vector.broadcast %sub3A_683 : f32 to vector<16xf32>
    %sub3A_685 = arith.subf %sub3A_684, %mul3A_682 : vector<16xf32>
    %mul3A_686 = arith.mulf %bitcast_convert_type3A_677, %sub3A_685 : vector<16xf32>
    %mul3A_687 = arith.constant 5.000000e-01 : f32
    %mul3A_688 = vector.broadcast %mul3A_687 : f32 to vector<16xf32>
    %mul3A_689 = arith.mulf %mul3A_688, %max3A_663 : vector<16xf32>
    %mul3A_690 = arith.mulf %mul3A_689, %mul3A_686 : vector<16xf32>
    %mul3A_691 = arith.mulf %mul3A_690, %mul3A_686 : vector<16xf32>
    %sub3A_692 = arith.constant 1.500000e+00 : f32
    %sub3A_693 = vector.broadcast %sub3A_692 : f32 to vector<16xf32>
    %sub3A_694 = arith.subf %sub3A_693, %mul3A_691 : vector<16xf32>
    %mul3A_695 = arith.mulf %mul3A_686, %sub3A_694 : vector<16xf32>
    %mul3A_696 = arith.constant 5.000000e-01 : f32
    %mul3A_697 = vector.broadcast %mul3A_696 : f32 to vector<16xf32>
    %mul3A_698 = arith.mulf %mul3A_697, %max3A_663 : vector<16xf32>
    %mul3A_699 = arith.mulf %mul3A_698, %mul3A_695 : vector<16xf32>
    %mul3A_700 = arith.mulf %mul3A_699, %mul3A_695 : vector<16xf32>
    %sub3A_701 = arith.constant 1.500000e+00 : f32
    %sub3A_702 = vector.broadcast %sub3A_701 : f32 to vector<16xf32>
    %sub3A_703 = arith.subf %sub3A_702, %mul3A_700 : vector<16xf32>
    %mul3A_704 = arith.mulf %mul3A_695, %sub3A_703 : vector<16xf32>
    %bitcast_convert_type3A_705 = tpu.bitcast %max3A_669 : vector<16xf32> -> vector<16xi32>
    %shift_right_arithmetic3A_706 = arith.constant 1 : i32
    %shift_right_arithmetic3A_707 = vector.broadcast %shift_right_arithmetic3A_706 : i32 to vector<16xi32>
    %shift_right_arithmetic3A_708 = arith.shrsi %bitcast_convert_type3A_705, %shift_right_arithmetic3A_707 : vector<16xi32>
    %sub3A_709 = arith.constant 1597463007 : i32
    %sub3A_710 = vector.broadcast %sub3A_709 : i32 to vector<16xi32>
    %sub3A_711 = arith.subi %sub3A_710, %shift_right_arithmetic3A_708 : vector<16xi32>
    %bitcast_convert_type3A_712 = tpu.bitcast %sub3A_711 : vector<16xi32> -> vector<16xf32>
    %mul3A_713 = arith.constant 5.000000e-01 : f32
    %mul3A_714 = vector.broadcast %mul3A_713 : f32 to vector<16xf32>
    %mul3A_715 = arith.mulf %mul3A_714, %max3A_669 : vector<16xf32>
    %mul3A_716 = arith.mulf %mul3A_715, %bitcast_convert_type3A_712 : vector<16xf32>
    %mul3A_717 = arith.mulf %mul3A_716, %bitcast_convert_type3A_712 : vector<16xf32>
    %sub3A_718 = arith.constant 1.500000e+00 : f32
    %sub3A_719 = vector.broadcast %sub3A_718 : f32 to vector<16xf32>
    %sub3A_720 = arith.subf %sub3A_719, %mul3A_717 : vector<16xf32>
    %mul3A_721 = arith.mulf %bitcast_convert_type3A_712, %sub3A_720 : vector<16xf32>
    %mul3A_722 = arith.constant 5.000000e-01 : f32
    %mul3A_723 = vector.broadcast %mul3A_722 : f32 to vector<16xf32>
    %mul3A_724 = arith.mulf %mul3A_723, %max3A_669 : vector<16xf32>
    %mul3A_725 = arith.mulf %mul3A_724, %mul3A_721 : vector<16xf32>
    %mul3A_726 = arith.mulf %mul3A_725, %mul3A_721 : vector<16xf32>
    %sub3A_727 = arith.constant 1.500000e+00 : f32
    %sub3A_728 = vector.broadcast %sub3A_727 : f32 to vector<16xf32>
    %sub3A_729 = arith.subf %sub3A_728, %mul3A_726 : vector<16xf32>
    %mul3A_730 = arith.mulf %mul3A_721, %sub3A_729 : vector<16xf32>
    %mul3A_731 = arith.constant 5.000000e-01 : f32
    %mul3A_732 = vector.broadcast %mul3A_731 : f32 to vector<16xf32>
    %mul3A_733 = arith.mulf %mul3A_732, %max3A_669 : vector<16xf32>
    %mul3A_734 = arith.mulf %mul3A_733, %mul3A_730 : vector<16xf32>
    %mul3A_735 = arith.mulf %mul3A_734, %mul3A_730 : vector<16xf32>
    %sub3A_736 = arith.constant 1.500000e+00 : f32
    %sub3A_737 = vector.broadcast %sub3A_736 : f32 to vector<16xf32>
    %sub3A_738 = arith.subf %sub3A_737, %mul3A_735 : vector<16xf32>
    %mul3A_739 = arith.mulf %mul3A_730, %sub3A_738 : vector<16xf32>
    %mul3A_740 = arith.mulf %gather3A_642, %gather3A_649 : vector<16xf32>
    %mul3A_741 = arith.mulf %gather3A_643, %gather3A_653 : vector<16xf32>
    %add3A_742 = arith.addf %mul3A_740, %mul3A_741 : vector<16xf32>
    %mul3A_743 = arith.mulf %mul3A_704, %mul3A_739 : vector<16xf32>
    %mul3A_744 = arith.mulf %add3A_742, %mul3A_743 : vector<16xf32>
    %sub3A_745 = arith.constant 1.000000e+00 : f32
    %sub3A_746 = vector.broadcast %sub3A_745 : f32 to vector<16xf32>
    %sub3A_747 = arith.subf %sub3A_746, %mul3A_744 : vector<16xf32>
    %abs3A_748 = math.absf %sub3A_747 : vector<16xf32>
    %mul3A_749 = arith.mulf %gather3A_644, %mul3A_704 : vector<16xf32>
    %mul3A_750 = arith.mulf %gather3A_657, %mul3A_739 : vector<16xf32>
    %sub3A_751 = arith.subf %mul3A_749, %mul3A_750 : vector<16xf32>
    %abs3A_752 = math.absf %sub3A_751 : vector<16xf32>
    %add3A_753 = arith.constant 64 : i32
    %add3A_754 = vector.broadcast %add3A_753 : i32 to vector<16xi32>
    %add3A_755 = arith.addi %add3A_754, %iota3A : vector<16xi32>
    %lt3A_756 = arith.constant 100 : i32
    %lt3A_757 = vector.broadcast %lt3A_756 : i32 to vector<16xi32>
    %lt3A_758 = arith.cmpi slt, %add3A_755, %lt3A_757 : vector<16xi32>
    %jit3A_759 = arith.constant 0.000000e+00 : f32
    %broadcast_in_dim3A_760 = vector.broadcast %jit3A_759 : f32 to vector<16xf32>
    %select_n3A_761 = arith.select %lt3A_758, %abs3A_748, %broadcast_in_dim3A_760 : vector<16xi1>, vector<16xf32>
    %add3A_762 = arith.addf %add3A_631, %select_n3A_761 : vector<16xf32>
    %jit3A_763 = arith.constant 0.000000e+00 : f32
    %broadcast_in_dim3A_764 = vector.broadcast %jit3A_763 : f32 to vector<16xf32>
    %select_n3A_765 = arith.select %lt3A_758, %abs3A_752, %broadcast_in_dim3A_764 : vector<16xi1>, vector<16xf32>
    %add3A_766 = arith.addf %add3A_635, %select_n3A_765 : vector<16xf32>
    %jit3A_767 = arith.constant 0.000000e+00 : f32
    %broadcast_in_dim3A_768 = vector.broadcast %jit3A_767 : f32 to vector<16xf32>
    %select_n3A_769 = arith.select %lt3A_758, %gather3A_645, %broadcast_in_dim3A_768 : vector<16xi1>, vector<16xf32>
    %add3A_770 = arith.addf %add3A_639, %select_n3A_769 : vector<16xf32>
    %get3A_771 = arith.constant 80 : index
    %get3A_772 = tpu.vector_load %arg12[%get3A_771] {strides = array<i32>} : memref<128xi32, #tpu.memory_space<vmem>>, vector<16xi32>,
    %gather3A_773 = tpu.vector_load_idx %arg6[%get3A_772] : memref<1024xf32, #tpu.memory_space<vmem>>[vector<16xi32>], vector<16xf32>,
    %gather3A_774 = tpu.vector_load_idx %arg7[%get3A_772] : memref<1024xf32, #tpu.memory_space<vmem>>[vector<16xi32>], vector<16xf32>,
    %gather3A_775 = tpu.vector_load_idx %arg8[%get3A_772] : memref<1024xf32, #tpu.memory_space<vmem>>[vector<16xi32>], vector<16xf32>,
    %gather3A_776 = tpu.vector_load_idx %arg10[%get3A_772] : memref<1024xf32, #tpu.memory_space<vmem>>[vector<16xi32>], vector<16xf32>,
    %add3A_777 = arith.constant 320 : i32
    %add3A_778 = vector.broadcast %add3A_777 : i32 to vector<16xi32>
    %add3A_779 = arith.addi %add3A_778, %mul3A_5 : vector<16xi32>
    %gather3A_780 = tpu.vector_load_idx %arg11[%add3A_779] : memref<512xf32, #tpu.memory_space<vmem>>[vector<16xi32>], vector<16xf32>,
    %add3A_781 = arith.constant 320 : i32
    %add3A_782 = vector.broadcast %add3A_781 : i32 to vector<16xi32>
    %add3A_783 = arith.addi %add3A_782, %add3A_8 : vector<16xi32>
    %gather3A_784 = tpu.vector_load_idx %arg11[%add3A_783] : memref<512xf32, #tpu.memory_space<vmem>>[vector<16xi32>], vector<16xf32>,
    %add3A_785 = arith.constant 320 : i32
    %add3A_786 = vector.broadcast %add3A_785 : i32 to vector<16xi32>
    %add3A_787 = arith.addi %add3A_786, %add3A_11 : vector<16xi32>
    %gather3A_788 = tpu.vector_load_idx %arg11[%add3A_787] : memref<512xf32, #tpu.memory_space<vmem>>[vector<16xi32>], vector<16xf32>,
    %mul3A_789 = arith.mulf %gather3A_773, %gather3A_773 : vector<16xf32>
    %mul3A_790 = arith.mulf %gather3A_774, %gather3A_774 : vector<16xf32>
    %add3A_791 = arith.addf %mul3A_789, %mul3A_790 : vector<16xf32>
    %max3A_792 = arith.constant 1.000000e-24 : f32
    %max3A_793 = vector.broadcast %max3A_792 : f32 to vector<16xf32>
    %max3A_794 = arith.maximumf %add3A_791, %max3A_793 : vector<16xf32>
    %mul3A_795 = arith.mulf %gather3A_780, %gather3A_780 : vector<16xf32>
    %mul3A_796 = arith.mulf %gather3A_784, %gather3A_784 : vector<16xf32>
    %add3A_797 = arith.addf %mul3A_795, %mul3A_796 : vector<16xf32>
    %max3A_798 = arith.constant 1.000000e-24 : f32
    %max3A_799 = vector.broadcast %max3A_798 : f32 to vector<16xf32>
    %max3A_800 = arith.maximumf %add3A_797, %max3A_799 : vector<16xf32>
    %bitcast_convert_type3A_801 = tpu.bitcast %max3A_794 : vector<16xf32> -> vector<16xi32>
    %shift_right_arithmetic3A_802 = arith.constant 1 : i32
    %shift_right_arithmetic3A_803 = vector.broadcast %shift_right_arithmetic3A_802 : i32 to vector<16xi32>
    %shift_right_arithmetic3A_804 = arith.shrsi %bitcast_convert_type3A_801, %shift_right_arithmetic3A_803 : vector<16xi32>
    %sub3A_805 = arith.constant 1597463007 : i32
    %sub3A_806 = vector.broadcast %sub3A_805 : i32 to vector<16xi32>
    %sub3A_807 = arith.subi %sub3A_806, %shift_right_arithmetic3A_804 : vector<16xi32>
    %bitcast_convert_type3A_808 = tpu.bitcast %sub3A_807 : vector<16xi32> -> vector<16xf32>
    %mul3A_809 = arith.constant 5.000000e-01 : f32
    %mul3A_810 = vector.broadcast %mul3A_809 : f32 to vector<16xf32>
    %mul3A_811 = arith.mulf %mul3A_810, %max3A_794 : vector<16xf32>
    %mul3A_812 = arith.mulf %mul3A_811, %bitcast_convert_type3A_808 : vector<16xf32>
    %mul3A_813 = arith.mulf %mul3A_812, %bitcast_convert_type3A_808 : vector<16xf32>
    %sub3A_814 = arith.constant 1.500000e+00 : f32
    %sub3A_815 = vector.broadcast %sub3A_814 : f32 to vector<16xf32>
    %sub3A_816 = arith.subf %sub3A_815, %mul3A_813 : vector<16xf32>
    %mul3A_817 = arith.mulf %bitcast_convert_type3A_808, %sub3A_816 : vector<16xf32>
    %mul3A_818 = arith.constant 5.000000e-01 : f32
    %mul3A_819 = vector.broadcast %mul3A_818 : f32 to vector<16xf32>
    %mul3A_820 = arith.mulf %mul3A_819, %max3A_794 : vector<16xf32>
    %mul3A_821 = arith.mulf %mul3A_820, %mul3A_817 : vector<16xf32>
    %mul3A_822 = arith.mulf %mul3A_821, %mul3A_817 : vector<16xf32>
    %sub3A_823 = arith.constant 1.500000e+00 : f32
    %sub3A_824 = vector.broadcast %sub3A_823 : f32 to vector<16xf32>
    %sub3A_825 = arith.subf %sub3A_824, %mul3A_822 : vector<16xf32>
    %mul3A_826 = arith.mulf %mul3A_817, %sub3A_825 : vector<16xf32>
    %mul3A_827 = arith.constant 5.000000e-01 : f32
    %mul3A_828 = vector.broadcast %mul3A_827 : f32 to vector<16xf32>
    %mul3A_829 = arith.mulf %mul3A_828, %max3A_794 : vector<16xf32>
    %mul3A_830 = arith.mulf %mul3A_829, %mul3A_826 : vector<16xf32>
    %mul3A_831 = arith.mulf %mul3A_830, %mul3A_826 : vector<16xf32>
    %sub3A_832 = arith.constant 1.500000e+00 : f32
    %sub3A_833 = vector.broadcast %sub3A_832 : f32 to vector<16xf32>
    %sub3A_834 = arith.subf %sub3A_833, %mul3A_831 : vector<16xf32>
    %mul3A_835 = arith.mulf %mul3A_826, %sub3A_834 : vector<16xf32>
    %bitcast_convert_type3A_836 = tpu.bitcast %max3A_800 : vector<16xf32> -> vector<16xi32>
    %shift_right_arithmetic3A_837 = arith.constant 1 : i32
    %shift_right_arithmetic3A_838 = vector.broadcast %shift_right_arithmetic3A_837 : i32 to vector<16xi32>
    %shift_right_arithmetic3A_839 = arith.shrsi %bitcast_convert_type3A_836, %shift_right_arithmetic3A_838 : vector<16xi32>
    %sub3A_840 = arith.constant 1597463007 : i32
    %sub3A_841 = vector.broadcast %sub3A_840 : i32 to vector<16xi32>
    %sub3A_842 = arith.subi %sub3A_841, %shift_right_arithmetic3A_839 : vector<16xi32>
    %bitcast_convert_type3A_843 = tpu.bitcast %sub3A_842 : vector<16xi32> -> vector<16xf32>
    %mul3A_844 = arith.constant 5.000000e-01 : f32
    %mul3A_845 = vector.broadcast %mul3A_844 : f32 to vector<16xf32>
    %mul3A_846 = arith.mulf %mul3A_845, %max3A_800 : vector<16xf32>
    %mul3A_847 = arith.mulf %mul3A_846, %bitcast_convert_type3A_843 : vector<16xf32>
    %mul3A_848 = arith.mulf %mul3A_847, %bitcast_convert_type3A_843 : vector<16xf32>
    %sub3A_849 = arith.constant 1.500000e+00 : f32
    %sub3A_850 = vector.broadcast %sub3A_849 : f32 to vector<16xf32>
    %sub3A_851 = arith.subf %sub3A_850, %mul3A_848 : vector<16xf32>
    %mul3A_852 = arith.mulf %bitcast_convert_type3A_843, %sub3A_851 : vector<16xf32>
    %mul3A_853 = arith.constant 5.000000e-01 : f32
    %mul3A_854 = vector.broadcast %mul3A_853 : f32 to vector<16xf32>
    %mul3A_855 = arith.mulf %mul3A_854, %max3A_800 : vector<16xf32>
    %mul3A_856 = arith.mulf %mul3A_855, %mul3A_852 : vector<16xf32>
    %mul3A_857 = arith.mulf %mul3A_856, %mul3A_852 : vector<16xf32>
    %sub3A_858 = arith.constant 1.500000e+00 : f32
    %sub3A_859 = vector.broadcast %sub3A_858 : f32 to vector<16xf32>
    %sub3A_860 = arith.subf %sub3A_859, %mul3A_857 : vector<16xf32>
    %mul3A_861 = arith.mulf %mul3A_852, %sub3A_860 : vector<16xf32>
    %mul3A_862 = arith.constant 5.000000e-01 : f32
    %mul3A_863 = vector.broadcast %mul3A_862 : f32 to vector<16xf32>
    %mul3A_864 = arith.mulf %mul3A_863, %max3A_800 : vector<16xf32>
    %mul3A_865 = arith.mulf %mul3A_864, %mul3A_861 : vector<16xf32>
    %mul3A_866 = arith.mulf %mul3A_865, %mul3A_861 : vector<16xf32>
    %sub3A_867 = arith.constant 1.500000e+00 : f32
    %sub3A_868 = vector.broadcast %sub3A_867 : f32 to vector<16xf32>
    %sub3A_869 = arith.subf %sub3A_868, %mul3A_866 : vector<16xf32>
    %mul3A_870 = arith.mulf %mul3A_861, %sub3A_869 : vector<16xf32>
    %mul3A_871 = arith.mulf %gather3A_773, %gather3A_780 : vector<16xf32>
    %mul3A_872 = arith.mulf %gather3A_774, %gather3A_784 : vector<16xf32>
    %add3A_873 = arith.addf %mul3A_871, %mul3A_872 : vector<16xf32>
    %mul3A_874 = arith.mulf %mul3A_835, %mul3A_870 : vector<16xf32>
    %mul3A_875 = arith.mulf %add3A_873, %mul3A_874 : vector<16xf32>
    %sub3A_876 = arith.constant 1.000000e+00 : f32
    %sub3A_877 = vector.broadcast %sub3A_876 : f32 to vector<16xf32>
    %sub3A_878 = arith.subf %sub3A_877, %mul3A_875 : vector<16xf32>
    %abs3A_879 = math.absf %sub3A_878 : vector<16xf32>
    %mul3A_880 = arith.mulf %gather3A_775, %mul3A_835 : vector<16xf32>
    %mul3A_881 = arith.mulf %gather3A_788, %mul3A_870 : vector<16xf32>
    %sub3A_882 = arith.subf %mul3A_880, %mul3A_881 : vector<16xf32>
    %abs3A_883 = math.absf %sub3A_882 : vector<16xf32>
    %add3A_884 = arith.constant 80 : i32
    %add3A_885 = vector.broadcast %add3A_884 : i32 to vector<16xi32>
    %add3A_886 = arith.addi %add3A_885, %iota3A : vector<16xi32>
    %lt3A_887 = arith.constant 100 : i32
    %lt3A_888 = vector.broadcast %lt3A_887 : i32 to vector<16xi32>
    %lt3A_889 = arith.cmpi slt, %add3A_886, %lt3A_888 : vector<16xi32>
    %jit3A_890 = arith.constant 0.000000e+00 : f32
    %broadcast_in_dim3A_891 = vector.broadcast %jit3A_890 : f32 to vector<16xf32>
    %select_n3A_892 = arith.select %lt3A_889, %abs3A_879, %broadcast_in_dim3A_891 : vector<16xi1>, vector<16xf32>
    %add3A_893 = arith.addf %add3A_762, %select_n3A_892 : vector<16xf32>
    %jit3A_894 = arith.constant 0.000000e+00 : f32
    %broadcast_in_dim3A_895 = vector.broadcast %jit3A_894 : f32 to vector<16xf32>
    %select_n3A_896 = arith.select %lt3A_889, %abs3A_883, %broadcast_in_dim3A_895 : vector<16xi1>, vector<16xf32>
    %add3A_897 = arith.addf %add3A_766, %select_n3A_896 : vector<16xf32>
    %jit3A_898 = arith.constant 0.000000e+00 : f32
    %broadcast_in_dim3A_899 = vector.broadcast %jit3A_898 : f32 to vector<16xf32>
    %select_n3A_900 = arith.select %lt3A_889, %gather3A_776, %broadcast_in_dim3A_899 : vector<16xi1>, vector<16xf32>
    %add3A_901 = arith.addf %add3A_770, %select_n3A_900 : vector<16xf32>
    %get3A_902 = arith.constant 96 : index
    %get3A_903 = tpu.vector_load %arg12[%get3A_902] {strides = array<i32>} : memref<128xi32, #tpu.memory_space<vmem>>, vector<16xi32>,
    %gather3A_904 = tpu.vector_load_idx %arg6[%get3A_903] : memref<1024xf32, #tpu.memory_space<vmem>>[vector<16xi32>], vector<16xf32>,
    %gather3A_905 = tpu.vector_load_idx %arg7[%get3A_903] : memref<1024xf32, #tpu.memory_space<vmem>>[vector<16xi32>], vector<16xf32>,
    %gather3A_906 = tpu.vector_load_idx %arg8[%get3A_903] : memref<1024xf32, #tpu.memory_space<vmem>>[vector<16xi32>], vector<16xf32>,
    %gather3A_907 = tpu.vector_load_idx %arg10[%get3A_903] : memref<1024xf32, #tpu.memory_space<vmem>>[vector<16xi32>], vector<16xf32>,
    %add3A_908 = arith.constant 384 : i32
    %add3A_909 = vector.broadcast %add3A_908 : i32 to vector<16xi32>
    %add3A_910 = arith.addi %add3A_909, %mul3A_5 : vector<16xi32>
    %gather3A_911 = tpu.vector_load_idx %arg11[%add3A_910] : memref<512xf32, #tpu.memory_space<vmem>>[vector<16xi32>], vector<16xf32>,
    %add3A_912 = arith.constant 384 : i32
    %add3A_913 = vector.broadcast %add3A_912 : i32 to vector<16xi32>
    %add3A_914 = arith.addi %add3A_913, %add3A_8 : vector<16xi32>
    %gather3A_915 = tpu.vector_load_idx %arg11[%add3A_914] : memref<512xf32, #tpu.memory_space<vmem>>[vector<16xi32>], vector<16xf32>,
    %add3A_916 = arith.constant 384 : i32
    %add3A_917 = vector.broadcast %add3A_916 : i32 to vector<16xi32>
    %add3A_918 = arith.addi %add3A_917, %add3A_11 : vector<16xi32>
    %gather3A_919 = tpu.vector_load_idx %arg11[%add3A_918] : memref<512xf32, #tpu.memory_space<vmem>>[vector<16xi32>], vector<16xf32>,
    %mul3A_920 = arith.mulf %gather3A_904, %gather3A_904 : vector<16xf32>
    %mul3A_921 = arith.mulf %gather3A_905, %gather3A_905 : vector<16xf32>
    %add3A_922 = arith.addf %mul3A_920, %mul3A_921 : vector<16xf32>
    %max3A_923 = arith.constant 1.000000e-24 : f32
    %max3A_924 = vector.broadcast %max3A_923 : f32 to vector<16xf32>
    %max3A_925 = arith.maximumf %add3A_922, %max3A_924 : vector<16xf32>
    %mul3A_926 = arith.mulf %gather3A_911, %gather3A_911 : vector<16xf32>
    %mul3A_927 = arith.mulf %gather3A_915, %gather3A_915 : vector<16xf32>
    %add3A_928 = arith.addf %mul3A_926, %mul3A_927 : vector<16xf32>
    %max3A_929 = arith.constant 1.000000e-24 : f32
    %max3A_930 = vector.broadcast %max3A_929 : f32 to vector<16xf32>
    %max3A_931 = arith.maximumf %add3A_928, %max3A_930 : vector<16xf32>
    %bitcast_convert_type3A_932 = tpu.bitcast %max3A_925 : vector<16xf32> -> vector<16xi32>
    %shift_right_arithmetic3A_933 = arith.constant 1 : i32
    %shift_right_arithmetic3A_934 = vector.broadcast %shift_right_arithmetic3A_933 : i32 to vector<16xi32>
    %shift_right_arithmetic3A_935 = arith.shrsi %bitcast_convert_type3A_932, %shift_right_arithmetic3A_934 : vector<16xi32>
    %sub3A_936 = arith.constant 1597463007 : i32
    %sub3A_937 = vector.broadcast %sub3A_936 : i32 to vector<16xi32>
    %sub3A_938 = arith.subi %sub3A_937, %shift_right_arithmetic3A_935 : vector<16xi32>
    %bitcast_convert_type3A_939 = tpu.bitcast %sub3A_938 : vector<16xi32> -> vector<16xf32>
    %mul3A_940 = arith.constant 5.000000e-01 : f32
    %mul3A_941 = vector.broadcast %mul3A_940 : f32 to vector<16xf32>
    %mul3A_942 = arith.mulf %mul3A_941, %max3A_925 : vector<16xf32>
    %mul3A_943 = arith.mulf %mul3A_942, %bitcast_convert_type3A_939 : vector<16xf32>
    %mul3A_944 = arith.mulf %mul3A_943, %bitcast_convert_type3A_939 : vector<16xf32>
    %sub3A_945 = arith.constant 1.500000e+00 : f32
    %sub3A_946 = vector.broadcast %sub3A_945 : f32 to vector<16xf32>
    %sub3A_947 = arith.subf %sub3A_946, %mul3A_944 : vector<16xf32>
    %mul3A_948 = arith.mulf %bitcast_convert_type3A_939, %sub3A_947 : vector<16xf32>
    %mul3A_949 = arith.constant 5.000000e-01 : f32
    %mul3A_950 = vector.broadcast %mul3A_949 : f32 to vector<16xf32>
    %mul3A_951 = arith.mulf %mul3A_950, %max3A_925 : vector<16xf32>
    %mul3A_952 = arith.mulf %mul3A_951, %mul3A_948 : vector<16xf32>
    %mul3A_953 = arith.mulf %mul3A_952, %mul3A_948 : vector<16xf32>
    %sub3A_954 = arith.constant 1.500000e+00 : f32
    %sub3A_955 = vector.broadcast %sub3A_954 : f32 to vector<16xf32>
    %sub3A_956 = arith.subf %sub3A_955, %mul3A_953 : vector<16xf32>
    %mul3A_957 = arith.mulf %mul3A_948, %sub3A_956 : vector<16xf32>
    %mul3A_958 = arith.constant 5.000000e-01 : f32
    %mul3A_959 = vector.broadcast %mul3A_958 : f32 to vector<16xf32>
    %mul3A_960 = arith.mulf %mul3A_959, %max3A_925 : vector<16xf32>
    %mul3A_961 = arith.mulf %mul3A_960, %mul3A_957 : vector<16xf32>
    %mul3A_962 = arith.mulf %mul3A_961, %mul3A_957 : vector<16xf32>
    %sub3A_963 = arith.constant 1.500000e+00 : f32
    %sub3A_964 = vector.broadcast %sub3A_963 : f32 to vector<16xf32>
    %sub3A_965 = arith.subf %sub3A_964, %mul3A_962 : vector<16xf32>
    %mul3A_966 = arith.mulf %mul3A_957, %sub3A_965 : vector<16xf32>
    %bitcast_convert_type3A_967 = tpu.bitcast %max3A_931 : vector<16xf32> -> vector<16xi32>
    %shift_right_arithmetic3A_968 = arith.constant 1 : i32
    %shift_right_arithmetic3A_969 = vector.broadcast %shift_right_arithmetic3A_968 : i32 to vector<16xi32>
    %shift_right_arithmetic3A_970 = arith.shrsi %bitcast_convert_type3A_967, %shift_right_arithmetic3A_969 : vector<16xi32>
    %sub3A_971 = arith.constant 1597463007 : i32
    %sub3A_972 = vector.broadcast %sub3A_971 : i32 to vector<16xi32>
    %sub3A_973 = arith.subi %sub3A_972, %shift_right_arithmetic3A_970 : vector<16xi32>
    %bitcast_convert_type3A_974 = tpu.bitcast %sub3A_973 : vector<16xi32> -> vector<16xf32>
    %mul3A_975 = arith.constant 5.000000e-01 : f32
    %mul3A_976 = vector.broadcast %mul3A_975 : f32 to vector<16xf32>
    %mul3A_977 = arith.mulf %mul3A_976, %max3A_931 : vector<16xf32>
    %mul3A_978 = arith.mulf %mul3A_977, %bitcast_convert_type3A_974 : vector<16xf32>
    %mul3A_979 = arith.mulf %mul3A_978, %bitcast_convert_type3A_974 : vector<16xf32>
    %sub3A_980 = arith.constant 1.500000e+00 : f32
    %sub3A_981 = vector.broadcast %sub3A_980 : f32 to vector<16xf32>
    %sub3A_982 = arith.subf %sub3A_981, %mul3A_979 : vector<16xf32>
    %mul3A_983 = arith.mulf %bitcast_convert_type3A_974, %sub3A_982 : vector<16xf32>
    %mul3A_984 = arith.constant 5.000000e-01 : f32
    %mul3A_985 = vector.broadcast %mul3A_984 : f32 to vector<16xf32>
    %mul3A_986 = arith.mulf %mul3A_985, %max3A_931 : vector<16xf32>
    %mul3A_987 = arith.mulf %mul3A_986, %mul3A_983 : vector<16xf32>
    %mul3A_988 = arith.mulf %mul3A_987, %mul3A_983 : vector<16xf32>
    %sub3A_989 = arith.constant 1.500000e+00 : f32
    %sub3A_990 = vector.broadcast %sub3A_989 : f32 to vector<16xf32>
    %sub3A_991 = arith.subf %sub3A_990, %mul3A_988 : vector<16xf32>
    %mul3A_992 = arith.mulf %mul3A_983, %sub3A_991 : vector<16xf32>
    %mul3A_993 = arith.constant 5.000000e-01 : f32
    %mul3A_994 = vector.broadcast %mul3A_993 : f32 to vector<16xf32>
    %mul3A_995 = arith.mulf %mul3A_994, %max3A_931 : vector<16xf32>
    %mul3A_996 = arith.mulf %mul3A_995, %mul3A_992 : vector<16xf32>
    %mul3A_997 = arith.mulf %mul3A_996, %mul3A_992 : vector<16xf32>
    %sub3A_998 = arith.constant 1.500000e+00 : f32
    %sub3A_999 = vector.broadcast %sub3A_998 : f32 to vector<16xf32>
    %sub3A_1000 = arith.subf %sub3A_999, %mul3A_997 : vector<16xf32>
    %mul3A_1001 = arith.mulf %mul3A_992, %sub3A_1000 : vector<16xf32>
    %mul3A_1002 = arith.mulf %gather3A_904, %gather3A_911 : vector<16xf32>
    %mul3A_1003 = arith.mulf %gather3A_905, %gather3A_915 : vector<16xf32>
    %add3A_1004 = arith.addf %mul3A_1002, %mul3A_1003 : vector<16xf32>
    %mul3A_1005 = arith.mulf %mul3A_966, %mul3A_1001 : vector<16xf32>
    %mul3A_1006 = arith.mulf %add3A_1004, %mul3A_1005 : vector<16xf32>
    %sub3A_1007 = arith.constant 1.000000e+00 : f32
    %sub3A_1008 = vector.broadcast %sub3A_1007 : f32 to vector<16xf32>
    %sub3A_1009 = arith.subf %sub3A_1008, %mul3A_1006 : vector<16xf32>
    %abs3A_1010 = math.absf %sub3A_1009 : vector<16xf32>
    %mul3A_1011 = arith.mulf %gather3A_906, %mul3A_966 : vector<16xf32>
    %mul3A_1012 = arith.mulf %gather3A_919, %mul3A_1001 : vector<16xf32>
    %sub3A_1013 = arith.subf %mul3A_1011, %mul3A_1012 : vector<16xf32>
    %abs3A_1014 = math.absf %sub3A_1013 : vector<16xf32>
    %add3A_1015 = arith.constant 96 : i32
    %add3A_1016 = vector.broadcast %add3A_1015 : i32 to vector<16xi32>
    %add3A_1017 = arith.addi %add3A_1016, %iota3A : vector<16xi32>
    %lt3A_1018 = arith.constant 100 : i32
    %lt3A_1019 = vector.broadcast %lt3A_1018 : i32 to vector<16xi32>
    %lt3A_1020 = arith.cmpi slt, %add3A_1017, %lt3A_1019 : vector<16xi32>
    %jit3A_1021 = arith.constant 0.000000e+00 : f32
    %broadcast_in_dim3A_1022 = vector.broadcast %jit3A_1021 : f32 to vector<16xf32>
    %select_n3A_1023 = arith.select %lt3A_1020, %abs3A_1010, %broadcast_in_dim3A_1022 : vector<16xi1>, vector<16xf32>
    %add3A_1024 = arith.addf %add3A_893, %select_n3A_1023 : vector<16xf32>
    %jit3A_1025 = arith.constant 0.000000e+00 : f32
    %broadcast_in_dim3A_1026 = vector.broadcast %jit3A_1025 : f32 to vector<16xf32>
    %select_n3A_1027 = arith.select %lt3A_1020, %abs3A_1014, %broadcast_in_dim3A_1026 : vector<16xi1>, vector<16xf32>
    %add3A_1028 = arith.addf %add3A_897, %select_n3A_1027 : vector<16xf32>
    %jit3A_1029 = arith.constant 0.000000e+00 : f32
    %broadcast_in_dim3A_1030 = vector.broadcast %jit3A_1029 : f32 to vector<16xf32>
    %select_n3A_1031 = arith.select %lt3A_1020, %gather3A_907, %broadcast_in_dim3A_1030 : vector<16xi1>, vector<16xf32>
    %add3A_1032 = arith.addf %add3A_901, %select_n3A_1031 : vector<16xf32>
    %reduce_sum3A = arith.constant true
    %reduce_sum3A_1033 = vector.broadcast %reduce_sum3A : i1 to vector<16xi1>
    %reduce_sum3A_1034 = tpu.scan <sum>, %add3A_1024 masked %reduce_sum3A_1033 : vector<16xf32>, vector<16xi1> -> vector<16xf32>
    %reduce_sum3A_1035 = vector.extract %reduce_sum3A_1034[15] : f32 from vector<16xf32>
    %reduce_sum3A_1036 = arith.constant true
    %reduce_sum3A_1037 = vector.broadcast %reduce_sum3A_1036 : i1 to vector<16xi1>
    %reduce_sum3A_1038 = tpu.scan <sum>, %add3A_1028 masked %reduce_sum3A_1037 : vector<16xf32>, vector<16xi1> -> vector<16xf32>
    %reduce_sum3A_1039 = vector.extract %reduce_sum3A_1038[15] : f32 from vector<16xf32>
    %reduce_sum3A_1040 = arith.constant true
    %reduce_sum3A_1041 = vector.broadcast %reduce_sum3A_1040 : i1 to vector<16xi1>
    %reduce_sum3A_1042 = tpu.scan <sum>, %add3A_1032 masked %reduce_sum3A_1041 : vector<16xf32>, vector<16xi1> -> vector<16xf32>
    %reduce_sum3A_1043 = vector.extract %reduce_sum3A_1042[15] : f32 from vector<16xf32>
    %eq3A_1044 = arith.constant 0 : i32
    %eq3A_1045 = vector.broadcast %eq3A_1044 : i32 to vector<16xi32>
    %eq3A_1046 = arith.cmpi eq, %iota3A, %eq3A_1045 : vector<16xi32>
    %jit3A_1047 = arith.constant 0.000000e+00 : f32
    %broadcast_in_dim3A_1048 = vector.broadcast %reduce_sum3A_1035 : f32 to vector<16xf32>
    %broadcast_in_dim3A_1049 = vector.broadcast %jit3A_1047 : f32 to vector<16xf32>
    %select_n3A_1050 = arith.select %eq3A_1046, %broadcast_in_dim3A_1048, %broadcast_in_dim3A_1049 : vector<16xi1>, vector<16xf32>
    %eq3A_1051 = arith.constant 1 : i32
    %eq3A_1052 = vector.broadcast %eq3A_1051 : i32 to vector<16xi32>
    %eq3A_1053 = arith.cmpi eq, %iota3A, %eq3A_1052 : vector<16xi32>
    %jit3A_1054 = arith.constant 0.000000e+00 : f32
    %broadcast_in_dim3A_1055 = vector.broadcast %reduce_sum3A_1039 : f32 to vector<16xf32>
    %broadcast_in_dim3A_1056 = vector.broadcast %jit3A_1054 : f32 to vector<16xf32>
    %select_n3A_1057 = arith.select %eq3A_1053, %broadcast_in_dim3A_1055, %broadcast_in_dim3A_1056 : vector<16xi1>, vector<16xf32>
    %add3A_1058 = arith.addf %select_n3A_1050, %select_n3A_1057 : vector<16xf32>
    %eq3A_1059 = arith.constant 2 : i32
    %eq3A_1060 = vector.broadcast %eq3A_1059 : i32 to vector<16xi32>
    %eq3A_1061 = arith.cmpi eq, %iota3A, %eq3A_1060 : vector<16xi32>
    %jit3A_1062 = arith.constant 0.000000e+00 : f32
    %broadcast_in_dim3A_1063 = vector.broadcast %reduce_sum3A_1043 : f32 to vector<16xf32>
    %broadcast_in_dim3A_1064 = vector.broadcast %jit3A_1062 : f32 to vector<16xf32>
    %select_n3A_1065 = arith.select %eq3A_1061, %broadcast_in_dim3A_1063, %broadcast_in_dim3A_1064 : vector<16xi1>, vector<16xf32>
    %add3A_1066 = arith.addf %add3A_1058, %select_n3A_1065 : vector<16xf32>
    %swap3A_1067 = arith.constant 0 : index
    %swap3A_1068 = tpu.vector_load %arg22[%swap3A_1067] {strides = array<i32>} : memref<16xf32, #tpu.memory_space<vmem>>, vector<16xf32>,
    tpu.vector_store %arg22[%swap3A_1067], %add3A_1066 {strides = array<i32>} : memref<16xf32, #tpu.memory_space<vmem>>, vector<16xf32>,
    "tpu.region"() ({
      %run_scoped3A = tpu.sem_alloc : memref<!tpu.dma_semaphore, #tpu.memory_space<semaphore_mem>>
      %dma_start3A_2033 = arith.constant 0 : i32
      %dma_start3A_2034 = tpu.memref_slice %arg5[%add3A_119, %dma_start3A_2033] : memref<64x16xf32, #tpu.memory_space<hbm>> -> memref<1x16xf32, #tpu.memory_space<hbm>>
      %dma_start3A_2035 = tpu.memref_squeeze %dma_start3A_2034 : memref<1x16xf32, #tpu.memory_space<hbm>> -> memref<16xf32, #tpu.memory_space<hbm>>
      %dma_start3A_2036 = arith.constant 0 : i32
      %dma_start3A_2037 = tpu.memref_slice %arg5[%add3A_119, %dma_start3A_2036] : memref<64x16xf32, #tpu.memory_space<hbm>> -> memref<1x16xf32, #tpu.memory_space<hbm>>
      %dma_start3A_2038 = tpu.memref_squeeze %dma_start3A_2037 : memref<1x16xf32, #tpu.memory_space<hbm>> -> memref<16xf32, #tpu.memory_space<hbm>>
      tpu.enqueue_dma source(%arg22 : memref<16xf32, #tpu.memory_space<vmem>>) target(%dma_start3A_2038 : memref<16xf32, #tpu.memory_space<hbm>>) target_semaphore(%run_scoped3A : memref<!tpu.dma_semaphore, #tpu.memory_space<semaphore_mem>>)
      %dma_wait3A_2039 = arith.constant 0 : i32
      %dma_wait3A_2040 = tpu.memref_slice %arg5[%add3A_119, %dma_wait3A_2039] : memref<64x16xf32, #tpu.memory_space<hbm>> -> memref<1x16xf32, #tpu.memory_space<hbm>>
      %dma_wait3A_2041 = tpu.memref_squeeze %dma_wait3A_2040 : memref<1x16xf32, #tpu.memory_space<hbm>> -> memref<16xf32, #tpu.memory_space<hbm>>
      %dma_wait3A_2042 = arith.constant 0 : i32
      %dma_wait3A_2043 = tpu.memref_slice %arg5[%add3A_119, %dma_wait3A_2042] : memref<64x16xf32, #tpu.memory_space<hbm>> -> memref<1x16xf32, #tpu.memory_space<hbm>>
      %dma_wait3A_2044 = tpu.memref_squeeze %dma_wait3A_2043 : memref<1x16xf32, #tpu.memory_space<hbm>> -> memref<16xf32, #tpu.memory_space<hbm>>
      tpu.wait_dma2 semaphore(%run_scoped3A : memref<!tpu.dma_semaphore, #tpu.memory_space<semaphore_mem>>) src(%arg22 : memref<16xf32, #tpu.memory_space<vmem>>) dst(%dma_wait3A_2044 : memref<16xf32, #tpu.memory_space<hbm>>)
      tpu.yield
    }) : () -> ()
    %mul3A_1069 = arith.constant 2 : i32
    %mul3A_1070 = arith.muli %add3A, %mul3A_1069 : i32
    %add3A_1071 = arith.constant 1 : i32
    %add3A_1072 = arith.addi %mul3A_1070, %add3A_1071 : i32
    %broadcast_in_dim3A_1073 = arith.constant 0.000000e+00 : f32
    %broadcast_in_dim3A_1074 = vector.broadcast %broadcast_in_dim3A_1073 : f32 to vector<16xf32>
    %broadcast_in_dim3A_1075 = arith.constant 0.000000e+00 : f32
    %broadcast_in_dim3A_1076 = vector.broadcast %broadcast_in_dim3A_1075 : f32 to vector<16xf32>
    %broadcast_in_dim3A_1077 = arith.constant 0.000000e+00 : f32
    %broadcast_in_dim3A_1078 = vector.broadcast %broadcast_in_dim3A_1077 : f32 to vector<16xf32>
    %get3A_1079 = arith.constant 0 : index
    %get3A_1080 = tpu.vector_load %arg20[%get3A_1079] {strides = array<i32>} : memref<128xi32, #tpu.memory_space<vmem>>, vector<16xi32>,
    %gather3A_1081 = tpu.vector_load_idx %arg14[%get3A_1080] : memref<1024xf32, #tpu.memory_space<vmem>>[vector<16xi32>], vector<16xf32>,
    %gather3A_1082 = tpu.vector_load_idx %arg15[%get3A_1080] : memref<1024xf32, #tpu.memory_space<vmem>>[vector<16xi32>], vector<16xf32>,
    %gather3A_1083 = tpu.vector_load_idx %arg16[%get3A_1080] : memref<1024xf32, #tpu.memory_space<vmem>>[vector<16xi32>], vector<16xf32>,
    %gather3A_1084 = tpu.vector_load_idx %arg18[%get3A_1080] : memref<1024xf32, #tpu.memory_space<vmem>>[vector<16xi32>], vector<16xf32>,
    %add3A_1085 = arith.constant 0 : i32
    %add3A_1086 = vector.broadcast %add3A_1085 : i32 to vector<16xi32>
    %add3A_1087 = arith.addi %add3A_1086, %mul3A_5 : vector<16xi32>
    %gather3A_1088 = tpu.vector_load_idx %arg19[%add3A_1087] : memref<512xf32, #tpu.memory_space<vmem>>[vector<16xi32>], vector<16xf32>,
    %add3A_1089 = arith.constant 0 : i32
    %add3A_1090 = vector.broadcast %add3A_1089 : i32 to vector<16xi32>
    %add3A_1091 = arith.addi %add3A_1090, %add3A_8 : vector<16xi32>
    %gather3A_1092 = tpu.vector_load_idx %arg19[%add3A_1091] : memref<512xf32, #tpu.memory_space<vmem>>[vector<16xi32>], vector<16xf32>,
    %add3A_1093 = arith.constant 0 : i32
    %add3A_1094 = vector.broadcast %add3A_1093 : i32 to vector<16xi32>
    %add3A_1095 = arith.addi %add3A_1094, %add3A_11 : vector<16xi32>
    %gather3A_1096 = tpu.vector_load_idx %arg19[%add3A_1095] : memref<512xf32, #tpu.memory_space<vmem>>[vector<16xi32>], vector<16xf32>,
    %mul3A_1097 = arith.mulf %gather3A_1081, %gather3A_1081 : vector<16xf32>
    %mul3A_1098 = arith.mulf %gather3A_1082, %gather3A_1082 : vector<16xf32>
    %add3A_1099 = arith.addf %mul3A_1097, %mul3A_1098 : vector<16xf32>
    %max3A_1100 = arith.constant 1.000000e-24 : f32
    %max3A_1101 = vector.broadcast %max3A_1100 : f32 to vector<16xf32>
    %max3A_1102 = arith.maximumf %add3A_1099, %max3A_1101 : vector<16xf32>
    %mul3A_1103 = arith.mulf %gather3A_1088, %gather3A_1088 : vector<16xf32>
    %mul3A_1104 = arith.mulf %gather3A_1092, %gather3A_1092 : vector<16xf32>
    %add3A_1105 = arith.addf %mul3A_1103, %mul3A_1104 : vector<16xf32>
    %max3A_1106 = arith.constant 1.000000e-24 : f32
    %max3A_1107 = vector.broadcast %max3A_1106 : f32 to vector<16xf32>
    %max3A_1108 = arith.maximumf %add3A_1105, %max3A_1107 : vector<16xf32>
    %bitcast_convert_type3A_1109 = tpu.bitcast %max3A_1102 : vector<16xf32> -> vector<16xi32>
    %shift_right_arithmetic3A_1110 = arith.constant 1 : i32
    %shift_right_arithmetic3A_1111 = vector.broadcast %shift_right_arithmetic3A_1110 : i32 to vector<16xi32>
    %shift_right_arithmetic3A_1112 = arith.shrsi %bitcast_convert_type3A_1109, %shift_right_arithmetic3A_1111 : vector<16xi32>
    %sub3A_1113 = arith.constant 1597463007 : i32
    %sub3A_1114 = vector.broadcast %sub3A_1113 : i32 to vector<16xi32>
    %sub3A_1115 = arith.subi %sub3A_1114, %shift_right_arithmetic3A_1112 : vector<16xi32>
    %bitcast_convert_type3A_1116 = tpu.bitcast %sub3A_1115 : vector<16xi32> -> vector<16xf32>
    %mul3A_1117 = arith.constant 5.000000e-01 : f32
    %mul3A_1118 = vector.broadcast %mul3A_1117 : f32 to vector<16xf32>
    %mul3A_1119 = arith.mulf %mul3A_1118, %max3A_1102 : vector<16xf32>
    %mul3A_1120 = arith.mulf %mul3A_1119, %bitcast_convert_type3A_1116 : vector<16xf32>
    %mul3A_1121 = arith.mulf %mul3A_1120, %bitcast_convert_type3A_1116 : vector<16xf32>
    %sub3A_1122 = arith.constant 1.500000e+00 : f32
    %sub3A_1123 = vector.broadcast %sub3A_1122 : f32 to vector<16xf32>
    %sub3A_1124 = arith.subf %sub3A_1123, %mul3A_1121 : vector<16xf32>
    %mul3A_1125 = arith.mulf %bitcast_convert_type3A_1116, %sub3A_1124 : vector<16xf32>
    %mul3A_1126 = arith.constant 5.000000e-01 : f32
    %mul3A_1127 = vector.broadcast %mul3A_1126 : f32 to vector<16xf32>
    %mul3A_1128 = arith.mulf %mul3A_1127, %max3A_1102 : vector<16xf32>
    %mul3A_1129 = arith.mulf %mul3A_1128, %mul3A_1125 : vector<16xf32>
    %mul3A_1130 = arith.mulf %mul3A_1129, %mul3A_1125 : vector<16xf32>
    %sub3A_1131 = arith.constant 1.500000e+00 : f32
    %sub3A_1132 = vector.broadcast %sub3A_1131 : f32 to vector<16xf32>
    %sub3A_1133 = arith.subf %sub3A_1132, %mul3A_1130 : vector<16xf32>
    %mul3A_1134 = arith.mulf %mul3A_1125, %sub3A_1133 : vector<16xf32>
    %mul3A_1135 = arith.constant 5.000000e-01 : f32
    %mul3A_1136 = vector.broadcast %mul3A_1135 : f32 to vector<16xf32>
    %mul3A_1137 = arith.mulf %mul3A_1136, %max3A_1102 : vector<16xf32>
    %mul3A_1138 = arith.mulf %mul3A_1137, %mul3A_1134 : vector<16xf32>
    %mul3A_1139 = arith.mulf %mul3A_1138, %mul3A_1134 : vector<16xf32>
    %sub3A_1140 = arith.constant 1.500000e+00 : f32
    %sub3A_1141 = vector.broadcast %sub3A_1140 : f32 to vector<16xf32>
    %sub3A_1142 = arith.subf %sub3A_1141, %mul3A_1139 : vector<16xf32>
    %mul3A_1143 = arith.mulf %mul3A_1134, %sub3A_1142 : vector<16xf32>
    %bitcast_convert_type3A_1144 = tpu.bitcast %max3A_1108 : vector<16xf32> -> vector<16xi32>
    %shift_right_arithmetic3A_1145 = arith.constant 1 : i32
    %shift_right_arithmetic3A_1146 = vector.broadcast %shift_right_arithmetic3A_1145 : i32 to vector<16xi32>
    %shift_right_arithmetic3A_1147 = arith.shrsi %bitcast_convert_type3A_1144, %shift_right_arithmetic3A_1146 : vector<16xi32>
    %sub3A_1148 = arith.constant 1597463007 : i32
    %sub3A_1149 = vector.broadcast %sub3A_1148 : i32 to vector<16xi32>
    %sub3A_1150 = arith.subi %sub3A_1149, %shift_right_arithmetic3A_1147 : vector<16xi32>
    %bitcast_convert_type3A_1151 = tpu.bitcast %sub3A_1150 : vector<16xi32> -> vector<16xf32>
    %mul3A_1152 = arith.constant 5.000000e-01 : f32
    %mul3A_1153 = vector.broadcast %mul3A_1152 : f32 to vector<16xf32>
    %mul3A_1154 = arith.mulf %mul3A_1153, %max3A_1108 : vector<16xf32>
    %mul3A_1155 = arith.mulf %mul3A_1154, %bitcast_convert_type3A_1151 : vector<16xf32>
    %mul3A_1156 = arith.mulf %mul3A_1155, %bitcast_convert_type3A_1151 : vector<16xf32>
    %sub3A_1157 = arith.constant 1.500000e+00 : f32
    %sub3A_1158 = vector.broadcast %sub3A_1157 : f32 to vector<16xf32>
    %sub3A_1159 = arith.subf %sub3A_1158, %mul3A_1156 : vector<16xf32>
    %mul3A_1160 = arith.mulf %bitcast_convert_type3A_1151, %sub3A_1159 : vector<16xf32>
    %mul3A_1161 = arith.constant 5.000000e-01 : f32
    %mul3A_1162 = vector.broadcast %mul3A_1161 : f32 to vector<16xf32>
    %mul3A_1163 = arith.mulf %mul3A_1162, %max3A_1108 : vector<16xf32>
    %mul3A_1164 = arith.mulf %mul3A_1163, %mul3A_1160 : vector<16xf32>
    %mul3A_1165 = arith.mulf %mul3A_1164, %mul3A_1160 : vector<16xf32>
    %sub3A_1166 = arith.constant 1.500000e+00 : f32
    %sub3A_1167 = vector.broadcast %sub3A_1166 : f32 to vector<16xf32>
    %sub3A_1168 = arith.subf %sub3A_1167, %mul3A_1165 : vector<16xf32>
    %mul3A_1169 = arith.mulf %mul3A_1160, %sub3A_1168 : vector<16xf32>
    %mul3A_1170 = arith.constant 5.000000e-01 : f32
    %mul3A_1171 = vector.broadcast %mul3A_1170 : f32 to vector<16xf32>
    %mul3A_1172 = arith.mulf %mul3A_1171, %max3A_1108 : vector<16xf32>
    %mul3A_1173 = arith.mulf %mul3A_1172, %mul3A_1169 : vector<16xf32>
    %mul3A_1174 = arith.mulf %mul3A_1173, %mul3A_1169 : vector<16xf32>
    %sub3A_1175 = arith.constant 1.500000e+00 : f32
    %sub3A_1176 = vector.broadcast %sub3A_1175 : f32 to vector<16xf32>
    %sub3A_1177 = arith.subf %sub3A_1176, %mul3A_1174 : vector<16xf32>
    %mul3A_1178 = arith.mulf %mul3A_1169, %sub3A_1177 : vector<16xf32>
    %mul3A_1179 = arith.mulf %gather3A_1081, %gather3A_1088 : vector<16xf32>
    %mul3A_1180 = arith.mulf %gather3A_1082, %gather3A_1092 : vector<16xf32>
    %add3A_1181 = arith.addf %mul3A_1179, %mul3A_1180 : vector<16xf32>
    %mul3A_1182 = arith.mulf %mul3A_1143, %mul3A_1178 : vector<16xf32>
    %mul3A_1183 = arith.mulf %add3A_1181, %mul3A_1182 : vector<16xf32>
    %sub3A_1184 = arith.constant 1.000000e+00 : f32
    %sub3A_1185 = vector.broadcast %sub3A_1184 : f32 to vector<16xf32>
    %sub3A_1186 = arith.subf %sub3A_1185, %mul3A_1183 : vector<16xf32>
    %abs3A_1187 = math.absf %sub3A_1186 : vector<16xf32>
    %mul3A_1188 = arith.mulf %gather3A_1083, %mul3A_1143 : vector<16xf32>
    %mul3A_1189 = arith.mulf %gather3A_1096, %mul3A_1178 : vector<16xf32>
    %sub3A_1190 = arith.subf %mul3A_1188, %mul3A_1189 : vector<16xf32>
    %abs3A_1191 = math.absf %sub3A_1190 : vector<16xf32>
    %add3A_1192 = arith.constant 0 : i32
    %add3A_1193 = vector.broadcast %add3A_1192 : i32 to vector<16xi32>
    %add3A_1194 = arith.addi %add3A_1193, %iota3A : vector<16xi32>
    %lt3A_1195 = arith.constant 100 : i32
    %lt3A_1196 = vector.broadcast %lt3A_1195 : i32 to vector<16xi32>
    %lt3A_1197 = arith.cmpi slt, %add3A_1194, %lt3A_1196 : vector<16xi32>
    %jit3A_1198 = arith.constant 0.000000e+00 : f32
    %broadcast_in_dim3A_1199 = vector.broadcast %jit3A_1198 : f32 to vector<16xf32>
    %select_n3A_1200 = arith.select %lt3A_1197, %abs3A_1187, %broadcast_in_dim3A_1199 : vector<16xi1>, vector<16xf32>
    %add3A_1201 = arith.addf %broadcast_in_dim3A_1074, %select_n3A_1200 : vector<16xf32>
    %jit3A_1202 = arith.constant 0.000000e+00 : f32
    %broadcast_in_dim3A_1203 = vector.broadcast %jit3A_1202 : f32 to vector<16xf32>
    %select_n3A_1204 = arith.select %lt3A_1197, %abs3A_1191, %broadcast_in_dim3A_1203 : vector<16xi1>, vector<16xf32>
    %add3A_1205 = arith.addf %broadcast_in_dim3A_1076, %select_n3A_1204 : vector<16xf32>
    %jit3A_1206 = arith.constant 0.000000e+00 : f32
    %broadcast_in_dim3A_1207 = vector.broadcast %jit3A_1206 : f32 to vector<16xf32>
    %select_n3A_1208 = arith.select %lt3A_1197, %gather3A_1084, %broadcast_in_dim3A_1207 : vector<16xi1>, vector<16xf32>
    %add3A_1209 = arith.addf %broadcast_in_dim3A_1078, %select_n3A_1208 : vector<16xf32>
    %get3A_1210 = arith.constant 16 : index
    %get3A_1211 = tpu.vector_load %arg20[%get3A_1210] {strides = array<i32>} : memref<128xi32, #tpu.memory_space<vmem>>, vector<16xi32>,
    %gather3A_1212 = tpu.vector_load_idx %arg14[%get3A_1211] : memref<1024xf32, #tpu.memory_space<vmem>>[vector<16xi32>], vector<16xf32>,
    %gather3A_1213 = tpu.vector_load_idx %arg15[%get3A_1211] : memref<1024xf32, #tpu.memory_space<vmem>>[vector<16xi32>], vector<16xf32>,
    %gather3A_1214 = tpu.vector_load_idx %arg16[%get3A_1211] : memref<1024xf32, #tpu.memory_space<vmem>>[vector<16xi32>], vector<16xf32>,
    %gather3A_1215 = tpu.vector_load_idx %arg18[%get3A_1211] : memref<1024xf32, #tpu.memory_space<vmem>>[vector<16xi32>], vector<16xf32>,
    %add3A_1216 = arith.constant 64 : i32
    %add3A_1217 = vector.broadcast %add3A_1216 : i32 to vector<16xi32>
    %add3A_1218 = arith.addi %add3A_1217, %mul3A_5 : vector<16xi32>
    %gather3A_1219 = tpu.vector_load_idx %arg19[%add3A_1218] : memref<512xf32, #tpu.memory_space<vmem>>[vector<16xi32>], vector<16xf32>,
    %add3A_1220 = arith.constant 64 : i32
    %add3A_1221 = vector.broadcast %add3A_1220 : i32 to vector<16xi32>
    %add3A_1222 = arith.addi %add3A_1221, %add3A_8 : vector<16xi32>
    %gather3A_1223 = tpu.vector_load_idx %arg19[%add3A_1222] : memref<512xf32, #tpu.memory_space<vmem>>[vector<16xi32>], vector<16xf32>,
    %add3A_1224 = arith.constant 64 : i32
    %add3A_1225 = vector.broadcast %add3A_1224 : i32 to vector<16xi32>
    %add3A_1226 = arith.addi %add3A_1225, %add3A_11 : vector<16xi32>
    %gather3A_1227 = tpu.vector_load_idx %arg19[%add3A_1226] : memref<512xf32, #tpu.memory_space<vmem>>[vector<16xi32>], vector<16xf32>,
    %mul3A_1228 = arith.mulf %gather3A_1212, %gather3A_1212 : vector<16xf32>
    %mul3A_1229 = arith.mulf %gather3A_1213, %gather3A_1213 : vector<16xf32>
    %add3A_1230 = arith.addf %mul3A_1228, %mul3A_1229 : vector<16xf32>
    %max3A_1231 = arith.constant 1.000000e-24 : f32
    %max3A_1232 = vector.broadcast %max3A_1231 : f32 to vector<16xf32>
    %max3A_1233 = arith.maximumf %add3A_1230, %max3A_1232 : vector<16xf32>
    %mul3A_1234 = arith.mulf %gather3A_1219, %gather3A_1219 : vector<16xf32>
    %mul3A_1235 = arith.mulf %gather3A_1223, %gather3A_1223 : vector<16xf32>
    %add3A_1236 = arith.addf %mul3A_1234, %mul3A_1235 : vector<16xf32>
    %max3A_1237 = arith.constant 1.000000e-24 : f32
    %max3A_1238 = vector.broadcast %max3A_1237 : f32 to vector<16xf32>
    %max3A_1239 = arith.maximumf %add3A_1236, %max3A_1238 : vector<16xf32>
    %bitcast_convert_type3A_1240 = tpu.bitcast %max3A_1233 : vector<16xf32> -> vector<16xi32>
    %shift_right_arithmetic3A_1241 = arith.constant 1 : i32
    %shift_right_arithmetic3A_1242 = vector.broadcast %shift_right_arithmetic3A_1241 : i32 to vector<16xi32>
    %shift_right_arithmetic3A_1243 = arith.shrsi %bitcast_convert_type3A_1240, %shift_right_arithmetic3A_1242 : vector<16xi32>
    %sub3A_1244 = arith.constant 1597463007 : i32
    %sub3A_1245 = vector.broadcast %sub3A_1244 : i32 to vector<16xi32>
    %sub3A_1246 = arith.subi %sub3A_1245, %shift_right_arithmetic3A_1243 : vector<16xi32>
    %bitcast_convert_type3A_1247 = tpu.bitcast %sub3A_1246 : vector<16xi32> -> vector<16xf32>
    %mul3A_1248 = arith.constant 5.000000e-01 : f32
    %mul3A_1249 = vector.broadcast %mul3A_1248 : f32 to vector<16xf32>
    %mul3A_1250 = arith.mulf %mul3A_1249, %max3A_1233 : vector<16xf32>
    %mul3A_1251 = arith.mulf %mul3A_1250, %bitcast_convert_type3A_1247 : vector<16xf32>
    %mul3A_1252 = arith.mulf %mul3A_1251, %bitcast_convert_type3A_1247 : vector<16xf32>
    %sub3A_1253 = arith.constant 1.500000e+00 : f32
    %sub3A_1254 = vector.broadcast %sub3A_1253 : f32 to vector<16xf32>
    %sub3A_1255 = arith.subf %sub3A_1254, %mul3A_1252 : vector<16xf32>
    %mul3A_1256 = arith.mulf %bitcast_convert_type3A_1247, %sub3A_1255 : vector<16xf32>
    %mul3A_1257 = arith.constant 5.000000e-01 : f32
    %mul3A_1258 = vector.broadcast %mul3A_1257 : f32 to vector<16xf32>
    %mul3A_1259 = arith.mulf %mul3A_1258, %max3A_1233 : vector<16xf32>
    %mul3A_1260 = arith.mulf %mul3A_1259, %mul3A_1256 : vector<16xf32>
    %mul3A_1261 = arith.mulf %mul3A_1260, %mul3A_1256 : vector<16xf32>
    %sub3A_1262 = arith.constant 1.500000e+00 : f32
    %sub3A_1263 = vector.broadcast %sub3A_1262 : f32 to vector<16xf32>
    %sub3A_1264 = arith.subf %sub3A_1263, %mul3A_1261 : vector<16xf32>
    %mul3A_1265 = arith.mulf %mul3A_1256, %sub3A_1264 : vector<16xf32>
    %mul3A_1266 = arith.constant 5.000000e-01 : f32
    %mul3A_1267 = vector.broadcast %mul3A_1266 : f32 to vector<16xf32>
    %mul3A_1268 = arith.mulf %mul3A_1267, %max3A_1233 : vector<16xf32>
    %mul3A_1269 = arith.mulf %mul3A_1268, %mul3A_1265 : vector<16xf32>
    %mul3A_1270 = arith.mulf %mul3A_1269, %mul3A_1265 : vector<16xf32>
    %sub3A_1271 = arith.constant 1.500000e+00 : f32
    %sub3A_1272 = vector.broadcast %sub3A_1271 : f32 to vector<16xf32>
    %sub3A_1273 = arith.subf %sub3A_1272, %mul3A_1270 : vector<16xf32>
    %mul3A_1274 = arith.mulf %mul3A_1265, %sub3A_1273 : vector<16xf32>
    %bitcast_convert_type3A_1275 = tpu.bitcast %max3A_1239 : vector<16xf32> -> vector<16xi32>
    %shift_right_arithmetic3A_1276 = arith.constant 1 : i32
    %shift_right_arithmetic3A_1277 = vector.broadcast %shift_right_arithmetic3A_1276 : i32 to vector<16xi32>
    %shift_right_arithmetic3A_1278 = arith.shrsi %bitcast_convert_type3A_1275, %shift_right_arithmetic3A_1277 : vector<16xi32>
    %sub3A_1279 = arith.constant 1597463007 : i32
    %sub3A_1280 = vector.broadcast %sub3A_1279 : i32 to vector<16xi32>
    %sub3A_1281 = arith.subi %sub3A_1280, %shift_right_arithmetic3A_1278 : vector<16xi32>
    %bitcast_convert_type3A_1282 = tpu.bitcast %sub3A_1281 : vector<16xi32> -> vector<16xf32>
    %mul3A_1283 = arith.constant 5.000000e-01 : f32
    %mul3A_1284 = vector.broadcast %mul3A_1283 : f32 to vector<16xf32>
    %mul3A_1285 = arith.mulf %mul3A_1284, %max3A_1239 : vector<16xf32>
    %mul3A_1286 = arith.mulf %mul3A_1285, %bitcast_convert_type3A_1282 : vector<16xf32>
    %mul3A_1287 = arith.mulf %mul3A_1286, %bitcast_convert_type3A_1282 : vector<16xf32>
    %sub3A_1288 = arith.constant 1.500000e+00 : f32
    %sub3A_1289 = vector.broadcast %sub3A_1288 : f32 to vector<16xf32>
    %sub3A_1290 = arith.subf %sub3A_1289, %mul3A_1287 : vector<16xf32>
    %mul3A_1291 = arith.mulf %bitcast_convert_type3A_1282, %sub3A_1290 : vector<16xf32>
    %mul3A_1292 = arith.constant 5.000000e-01 : f32
    %mul3A_1293 = vector.broadcast %mul3A_1292 : f32 to vector<16xf32>
    %mul3A_1294 = arith.mulf %mul3A_1293, %max3A_1239 : vector<16xf32>
    %mul3A_1295 = arith.mulf %mul3A_1294, %mul3A_1291 : vector<16xf32>
    %mul3A_1296 = arith.mulf %mul3A_1295, %mul3A_1291 : vector<16xf32>
    %sub3A_1297 = arith.constant 1.500000e+00 : f32
    %sub3A_1298 = vector.broadcast %sub3A_1297 : f32 to vector<16xf32>
    %sub3A_1299 = arith.subf %sub3A_1298, %mul3A_1296 : vector<16xf32>
    %mul3A_1300 = arith.mulf %mul3A_1291, %sub3A_1299 : vector<16xf32>
    %mul3A_1301 = arith.constant 5.000000e-01 : f32
    %mul3A_1302 = vector.broadcast %mul3A_1301 : f32 to vector<16xf32>
    %mul3A_1303 = arith.mulf %mul3A_1302, %max3A_1239 : vector<16xf32>
    %mul3A_1304 = arith.mulf %mul3A_1303, %mul3A_1300 : vector<16xf32>
    %mul3A_1305 = arith.mulf %mul3A_1304, %mul3A_1300 : vector<16xf32>
    %sub3A_1306 = arith.constant 1.500000e+00 : f32
    %sub3A_1307 = vector.broadcast %sub3A_1306 : f32 to vector<16xf32>
    %sub3A_1308 = arith.subf %sub3A_1307, %mul3A_1305 : vector<16xf32>
    %mul3A_1309 = arith.mulf %mul3A_1300, %sub3A_1308 : vector<16xf32>
    %mul3A_1310 = arith.mulf %gather3A_1212, %gather3A_1219 : vector<16xf32>
    %mul3A_1311 = arith.mulf %gather3A_1213, %gather3A_1223 : vector<16xf32>
    %add3A_1312 = arith.addf %mul3A_1310, %mul3A_1311 : vector<16xf32>
    %mul3A_1313 = arith.mulf %mul3A_1274, %mul3A_1309 : vector<16xf32>
    %mul3A_1314 = arith.mulf %add3A_1312, %mul3A_1313 : vector<16xf32>
    %sub3A_1315 = arith.constant 1.000000e+00 : f32
    %sub3A_1316 = vector.broadcast %sub3A_1315 : f32 to vector<16xf32>
    %sub3A_1317 = arith.subf %sub3A_1316, %mul3A_1314 : vector<16xf32>
    %abs3A_1318 = math.absf %sub3A_1317 : vector<16xf32>
    %mul3A_1319 = arith.mulf %gather3A_1214, %mul3A_1274 : vector<16xf32>
    %mul3A_1320 = arith.mulf %gather3A_1227, %mul3A_1309 : vector<16xf32>
    %sub3A_1321 = arith.subf %mul3A_1319, %mul3A_1320 : vector<16xf32>
    %abs3A_1322 = math.absf %sub3A_1321 : vector<16xf32>
    %add3A_1323 = arith.constant 16 : i32
    %add3A_1324 = vector.broadcast %add3A_1323 : i32 to vector<16xi32>
    %add3A_1325 = arith.addi %add3A_1324, %iota3A : vector<16xi32>
    %lt3A_1326 = arith.constant 100 : i32
    %lt3A_1327 = vector.broadcast %lt3A_1326 : i32 to vector<16xi32>
    %lt3A_1328 = arith.cmpi slt, %add3A_1325, %lt3A_1327 : vector<16xi32>
    %jit3A_1329 = arith.constant 0.000000e+00 : f32
    %broadcast_in_dim3A_1330 = vector.broadcast %jit3A_1329 : f32 to vector<16xf32>
    %select_n3A_1331 = arith.select %lt3A_1328, %abs3A_1318, %broadcast_in_dim3A_1330 : vector<16xi1>, vector<16xf32>
    %add3A_1332 = arith.addf %add3A_1201, %select_n3A_1331 : vector<16xf32>
    %jit3A_1333 = arith.constant 0.000000e+00 : f32
    %broadcast_in_dim3A_1334 = vector.broadcast %jit3A_1333 : f32 to vector<16xf32>
    %select_n3A_1335 = arith.select %lt3A_1328, %abs3A_1322, %broadcast_in_dim3A_1334 : vector<16xi1>, vector<16xf32>
    %add3A_1336 = arith.addf %add3A_1205, %select_n3A_1335 : vector<16xf32>
    %jit3A_1337 = arith.constant 0.000000e+00 : f32
    %broadcast_in_dim3A_1338 = vector.broadcast %jit3A_1337 : f32 to vector<16xf32>
    %select_n3A_1339 = arith.select %lt3A_1328, %gather3A_1215, %broadcast_in_dim3A_1338 : vector<16xi1>, vector<16xf32>
    %add3A_1340 = arith.addf %add3A_1209, %select_n3A_1339 : vector<16xf32>
    %get3A_1341 = arith.constant 32 : index
    %get3A_1342 = tpu.vector_load %arg20[%get3A_1341] {strides = array<i32>} : memref<128xi32, #tpu.memory_space<vmem>>, vector<16xi32>,
    %gather3A_1343 = tpu.vector_load_idx %arg14[%get3A_1342] : memref<1024xf32, #tpu.memory_space<vmem>>[vector<16xi32>], vector<16xf32>,
    %gather3A_1344 = tpu.vector_load_idx %arg15[%get3A_1342] : memref<1024xf32, #tpu.memory_space<vmem>>[vector<16xi32>], vector<16xf32>,
    %gather3A_1345 = tpu.vector_load_idx %arg16[%get3A_1342] : memref<1024xf32, #tpu.memory_space<vmem>>[vector<16xi32>], vector<16xf32>,
    %gather3A_1346 = tpu.vector_load_idx %arg18[%get3A_1342] : memref<1024xf32, #tpu.memory_space<vmem>>[vector<16xi32>], vector<16xf32>,
    %add3A_1347 = arith.constant 128 : i32
    %add3A_1348 = vector.broadcast %add3A_1347 : i32 to vector<16xi32>
    %add3A_1349 = arith.addi %add3A_1348, %mul3A_5 : vector<16xi32>
    %gather3A_1350 = tpu.vector_load_idx %arg19[%add3A_1349] : memref<512xf32, #tpu.memory_space<vmem>>[vector<16xi32>], vector<16xf32>,
    %add3A_1351 = arith.constant 128 : i32
    %add3A_1352 = vector.broadcast %add3A_1351 : i32 to vector<16xi32>
    %add3A_1353 = arith.addi %add3A_1352, %add3A_8 : vector<16xi32>
    %gather3A_1354 = tpu.vector_load_idx %arg19[%add3A_1353] : memref<512xf32, #tpu.memory_space<vmem>>[vector<16xi32>], vector<16xf32>,
    %add3A_1355 = arith.constant 128 : i32
    %add3A_1356 = vector.broadcast %add3A_1355 : i32 to vector<16xi32>
    %add3A_1357 = arith.addi %add3A_1356, %add3A_11 : vector<16xi32>
    %gather3A_1358 = tpu.vector_load_idx %arg19[%add3A_1357] : memref<512xf32, #tpu.memory_space<vmem>>[vector<16xi32>], vector<16xf32>,
    %mul3A_1359 = arith.mulf %gather3A_1343, %gather3A_1343 : vector<16xf32>
    %mul3A_1360 = arith.mulf %gather3A_1344, %gather3A_1344 : vector<16xf32>
    %add3A_1361 = arith.addf %mul3A_1359, %mul3A_1360 : vector<16xf32>
    %max3A_1362 = arith.constant 1.000000e-24 : f32
    %max3A_1363 = vector.broadcast %max3A_1362 : f32 to vector<16xf32>
    %max3A_1364 = arith.maximumf %add3A_1361, %max3A_1363 : vector<16xf32>
    %mul3A_1365 = arith.mulf %gather3A_1350, %gather3A_1350 : vector<16xf32>
    %mul3A_1366 = arith.mulf %gather3A_1354, %gather3A_1354 : vector<16xf32>
    %add3A_1367 = arith.addf %mul3A_1365, %mul3A_1366 : vector<16xf32>
    %max3A_1368 = arith.constant 1.000000e-24 : f32
    %max3A_1369 = vector.broadcast %max3A_1368 : f32 to vector<16xf32>
    %max3A_1370 = arith.maximumf %add3A_1367, %max3A_1369 : vector<16xf32>
    %bitcast_convert_type3A_1371 = tpu.bitcast %max3A_1364 : vector<16xf32> -> vector<16xi32>
    %shift_right_arithmetic3A_1372 = arith.constant 1 : i32
    %shift_right_arithmetic3A_1373 = vector.broadcast %shift_right_arithmetic3A_1372 : i32 to vector<16xi32>
    %shift_right_arithmetic3A_1374 = arith.shrsi %bitcast_convert_type3A_1371, %shift_right_arithmetic3A_1373 : vector<16xi32>
    %sub3A_1375 = arith.constant 1597463007 : i32
    %sub3A_1376 = vector.broadcast %sub3A_1375 : i32 to vector<16xi32>
    %sub3A_1377 = arith.subi %sub3A_1376, %shift_right_arithmetic3A_1374 : vector<16xi32>
    %bitcast_convert_type3A_1378 = tpu.bitcast %sub3A_1377 : vector<16xi32> -> vector<16xf32>
    %mul3A_1379 = arith.constant 5.000000e-01 : f32
    %mul3A_1380 = vector.broadcast %mul3A_1379 : f32 to vector<16xf32>
    %mul3A_1381 = arith.mulf %mul3A_1380, %max3A_1364 : vector<16xf32>
    %mul3A_1382 = arith.mulf %mul3A_1381, %bitcast_convert_type3A_1378 : vector<16xf32>
    %mul3A_1383 = arith.mulf %mul3A_1382, %bitcast_convert_type3A_1378 : vector<16xf32>
    %sub3A_1384 = arith.constant 1.500000e+00 : f32
    %sub3A_1385 = vector.broadcast %sub3A_1384 : f32 to vector<16xf32>
    %sub3A_1386 = arith.subf %sub3A_1385, %mul3A_1383 : vector<16xf32>
    %mul3A_1387 = arith.mulf %bitcast_convert_type3A_1378, %sub3A_1386 : vector<16xf32>
    %mul3A_1388 = arith.constant 5.000000e-01 : f32
    %mul3A_1389 = vector.broadcast %mul3A_1388 : f32 to vector<16xf32>
    %mul3A_1390 = arith.mulf %mul3A_1389, %max3A_1364 : vector<16xf32>
    %mul3A_1391 = arith.mulf %mul3A_1390, %mul3A_1387 : vector<16xf32>
    %mul3A_1392 = arith.mulf %mul3A_1391, %mul3A_1387 : vector<16xf32>
    %sub3A_1393 = arith.constant 1.500000e+00 : f32
    %sub3A_1394 = vector.broadcast %sub3A_1393 : f32 to vector<16xf32>
    %sub3A_1395 = arith.subf %sub3A_1394, %mul3A_1392 : vector<16xf32>
    %mul3A_1396 = arith.mulf %mul3A_1387, %sub3A_1395 : vector<16xf32>
    %mul3A_1397 = arith.constant 5.000000e-01 : f32
    %mul3A_1398 = vector.broadcast %mul3A_1397 : f32 to vector<16xf32>
    %mul3A_1399 = arith.mulf %mul3A_1398, %max3A_1364 : vector<16xf32>
    %mul3A_1400 = arith.mulf %mul3A_1399, %mul3A_1396 : vector<16xf32>
    %mul3A_1401 = arith.mulf %mul3A_1400, %mul3A_1396 : vector<16xf32>
    %sub3A_1402 = arith.constant 1.500000e+00 : f32
    %sub3A_1403 = vector.broadcast %sub3A_1402 : f32 to vector<16xf32>
    %sub3A_1404 = arith.subf %sub3A_1403, %mul3A_1401 : vector<16xf32>
    %mul3A_1405 = arith.mulf %mul3A_1396, %sub3A_1404 : vector<16xf32>
    %bitcast_convert_type3A_1406 = tpu.bitcast %max3A_1370 : vector<16xf32> -> vector<16xi32>
    %shift_right_arithmetic3A_1407 = arith.constant 1 : i32
    %shift_right_arithmetic3A_1408 = vector.broadcast %shift_right_arithmetic3A_1407 : i32 to vector<16xi32>
    %shift_right_arithmetic3A_1409 = arith.shrsi %bitcast_convert_type3A_1406, %shift_right_arithmetic3A_1408 : vector<16xi32>
    %sub3A_1410 = arith.constant 1597463007 : i32
    %sub3A_1411 = vector.broadcast %sub3A_1410 : i32 to vector<16xi32>
    %sub3A_1412 = arith.subi %sub3A_1411, %shift_right_arithmetic3A_1409 : vector<16xi32>
    %bitcast_convert_type3A_1413 = tpu.bitcast %sub3A_1412 : vector<16xi32> -> vector<16xf32>
    %mul3A_1414 = arith.constant 5.000000e-01 : f32
    %mul3A_1415 = vector.broadcast %mul3A_1414 : f32 to vector<16xf32>
    %mul3A_1416 = arith.mulf %mul3A_1415, %max3A_1370 : vector<16xf32>
    %mul3A_1417 = arith.mulf %mul3A_1416, %bitcast_convert_type3A_1413 : vector<16xf32>
    %mul3A_1418 = arith.mulf %mul3A_1417, %bitcast_convert_type3A_1413 : vector<16xf32>
    %sub3A_1419 = arith.constant 1.500000e+00 : f32
    %sub3A_1420 = vector.broadcast %sub3A_1419 : f32 to vector<16xf32>
    %sub3A_1421 = arith.subf %sub3A_1420, %mul3A_1418 : vector<16xf32>
    %mul3A_1422 = arith.mulf %bitcast_convert_type3A_1413, %sub3A_1421 : vector<16xf32>
    %mul3A_1423 = arith.constant 5.000000e-01 : f32
    %mul3A_1424 = vector.broadcast %mul3A_1423 : f32 to vector<16xf32>
    %mul3A_1425 = arith.mulf %mul3A_1424, %max3A_1370 : vector<16xf32>
    %mul3A_1426 = arith.mulf %mul3A_1425, %mul3A_1422 : vector<16xf32>
    %mul3A_1427 = arith.mulf %mul3A_1426, %mul3A_1422 : vector<16xf32>
    %sub3A_1428 = arith.constant 1.500000e+00 : f32
    %sub3A_1429 = vector.broadcast %sub3A_1428 : f32 to vector<16xf32>
    %sub3A_1430 = arith.subf %sub3A_1429, %mul3A_1427 : vector<16xf32>
    %mul3A_1431 = arith.mulf %mul3A_1422, %sub3A_1430 : vector<16xf32>
    %mul3A_1432 = arith.constant 5.000000e-01 : f32
    %mul3A_1433 = vector.broadcast %mul3A_1432 : f32 to vector<16xf32>
    %mul3A_1434 = arith.mulf %mul3A_1433, %max3A_1370 : vector<16xf32>
    %mul3A_1435 = arith.mulf %mul3A_1434, %mul3A_1431 : vector<16xf32>
    %mul3A_1436 = arith.mulf %mul3A_1435, %mul3A_1431 : vector<16xf32>
    %sub3A_1437 = arith.constant 1.500000e+00 : f32
    %sub3A_1438 = vector.broadcast %sub3A_1437 : f32 to vector<16xf32>
    %sub3A_1439 = arith.subf %sub3A_1438, %mul3A_1436 : vector<16xf32>
    %mul3A_1440 = arith.mulf %mul3A_1431, %sub3A_1439 : vector<16xf32>
    %mul3A_1441 = arith.mulf %gather3A_1343, %gather3A_1350 : vector<16xf32>
    %mul3A_1442 = arith.mulf %gather3A_1344, %gather3A_1354 : vector<16xf32>
    %add3A_1443 = arith.addf %mul3A_1441, %mul3A_1442 : vector<16xf32>
    %mul3A_1444 = arith.mulf %mul3A_1405, %mul3A_1440 : vector<16xf32>
    %mul3A_1445 = arith.mulf %add3A_1443, %mul3A_1444 : vector<16xf32>
    %sub3A_1446 = arith.constant 1.000000e+00 : f32
    %sub3A_1447 = vector.broadcast %sub3A_1446 : f32 to vector<16xf32>
    %sub3A_1448 = arith.subf %sub3A_1447, %mul3A_1445 : vector<16xf32>
    %abs3A_1449 = math.absf %sub3A_1448 : vector<16xf32>
    %mul3A_1450 = arith.mulf %gather3A_1345, %mul3A_1405 : vector<16xf32>
    %mul3A_1451 = arith.mulf %gather3A_1358, %mul3A_1440 : vector<16xf32>
    %sub3A_1452 = arith.subf %mul3A_1450, %mul3A_1451 : vector<16xf32>
    %abs3A_1453 = math.absf %sub3A_1452 : vector<16xf32>
    %add3A_1454 = arith.constant 32 : i32
    %add3A_1455 = vector.broadcast %add3A_1454 : i32 to vector<16xi32>
    %add3A_1456 = arith.addi %add3A_1455, %iota3A : vector<16xi32>
    %lt3A_1457 = arith.constant 100 : i32
    %lt3A_1458 = vector.broadcast %lt3A_1457 : i32 to vector<16xi32>
    %lt3A_1459 = arith.cmpi slt, %add3A_1456, %lt3A_1458 : vector<16xi32>
    %jit3A_1460 = arith.constant 0.000000e+00 : f32
    %broadcast_in_dim3A_1461 = vector.broadcast %jit3A_1460 : f32 to vector<16xf32>
    %select_n3A_1462 = arith.select %lt3A_1459, %abs3A_1449, %broadcast_in_dim3A_1461 : vector<16xi1>, vector<16xf32>
    %add3A_1463 = arith.addf %add3A_1332, %select_n3A_1462 : vector<16xf32>
    %jit3A_1464 = arith.constant 0.000000e+00 : f32
    %broadcast_in_dim3A_1465 = vector.broadcast %jit3A_1464 : f32 to vector<16xf32>
    %select_n3A_1466 = arith.select %lt3A_1459, %abs3A_1453, %broadcast_in_dim3A_1465 : vector<16xi1>, vector<16xf32>
    %add3A_1467 = arith.addf %add3A_1336, %select_n3A_1466 : vector<16xf32>
    %jit3A_1468 = arith.constant 0.000000e+00 : f32
    %broadcast_in_dim3A_1469 = vector.broadcast %jit3A_1468 : f32 to vector<16xf32>
    %select_n3A_1470 = arith.select %lt3A_1459, %gather3A_1346, %broadcast_in_dim3A_1469 : vector<16xi1>, vector<16xf32>
    %add3A_1471 = arith.addf %add3A_1340, %select_n3A_1470 : vector<16xf32>
    %get3A_1472 = arith.constant 48 : index
    %get3A_1473 = tpu.vector_load %arg20[%get3A_1472] {strides = array<i32>} : memref<128xi32, #tpu.memory_space<vmem>>, vector<16xi32>,
    %gather3A_1474 = tpu.vector_load_idx %arg14[%get3A_1473] : memref<1024xf32, #tpu.memory_space<vmem>>[vector<16xi32>], vector<16xf32>,
    %gather3A_1475 = tpu.vector_load_idx %arg15[%get3A_1473] : memref<1024xf32, #tpu.memory_space<vmem>>[vector<16xi32>], vector<16xf32>,
    %gather3A_1476 = tpu.vector_load_idx %arg16[%get3A_1473] : memref<1024xf32, #tpu.memory_space<vmem>>[vector<16xi32>], vector<16xf32>,
    %gather3A_1477 = tpu.vector_load_idx %arg18[%get3A_1473] : memref<1024xf32, #tpu.memory_space<vmem>>[vector<16xi32>], vector<16xf32>,
    %add3A_1478 = arith.constant 192 : i32
    %add3A_1479 = vector.broadcast %add3A_1478 : i32 to vector<16xi32>
    %add3A_1480 = arith.addi %add3A_1479, %mul3A_5 : vector<16xi32>
    %gather3A_1481 = tpu.vector_load_idx %arg19[%add3A_1480] : memref<512xf32, #tpu.memory_space<vmem>>[vector<16xi32>], vector<16xf32>,
    %add3A_1482 = arith.constant 192 : i32
    %add3A_1483 = vector.broadcast %add3A_1482 : i32 to vector<16xi32>
    %add3A_1484 = arith.addi %add3A_1483, %add3A_8 : vector<16xi32>
    %gather3A_1485 = tpu.vector_load_idx %arg19[%add3A_1484] : memref<512xf32, #tpu.memory_space<vmem>>[vector<16xi32>], vector<16xf32>,
    %add3A_1486 = arith.constant 192 : i32
    %add3A_1487 = vector.broadcast %add3A_1486 : i32 to vector<16xi32>
    %add3A_1488 = arith.addi %add3A_1487, %add3A_11 : vector<16xi32>
    %gather3A_1489 = tpu.vector_load_idx %arg19[%add3A_1488] : memref<512xf32, #tpu.memory_space<vmem>>[vector<16xi32>], vector<16xf32>,
    %mul3A_1490 = arith.mulf %gather3A_1474, %gather3A_1474 : vector<16xf32>
    %mul3A_1491 = arith.mulf %gather3A_1475, %gather3A_1475 : vector<16xf32>
    %add3A_1492 = arith.addf %mul3A_1490, %mul3A_1491 : vector<16xf32>
    %max3A_1493 = arith.constant 1.000000e-24 : f32
    %max3A_1494 = vector.broadcast %max3A_1493 : f32 to vector<16xf32>
    %max3A_1495 = arith.maximumf %add3A_1492, %max3A_1494 : vector<16xf32>
    %mul3A_1496 = arith.mulf %gather3A_1481, %gather3A_1481 : vector<16xf32>
    %mul3A_1497 = arith.mulf %gather3A_1485, %gather3A_1485 : vector<16xf32>
    %add3A_1498 = arith.addf %mul3A_1496, %mul3A_1497 : vector<16xf32>
    %max3A_1499 = arith.constant 1.000000e-24 : f32
    %max3A_1500 = vector.broadcast %max3A_1499 : f32 to vector<16xf32>
    %max3A_1501 = arith.maximumf %add3A_1498, %max3A_1500 : vector<16xf32>
    %bitcast_convert_type3A_1502 = tpu.bitcast %max3A_1495 : vector<16xf32> -> vector<16xi32>
    %shift_right_arithmetic3A_1503 = arith.constant 1 : i32
    %shift_right_arithmetic3A_1504 = vector.broadcast %shift_right_arithmetic3A_1503 : i32 to vector<16xi32>
    %shift_right_arithmetic3A_1505 = arith.shrsi %bitcast_convert_type3A_1502, %shift_right_arithmetic3A_1504 : vector<16xi32>
    %sub3A_1506 = arith.constant 1597463007 : i32
    %sub3A_1507 = vector.broadcast %sub3A_1506 : i32 to vector<16xi32>
    %sub3A_1508 = arith.subi %sub3A_1507, %shift_right_arithmetic3A_1505 : vector<16xi32>
    %bitcast_convert_type3A_1509 = tpu.bitcast %sub3A_1508 : vector<16xi32> -> vector<16xf32>
    %mul3A_1510 = arith.constant 5.000000e-01 : f32
    %mul3A_1511 = vector.broadcast %mul3A_1510 : f32 to vector<16xf32>
    %mul3A_1512 = arith.mulf %mul3A_1511, %max3A_1495 : vector<16xf32>
    %mul3A_1513 = arith.mulf %mul3A_1512, %bitcast_convert_type3A_1509 : vector<16xf32>
    %mul3A_1514 = arith.mulf %mul3A_1513, %bitcast_convert_type3A_1509 : vector<16xf32>
    %sub3A_1515 = arith.constant 1.500000e+00 : f32
    %sub3A_1516 = vector.broadcast %sub3A_1515 : f32 to vector<16xf32>
    %sub3A_1517 = arith.subf %sub3A_1516, %mul3A_1514 : vector<16xf32>
    %mul3A_1518 = arith.mulf %bitcast_convert_type3A_1509, %sub3A_1517 : vector<16xf32>
    %mul3A_1519 = arith.constant 5.000000e-01 : f32
    %mul3A_1520 = vector.broadcast %mul3A_1519 : f32 to vector<16xf32>
    %mul3A_1521 = arith.mulf %mul3A_1520, %max3A_1495 : vector<16xf32>
    %mul3A_1522 = arith.mulf %mul3A_1521, %mul3A_1518 : vector<16xf32>
    %mul3A_1523 = arith.mulf %mul3A_1522, %mul3A_1518 : vector<16xf32>
    %sub3A_1524 = arith.constant 1.500000e+00 : f32
    %sub3A_1525 = vector.broadcast %sub3A_1524 : f32 to vector<16xf32>
    %sub3A_1526 = arith.subf %sub3A_1525, %mul3A_1523 : vector<16xf32>
    %mul3A_1527 = arith.mulf %mul3A_1518, %sub3A_1526 : vector<16xf32>
    %mul3A_1528 = arith.constant 5.000000e-01 : f32
    %mul3A_1529 = vector.broadcast %mul3A_1528 : f32 to vector<16xf32>
    %mul3A_1530 = arith.mulf %mul3A_1529, %max3A_1495 : vector<16xf32>
    %mul3A_1531 = arith.mulf %mul3A_1530, %mul3A_1527 : vector<16xf32>
    %mul3A_1532 = arith.mulf %mul3A_1531, %mul3A_1527 : vector<16xf32>
    %sub3A_1533 = arith.constant 1.500000e+00 : f32
    %sub3A_1534 = vector.broadcast %sub3A_1533 : f32 to vector<16xf32>
    %sub3A_1535 = arith.subf %sub3A_1534, %mul3A_1532 : vector<16xf32>
    %mul3A_1536 = arith.mulf %mul3A_1527, %sub3A_1535 : vector<16xf32>
    %bitcast_convert_type3A_1537 = tpu.bitcast %max3A_1501 : vector<16xf32> -> vector<16xi32>
    %shift_right_arithmetic3A_1538 = arith.constant 1 : i32
    %shift_right_arithmetic3A_1539 = vector.broadcast %shift_right_arithmetic3A_1538 : i32 to vector<16xi32>
    %shift_right_arithmetic3A_1540 = arith.shrsi %bitcast_convert_type3A_1537, %shift_right_arithmetic3A_1539 : vector<16xi32>
    %sub3A_1541 = arith.constant 1597463007 : i32
    %sub3A_1542 = vector.broadcast %sub3A_1541 : i32 to vector<16xi32>
    %sub3A_1543 = arith.subi %sub3A_1542, %shift_right_arithmetic3A_1540 : vector<16xi32>
    %bitcast_convert_type3A_1544 = tpu.bitcast %sub3A_1543 : vector<16xi32> -> vector<16xf32>
    %mul3A_1545 = arith.constant 5.000000e-01 : f32
    %mul3A_1546 = vector.broadcast %mul3A_1545 : f32 to vector<16xf32>
    %mul3A_1547 = arith.mulf %mul3A_1546, %max3A_1501 : vector<16xf32>
    %mul3A_1548 = arith.mulf %mul3A_1547, %bitcast_convert_type3A_1544 : vector<16xf32>
    %mul3A_1549 = arith.mulf %mul3A_1548, %bitcast_convert_type3A_1544 : vector<16xf32>
    %sub3A_1550 = arith.constant 1.500000e+00 : f32
    %sub3A_1551 = vector.broadcast %sub3A_1550 : f32 to vector<16xf32>
    %sub3A_1552 = arith.subf %sub3A_1551, %mul3A_1549 : vector<16xf32>
    %mul3A_1553 = arith.mulf %bitcast_convert_type3A_1544, %sub3A_1552 : vector<16xf32>
    %mul3A_1554 = arith.constant 5.000000e-01 : f32
    %mul3A_1555 = vector.broadcast %mul3A_1554 : f32 to vector<16xf32>
    %mul3A_1556 = arith.mulf %mul3A_1555, %max3A_1501 : vector<16xf32>
    %mul3A_1557 = arith.mulf %mul3A_1556, %mul3A_1553 : vector<16xf32>
    %mul3A_1558 = arith.mulf %mul3A_1557, %mul3A_1553 : vector<16xf32>
    %sub3A_1559 = arith.constant 1.500000e+00 : f32
    %sub3A_1560 = vector.broadcast %sub3A_1559 : f32 to vector<16xf32>
    %sub3A_1561 = arith.subf %sub3A_1560, %mul3A_1558 : vector<16xf32>
    %mul3A_1562 = arith.mulf %mul3A_1553, %sub3A_1561 : vector<16xf32>
    %mul3A_1563 = arith.constant 5.000000e-01 : f32
    %mul3A_1564 = vector.broadcast %mul3A_1563 : f32 to vector<16xf32>
    %mul3A_1565 = arith.mulf %mul3A_1564, %max3A_1501 : vector<16xf32>
    %mul3A_1566 = arith.mulf %mul3A_1565, %mul3A_1562 : vector<16xf32>
    %mul3A_1567 = arith.mulf %mul3A_1566, %mul3A_1562 : vector<16xf32>
    %sub3A_1568 = arith.constant 1.500000e+00 : f32
    %sub3A_1569 = vector.broadcast %sub3A_1568 : f32 to vector<16xf32>
    %sub3A_1570 = arith.subf %sub3A_1569, %mul3A_1567 : vector<16xf32>
    %mul3A_1571 = arith.mulf %mul3A_1562, %sub3A_1570 : vector<16xf32>
    %mul3A_1572 = arith.mulf %gather3A_1474, %gather3A_1481 : vector<16xf32>
    %mul3A_1573 = arith.mulf %gather3A_1475, %gather3A_1485 : vector<16xf32>
    %add3A_1574 = arith.addf %mul3A_1572, %mul3A_1573 : vector<16xf32>
    %mul3A_1575 = arith.mulf %mul3A_1536, %mul3A_1571 : vector<16xf32>
    %mul3A_1576 = arith.mulf %add3A_1574, %mul3A_1575 : vector<16xf32>
    %sub3A_1577 = arith.constant 1.000000e+00 : f32
    %sub3A_1578 = vector.broadcast %sub3A_1577 : f32 to vector<16xf32>
    %sub3A_1579 = arith.subf %sub3A_1578, %mul3A_1576 : vector<16xf32>
    %abs3A_1580 = math.absf %sub3A_1579 : vector<16xf32>
    %mul3A_1581 = arith.mulf %gather3A_1476, %mul3A_1536 : vector<16xf32>
    %mul3A_1582 = arith.mulf %gather3A_1489, %mul3A_1571 : vector<16xf32>
    %sub3A_1583 = arith.subf %mul3A_1581, %mul3A_1582 : vector<16xf32>
    %abs3A_1584 = math.absf %sub3A_1583 : vector<16xf32>
    %add3A_1585 = arith.constant 48 : i32
    %add3A_1586 = vector.broadcast %add3A_1585 : i32 to vector<16xi32>
    %add3A_1587 = arith.addi %add3A_1586, %iota3A : vector<16xi32>
    %lt3A_1588 = arith.constant 100 : i32
    %lt3A_1589 = vector.broadcast %lt3A_1588 : i32 to vector<16xi32>
    %lt3A_1590 = arith.cmpi slt, %add3A_1587, %lt3A_1589 : vector<16xi32>
    %jit3A_1591 = arith.constant 0.000000e+00 : f32
    %broadcast_in_dim3A_1592 = vector.broadcast %jit3A_1591 : f32 to vector<16xf32>
    %select_n3A_1593 = arith.select %lt3A_1590, %abs3A_1580, %broadcast_in_dim3A_1592 : vector<16xi1>, vector<16xf32>
    %add3A_1594 = arith.addf %add3A_1463, %select_n3A_1593 : vector<16xf32>
    %jit3A_1595 = arith.constant 0.000000e+00 : f32
    %broadcast_in_dim3A_1596 = vector.broadcast %jit3A_1595 : f32 to vector<16xf32>
    %select_n3A_1597 = arith.select %lt3A_1590, %abs3A_1584, %broadcast_in_dim3A_1596 : vector<16xi1>, vector<16xf32>
    %add3A_1598 = arith.addf %add3A_1467, %select_n3A_1597 : vector<16xf32>
    %jit3A_1599 = arith.constant 0.000000e+00 : f32
    %broadcast_in_dim3A_1600 = vector.broadcast %jit3A_1599 : f32 to vector<16xf32>
    %select_n3A_1601 = arith.select %lt3A_1590, %gather3A_1477, %broadcast_in_dim3A_1600 : vector<16xi1>, vector<16xf32>
    %add3A_1602 = arith.addf %add3A_1471, %select_n3A_1601 : vector<16xf32>
    %get3A_1603 = arith.constant 64 : index
    %get3A_1604 = tpu.vector_load %arg20[%get3A_1603] {strides = array<i32>} : memref<128xi32, #tpu.memory_space<vmem>>, vector<16xi32>,
    %gather3A_1605 = tpu.vector_load_idx %arg14[%get3A_1604] : memref<1024xf32, #tpu.memory_space<vmem>>[vector<16xi32>], vector<16xf32>,
    %gather3A_1606 = tpu.vector_load_idx %arg15[%get3A_1604] : memref<1024xf32, #tpu.memory_space<vmem>>[vector<16xi32>], vector<16xf32>,
    %gather3A_1607 = tpu.vector_load_idx %arg16[%get3A_1604] : memref<1024xf32, #tpu.memory_space<vmem>>[vector<16xi32>], vector<16xf32>,
    %gather3A_1608 = tpu.vector_load_idx %arg18[%get3A_1604] : memref<1024xf32, #tpu.memory_space<vmem>>[vector<16xi32>], vector<16xf32>,
    %add3A_1609 = arith.constant 256 : i32
    %add3A_1610 = vector.broadcast %add3A_1609 : i32 to vector<16xi32>
    %add3A_1611 = arith.addi %add3A_1610, %mul3A_5 : vector<16xi32>
    %gather3A_1612 = tpu.vector_load_idx %arg19[%add3A_1611] : memref<512xf32, #tpu.memory_space<vmem>>[vector<16xi32>], vector<16xf32>,
    %add3A_1613 = arith.constant 256 : i32
    %add3A_1614 = vector.broadcast %add3A_1613 : i32 to vector<16xi32>
    %add3A_1615 = arith.addi %add3A_1614, %add3A_8 : vector<16xi32>
    %gather3A_1616 = tpu.vector_load_idx %arg19[%add3A_1615] : memref<512xf32, #tpu.memory_space<vmem>>[vector<16xi32>], vector<16xf32>,
    %add3A_1617 = arith.constant 256 : i32
    %add3A_1618 = vector.broadcast %add3A_1617 : i32 to vector<16xi32>
    %add3A_1619 = arith.addi %add3A_1618, %add3A_11 : vector<16xi32>
    %gather3A_1620 = tpu.vector_load_idx %arg19[%add3A_1619] : memref<512xf32, #tpu.memory_space<vmem>>[vector<16xi32>], vector<16xf32>,
    %mul3A_1621 = arith.mulf %gather3A_1605, %gather3A_1605 : vector<16xf32>
    %mul3A_1622 = arith.mulf %gather3A_1606, %gather3A_1606 : vector<16xf32>
    %add3A_1623 = arith.addf %mul3A_1621, %mul3A_1622 : vector<16xf32>
    %max3A_1624 = arith.constant 1.000000e-24 : f32
    %max3A_1625 = vector.broadcast %max3A_1624 : f32 to vector<16xf32>
    %max3A_1626 = arith.maximumf %add3A_1623, %max3A_1625 : vector<16xf32>
    %mul3A_1627 = arith.mulf %gather3A_1612, %gather3A_1612 : vector<16xf32>
    %mul3A_1628 = arith.mulf %gather3A_1616, %gather3A_1616 : vector<16xf32>
    %add3A_1629 = arith.addf %mul3A_1627, %mul3A_1628 : vector<16xf32>
    %max3A_1630 = arith.constant 1.000000e-24 : f32
    %max3A_1631 = vector.broadcast %max3A_1630 : f32 to vector<16xf32>
    %max3A_1632 = arith.maximumf %add3A_1629, %max3A_1631 : vector<16xf32>
    %bitcast_convert_type3A_1633 = tpu.bitcast %max3A_1626 : vector<16xf32> -> vector<16xi32>
    %shift_right_arithmetic3A_1634 = arith.constant 1 : i32
    %shift_right_arithmetic3A_1635 = vector.broadcast %shift_right_arithmetic3A_1634 : i32 to vector<16xi32>
    %shift_right_arithmetic3A_1636 = arith.shrsi %bitcast_convert_type3A_1633, %shift_right_arithmetic3A_1635 : vector<16xi32>
    %sub3A_1637 = arith.constant 1597463007 : i32
    %sub3A_1638 = vector.broadcast %sub3A_1637 : i32 to vector<16xi32>
    %sub3A_1639 = arith.subi %sub3A_1638, %shift_right_arithmetic3A_1636 : vector<16xi32>
    %bitcast_convert_type3A_1640 = tpu.bitcast %sub3A_1639 : vector<16xi32> -> vector<16xf32>
    %mul3A_1641 = arith.constant 5.000000e-01 : f32
    %mul3A_1642 = vector.broadcast %mul3A_1641 : f32 to vector<16xf32>
    %mul3A_1643 = arith.mulf %mul3A_1642, %max3A_1626 : vector<16xf32>
    %mul3A_1644 = arith.mulf %mul3A_1643, %bitcast_convert_type3A_1640 : vector<16xf32>
    %mul3A_1645 = arith.mulf %mul3A_1644, %bitcast_convert_type3A_1640 : vector<16xf32>
    %sub3A_1646 = arith.constant 1.500000e+00 : f32
    %sub3A_1647 = vector.broadcast %sub3A_1646 : f32 to vector<16xf32>
    %sub3A_1648 = arith.subf %sub3A_1647, %mul3A_1645 : vector<16xf32>
    %mul3A_1649 = arith.mulf %bitcast_convert_type3A_1640, %sub3A_1648 : vector<16xf32>
    %mul3A_1650 = arith.constant 5.000000e-01 : f32
    %mul3A_1651 = vector.broadcast %mul3A_1650 : f32 to vector<16xf32>
    %mul3A_1652 = arith.mulf %mul3A_1651, %max3A_1626 : vector<16xf32>
    %mul3A_1653 = arith.mulf %mul3A_1652, %mul3A_1649 : vector<16xf32>
    %mul3A_1654 = arith.mulf %mul3A_1653, %mul3A_1649 : vector<16xf32>
    %sub3A_1655 = arith.constant 1.500000e+00 : f32
    %sub3A_1656 = vector.broadcast %sub3A_1655 : f32 to vector<16xf32>
    %sub3A_1657 = arith.subf %sub3A_1656, %mul3A_1654 : vector<16xf32>
    %mul3A_1658 = arith.mulf %mul3A_1649, %sub3A_1657 : vector<16xf32>
    %mul3A_1659 = arith.constant 5.000000e-01 : f32
    %mul3A_1660 = vector.broadcast %mul3A_1659 : f32 to vector<16xf32>
    %mul3A_1661 = arith.mulf %mul3A_1660, %max3A_1626 : vector<16xf32>
    %mul3A_1662 = arith.mulf %mul3A_1661, %mul3A_1658 : vector<16xf32>
    %mul3A_1663 = arith.mulf %mul3A_1662, %mul3A_1658 : vector<16xf32>
    %sub3A_1664 = arith.constant 1.500000e+00 : f32
    %sub3A_1665 = vector.broadcast %sub3A_1664 : f32 to vector<16xf32>
    %sub3A_1666 = arith.subf %sub3A_1665, %mul3A_1663 : vector<16xf32>
    %mul3A_1667 = arith.mulf %mul3A_1658, %sub3A_1666 : vector<16xf32>
    %bitcast_convert_type3A_1668 = tpu.bitcast %max3A_1632 : vector<16xf32> -> vector<16xi32>
    %shift_right_arithmetic3A_1669 = arith.constant 1 : i32
    %shift_right_arithmetic3A_1670 = vector.broadcast %shift_right_arithmetic3A_1669 : i32 to vector<16xi32>
    %shift_right_arithmetic3A_1671 = arith.shrsi %bitcast_convert_type3A_1668, %shift_right_arithmetic3A_1670 : vector<16xi32>
    %sub3A_1672 = arith.constant 1597463007 : i32
    %sub3A_1673 = vector.broadcast %sub3A_1672 : i32 to vector<16xi32>
    %sub3A_1674 = arith.subi %sub3A_1673, %shift_right_arithmetic3A_1671 : vector<16xi32>
    %bitcast_convert_type3A_1675 = tpu.bitcast %sub3A_1674 : vector<16xi32> -> vector<16xf32>
    %mul3A_1676 = arith.constant 5.000000e-01 : f32
    %mul3A_1677 = vector.broadcast %mul3A_1676 : f32 to vector<16xf32>
    %mul3A_1678 = arith.mulf %mul3A_1677, %max3A_1632 : vector<16xf32>
    %mul3A_1679 = arith.mulf %mul3A_1678, %bitcast_convert_type3A_1675 : vector<16xf32>
    %mul3A_1680 = arith.mulf %mul3A_1679, %bitcast_convert_type3A_1675 : vector<16xf32>
    %sub3A_1681 = arith.constant 1.500000e+00 : f32
    %sub3A_1682 = vector.broadcast %sub3A_1681 : f32 to vector<16xf32>
    %sub3A_1683 = arith.subf %sub3A_1682, %mul3A_1680 : vector<16xf32>
    %mul3A_1684 = arith.mulf %bitcast_convert_type3A_1675, %sub3A_1683 : vector<16xf32>
    %mul3A_1685 = arith.constant 5.000000e-01 : f32
    %mul3A_1686 = vector.broadcast %mul3A_1685 : f32 to vector<16xf32>
    %mul3A_1687 = arith.mulf %mul3A_1686, %max3A_1632 : vector<16xf32>
    %mul3A_1688 = arith.mulf %mul3A_1687, %mul3A_1684 : vector<16xf32>
    %mul3A_1689 = arith.mulf %mul3A_1688, %mul3A_1684 : vector<16xf32>
    %sub3A_1690 = arith.constant 1.500000e+00 : f32
    %sub3A_1691 = vector.broadcast %sub3A_1690 : f32 to vector<16xf32>
    %sub3A_1692 = arith.subf %sub3A_1691, %mul3A_1689 : vector<16xf32>
    %mul3A_1693 = arith.mulf %mul3A_1684, %sub3A_1692 : vector<16xf32>
    %mul3A_1694 = arith.constant 5.000000e-01 : f32
    %mul3A_1695 = vector.broadcast %mul3A_1694 : f32 to vector<16xf32>
    %mul3A_1696 = arith.mulf %mul3A_1695, %max3A_1632 : vector<16xf32>
    %mul3A_1697 = arith.mulf %mul3A_1696, %mul3A_1693 : vector<16xf32>
    %mul3A_1698 = arith.mulf %mul3A_1697, %mul3A_1693 : vector<16xf32>
    %sub3A_1699 = arith.constant 1.500000e+00 : f32
    %sub3A_1700 = vector.broadcast %sub3A_1699 : f32 to vector<16xf32>
    %sub3A_1701 = arith.subf %sub3A_1700, %mul3A_1698 : vector<16xf32>
    %mul3A_1702 = arith.mulf %mul3A_1693, %sub3A_1701 : vector<16xf32>
    %mul3A_1703 = arith.mulf %gather3A_1605, %gather3A_1612 : vector<16xf32>
    %mul3A_1704 = arith.mulf %gather3A_1606, %gather3A_1616 : vector<16xf32>
    %add3A_1705 = arith.addf %mul3A_1703, %mul3A_1704 : vector<16xf32>
    %mul3A_1706 = arith.mulf %mul3A_1667, %mul3A_1702 : vector<16xf32>
    %mul3A_1707 = arith.mulf %add3A_1705, %mul3A_1706 : vector<16xf32>
    %sub3A_1708 = arith.constant 1.000000e+00 : f32
    %sub3A_1709 = vector.broadcast %sub3A_1708 : f32 to vector<16xf32>
    %sub3A_1710 = arith.subf %sub3A_1709, %mul3A_1707 : vector<16xf32>
    %abs3A_1711 = math.absf %sub3A_1710 : vector<16xf32>
    %mul3A_1712 = arith.mulf %gather3A_1607, %mul3A_1667 : vector<16xf32>
    %mul3A_1713 = arith.mulf %gather3A_1620, %mul3A_1702 : vector<16xf32>
    %sub3A_1714 = arith.subf %mul3A_1712, %mul3A_1713 : vector<16xf32>
    %abs3A_1715 = math.absf %sub3A_1714 : vector<16xf32>
    %add3A_1716 = arith.constant 64 : i32
    %add3A_1717 = vector.broadcast %add3A_1716 : i32 to vector<16xi32>
    %add3A_1718 = arith.addi %add3A_1717, %iota3A : vector<16xi32>
    %lt3A_1719 = arith.constant 100 : i32
    %lt3A_1720 = vector.broadcast %lt3A_1719 : i32 to vector<16xi32>
    %lt3A_1721 = arith.cmpi slt, %add3A_1718, %lt3A_1720 : vector<16xi32>
    %jit3A_1722 = arith.constant 0.000000e+00 : f32
    %broadcast_in_dim3A_1723 = vector.broadcast %jit3A_1722 : f32 to vector<16xf32>
    %select_n3A_1724 = arith.select %lt3A_1721, %abs3A_1711, %broadcast_in_dim3A_1723 : vector<16xi1>, vector<16xf32>
    %add3A_1725 = arith.addf %add3A_1594, %select_n3A_1724 : vector<16xf32>
    %jit3A_1726 = arith.constant 0.000000e+00 : f32
    %broadcast_in_dim3A_1727 = vector.broadcast %jit3A_1726 : f32 to vector<16xf32>
    %select_n3A_1728 = arith.select %lt3A_1721, %abs3A_1715, %broadcast_in_dim3A_1727 : vector<16xi1>, vector<16xf32>
    %add3A_1729 = arith.addf %add3A_1598, %select_n3A_1728 : vector<16xf32>
    %jit3A_1730 = arith.constant 0.000000e+00 : f32
    %broadcast_in_dim3A_1731 = vector.broadcast %jit3A_1730 : f32 to vector<16xf32>
    %select_n3A_1732 = arith.select %lt3A_1721, %gather3A_1608, %broadcast_in_dim3A_1731 : vector<16xi1>, vector<16xf32>
    %add3A_1733 = arith.addf %add3A_1602, %select_n3A_1732 : vector<16xf32>
    %get3A_1734 = arith.constant 80 : index
    %get3A_1735 = tpu.vector_load %arg20[%get3A_1734] {strides = array<i32>} : memref<128xi32, #tpu.memory_space<vmem>>, vector<16xi32>,
    %gather3A_1736 = tpu.vector_load_idx %arg14[%get3A_1735] : memref<1024xf32, #tpu.memory_space<vmem>>[vector<16xi32>], vector<16xf32>,
    %gather3A_1737 = tpu.vector_load_idx %arg15[%get3A_1735] : memref<1024xf32, #tpu.memory_space<vmem>>[vector<16xi32>], vector<16xf32>,
    %gather3A_1738 = tpu.vector_load_idx %arg16[%get3A_1735] : memref<1024xf32, #tpu.memory_space<vmem>>[vector<16xi32>], vector<16xf32>,
    %gather3A_1739 = tpu.vector_load_idx %arg18[%get3A_1735] : memref<1024xf32, #tpu.memory_space<vmem>>[vector<16xi32>], vector<16xf32>,
    %add3A_1740 = arith.constant 320 : i32
    %add3A_1741 = vector.broadcast %add3A_1740 : i32 to vector<16xi32>
    %add3A_1742 = arith.addi %add3A_1741, %mul3A_5 : vector<16xi32>
    %gather3A_1743 = tpu.vector_load_idx %arg19[%add3A_1742] : memref<512xf32, #tpu.memory_space<vmem>>[vector<16xi32>], vector<16xf32>,
    %add3A_1744 = arith.constant 320 : i32
    %add3A_1745 = vector.broadcast %add3A_1744 : i32 to vector<16xi32>
    %add3A_1746 = arith.addi %add3A_1745, %add3A_8 : vector<16xi32>
    %gather3A_1747 = tpu.vector_load_idx %arg19[%add3A_1746] : memref<512xf32, #tpu.memory_space<vmem>>[vector<16xi32>], vector<16xf32>,
    %add3A_1748 = arith.constant 320 : i32
    %add3A_1749 = vector.broadcast %add3A_1748 : i32 to vector<16xi32>
    %add3A_1750 = arith.addi %add3A_1749, %add3A_11 : vector<16xi32>
    %gather3A_1751 = tpu.vector_load_idx %arg19[%add3A_1750] : memref<512xf32, #tpu.memory_space<vmem>>[vector<16xi32>], vector<16xf32>,
    %mul3A_1752 = arith.mulf %gather3A_1736, %gather3A_1736 : vector<16xf32>
    %mul3A_1753 = arith.mulf %gather3A_1737, %gather3A_1737 : vector<16xf32>
    %add3A_1754 = arith.addf %mul3A_1752, %mul3A_1753 : vector<16xf32>
    %max3A_1755 = arith.constant 1.000000e-24 : f32
    %max3A_1756 = vector.broadcast %max3A_1755 : f32 to vector<16xf32>
    %max3A_1757 = arith.maximumf %add3A_1754, %max3A_1756 : vector<16xf32>
    %mul3A_1758 = arith.mulf %gather3A_1743, %gather3A_1743 : vector<16xf32>
    %mul3A_1759 = arith.mulf %gather3A_1747, %gather3A_1747 : vector<16xf32>
    %add3A_1760 = arith.addf %mul3A_1758, %mul3A_1759 : vector<16xf32>
    %max3A_1761 = arith.constant 1.000000e-24 : f32
    %max3A_1762 = vector.broadcast %max3A_1761 : f32 to vector<16xf32>
    %max3A_1763 = arith.maximumf %add3A_1760, %max3A_1762 : vector<16xf32>
    %bitcast_convert_type3A_1764 = tpu.bitcast %max3A_1757 : vector<16xf32> -> vector<16xi32>
    %shift_right_arithmetic3A_1765 = arith.constant 1 : i32
    %shift_right_arithmetic3A_1766 = vector.broadcast %shift_right_arithmetic3A_1765 : i32 to vector<16xi32>
    %shift_right_arithmetic3A_1767 = arith.shrsi %bitcast_convert_type3A_1764, %shift_right_arithmetic3A_1766 : vector<16xi32>
    %sub3A_1768 = arith.constant 1597463007 : i32
    %sub3A_1769 = vector.broadcast %sub3A_1768 : i32 to vector<16xi32>
    %sub3A_1770 = arith.subi %sub3A_1769, %shift_right_arithmetic3A_1767 : vector<16xi32>
    %bitcast_convert_type3A_1771 = tpu.bitcast %sub3A_1770 : vector<16xi32> -> vector<16xf32>
    %mul3A_1772 = arith.constant 5.000000e-01 : f32
    %mul3A_1773 = vector.broadcast %mul3A_1772 : f32 to vector<16xf32>
    %mul3A_1774 = arith.mulf %mul3A_1773, %max3A_1757 : vector<16xf32>
    %mul3A_1775 = arith.mulf %mul3A_1774, %bitcast_convert_type3A_1771 : vector<16xf32>
    %mul3A_1776 = arith.mulf %mul3A_1775, %bitcast_convert_type3A_1771 : vector<16xf32>
    %sub3A_1777 = arith.constant 1.500000e+00 : f32
    %sub3A_1778 = vector.broadcast %sub3A_1777 : f32 to vector<16xf32>
    %sub3A_1779 = arith.subf %sub3A_1778, %mul3A_1776 : vector<16xf32>
    %mul3A_1780 = arith.mulf %bitcast_convert_type3A_1771, %sub3A_1779 : vector<16xf32>
    %mul3A_1781 = arith.constant 5.000000e-01 : f32
    %mul3A_1782 = vector.broadcast %mul3A_1781 : f32 to vector<16xf32>
    %mul3A_1783 = arith.mulf %mul3A_1782, %max3A_1757 : vector<16xf32>
    %mul3A_1784 = arith.mulf %mul3A_1783, %mul3A_1780 : vector<16xf32>
    %mul3A_1785 = arith.mulf %mul3A_1784, %mul3A_1780 : vector<16xf32>
    %sub3A_1786 = arith.constant 1.500000e+00 : f32
    %sub3A_1787 = vector.broadcast %sub3A_1786 : f32 to vector<16xf32>
    %sub3A_1788 = arith.subf %sub3A_1787, %mul3A_1785 : vector<16xf32>
    %mul3A_1789 = arith.mulf %mul3A_1780, %sub3A_1788 : vector<16xf32>
    %mul3A_1790 = arith.constant 5.000000e-01 : f32
    %mul3A_1791 = vector.broadcast %mul3A_1790 : f32 to vector<16xf32>
    %mul3A_1792 = arith.mulf %mul3A_1791, %max3A_1757 : vector<16xf32>
    %mul3A_1793 = arith.mulf %mul3A_1792, %mul3A_1789 : vector<16xf32>
    %mul3A_1794 = arith.mulf %mul3A_1793, %mul3A_1789 : vector<16xf32>
    %sub3A_1795 = arith.constant 1.500000e+00 : f32
    %sub3A_1796 = vector.broadcast %sub3A_1795 : f32 to vector<16xf32>
    %sub3A_1797 = arith.subf %sub3A_1796, %mul3A_1794 : vector<16xf32>
    %mul3A_1798 = arith.mulf %mul3A_1789, %sub3A_1797 : vector<16xf32>
    %bitcast_convert_type3A_1799 = tpu.bitcast %max3A_1763 : vector<16xf32> -> vector<16xi32>
    %shift_right_arithmetic3A_1800 = arith.constant 1 : i32
    %shift_right_arithmetic3A_1801 = vector.broadcast %shift_right_arithmetic3A_1800 : i32 to vector<16xi32>
    %shift_right_arithmetic3A_1802 = arith.shrsi %bitcast_convert_type3A_1799, %shift_right_arithmetic3A_1801 : vector<16xi32>
    %sub3A_1803 = arith.constant 1597463007 : i32
    %sub3A_1804 = vector.broadcast %sub3A_1803 : i32 to vector<16xi32>
    %sub3A_1805 = arith.subi %sub3A_1804, %shift_right_arithmetic3A_1802 : vector<16xi32>
    %bitcast_convert_type3A_1806 = tpu.bitcast %sub3A_1805 : vector<16xi32> -> vector<16xf32>
    %mul3A_1807 = arith.constant 5.000000e-01 : f32
    %mul3A_1808 = vector.broadcast %mul3A_1807 : f32 to vector<16xf32>
    %mul3A_1809 = arith.mulf %mul3A_1808, %max3A_1763 : vector<16xf32>
    %mul3A_1810 = arith.mulf %mul3A_1809, %bitcast_convert_type3A_1806 : vector<16xf32>
    %mul3A_1811 = arith.mulf %mul3A_1810, %bitcast_convert_type3A_1806 : vector<16xf32>
    %sub3A_1812 = arith.constant 1.500000e+00 : f32
    %sub3A_1813 = vector.broadcast %sub3A_1812 : f32 to vector<16xf32>
    %sub3A_1814 = arith.subf %sub3A_1813, %mul3A_1811 : vector<16xf32>
    %mul3A_1815 = arith.mulf %bitcast_convert_type3A_1806, %sub3A_1814 : vector<16xf32>
    %mul3A_1816 = arith.constant 5.000000e-01 : f32
    %mul3A_1817 = vector.broadcast %mul3A_1816 : f32 to vector<16xf32>
    %mul3A_1818 = arith.mulf %mul3A_1817, %max3A_1763 : vector<16xf32>
    %mul3A_1819 = arith.mulf %mul3A_1818, %mul3A_1815 : vector<16xf32>
    %mul3A_1820 = arith.mulf %mul3A_1819, %mul3A_1815 : vector<16xf32>
    %sub3A_1821 = arith.constant 1.500000e+00 : f32
    %sub3A_1822 = vector.broadcast %sub3A_1821 : f32 to vector<16xf32>
    %sub3A_1823 = arith.subf %sub3A_1822, %mul3A_1820 : vector<16xf32>
    %mul3A_1824 = arith.mulf %mul3A_1815, %sub3A_1823 : vector<16xf32>
    %mul3A_1825 = arith.constant 5.000000e-01 : f32
    %mul3A_1826 = vector.broadcast %mul3A_1825 : f32 to vector<16xf32>
    %mul3A_1827 = arith.mulf %mul3A_1826, %max3A_1763 : vector<16xf32>
    %mul3A_1828 = arith.mulf %mul3A_1827, %mul3A_1824 : vector<16xf32>
    %mul3A_1829 = arith.mulf %mul3A_1828, %mul3A_1824 : vector<16xf32>
    %sub3A_1830 = arith.constant 1.500000e+00 : f32
    %sub3A_1831 = vector.broadcast %sub3A_1830 : f32 to vector<16xf32>
    %sub3A_1832 = arith.subf %sub3A_1831, %mul3A_1829 : vector<16xf32>
    %mul3A_1833 = arith.mulf %mul3A_1824, %sub3A_1832 : vector<16xf32>
    %mul3A_1834 = arith.mulf %gather3A_1736, %gather3A_1743 : vector<16xf32>
    %mul3A_1835 = arith.mulf %gather3A_1737, %gather3A_1747 : vector<16xf32>
    %add3A_1836 = arith.addf %mul3A_1834, %mul3A_1835 : vector<16xf32>
    %mul3A_1837 = arith.mulf %mul3A_1798, %mul3A_1833 : vector<16xf32>
    %mul3A_1838 = arith.mulf %add3A_1836, %mul3A_1837 : vector<16xf32>
    %sub3A_1839 = arith.constant 1.000000e+00 : f32
    %sub3A_1840 = vector.broadcast %sub3A_1839 : f32 to vector<16xf32>
    %sub3A_1841 = arith.subf %sub3A_1840, %mul3A_1838 : vector<16xf32>
    %abs3A_1842 = math.absf %sub3A_1841 : vector<16xf32>
    %mul3A_1843 = arith.mulf %gather3A_1738, %mul3A_1798 : vector<16xf32>
    %mul3A_1844 = arith.mulf %gather3A_1751, %mul3A_1833 : vector<16xf32>
    %sub3A_1845 = arith.subf %mul3A_1843, %mul3A_1844 : vector<16xf32>
    %abs3A_1846 = math.absf %sub3A_1845 : vector<16xf32>
    %add3A_1847 = arith.constant 80 : i32
    %add3A_1848 = vector.broadcast %add3A_1847 : i32 to vector<16xi32>
    %add3A_1849 = arith.addi %add3A_1848, %iota3A : vector<16xi32>
    %lt3A_1850 = arith.constant 100 : i32
    %lt3A_1851 = vector.broadcast %lt3A_1850 : i32 to vector<16xi32>
    %lt3A_1852 = arith.cmpi slt, %add3A_1849, %lt3A_1851 : vector<16xi32>
    %jit3A_1853 = arith.constant 0.000000e+00 : f32
    %broadcast_in_dim3A_1854 = vector.broadcast %jit3A_1853 : f32 to vector<16xf32>
    %select_n3A_1855 = arith.select %lt3A_1852, %abs3A_1842, %broadcast_in_dim3A_1854 : vector<16xi1>, vector<16xf32>
    %add3A_1856 = arith.addf %add3A_1725, %select_n3A_1855 : vector<16xf32>
    %jit3A_1857 = arith.constant 0.000000e+00 : f32
    %broadcast_in_dim3A_1858 = vector.broadcast %jit3A_1857 : f32 to vector<16xf32>
    %select_n3A_1859 = arith.select %lt3A_1852, %abs3A_1846, %broadcast_in_dim3A_1858 : vector<16xi1>, vector<16xf32>
    %add3A_1860 = arith.addf %add3A_1729, %select_n3A_1859 : vector<16xf32>
    %jit3A_1861 = arith.constant 0.000000e+00 : f32
    %broadcast_in_dim3A_1862 = vector.broadcast %jit3A_1861 : f32 to vector<16xf32>
    %select_n3A_1863 = arith.select %lt3A_1852, %gather3A_1739, %broadcast_in_dim3A_1862 : vector<16xi1>, vector<16xf32>
    %add3A_1864 = arith.addf %add3A_1733, %select_n3A_1863 : vector<16xf32>
    %get3A_1865 = arith.constant 96 : index
    %get3A_1866 = tpu.vector_load %arg20[%get3A_1865] {strides = array<i32>} : memref<128xi32, #tpu.memory_space<vmem>>, vector<16xi32>,
    %gather3A_1867 = tpu.vector_load_idx %arg14[%get3A_1866] : memref<1024xf32, #tpu.memory_space<vmem>>[vector<16xi32>], vector<16xf32>,
    %gather3A_1868 = tpu.vector_load_idx %arg15[%get3A_1866] : memref<1024xf32, #tpu.memory_space<vmem>>[vector<16xi32>], vector<16xf32>,
    %gather3A_1869 = tpu.vector_load_idx %arg16[%get3A_1866] : memref<1024xf32, #tpu.memory_space<vmem>>[vector<16xi32>], vector<16xf32>,
    %gather3A_1870 = tpu.vector_load_idx %arg18[%get3A_1866] : memref<1024xf32, #tpu.memory_space<vmem>>[vector<16xi32>], vector<16xf32>,
    %add3A_1871 = arith.constant 384 : i32
    %add3A_1872 = vector.broadcast %add3A_1871 : i32 to vector<16xi32>
    %add3A_1873 = arith.addi %add3A_1872, %mul3A_5 : vector<16xi32>
    %gather3A_1874 = tpu.vector_load_idx %arg19[%add3A_1873] : memref<512xf32, #tpu.memory_space<vmem>>[vector<16xi32>], vector<16xf32>,
    %add3A_1875 = arith.constant 384 : i32
    %add3A_1876 = vector.broadcast %add3A_1875 : i32 to vector<16xi32>
    %add3A_1877 = arith.addi %add3A_1876, %add3A_8 : vector<16xi32>
    %gather3A_1878 = tpu.vector_load_idx %arg19[%add3A_1877] : memref<512xf32, #tpu.memory_space<vmem>>[vector<16xi32>], vector<16xf32>,
    %add3A_1879 = arith.constant 384 : i32
    %add3A_1880 = vector.broadcast %add3A_1879 : i32 to vector<16xi32>
    %add3A_1881 = arith.addi %add3A_1880, %add3A_11 : vector<16xi32>
    %gather3A_1882 = tpu.vector_load_idx %arg19[%add3A_1881] : memref<512xf32, #tpu.memory_space<vmem>>[vector<16xi32>], vector<16xf32>,
    %mul3A_1883 = arith.mulf %gather3A_1867, %gather3A_1867 : vector<16xf32>
    %mul3A_1884 = arith.mulf %gather3A_1868, %gather3A_1868 : vector<16xf32>
    %add3A_1885 = arith.addf %mul3A_1883, %mul3A_1884 : vector<16xf32>
    %max3A_1886 = arith.constant 1.000000e-24 : f32
    %max3A_1887 = vector.broadcast %max3A_1886 : f32 to vector<16xf32>
    %max3A_1888 = arith.maximumf %add3A_1885, %max3A_1887 : vector<16xf32>
    %mul3A_1889 = arith.mulf %gather3A_1874, %gather3A_1874 : vector<16xf32>
    %mul3A_1890 = arith.mulf %gather3A_1878, %gather3A_1878 : vector<16xf32>
    %add3A_1891 = arith.addf %mul3A_1889, %mul3A_1890 : vector<16xf32>
    %max3A_1892 = arith.constant 1.000000e-24 : f32
    %max3A_1893 = vector.broadcast %max3A_1892 : f32 to vector<16xf32>
    %max3A_1894 = arith.maximumf %add3A_1891, %max3A_1893 : vector<16xf32>
    %bitcast_convert_type3A_1895 = tpu.bitcast %max3A_1888 : vector<16xf32> -> vector<16xi32>
    %shift_right_arithmetic3A_1896 = arith.constant 1 : i32
    %shift_right_arithmetic3A_1897 = vector.broadcast %shift_right_arithmetic3A_1896 : i32 to vector<16xi32>
    %shift_right_arithmetic3A_1898 = arith.shrsi %bitcast_convert_type3A_1895, %shift_right_arithmetic3A_1897 : vector<16xi32>
    %sub3A_1899 = arith.constant 1597463007 : i32
    %sub3A_1900 = vector.broadcast %sub3A_1899 : i32 to vector<16xi32>
    %sub3A_1901 = arith.subi %sub3A_1900, %shift_right_arithmetic3A_1898 : vector<16xi32>
    %bitcast_convert_type3A_1902 = tpu.bitcast %sub3A_1901 : vector<16xi32> -> vector<16xf32>
    %mul3A_1903 = arith.constant 5.000000e-01 : f32
    %mul3A_1904 = vector.broadcast %mul3A_1903 : f32 to vector<16xf32>
    %mul3A_1905 = arith.mulf %mul3A_1904, %max3A_1888 : vector<16xf32>
    %mul3A_1906 = arith.mulf %mul3A_1905, %bitcast_convert_type3A_1902 : vector<16xf32>
    %mul3A_1907 = arith.mulf %mul3A_1906, %bitcast_convert_type3A_1902 : vector<16xf32>
    %sub3A_1908 = arith.constant 1.500000e+00 : f32
    %sub3A_1909 = vector.broadcast %sub3A_1908 : f32 to vector<16xf32>
    %sub3A_1910 = arith.subf %sub3A_1909, %mul3A_1907 : vector<16xf32>
    %mul3A_1911 = arith.mulf %bitcast_convert_type3A_1902, %sub3A_1910 : vector<16xf32>
    %mul3A_1912 = arith.constant 5.000000e-01 : f32
    %mul3A_1913 = vector.broadcast %mul3A_1912 : f32 to vector<16xf32>
    %mul3A_1914 = arith.mulf %mul3A_1913, %max3A_1888 : vector<16xf32>
    %mul3A_1915 = arith.mulf %mul3A_1914, %mul3A_1911 : vector<16xf32>
    %mul3A_1916 = arith.mulf %mul3A_1915, %mul3A_1911 : vector<16xf32>
    %sub3A_1917 = arith.constant 1.500000e+00 : f32
    %sub3A_1918 = vector.broadcast %sub3A_1917 : f32 to vector<16xf32>
    %sub3A_1919 = arith.subf %sub3A_1918, %mul3A_1916 : vector<16xf32>
    %mul3A_1920 = arith.mulf %mul3A_1911, %sub3A_1919 : vector<16xf32>
    %mul3A_1921 = arith.constant 5.000000e-01 : f32
    %mul3A_1922 = vector.broadcast %mul3A_1921 : f32 to vector<16xf32>
    %mul3A_1923 = arith.mulf %mul3A_1922, %max3A_1888 : vector<16xf32>
    %mul3A_1924 = arith.mulf %mul3A_1923, %mul3A_1920 : vector<16xf32>
    %mul3A_1925 = arith.mulf %mul3A_1924, %mul3A_1920 : vector<16xf32>
    %sub3A_1926 = arith.constant 1.500000e+00 : f32
    %sub3A_1927 = vector.broadcast %sub3A_1926 : f32 to vector<16xf32>
    %sub3A_1928 = arith.subf %sub3A_1927, %mul3A_1925 : vector<16xf32>
    %mul3A_1929 = arith.mulf %mul3A_1920, %sub3A_1928 : vector<16xf32>
    %bitcast_convert_type3A_1930 = tpu.bitcast %max3A_1894 : vector<16xf32> -> vector<16xi32>
    %shift_right_arithmetic3A_1931 = arith.constant 1 : i32
    %shift_right_arithmetic3A_1932 = vector.broadcast %shift_right_arithmetic3A_1931 : i32 to vector<16xi32>
    %shift_right_arithmetic3A_1933 = arith.shrsi %bitcast_convert_type3A_1930, %shift_right_arithmetic3A_1932 : vector<16xi32>
    %sub3A_1934 = arith.constant 1597463007 : i32
    %sub3A_1935 = vector.broadcast %sub3A_1934 : i32 to vector<16xi32>
    %sub3A_1936 = arith.subi %sub3A_1935, %shift_right_arithmetic3A_1933 : vector<16xi32>
    %bitcast_convert_type3A_1937 = tpu.bitcast %sub3A_1936 : vector<16xi32> -> vector<16xf32>
    %mul3A_1938 = arith.constant 5.000000e-01 : f32
    %mul3A_1939 = vector.broadcast %mul3A_1938 : f32 to vector<16xf32>
    %mul3A_1940 = arith.mulf %mul3A_1939, %max3A_1894 : vector<16xf32>
    %mul3A_1941 = arith.mulf %mul3A_1940, %bitcast_convert_type3A_1937 : vector<16xf32>
    %mul3A_1942 = arith.mulf %mul3A_1941, %bitcast_convert_type3A_1937 : vector<16xf32>
    %sub3A_1943 = arith.constant 1.500000e+00 : f32
    %sub3A_1944 = vector.broadcast %sub3A_1943 : f32 to vector<16xf32>
    %sub3A_1945 = arith.subf %sub3A_1944, %mul3A_1942 : vector<16xf32>
    %mul3A_1946 = arith.mulf %bitcast_convert_type3A_1937, %sub3A_1945 : vector<16xf32>
    %mul3A_1947 = arith.constant 5.000000e-01 : f32
    %mul3A_1948 = vector.broadcast %mul3A_1947 : f32 to vector<16xf32>
    %mul3A_1949 = arith.mulf %mul3A_1948, %max3A_1894 : vector<16xf32>
    %mul3A_1950 = arith.mulf %mul3A_1949, %mul3A_1946 : vector<16xf32>
    %mul3A_1951 = arith.mulf %mul3A_1950, %mul3A_1946 : vector<16xf32>
    %sub3A_1952 = arith.constant 1.500000e+00 : f32
    %sub3A_1953 = vector.broadcast %sub3A_1952 : f32 to vector<16xf32>
    %sub3A_1954 = arith.subf %sub3A_1953, %mul3A_1951 : vector<16xf32>
    %mul3A_1955 = arith.mulf %mul3A_1946, %sub3A_1954 : vector<16xf32>
    %mul3A_1956 = arith.constant 5.000000e-01 : f32
    %mul3A_1957 = vector.broadcast %mul3A_1956 : f32 to vector<16xf32>
    %mul3A_1958 = arith.mulf %mul3A_1957, %max3A_1894 : vector<16xf32>
    %mul3A_1959 = arith.mulf %mul3A_1958, %mul3A_1955 : vector<16xf32>
    %mul3A_1960 = arith.mulf %mul3A_1959, %mul3A_1955 : vector<16xf32>
    %sub3A_1961 = arith.constant 1.500000e+00 : f32
    %sub3A_1962 = vector.broadcast %sub3A_1961 : f32 to vector<16xf32>
    %sub3A_1963 = arith.subf %sub3A_1962, %mul3A_1960 : vector<16xf32>
    %mul3A_1964 = arith.mulf %mul3A_1955, %sub3A_1963 : vector<16xf32>
    %mul3A_1965 = arith.mulf %gather3A_1867, %gather3A_1874 : vector<16xf32>
    %mul3A_1966 = arith.mulf %gather3A_1868, %gather3A_1878 : vector<16xf32>
    %add3A_1967 = arith.addf %mul3A_1965, %mul3A_1966 : vector<16xf32>
    %mul3A_1968 = arith.mulf %mul3A_1929, %mul3A_1964 : vector<16xf32>
    %mul3A_1969 = arith.mulf %add3A_1967, %mul3A_1968 : vector<16xf32>
    %sub3A_1970 = arith.constant 1.000000e+00 : f32
    %sub3A_1971 = vector.broadcast %sub3A_1970 : f32 to vector<16xf32>
    %sub3A_1972 = arith.subf %sub3A_1971, %mul3A_1969 : vector<16xf32>
    %abs3A_1973 = math.absf %sub3A_1972 : vector<16xf32>
    %mul3A_1974 = arith.mulf %gather3A_1869, %mul3A_1929 : vector<16xf32>
    %mul3A_1975 = arith.mulf %gather3A_1882, %mul3A_1964 : vector<16xf32>
    %sub3A_1976 = arith.subf %mul3A_1974, %mul3A_1975 : vector<16xf32>
    %abs3A_1977 = math.absf %sub3A_1976 : vector<16xf32>
    %add3A_1978 = arith.constant 96 : i32
    %add3A_1979 = vector.broadcast %add3A_1978 : i32 to vector<16xi32>
    %add3A_1980 = arith.addi %add3A_1979, %iota3A : vector<16xi32>
    %lt3A_1981 = arith.constant 100 : i32
    %lt3A_1982 = vector.broadcast %lt3A_1981 : i32 to vector<16xi32>
    %lt3A_1983 = arith.cmpi slt, %add3A_1980, %lt3A_1982 : vector<16xi32>
    %jit3A_1984 = arith.constant 0.000000e+00 : f32
    %broadcast_in_dim3A_1985 = vector.broadcast %jit3A_1984 : f32 to vector<16xf32>
    %select_n3A_1986 = arith.select %lt3A_1983, %abs3A_1973, %broadcast_in_dim3A_1985 : vector<16xi1>, vector<16xf32>
    %add3A_1987 = arith.addf %add3A_1856, %select_n3A_1986 : vector<16xf32>
    %jit3A_1988 = arith.constant 0.000000e+00 : f32
    %broadcast_in_dim3A_1989 = vector.broadcast %jit3A_1988 : f32 to vector<16xf32>
    %select_n3A_1990 = arith.select %lt3A_1983, %abs3A_1977, %broadcast_in_dim3A_1989 : vector<16xi1>, vector<16xf32>
    %add3A_1991 = arith.addf %add3A_1860, %select_n3A_1990 : vector<16xf32>
    %jit3A_1992 = arith.constant 0.000000e+00 : f32
    %broadcast_in_dim3A_1993 = vector.broadcast %jit3A_1992 : f32 to vector<16xf32>
    %select_n3A_1994 = arith.select %lt3A_1983, %gather3A_1870, %broadcast_in_dim3A_1993 : vector<16xi1>, vector<16xf32>
    %add3A_1995 = arith.addf %add3A_1864, %select_n3A_1994 : vector<16xf32>
    %reduce_sum3A_1996 = arith.constant true
    %reduce_sum3A_1997 = vector.broadcast %reduce_sum3A_1996 : i1 to vector<16xi1>
    %reduce_sum3A_1998 = tpu.scan <sum>, %add3A_1987 masked %reduce_sum3A_1997 : vector<16xf32>, vector<16xi1> -> vector<16xf32>
    %reduce_sum3A_1999 = vector.extract %reduce_sum3A_1998[15] : f32 from vector<16xf32>
    %reduce_sum3A_2000 = arith.constant true
    %reduce_sum3A_2001 = vector.broadcast %reduce_sum3A_2000 : i1 to vector<16xi1>
    %reduce_sum3A_2002 = tpu.scan <sum>, %add3A_1991 masked %reduce_sum3A_2001 : vector<16xf32>, vector<16xi1> -> vector<16xf32>
    %reduce_sum3A_2003 = vector.extract %reduce_sum3A_2002[15] : f32 from vector<16xf32>
    %reduce_sum3A_2004 = arith.constant true
    %reduce_sum3A_2005 = vector.broadcast %reduce_sum3A_2004 : i1 to vector<16xi1>
    %reduce_sum3A_2006 = tpu.scan <sum>, %add3A_1995 masked %reduce_sum3A_2005 : vector<16xf32>, vector<16xi1> -> vector<16xf32>
    %reduce_sum3A_2007 = vector.extract %reduce_sum3A_2006[15] : f32 from vector<16xf32>
    %eq3A_2008 = arith.constant 0 : i32
    %eq3A_2009 = vector.broadcast %eq3A_2008 : i32 to vector<16xi32>
    %eq3A_2010 = arith.cmpi eq, %iota3A, %eq3A_2009 : vector<16xi32>
    %jit3A_2011 = arith.constant 0.000000e+00 : f32
    %broadcast_in_dim3A_2012 = vector.broadcast %reduce_sum3A_1999 : f32 to vector<16xf32>
    %broadcast_in_dim3A_2013 = vector.broadcast %jit3A_2011 : f32 to vector<16xf32>
    %select_n3A_2014 = arith.select %eq3A_2010, %broadcast_in_dim3A_2012, %broadcast_in_dim3A_2013 : vector<16xi1>, vector<16xf32>
    %eq3A_2015 = arith.constant 1 : i32
    %eq3A_2016 = vector.broadcast %eq3A_2015 : i32 to vector<16xi32>
    %eq3A_2017 = arith.cmpi eq, %iota3A, %eq3A_2016 : vector<16xi32>
    %jit3A_2018 = arith.constant 0.000000e+00 : f32
    %broadcast_in_dim3A_2019 = vector.broadcast %reduce_sum3A_2003 : f32 to vector<16xf32>
    %broadcast_in_dim3A_2020 = vector.broadcast %jit3A_2018 : f32 to vector<16xf32>
    %select_n3A_2021 = arith.select %eq3A_2017, %broadcast_in_dim3A_2019, %broadcast_in_dim3A_2020 : vector<16xi1>, vector<16xf32>
    %add3A_2022 = arith.addf %select_n3A_2014, %select_n3A_2021 : vector<16xf32>
    %eq3A_2023 = arith.constant 2 : i32
    %eq3A_2024 = vector.broadcast %eq3A_2023 : i32 to vector<16xi32>
    %eq3A_2025 = arith.cmpi eq, %iota3A, %eq3A_2024 : vector<16xi32>
    %jit3A_2026 = arith.constant 0.000000e+00 : f32
    %broadcast_in_dim3A_2027 = vector.broadcast %reduce_sum3A_2007 : f32 to vector<16xf32>
    %broadcast_in_dim3A_2028 = vector.broadcast %jit3A_2026 : f32 to vector<16xf32>
    %select_n3A_2029 = arith.select %eq3A_2025, %broadcast_in_dim3A_2027, %broadcast_in_dim3A_2028 : vector<16xi1>, vector<16xf32>
    %add3A_2030 = arith.addf %add3A_2022, %select_n3A_2029 : vector<16xf32>
    %swap3A_2031 = arith.constant 0 : index
    %swap3A_2032 = tpu.vector_load %arg22[%swap3A_2031] {strides = array<i32>} : memref<16xf32, #tpu.memory_space<vmem>>, vector<16xf32>,
    tpu.vector_store %arg22[%swap3A_2031], %add3A_2030 {strides = array<i32>} : memref<16xf32, #tpu.memory_space<vmem>>, vector<16xf32>,
    "tpu.region"() ({
      %run_scoped3A = tpu.sem_alloc : memref<!tpu.dma_semaphore, #tpu.memory_space<semaphore_mem>>
      %dma_start3A_2033 = arith.constant 0 : i32
      %dma_start3A_2034 = tpu.memref_slice %arg5[%add3A_1072, %dma_start3A_2033] : memref<64x16xf32, #tpu.memory_space<hbm>> -> memref<1x16xf32, #tpu.memory_space<hbm>>
      %dma_start3A_2035 = tpu.memref_squeeze %dma_start3A_2034 : memref<1x16xf32, #tpu.memory_space<hbm>> -> memref<16xf32, #tpu.memory_space<hbm>>
      %dma_start3A_2036 = arith.constant 0 : i32
      %dma_start3A_2037 = tpu.memref_slice %arg5[%add3A_1072, %dma_start3A_2036] : memref<64x16xf32, #tpu.memory_space<hbm>> -> memref<1x16xf32, #tpu.memory_space<hbm>>
      %dma_start3A_2038 = tpu.memref_squeeze %dma_start3A_2037 : memref<1x16xf32, #tpu.memory_space<hbm>> -> memref<16xf32, #tpu.memory_space<hbm>>
      tpu.enqueue_dma source(%arg22 : memref<16xf32, #tpu.memory_space<vmem>>) target(%dma_start3A_2038 : memref<16xf32, #tpu.memory_space<hbm>>) target_semaphore(%run_scoped3A : memref<!tpu.dma_semaphore, #tpu.memory_space<semaphore_mem>>)
      %dma_wait3A_2039 = arith.constant 0 : i32
      %dma_wait3A_2040 = tpu.memref_slice %arg5[%add3A_1072, %dma_wait3A_2039] : memref<64x16xf32, #tpu.memory_space<hbm>> -> memref<1x16xf32, #tpu.memory_space<hbm>>
      %dma_wait3A_2041 = tpu.memref_squeeze %dma_wait3A_2040 : memref<1x16xf32, #tpu.memory_space<hbm>> -> memref<16xf32, #tpu.memory_space<hbm>>
      %dma_wait3A_2042 = arith.constant 0 : i32
      %dma_wait3A_2043 = tpu.memref_slice %arg5[%add3A_1072, %dma_wait3A_2042] : memref<64x16xf32, #tpu.memory_space<hbm>> -> memref<1x16xf32, #tpu.memory_space<hbm>>
      %dma_wait3A_2044 = tpu.memref_squeeze %dma_wait3A_2043 : memref<1x16xf32, #tpu.memory_space<hbm>> -> memref<16xf32, #tpu.memory_space<hbm>>
      tpu.wait_dma2 semaphore(%run_scoped3A : memref<!tpu.dma_semaphore, #tpu.memory_space<semaphore_mem>>) src(%arg22 : memref<16xf32, #tpu.memory_space<vmem>>) dst(%dma_wait3A_2044 : memref<16xf32, #tpu.memory_space<hbm>>)
      tpu.yield
    }) : () -> ()
    return
  }
}

module attributes {stable_mosaic.version = 14 : i64} {
  func.func @body(%arg0: memref<64x1000xf32, #tpu.memory_space<vmem>>, %arg1: memref<64x16xf32, #tpu.memory_space<vmem>>, %arg2: memref<1x1xf32, #tpu.memory_space<smem>>) attributes {dimension_semantics = [], scalar_prefetch = 0 : i64, scratch_operands = 0 : i64, tpu.core_type = #tpu.core_type<tc>} {
    %get3A = arith.constant 0 : index
    %get3A_0 = arith.constant 0 : index
    %get3A_1 = vector.load %arg0[%get3A, %get3A_0] : memref<64x1000xf32, #tpu.memory_space<vmem>>, vector<64x1000xf32>
    %max3A = arith.constant 0.000000e+00 : f32
    %max3A_2 = vector.broadcast %max3A : f32 to vector<64x1000xf32>
    %max3A_3 = arith.maximumf %get3A_1, %max3A_2 : vector<64x1000xf32>
    %abs3A = math.absf %get3A_1 : vector<64x1000xf32>
    %neg3A = arith.constant 0.000000e+00 : f32
    %neg3A_4 = vector.broadcast %neg3A : f32 to vector<64x1000xf32>
    %neg3A_5 = arith.subf %neg3A_4, %abs3A : vector<64x1000xf32>
    %exp3A = math.exp %neg3A_5 : vector<64x1000xf32>
    %log1p3A = math.log1p %exp3A : vector<64x1000xf32>
    %add3A = arith.addf %max3A_3, %log1p3A : vector<64x1000xf32>
    %reduce_sum3A = vector.shape_cast %add3A : vector<64x1000xf32> to vector<1x64x1000xf32>
    %reduce_sum3A_6 = arith.constant dense<0.000000e+00> : vector<1xf32>
    %reduce_sum3A_7 = vector.multi_reduction <add>, %reduce_sum3A, %reduce_sum3A_6 [1, 2] : vector<1x64x1000xf32> to vector<1xf32>
    %reduce_sum3A_8 = vector.shape_cast %reduce_sum3A_7 : vector<1xf32> to vector<1x1x1xf32>
    %reduce_sum3A_9 = vector.extract %reduce_sum3A_8[0, 0, 0] : f32 from vector<1x1x1xf32>
    %get3A_10 = arith.constant 0 : index
    %get3A_11 = arith.constant 0 : index
    %get3A_12 = vector.load %arg1[%get3A_10, %get3A_11] : memref<64x16xf32, #tpu.memory_space<vmem>>, vector<64x16xf32>
    %slice3A = vector.extract_strided_slice %get3A_12 {offsets = [0, 0], sizes = [64, 1], strides = [1, 1]} : vector<64x16xf32> to vector<64x1xf32>
    %reduce_sum3A_13 = vector.shape_cast %slice3A : vector<64x1xf32> to vector<1x64x1xf32>
    %reduce_sum3A_14 = arith.constant dense<0.000000e+00> : vector<1xf32>
    %reduce_sum3A_15 = vector.multi_reduction <add>, %reduce_sum3A_13, %reduce_sum3A_14 [1, 2] : vector<1x64x1xf32> to vector<1xf32>
    %reduce_sum3A_16 = vector.shape_cast %reduce_sum3A_15 : vector<1xf32> to vector<1x1x1xf32>
    %reduce_sum3A_17 = vector.extract %reduce_sum3A_16[0, 0, 0] : f32 from vector<1x1x1xf32>
    %slice3A_18 = vector.extract_strided_slice %get3A_12 {offsets = [0, 1], sizes = [64, 1], strides = [1, 1]} : vector<64x16xf32> to vector<64x1xf32>
    %reduce_sum3A_19 = vector.shape_cast %slice3A_18 : vector<64x1xf32> to vector<1x64x1xf32>
    %reduce_sum3A_20 = arith.constant dense<0.000000e+00> : vector<1xf32>
    %reduce_sum3A_21 = vector.multi_reduction <add>, %reduce_sum3A_19, %reduce_sum3A_20 [1, 2] : vector<1x64x1xf32> to vector<1xf32>
    %reduce_sum3A_22 = vector.shape_cast %reduce_sum3A_21 : vector<1xf32> to vector<1x1x1xf32>
    %reduce_sum3A_23 = vector.extract %reduce_sum3A_22[0, 0, 0] : f32 from vector<1x1x1xf32>
    %slice3A_24 = vector.extract_strided_slice %get3A_12 {offsets = [0, 2], sizes = [64, 1], strides = [1, 1]} : vector<64x16xf32> to vector<64x1xf32>
    %reduce_sum3A_25 = vector.shape_cast %slice3A_24 : vector<64x1xf32> to vector<1x64x1xf32>
    %reduce_sum3A_26 = arith.constant dense<0.000000e+00> : vector<1xf32>
    %reduce_sum3A_27 = vector.multi_reduction <add>, %reduce_sum3A_25, %reduce_sum3A_26 [1, 2] : vector<1x64x1xf32> to vector<1xf32>
    %reduce_sum3A_28 = vector.shape_cast %reduce_sum3A_27 : vector<1xf32> to vector<1x1x1xf32>
    %reduce_sum3A_29 = vector.extract %reduce_sum3A_28[0, 0, 0] : f32 from vector<1x1x1xf32>
    %mul3A = arith.constant 1.562500e-04 : f32
    %mul3A_30 = arith.mulf %reduce_sum3A_17, %mul3A : f32
    %mul3A_31 = arith.constant 1.562500e-04 : f32
    %mul3A_32 = arith.mulf %reduce_sum3A_23, %mul3A_31 : f32
    %add3A_33 = arith.addf %mul3A_30, %mul3A_32 : f32
    %mul3A_34 = arith.constant 5.000000e-01 : f32
    %mul3A_35 = arith.mulf %add3A_33, %mul3A_34 : f32
    %sub3A = arith.subf %reduce_sum3A_9, %reduce_sum3A_29 : f32
    %mul3A_36 = arith.constant 1.562500e-05 : f32
    %mul3A_37 = arith.mulf %sub3A, %mul3A_36 : f32
    %add3A_38 = arith.addf %mul3A_35, %mul3A_37 : f32
    %mul3A_39 = arith.constant 5.000000e-01 : f32
    %mul3A_40 = arith.mulf %add3A_38, %mul3A_39 : f32
    %swap3A = arith.constant 0 : index
    %swap3A_41 = arith.constant 0 : index
    %swap3A_42 = memref.load %arg2[%swap3A, %swap3A_41] : memref<1x1xf32, #tpu.memory_space<smem>>
    memref.store %mul3A_40, %arg2[%swap3A, %swap3A_41] : memref<1x1xf32, #tpu.memory_space<smem>>
    return
  }
}

</mosaic_0001>

<sc_bundles>
// kernel: kernel.4.cloned.1.call-start
scs
__scs_entry_jumppad:
0x0: {  	(pc) =	sbr.rel $0x88, $3  }
0x1: {  	(tag) =	ssettag $0x0;
	lr =	simm.s32 $0x1  }
0x2: {  	[smem:$0x3F9E] =	sst lr;
	_ =	strace $0xD0000000  }
0x3: {  	_ = 	snop  }
0x4: {  	_ = 	snop  }
0x5: {  	_ = 	snop  }
0x6: {  	_ = 	snop  }
0x7: {  	_ = 	snop  }
__scs_overlays_trampoline_lowered:
0x8: {  	[smem:$0x3FAD] =	sst s0  }
0x9: {  	[smem:$0x3FAE] =	sst s1  }
0xa: {  	[smem:$0x3FAF] =	sst s2  }
0xb: {  	[smem:$0x3FB0] =	sst s3  }
0xc: {  	[smem:$0x3FB1] =	sst s4  }
0xd: {  	[smem:$0x3FB2] =	sst s5  }
0xe: {  	[smem:$0x3FB3] =	sst s6  }
0xf: {  	[smem:$0x3FB4] =	sst s7  }
0x10: {  	[smem:$0x3FB5] =	sst s8  }
0x11: {  	[smem:$0x3FB6] =	sst s9;
	s0 =	simm.s32 @!p0 $0x0  }
0x12: {  	s1 =	sld [smem:$0x3F9C];
	s0 =	simm.s32 @p0 $0x1  }
0x13: {  	[smem:$0x3FB7] =	sst s0;
	s0 =	simm.s32 @!p1 $0x0  }
0x14: {  	s2 =	sld [smem:$0x3F9B];
	s0 =	simm.s32 @p1 $0x1  }
0x15: {  	[smem:$0x3FB8] =	sst s0;
	s0 =	simm.s32 @!p2 $0x0  }
0x16: {  	s3 =	sld [smem:$0x3FDB];
	s0 =	simm.s32 @p2 $0x1  }
0x17: {  	s4 =	simm.s32 $0x1BF5;
	[smem:$0x3FBA] =	sst s0  }
0x18: {  	s0 =	sld [smem:$0x3F9D];
	_ =	swait.ge [sflag:s4], $0x0  }
0x19: {  	s7 =	sld [smem:$0x3F9E]  }
0x1a: {  	s8 =	sadd.s32 $0xFFFFE003, lr  }
0x1b: {  	s9 =	sadd.s32 $0xFFFFFEF7, lr;
	s5 =	simm.s32 $0xFFFFFFFF;
	p2 =	slt.u32 s8, $0xFFFFF086  }
0x1c: {  	p1 =	slt.u32 s9, $0xF7A;
	s5 =	simm.s32 @!p2 $0x0  }
0x1d: {  	s5 =	simm.s32 @p1 $0x1;
	p0 =	seq.s32 s7, s2  }
0x1e: {  	s7 =	smul.u32 @!p0 $0xF7A, s2;
	p2 =	seq.s32 @!p0 s5, $0x0  }
0x1f: {  	s9 =	smul.u32 $0xF7A, s1;
	s8 =	simm.s32 @!p0 $0x1BF5;
	p2 =	por !p2, p0  }
0x20: {  	[sflag:s8] =	ssyncset.s32 @!p0 $0xFFFFF086;
	s6 =	sadd.s32 @!p0 s3, s7;
	s7 =	simm.s32 @!p0 $0x108  }
0x21: {  	s3 =	sadd.s32 s3, s9;
	s6 =	sadd.s32 @!p0 $0x88, s6;
	s7 =	simm.s32 @p2 $0x1082  }
0x22: {  	[simem:s7], [sflag:s8] =	dma.local @!p0 [hbm:s6], $0xF7A  }
0x23: {  	s9 =	sor.u32 $0xD0000000, s2;
	s6 =	simm.s32 $0x108;
	_ =	swait.ge @!p0 [sflag:s8], $0x0  }
0x24: {  	s3 =	sadd.s32 $0x88, s3;
	s6 =	simm.s32 @!p1 $0x1082;
	[sflag:s4] =	ssyncset.s32 $0xFFFFF086  }
0x25: {  	[simem:s6], [sflag:s4] =	dma.local [hbm:s3], $0xF7A  }
0x26: {  	[smem:$0x3F9E] =	sst s1;
	(tag) =	ssettag s2;
	_ =	strace s9  }
0x27: {  	s1 =	sld [smem:$0x3FAE]  }
0x28: {  	s2 =	sld [smem:$0x3FAF]  }
0x29: {  	s4 =	sld [smem:$0x3FB1]  }
0x2a: {  	p0 =	seq.s32 s5, $0x0;
	s5 =	sld [smem:$0x3FB2]  }
0x2b: {  	s6 =	sld [smem:$0x3FB3]  }
0x2c: {  	s7 =	sld [smem:$0x3FB4]  }
0x2d: {  	s3 =	simm.s32 $0x108;
	s8 =	sld [smem:$0x3FB5]  }
0x2e: {  	s3 =	simm.s32 @!p0 $0x1082;
	s9 =	sld [smem:$0x3FB6]  }
0x2f: {  	lr =	sadd.s32 s0, s3;
	s0 =	sld [smem:$0x3FAD]  }
0x30: {  	s3 =	sld [smem:$0x3FB0]  }
0x31: {  	[smem:$0x3FB9] =	sst s10  }
0x32: {  	s10 =	sld [smem:$0x3FB7];
	_ =	sdelay $0x3  }
0x33: {  	p0 =	seq.s32 s10, $0x1;
	s10 =	sld [smem:$0x3FB9];
	_ =	sdelay $0x3  }
0x34: {  	[smem:$0x3FB9] =	sst s10  }
0x35: {  	s10 =	sld [smem:$0x3FB8];
	_ =	sdelay $0x3  }
0x36: {  	p1 =	seq.s32 s10, $0x1;
	s10 =	sld [smem:$0x3FB9];
	_ =	sdelay $0x3  }
0x37: {  	[smem:$0x3FB9] =	sst s10  }
0x38: {  	s10 =	sld [smem:$0x3FBA]  }
0x39: {  	_ = 	snop;
	(pc) =	sbr.ind lr, $3  }
0x3a: {  	_ = 	snop  }
0x3b: {  	_ = 	snop  }
0x3c: {  	p2 =	seq.s32 s10, $0x1;
	s10 =	sld [smem:$0x3FB9]  }
0x3d: {  	_ =	shalt  }
0x3e: {  	_ =	shalt  }
0x3f: {  	_ =	shalt  }
0x40: {  	_ =	shalt  }
0x41: {  	_ =	shalt  }
0x42: {  	_ =	shalt  }
0x43: {  	_ =	shalt  }
0x44: {  	_ =	shalt  }
0x45: {  	_ =	shalt  }
0x46: {  	_ =	shalt  }
0x47: {  	_ =	shalt  }
0x48: {  	_ =	shalt  }
0x49: {  	_ =	shalt  }
0x4a: {  	_ =	shalt  }
0x4b: {  	_ =	shalt  }
0x4c: {  	_ =	shalt  }
0x4d: {  	_ =	shalt  }
0x4e: {  	_ =	shalt  }
0x4f: {  	_ =	shalt  }
0x50: {  	_ =	shalt  }
0x51: {  	_ =	shalt  }
0x52: {  	_ =	shalt  }
0x53: {  	_ =	shalt  }
0x54: {  	_ =	shalt  }
0x55: {  	_ =	shalt  }
0x56: {  	_ =	shalt  }
0x57: {  	_ =	shalt  }
0x58: {  	_ =	shalt  }
0x59: {  	_ =	shalt  }
0x5a: {  	_ =	shalt  }
0x5b: {  	_ =	shalt  }
0x5c: {  	_ =	shalt  }
0x5d: {  	_ =	shalt  }
0x5e: {  	_ =	shalt  }
0x5f: {  	_ =	shalt  }
0x60: {  	_ =	shalt  }
0x61: {  	_ =	shalt  }
0x62: {  	_ =	shalt  }
0x63: {  	_ =	shalt  }
0x64: {  	_ =	shalt  }
0x65: {  	_ =	shalt  }
0x66: {  	_ =	shalt  }
0x67: {  	_ =	shalt  }
0x68: {  	_ =	shalt  }
0x69: {  	_ =	shalt  }
0x6a: {  	_ =	shalt  }
0x6b: {  	_ =	shalt  }
0x6c: {  	_ =	shalt  }
0x6d: {  	_ =	shalt  }
0x6e: {  	_ =	shalt  }
0x6f: {  	_ =	shalt  }
0x70: {  	_ =	shalt  }
0x71: {  	_ =	shalt  }
0x72: {  	_ =	shalt  }
0x73: {  	_ =	shalt  }
0x74: {  	_ =	shalt  }
0x75: {  	_ =	shalt  }
0x76: {  	_ =	shalt  }
0x77: {  	_ =	shalt  }
0x78: {  	_ =	shalt  }
0x79: {  	_ =	shalt  }
0x7a: {  	_ =	shalt  }
0x7b: {  	_ =	shalt  }
0x7c: {  	_ =	shalt  }
0x7d: {  	_ =	shalt  }
0x7e: {  	_ =	shalt  }
0x7f: {  	_ =	shalt  }
0x80: {  	_ =	shalt  }
0x81: {  	_ =	shalt  }
0x82: {  	_ =	shalt  }
0x83: {  	_ =	shalt  }
0x84: {  	_ =	shalt  }
0x85: {  	_ =	shalt  }
0x86: {  	_ =	shalt  }
0x87: {  	_ =	shalt  }
.Lfunc_end0:
.L_simem_size_0:
called_computation_lowered:
.L_overlay_start_0:
0x88: {  	s2 =	sld [smem:$0x3FD9]  }
0x89: {  	s3 =	sld [smem:$0x3FFE];
	_ =	sdelay $0x1  }
0x8a: {  	s1 =	srdreg.scid  }
0x8b: {  	s0 =	sand.u32 $0x1, s1  }
0x8c: {  	s16 =	sshll.u32 s0, $0xA;
	s2 =	sadd.s32 s3, s2  }
0x8d: {  	s2 =	sadd.s32 s2, s16  }
0x8e: {  	[smem:$0x3FC5] =	sst s2  }
0x8f: {  	_ = 	snop  }
0x90: {  	(tm) =	ssettm $0x1  }
0x91: {  	s17 =	sld [smem:$0x3FFB];
	_ =	sdelay $0x3  }
0x92: {  	_ =	strace s17  }
0x93: {  	s2 =	sld [smem:$0x3FFC];
	_ =	sdelay $0x3  }
0x94: {  	_ =	strace s2  }
0x95: {  	s2 =	sld [smem:$0x3FFD];
	_ =	sdelay $0x3  }
0x96: {  	_ =	strace s2  }
0x97: {  	_ =	strace $0x8FFFFFFF  }
0x98: {  	s18 =	sld [smem:$0x3FDB];
	_ =	sdelay $0x1  }
0x99: {  	s19 =	simm.s32 $_scs_section_size  }
0x9a: {  	s4 =	simm.s32 $_size__tile_overlayer_lowered;
	s5 =	simm.s32 $_tile_overlayer_lowered  }
0x9b: {  	s22 =	simm.s32 $0x1BFF;
	s21 =	sshll.u32 s5, $0x1;
	s2 =	sadd.s32 s19, s18  }
0x9c: {  	s6 =	simm.s32 $0x0;
	s20 =	sshll.u32 s4, $0x1;
	s4 =	sadd.s32 s21, s2  }
0x9d: {  	[timem:s6], [sflag:s22] =	dma.local [hbm:s4], s20  }
0x9e: {  	_ =	swait.ge [sflag:s22], s20  }
0x9f: {  	s3 =	ssub.s32 $0x0, s20;
	[sflag:s22] =	ssyncset.done $0x0  }
0xa0: {  	[sflag:s22] =	ssyncadd.s32 s3;
	_ =	sdelay $0x1  }
0xa1: {  	s23 =	simm.s32 $0x1B8B  }
0xa2: {  	_ =	swait.ge [sflag:s23], $0x1  }
0xa3: {  	[sflag:s23] =	ssyncset.done $0x0  }
0xa4: {  	s25 =	simm.s32 $0x1B8E;
	s24 =	sld [smem:$0x3FFE];
	[sflag:s23] =	ssyncadd.s32 $0xFFFFFFFF  }
0xa5: {  	s26 =	simm.s32 $execute0_lowered;
	[smem:$0x3FD2] =	sst s25  }
0xa6: {  	s4 =	sshll.u32 s26, $0x1;
	_ =	strace $0x80000046;
	[dreg:$0x1] =	wrdreg $0xFFFFFFFF  }
0xa7: {  	s28 =	simm.s32 $_size_execute0_lowered;
	s2 =	sadd.s32 s2, s4;
	[dreg:$0x0] =	wrdreg $0x0  }
0xa8: {  	s4 =	sshll.u32 s28, $0x1;
	[dreg:$0x2] =	wrdreg s2  }
0xa9: {  	[dreg:$0x3] =	wrdreg s4  }
0xaa: {  	[dreg:$0x4] =	wrdreg $0xC0  }
0xab: {  	_ =	task [dreg:s6], $0x5FFFF  }
0xac: {  	[dreg:$0x1] =	wrdreg $0xFFFFFFFF  }
0xad: {  	[dreg:$0x0] =	wrdreg $0x60  }
0xae: {  	[dreg:$0x2] =	wrdreg s24  }
0xaf: {  	[dreg:$0x3] =	wrdreg $0x9  }
0xb0: {  	_ =	task.clear_ibuf [dreg:s6], $0x4FFFF;
	_ =	strace $0x90000046  }
0xb1: {  	s29 =	simm.s32 $0x9;
	_ =	strace $0x80000048  }
0xb2: {  	_ =	swait.ge [sflag:s29], $0x1  }
0xb3: {  	[sflag:s29] =	ssyncadd.s32 $0xFFFFFFFF  }
0xb4: {  	_ =	strace $0x90000048  }
0xb5: {  	_ =	sfence  }
0xb6: {  	s30 =	sld [smem:$0x0];
	_ =	sdelay $0x2  }
0xb7: {  	s31 =	sshll.u32 s1, $0xD;
	s1 =	sshrl.u32 s1, $0x2  }
0xb8: {  	s3 =	sand.u32 $0x4000, s31;
	s1 =	sadd.s32 s1, s30  }
0xb9: {  	s0 =	sor.u32 s3, s0;
	s1 =	sshll.u32 s1, $0x11  }
0xba: {  	s0 =	sor.u32 s1, s0  }
0xbb: {  	s0 =	sadd.s32 $0x8F2B, s0  }
0xbc: {  	[sflag:s0] =	ssyncadd.remote.s32 $0x1  }
0xbd: {  	_ =	sfence.sel $0xFFFF  }
0xbe: {  	[dreg:$0x0] =	wrdreg $0xFFFFFFFF;
	(pc) =	sbr.abs _section_cstart, $3  }
0xbf: {  	[dreg:$0x1] =	wrdreg $0xFFFFFFFF  }
0xc0: {  	_ =	task.clear_ibuf [dreg:s6], $0x2FFFF;
	_ =	strace $0x9FFFFFFF  }
0xc1: {  	(tm) =	ssettm $0x7FFFFFFF  }
tec
execute0_lowered:
.L_overlay_start_1:
0x0: {  	(tag) =	ssettag $0x1  }
0x1: {  	s0 =	rddreg [dreg:$0x0];
	s1 =	simm.s32 $0x0;
	s3 =	srdreg.scid  }
0x2: {  	s7 =	stileid.u32;
	s14 =	simm.s32 $0x1680;
	[smem:$0x7FF] =	sst s1  }
0x3: {  	s16 =	sadd.s32 $0x3A00, s0;
	s2 =	sadd.s32 $0x1A00, s0;
	s4 =	sadd.s32 $0xA00, s0  }
0x4: {  	s3 =	sand.u32 $0x1, s3;
	s5 =	sshll.u32 s7, $0x9;
	s7 =	sshrl.u32 s7, $0x1  }
0x5: {  	s0 =	sadd.s32 $0xBA00, s0;
	_ =	strace $0x80000047;
	s6 =	sshll.u32 s3, $0x8  }
0x6: {  	s5 =	sand.u32 $0x200, s5;
	s3 =	ssub.s32 $0x2, s3;
	s17 =	sshll.u32 s7, $0xF  }
0x7: {  	s19 =	sshll.u32 s7, $0xD;
	s10 =	sshll.u32 s7, $0xC;
	s5 =	sor.u32 s6, s5  }
0x8: {  	s24 =	sshll.u32 s7, $0xA;
	s8 =	sshrl.u32 s3, $0x1;
	s9 =	sor.u32 s17, s5  }
0x9: {  	s3 =	ssub.s32 s3, s8;
	s20 =	sor.u32 s19, s5;
	s11 =	sor.u32 s10, s5  }
0xa: {  	s12 =	sor.u32 $0x80, s5;
	s26 =	sor.u32 s24, s5;
	s5 =	simm.s32 $0x1400  }
0xb: {  	s18 =	sshrl.u32 s9, $0x3;
	s21 =	sshrl.u32 s11, $0x3;
	s6 =	sor.u32 s17, s12  }
0xc: {  	s22 =	sor.u32 s19, s12;
	s25 =	sor.u32 s10, s12;
	s28 =	sor.u32 s24, s12  }
0xd: {  	s31 =	smax.u32 s3, $0x1;
	s3 =	simm.s32 $0x1000;
	s17 =	simm.s32 $0x3D00  }
0xe: {  	s8 =	sadd.s32 s16, s18;
	s6 =	sshrl.u32 s6, $0x3;
	[dreg:$0xa] =	wrdreg s31  }
0xf: {  	[dreg:$0x2] =	wrdreg s8;
	s8 =	sshrl.u32 s20, $0x3;
	s1 =	sadd.s32 s16, s6  }
0x10: {  	s23 =	sshrl.u32 s22, $0x3;
	s8 =	sadd.s32 s2, s8;
	[dreg:$0x5] =	wrdreg s1  }
0x11: {  	s30 =	sshrl.u32 s28, $0x3;
	s1 =	sadd.s32 s2, s23;
	[dreg:$0x3] =	wrdreg s8  }
0x12: {  	s2 =	sshrl.u32 s26, $0x3;
	s8 =	sadd.s32 s4, s21;
	[dreg:$0x6] =	wrdreg s1  }
0x13: {  	v0 =	vlaneseq.u32;
	s1 =	sshrl.u32 s25, $0x3;
	s29 =	sadd.s32 s0, s2;
	[dreg:$0x4] =	wrdreg s8  }
0x14: {  	v4 =	vimm.s32 $0x0;
	v5 =	vimm.f32 $1.000000020e+30;
	v1 =	vmul.u32 $0x4, v0;
	s0 =	sadd.s32 s0, s30;
	s2 =	simm.s32 $0x400;
	[dreg:$0x8] =	wrdreg s29  }
0x15: {  	vm0 =	vmmov $0xf;
	vm1 =	vmmov $0x1;
	vm2 =	vcmask $0x704;
	s1 =	sadd.s32 s4, s1;
	[dreg:$0x9] =	wrdreg s0;
	s4 =	simm.s32 $0x3680  }
0x16: {  	vm3 =	vcmask $0xB08;
	v2 =	vor.u32 $0x1, v1;
	v3 =	vor.u32 $0x2, v1;
	s8 =	simm.s32 $0x3A80;
	[dreg:$0x7] =	wrdreg s1;
	s1 =	simm.s32 $0x0  }
.LBB2_1:
0x17: {  	[dreg:$0xb] =	wrdreg s1  }
0x18: {  	s0 =	rddreg [dreg:$0x2];
	s13 =	simm.s32 $0x80  }
0x19: {  	[tilespmem:s14], [sflag:$0x1] =	stream.strided.gather [hbm4b:s0+s13], $0x1000, s2, s13, $0x38;
	[tilespmem:$0x4D80] =	vst v63  }
0x1a: {  	s15 =	rddreg [dreg:$0x3]  }
0x1b: {  	[tilespmem:s3], [sflag:$0x2] =	stream.strided.gather [hbm4b:s15+s13], $0x400, s2, s13, $0x38;
	[tilespmem:$0x4D80] =	vst v63  }
0x1c: {  	s16 =	rddreg [dreg:$0x4]  }
0x1d: {  	[tilespmem:s5], [sflag:$0x3] =	stream.strided.gather [hbm4b:s16+s13], $0x200, s2, s13, $0x38;
	[tilespmem:$0x4D80] =	vst v63  }
0x1e: {  	s18 =	rddreg [dreg:$0x5]  }
0x1f: {  	[tilespmem:s17], [sflag:$0x4] =	stream.strided.gather [hbm4b:s18+s13], $0x1000, s2, s13, $0x38;
	[tilespmem:$0x4D80] =	vst v63  }
0x20: {  	s19 =	rddreg [dreg:$0x6]  }
0x21: {  	[tilespmem:s4], [sflag:$0x5] =	stream.strided.gather [hbm4b:s19+s13], $0x400, s2, s13, $0x38;
	[tilespmem:$0x4D80] =	vst v63  }
0x22: {  	s20 =	rddreg [dreg:$0x7];
	s21 =	simm.s32 $0x1  }
0x23: {  	[tilespmem:s8], [sflag:$0x6] =	stream.strided.gather [hbm4b:s20+s13], $0x200, s2, s13, $0x38;
	[tilespmem:$0x4D80] =	vst v63  }
0x24: {  	_ =	swait.ge [sflag:s21], $0x1000  }
0x25: {  	[sflag:s21] =	ssyncset.done $0x0  }
0x26: {  	s22 =	simm.s32 $0x2;
	[sflag:s21] =	ssyncadd.s32 $0xFFFFF000  }
0x27: {  	_ =	swait.ge [sflag:s22], $0x400  }
0x28: {  	[sflag:s22] =	ssyncset.done $0x0  }
0x29: {  	s23 =	simm.s32 $0x3;
	[sflag:s22] =	ssyncadd.s32 $0xFFFFFC00  }
0x2a: {  	_ =	swait.ge [sflag:s23], $0x200  }
0x2b: {  	[sflag:s23] =	ssyncset.done $0x0  }
0x2c: {  	s6 =	simm.s32 $0x60;
	[sflag:s23] =	ssyncadd.s32 $0xFFFFFE00  }
0x2d: {  	v6 =	vld [tilespmem:s6+$0xFA0];
	_ =	sdelay $0x4  }
0x2e: {  	v6 =	vsub.f32 $0.0e+00, v6;
	_ =	sdelay $0x1  }
0x2f: {  	v7 =	vld [tilespmem:s6+$0xFB0];
	v6 =	vmul.f32 $1.442695020e+00, v6  }
0x30: {  	v8 =	vld [tilespmem:s6+$0xFD0]  }
0x31: {  	v9 =	vld [tilespmem:s6+$0x1000];
	(erf) = vpow2.f32 v6  }
0x32: {  	s24 =	simm.s32 $0x0;
	v6 =	vld [tilespmem:s6+$0xFF0]  }
0x33: {  	v10 =	vor.u32 s24, v1;
	_ =	sdelay $0x1  }
0x34: {  	v7 =	vsub.f32 $0.0e+00, v7  }
0x35: {  	v8 =	vsub.f32 $0.0e+00, v8;
	v9 =	vsub.f32 $0.0e+00, v9  }
0x36: {  	v7 =	vmul.f32 $1.442695020e+00, v7;
	v6 =	vsub.f32 $0.0e+00, v6  }
0x37: {  	v10 =	vld.idx.msk [tilespmem:v10+s14+$0x0], $0xffff;
	v8 =	vmul.f32 $1.442695020e+00, v8  }
0x38: {  	(erf) = vpow2.f32 v7;
	v7 =	vor.u32 s24, v2;
	v6 =	vmul.f32 $1.442695020e+00, v6  }
0x39: {  	(erf) = vpow2.f32 v8;
	v8 =	vmul.f32 $1.442695020e+00, v9;
	v9 =	vpop (erf)  }
0x3a: {  	(erf) = vpow2.f32 v6;
	v6 =	vadd.f32 $1.000000000e+00, v9  }
0x3b: {  	(erf) = vpow2.f32 v8  }
0x3c: {  	[tilespmem:s6+$0xFFFFFFA0] =	vst v10;
	(erf) = vrcp.f32 v6  }
0x3d: {  	v6 =	vld.idx.msk [tilespmem:v7+s14+$0x0], $0xffff  }
0x3e: {  	v7 =	vor.u32 s24, v3;
	_ =	sdelay $0x2  }
0x3f: {  	v8 =	vpop (erf)  }
0x40: {  	v10 =	vpop (erf);
	[tilespmem:s6+$0x3A0] =	vst v6  }
0x41: {  	s25 =	simm.s32 $0x40;
	v6 =	vpop (erf);
	v7 =	vld.idx.msk [tilespmem:v7+s14+$0x0], $0xffff  }
0x42: {  	v13 =	vor.u32 s25, v1;
	v12 =	vpop (erf)  }
0x43: {  	v14 =	vpop (erf)  }
0x44: {  	v14 =	vxor.u32 $0x80000000, v14  }
0x45: {  	[tilespmem:s6+$0xBA0] =	vst v14  }
0x46: {  	[tilespmem:s6+$0x7A0] =	vst v7  }
0x47: {  	v7 =	vld.idx.msk [tilespmem:v13+s14+$0x0], $0xffff  }
0x48: {  	v13 =	vor.u32 s25, v2  }
0x49: {  	v11 =	vld [tilespmem:s6+$0xFC0];
	v8 =	vadd.f32 $1.000000000e+00, v8;
	_ =	sdelay $0x1  }
0x4a: {  	(erf) = vrcp.f32 v8  }
0x4b: {  	[tilespmem:s6+$0xFFFFFFB0] =	vst v7  }
0x4c: {  	v7 =	vadd.f32 $1.000000000e+00, v10;
	v8 =	vld.idx.msk [tilespmem:v13+s14+$0x0], $0xffff  }
0x4d: {  	v6 =	vadd.f32 $1.000000000e+00, v6;
	v10 =	vsub.f32 $0.0e+00, v11;
	v11 =	vor.u32 s25, v3  }
0x4e: {  	(erf) = vrcp.f32 v7;
	v7 =	vadd.f32 $1.000000000e+00, v12  }
0x4f: {  	v10 =	vmul.f32 $1.442695020e+00, v10;
	(erf) = vrcp.f32 v6  }
0x50: {  	(erf) = vrcp.f32 v7  }
0x51: {  	(erf) = vpow2.f32 v10;
	[tilespmem:s6+$0x3B0] =	vst v8  }
0x52: {  	s26 =	simm.s32 $0x80;
	v6 =	vld.idx.msk [tilespmem:v11+s14+$0x0], $0xffff  }
0x53: {  	v7 =	vor.u32 s26, v1;
	v8 =	vpop (erf)  }
0x54: {  	v8 =	vxor.u32 $0x80000000, v8;
	_ =	sdelay $0x1  }
0x55: {  	[tilespmem:s6+$0xBB0] =	vst v8  }
0x56: {  	v8 =	vpop (erf);
	[tilespmem:s6+$0x7B0] =	vst v6  }
0x57: {  	v6 =	vpop (erf);
	v7 =	vld.idx.msk [tilespmem:v7+s14+$0x0], $0xffff  }
0x58: {  	v11 =	vor.u32 s26, v2;
	v10 =	vpop (erf)  }
0x59: {  	v12 =	vpop (erf)  }
0x5a: {  	v12 =	vadd.f32 $1.000000000e+00, v12;
	_ =	sdelay $0x1  }
0x5b: {  	(erf) = vrcp.f32 v12;
	[tilespmem:s6+$0xFFFFFFC0] =	vst v7  }
0x5c: {  	v7 =	vld.idx.msk [tilespmem:v11+s14+$0x0], $0xffff  }
0x5d: {  	v11 =	vor.u32 s26, v3;
	_ =	sdelay $0x3  }
0x5e: {  	[tilespmem:s6+$0x3C0] =	vst v7  }
0x5f: {  	s28 =	simm.s32 $0xC0;
	v7 =	vld.idx.msk [tilespmem:v11+s14+$0x0], $0xffff  }
0x60: {  	v11 =	vor.u32 s28, v1  }
0x61: {  	v12 =	vpop (erf)  }
0x62: {  	v12 =	vxor.u32 $0x80000000, v12  }
0x63: {  	[tilespmem:s6+$0xBC0] =	vst v12  }
0x64: {  	[tilespmem:s6+$0x7C0] =	vst v7  }
0x65: {  	v7 =	vld.idx.msk [tilespmem:v11+s14+$0x0], $0xffff  }
0x66: {  	v11 =	vor.u32 s28, v2  }
0x67: {  	v9 =	vld [tilespmem:s6+$0xFE0];
	_ =	sdelay $0x2  }
0x68: {  	[tilespmem:s6+$0xFFFFFFD0] =	vst v7  }
0x69: {  	v7 =	vld.idx.msk [tilespmem:v11+s14+$0x0], $0xffff  }
0x6a: {  	v9 =	vsub.f32 $0.0e+00, v9;
	v11 =	vor.u32 s28, v3;
	_ =	sdelay $0x1  }
0x6b: {  	v9 =	vmul.f32 $1.442695020e+00, v9;
	_ =	sdelay $0x1  }
0x6c: {  	(erf) = vpow2.f32 v9;
	[tilespmem:s6+$0x3D0] =	vst v7  }
0x6d: {  	s29 =	simm.s32 $0x100;
	v7 =	vld.idx.msk [tilespmem:v11+s14+$0x0], $0xffff  }
0x6e: {  	v9 =	vor.u32 s29, v1;
	_ =	sdelay $0x1  }
0x6f: {  	v8 =	vxor.u32 $0x80000000, v8  }
0x70: {  	[tilespmem:s6+$0xBD0] =	vst v8  }
0x71: {  	[tilespmem:s6+$0x7D0] =	vst v7  }
0x72: {  	v7 =	vld.idx.msk [tilespmem:v9+s14+$0x0], $0xffff  }
0x73: {  	v8 =	vor.u32 s29, v2  }
0x74: {  	v9 =	vpop (erf)  }
0x75: {  	v9 =	vadd.f32 $1.000000000e+00, v9;
	_ =	sdelay $0x1  }
0x76: {  	(erf) = vrcp.f32 v9;
	[tilespmem:s6+$0xFFFFFFE0] =	vst v7  }
0x77: {  	v7 =	vld.idx.msk [tilespmem:v8+s14+$0x0], $0xffff  }
0x78: {  	v8 =	vor.u32 s29, v3;
	_ =	sdelay $0x3  }
0x79: {  	[tilespmem:s6+$0x3E0] =	vst v7  }
0x7a: {  	s30 =	simm.s32 $0x140;
	v7 =	vld.idx.msk [tilespmem:v8+s14+$0x0], $0xffff  }
0x7b: {  	v8 =	vor.u32 s30, v1  }
0x7c: {  	v9 =	vpop (erf)  }
0x7d: {  	v9 =	vxor.u32 $0x80000000, v9  }
0x7e: {  	[tilespmem:s6+$0xBE0] =	vst v9  }
0x7f: {  	[tilespmem:s6+$0x7E0] =	vst v7  }
0x80: {  	v7 =	vld.idx.msk [tilespmem:v8+s14+$0x0], $0xffff  }
0x81: {  	v8 =	vor.u32 s30, v2;
	_ =	sdelay $0x3  }
0x82: {  	[tilespmem:s6+$0xFFFFFFF0] =	vst v7  }
0x83: {  	v7 =	vld.idx.msk [tilespmem:v8+s14+$0x0], $0xffff  }
0x84: {  	v8 =	vor.u32 s30, v3;
	_ =	sdelay $0x3  }
0x85: {  	[tilespmem:s6+$0x3F0] =	vst v7  }
0x86: {  	s31 =	simm.s32 $0x180;
	v7 =	vld.idx.msk [tilespmem:v8+s14+$0x0], $0xffff  }
0x87: {  	v8 =	vor.u32 s31, v1;
	_ =	sdelay $0x1  }
0x88: {  	v6 =	vxor.u32 $0x80000000, v6  }
0x89: {  	[tilespmem:s6+$0xBF0] =	vst v6  }
0x8a: {  	[tilespmem:s6+$0x7F0] =	vst v7  }
0x8b: {  	v6 =	vld.idx.msk [tilespmem:v8+s14+$0x0], $0xffff;
	_ =	sdelay $0x1  }
0x8c: {  	v7 =	vor.u32 s31, v2;
	_ =	sdelay $0x2  }
0x8d: {  	s3 =	simm.s32 $0xD0;
	[tilespmem:s6+$0x0] =	vst v6  }
0x8e: {  	v6 =	vld [tilespmem:s3+$0xFA0]  }
0x8f: {  	v7 =	vld.idx.msk [tilespmem:v7+s14+$0x0], $0xffff  }
0x90: {  	v11 =	vor.u32 s31, v3;
	v8 =	vld [tilespmem:s3+$0xFB0]  }
0x91: {  	v9 =	vld [tilespmem:s3+$0xFC0]  }
0x92: {  	v12 =	vld [tilespmem:s3+$0xFD0]  }
0x93: {  	v14 =	vld [tilespmem:s3+$0xFF0]  }
0x94: {  	v13 =	vld [tilespmem:s3+$0xFE0];
	v6 =	vsub.f32 $0.0e+00, v6;
	[tilespmem:s6+$0x400] =	vst v7  }
0x95: {  	v15 =	vsub.f32 $0.0e+00, v8;
	v8 =	vld.idx.msk [tilespmem:v11+s14+$0x0], $0xffff  }
0x96: {  	s4 =	simm.s32 $0x1C0;
	v16 =	vxor.u32 $0x80000000, v10;
	v9 =	vsub.f32 $0.0e+00, v9;
	v10 =	vld [tilespmem:s3+$0x1000];
	v6 =	vmul.f32 $1.442695020e+00, v6  }
0x97: {  	v7 =	vor.u32 s4, v1;
	v11 =	vsub.f32 $0.0e+00, v12;
	v15 =	vmul.f32 $1.442695020e+00, v15  }
0x98: {  	v12 =	vsub.f32 $0.0e+00, v14;
	v9 =	vmul.f32 $1.442695020e+00, v9;
	(erf) = vpow2.f32 v6  }
0x99: {  	s1 =	simm.s32 $0x340;
	s0 =	simm.s32 $0x340;
	s2 =	simm.s32 $0x7;
	[tilespmem:s6+$0xC00] =	vst v16;
	v11 =	vmul.f32 $1.442695020e+00, v11;
	v6 =	vsub.f32 $0.0e+00, v13;
	(erf) = vpow2.f32 v15  }
.LBB2_2:
0x9a: {  	s2 =	sadd.s32 $0x7, s2  }
0x9b: {  	p0 =	slt.u32 s2, $0x38;
	v12 =	vmul.f32 $1.442695020e+00, v12;
	v10 =	vsub.f32 $0.0e+00, v10;
	(erf) = vpow2.f32 v11;
	[tilespmem:s6+$0x800] =	vst v8;
	s6 =	smov.u32 s3  }
0x9c: {  	v7 =	vld.idx.msk [tilespmem:v7+s14+$0x0], $0xffff  }
0x9d: {  	v8 =	vmul.f32 $1.442695020e+00, v10;
	(erf) = vpow2.f32 v12  }
0x9e: {  	v10 =	vor.u32 s4, v2  }
0x9f: {  	(erf) = vpow2.f32 v8;
	_ =	sdelay $0x1  }
0xa0: {  	v8 =	vpop (erf)  }
0xa1: {  	[tilespmem:s6+$0xFFFFFFA0] =	vst v7;
	v11 =	vadd.f32 $1.000000000e+00, v8;
	v8 =	vpop (erf)  }
0xa2: {  	v10 =	vld.idx.msk [tilespmem:v10+s14+$0x0], $0xffff;
	v12 =	vadd.f32 $1.000000000e+00, v8  }
0xa3: {  	(erf) = vrcp.f32 v11;
	v7 =	vpop (erf)  }
0xa4: {  	v11 =	vor.u32 s4, v3;
	v13 =	vadd.f32 $1.000000000e+00, v7;
	(erf) = vrcp.f32 v12  }
0xa5: {  	v8 =	vpop (erf)  }
0xa6: {  	v8 =	vadd.f32 $1.000000000e+00, v8;
	(erf) = vrcp.f32 v13  }
0xa7: {  	v7 =	vpop (erf)  }
0xa8: {  	[tilespmem:s6+$0x3A0] =	vst v10;
	v7 =	vadd.f32 $1.000000000e+00, v7;
	(erf) = vrcp.f32 v8  }
0xa9: {  	s3 =	sadd.s32 $0xFFFFFEC0, s0;
	v8 =	vld.idx.msk [tilespmem:v11+s14+$0x0], $0xffff  }
0xaa: {  	v10 =	vor.u32 s3, v1;
	(erf) = vrcp.f32 v7;
	_ =	sdelay $0x1  }
0xab: {  	v7 =	vpop (erf)  }
0xac: {  	v7 =	vxor.u32 $0x80000000, v7;
	v11 =	vpop (erf)  }
0xad: {  	[tilespmem:s6+$0xBA0] =	vst v7  }
0xae: {  	[tilespmem:s6+$0x7A0] =	vst v8;
	v12 =	vpop (erf)  }
0xaf: {  	v10 =	vld.idx.msk [tilespmem:v10+s14+$0x0], $0xffff  }
0xb0: {  	v13 =	vor.u32 s3, v2;
	v8 =	vpop (erf);
	_ =	sdelay $0x1  }
0xb1: {  	v7 =	vpop (erf);
	_ =	sdelay $0x2  }
0xb2: {  	[tilespmem:s6+$0xFFFFFFB0] =	vst v10  }
0xb3: {  	v10 =	vld.idx.msk [tilespmem:v13+s14+$0x0], $0xffff  }
0xb4: {  	v13 =	vor.u32 s3, v3;
	_ =	sdelay $0x4  }
0xb5: {  	[tilespmem:s6+$0x3B0] =	vst v10  }
0xb6: {  	s3 =	sadd.s32 $0xFFFFFF00, s0;
	v10 =	vld.idx.msk [tilespmem:v13+s14+$0x0], $0xffff  }
0xb7: {  	v13 =	vor.u32 s3, v1;
	_ =	sdelay $0x1  }
0xb8: {  	(erf) = vpow2.f32 v9  }
0xb9: {  	v9 =	vxor.u32 $0x80000000, v11  }
0xba: {  	[tilespmem:s6+$0xBB0] =	vst v9  }
0xbb: {  	[tilespmem:s6+$0x7B0] =	vst v10  }
0xbc: {  	v9 =	vld.idx.msk [tilespmem:v13+s14+$0x0], $0xffff  }
0xbd: {  	v10 =	vor.u32 s3, v2;
	_ =	sdelay $0x3  }
0xbe: {  	v11 =	vpop (erf)  }
0xbf: {  	[tilespmem:s6+$0xFFFFFFC0] =	vst v9;
	v9 =	vadd.f32 $1.000000000e+00, v11  }
0xc0: {  	v10 =	vld.idx.msk [tilespmem:v10+s14+$0x0], $0xffff  }
0xc1: {  	v11 =	vor.u32 s3, v3;
	(erf) = vrcp.f32 v9;
	_ =	sdelay $0x4  }
0xc2: {  	[tilespmem:s6+$0x3C0] =	vst v10  }
0xc3: {  	s3 =	sadd.s32 $0xFFFFFF40, s0;
	v9 =	vld.idx.msk [tilespmem:v11+s14+$0x0], $0xffff  }
0xc4: {  	v10 =	vor.u32 s3, v1;
	_ =	sdelay $0x1  }
0xc5: {  	v11 =	vpop (erf)  }
0xc6: {  	v11 =	vxor.u32 $0x80000000, v11  }
0xc7: {  	[tilespmem:s6+$0xBC0] =	vst v11  }
0xc8: {  	[tilespmem:s6+$0x7C0] =	vst v9  }
0xc9: {  	v9 =	vld.idx.msk [tilespmem:v10+s14+$0x0], $0xffff  }
0xca: {  	v10 =	vor.u32 s3, v2;
	_ =	sdelay $0x4  }
0xcb: {  	[tilespmem:s6+$0xFFFFFFD0] =	vst v9  }
0xcc: {  	v9 =	vld.idx.msk [tilespmem:v10+s14+$0x0], $0xffff  }
0xcd: {  	v10 =	vor.u32 s3, v3;
	_ =	sdelay $0x2  }
0xce: {  	v6 =	vmul.f32 $1.442695020e+00, v6;
	_ =	sdelay $0x1  }
0xcf: {  	[tilespmem:s6+$0x3D0] =	vst v9;
	(erf) = vpow2.f32 v6  }
0xd0: {  	s3 =	sadd.s32 $0xFFFFFF80, s0;
	v9 =	vxor.u32 $0x80000000, v12;
	v6 =	vld.idx.msk [tilespmem:v10+s14+$0x0], $0xffff  }
0xd1: {  	[tilespmem:s6+$0xBD0] =	vst v9;
	v9 =	vor.u32 s3, v1;
	_ =	sdelay $0x4  }
0xd2: {  	[tilespmem:s6+$0x7D0] =	vst v6  }
0xd3: {  	v6 =	vld.idx.msk [tilespmem:v9+s14+$0x0], $0xffff  }
0xd4: {  	v9 =	vor.u32 s3, v2;
	v10 =	vpop (erf)  }
0xd5: {  	v10 =	vadd.f32 $1.000000000e+00, v10;
	_ =	sdelay $0x1  }
0xd6: {  	(erf) = vrcp.f32 v10;
	_ =	sdelay $0x1  }
0xd7: {  	[tilespmem:s6+$0xFFFFFFE0] =	vst v6  }
0xd8: {  	v6 =	vld.idx.msk [tilespmem:v9+s14+$0x0], $0xffff  }
0xd9: {  	v9 =	vor.u32 s3, v3;
	_ =	sdelay $0x4  }
0xda: {  	[tilespmem:s6+$0x3E0] =	vst v6;
	v6 =	vpop (erf)  }
0xdb: {  	s3 =	sadd.s32 $0xFFFFFFC0, s0;
	v9 =	vld.idx.msk [tilespmem:v9+s14+$0x0], $0xffff;
	v6 =	vxor.u32 $0x80000000, v6  }
0xdc: {  	[tilespmem:s6+$0xBE0] =	vst v6;
	v6 =	vor.u32 s3, v1;
	_ =	sdelay $0x4  }
0xdd: {  	[tilespmem:s6+$0x7E0] =	vst v9  }
0xde: {  	v6 =	vld.idx.msk [tilespmem:v6+s14+$0x0], $0xffff  }
0xdf: {  	v9 =	vor.u32 s3, v2;
	_ =	sdelay $0x4  }
0xe0: {  	[tilespmem:s6+$0xFFFFFFF0] =	vst v6  }
0xe1: {  	v6 =	vld.idx.msk [tilespmem:v9+s14+$0x0], $0xffff  }
0xe2: {  	v9 =	vor.u32 s3, v3;
	_ =	sdelay $0x4  }
0xe3: {  	[tilespmem:s6+$0x3F0] =	vst v6  }
0xe4: {  	v8 =	vxor.u32 $0x80000000, v8;
	v6 =	vld.idx.msk [tilespmem:v9+s14+$0x0], $0xffff  }
0xe5: {  	[tilespmem:s6+$0xBF0] =	vst v8;
	v8 =	vor.u32 s0, v1;
	_ =	sdelay $0x4  }
0xe6: {  	[tilespmem:s6+$0x7F0] =	vst v6  }
0xe7: {  	v6 =	vld.idx.msk [tilespmem:v8+s14+$0x0], $0xffff  }
0xe8: {  	v8 =	vor.u32 s0, v2;
	_ =	sdelay $0x4  }
0xe9: {  	s0 =	sadd.s32 $0x1C0, s0;
	[tilespmem:s6+$0x0] =	vst v6  }
0xea: {  	s3 =	sshra.s32 s0, $0x2;
	v6 =	vld.idx.msk [tilespmem:v8+s14+$0x0], $0xffff  }
0xeb: {  	v9 =	vor.u32 s1, v3;
	s1 =	smov.u32 s0;
	v8 =	vld [tilespmem:s3+$0xFA0]  }
0xec: {  	v10 =	vld [tilespmem:s3+$0xFB0]  }
0xed: {  	v11 =	vld [tilespmem:s3+$0xFC0]  }
0xee: {  	v12 =	vld [tilespmem:s3+$0xFD0]  }
0xef: {  	v13 =	vld [tilespmem:s3+$0xFE0]  }
0xf0: {  	v14 =	vsub.f32 $0.0e+00, v8;
	v15 =	vld [tilespmem:s3+$0xFF0];
	[tilespmem:s6+$0x400] =	vst v6  }
.Ltmp0:
0xf1: {  	v7 =	vxor.u32 $0x80000000, v7;
	v6 =	vsub.f32 $0.0e+00, v10;
	v8 =	vld.idx.msk [tilespmem:v9+s14+$0x0], $0xffff;
	(pc) =	sbr.rel @p0 .LBB2_2-.Ltmp0, $4  }
0xf2: {  	s4 =	sadd.s32 $0xFFFFFE80, s0;
	v14 =	vmul.f32 $1.442695020e+00, v14;
	v9 =	vsub.f32 $0.0e+00, v11;
	v10 =	vld [tilespmem:s3+$0x1000];
	[tilespmem:s6+$0xC00] =	vst v7  }
0xf3: {  	v7 =	vor.u32 s4, v1;
	v16 =	vmul.f32 $1.442695020e+00, v6;
	v11 =	vsub.f32 $0.0e+00, v12  }
0xf4: {  	v9 =	vmul.f32 $1.442695020e+00, v9;
	v6 =	vsub.f32 $0.0e+00, v13;
	(erf) = vpow2.f32 v14  }
0xf5: {  	v11 =	vmul.f32 $1.442695020e+00, v11;
	v12 =	vsub.f32 $0.0e+00, v15;
	(erf) = vpow2.f32 v16  }
0xf6: {  	_ =	sdelay $0x2  }
0xf7: {  	[tilespmem:s6+$0x800] =	vst v8  }
0xf8: {  	v7 =	vld.idx.msk [tilespmem:v7+s14+$0x0], $0xffff  }
0xf9: {  	v8 =	vsub.f32 $0.0e+00, v10;
	v10 =	vmul.f32 $1.442695020e+00, v12;
	v12 =	vor.u32 s4, v2;
	_ =	sdelay $0x2  }
0xfa: {  	(erf) = vpow2.f32 v11;
	v8 =	vmul.f32 $1.442695020e+00, v8;
	v11 =	vpop (erf)  }
0xfb: {  	[tilespmem:s3+$0xFFFFFFA0] =	vst v7;
	(erf) = vpow2.f32 v10;
	v10 =	vadd.f32 $1.000000000e+00, v11  }
0xfc: {  	v7 =	vld.idx.msk [tilespmem:v12+s14+$0x0], $0xffff;
	(erf) = vpow2.f32 v8  }
0xfd: {  	v8 =	vor.u32 s4, v3;
	(erf) = vrcp.f32 v10;
	_ =	sdelay $0x3  }
0xfe: {  	[tilespmem:s3+$0x3A0] =	vst v7  }
0xff: {  	v10 =	vpop (erf);
	v8 =	vld.idx.msk [tilespmem:v8+s14+$0x0], $0xffff  }
0x100: {  	s2 =	sadd.s32 $0xFFFFFEC0, s0;
	v11 =	vpop (erf)  }
0x101: {  	v13 =	vor.u32 s2, v1;
	v7 =	vpop (erf)  }
0x102: {  	v12 =	vpop (erf)  }
0x103: {  	v14 =	vpop (erf)  }
0x104: {  	[tilespmem:s3+$0x7A0] =	vst v8;
	v14 =	vxor.u32 $0x80000000, v14  }
0x105: {  	[tilespmem:s3+$0xBA0] =	vst v14  }
0x106: {  	v8 =	vld.idx.msk [tilespmem:v13+s14+$0x0], $0xffff  }
0x107: {  	v13 =	vor.u32 s2, v2  }
0x108: {  	v10 =	vadd.f32 $1.000000000e+00, v10;
	_ =	sdelay $0x1  }
0x109: {  	(erf) = vrcp.f32 v10  }
0x10a: {  	[tilespmem:s3+$0xFFFFFFB0] =	vst v8  }
0x10b: {  	v8 =	vadd.f32 $1.000000000e+00, v11;
	v10 =	vld.idx.msk [tilespmem:v13+s14+$0x0], $0xffff  }
0x10c: {  	v7 =	vadd.f32 $1.000000000e+00, v7;
	v11 =	vor.u32 s2, v3  }
0x10d: {  	(erf) = vrcp.f32 v8;
	v8 =	vadd.f32 $1.000000000e+00, v12  }
0x10e: {  	(erf) = vrcp.f32 v7  }
0x10f: {  	(erf) = vrcp.f32 v8  }
0x110: {  	(erf) = vpow2.f32 v9;
	[tilespmem:s3+$0x3B0] =	vst v10  }
0x111: {  	s16 =	sadd.s32 $0xFFFFFF00, s0;
	v7 =	vld.idx.msk [tilespmem:v11+s14+$0x0], $0xffff  }
0x112: {  	v8 =	vor.u32 s16, v1;
	v9 =	vpop (erf)  }
0x113: {  	v9 =	vxor.u32 $0x80000000, v9;
	_ =	sdelay $0x1  }
0x114: {  	[tilespmem:s3+$0xBB0] =	vst v9  }
0x115: {  	v9 =	vpop (erf);
	[tilespmem:s3+$0x7B0] =	vst v7  }
0x116: {  	v7 =	vpop (erf);
	v8 =	vld.idx.msk [tilespmem:v8+s14+$0x0], $0xffff  }
0x117: {  	v11 =	vor.u32 s16, v2;
	v10 =	vpop (erf)  }
0x118: {  	v12 =	vpop (erf)  }
0x119: {  	v12 =	vadd.f32 $1.000000000e+00, v12;
	_ =	sdelay $0x1  }
0x11a: {  	(erf) = vrcp.f32 v12;
	[tilespmem:s3+$0xFFFFFFC0] =	vst v8  }
0x11b: {  	v8 =	vld.idx.msk [tilespmem:v11+s14+$0x0], $0xffff  }
0x11c: {  	v11 =	vor.u32 s16, v3;
	_ =	sdelay $0x3  }
0x11d: {  	[tilespmem:s3+$0x3C0] =	vst v8  }
0x11e: {  	s18 =	sadd.s32 $0xFFFFFF40, s0;
	v8 =	vld.idx.msk [tilespmem:v11+s14+$0x0], $0xffff  }
0x11f: {  	v11 =	vor.u32 s18, v1  }
0x120: {  	v12 =	vpop (erf)  }
0x121: {  	v12 =	vxor.u32 $0x80000000, v12  }
0x122: {  	[tilespmem:s3+$0xBC0] =	vst v12  }
0x123: {  	[tilespmem:s3+$0x7C0] =	vst v8  }
0x124: {  	v8 =	vld.idx.msk [tilespmem:v11+s14+$0x0], $0xffff  }
0x125: {  	v11 =	vor.u32 s18, v2;
	_ =	sdelay $0x3  }
0x126: {  	[tilespmem:s3+$0xFFFFFFD0] =	vst v8  }
0x127: {  	v8 =	vld.idx.msk [tilespmem:v11+s14+$0x0], $0xffff  }
0x128: {  	v11 =	vor.u32 s18, v3;
	_ =	sdelay $0x1  }
0x129: {  	v6 =	vmul.f32 $1.442695020e+00, v6;
	_ =	sdelay $0x1  }
0x12a: {  	(erf) = vpow2.f32 v6;
	[tilespmem:s3+$0x3D0] =	vst v8  }
0x12b: {  	s19 =	sadd.s32 $0xFFFFFF80, s0;
	v6 =	vld.idx.msk [tilespmem:v11+s14+$0x0], $0xffff  }
0x12c: {  	v8 =	vor.u32 s19, v1;
	_ =	sdelay $0x1  }
0x12d: {  	v9 =	vxor.u32 $0x80000000, v9  }
0x12e: {  	[tilespmem:s3+$0xBD0] =	vst v9  }
0x12f: {  	[tilespmem:s3+$0x7D0] =	vst v6  }
0x130: {  	v6 =	vld.idx.msk [tilespmem:v8+s14+$0x0], $0xffff  }
0x131: {  	v8 =	vor.u32 s19, v2  }
0x132: {  	v9 =	vpop (erf)  }
0x133: {  	v9 =	vadd.f32 $1.000000000e+00, v9;
	_ =	sdelay $0x1  }
0x134: {  	(erf) = vrcp.f32 v9;
	[tilespmem:s3+$0xFFFFFFE0] =	vst v6  }
0x135: {  	v6 =	vld.idx.msk [tilespmem:v8+s14+$0x0], $0xffff  }
0x136: {  	v8 =	vor.u32 s19, v3;
	_ =	sdelay $0x3  }
0x137: {  	[tilespmem:s3+$0x3E0] =	vst v6  }
0x138: {  	s20 =	sadd.s32 $0xFFFFFFC0, s0;
	v6 =	vld.idx.msk [tilespmem:v8+s14+$0x0], $0xffff  }
0x139: {  	v8 =	vor.u32 s20, v1  }
0x13a: {  	v9 =	vpop (erf)  }
0x13b: {  	v9 =	vxor.u32 $0x80000000, v9  }
0x13c: {  	[tilespmem:s3+$0xBE0] =	vst v9  }
0x13d: {  	[tilespmem:s3+$0x7E0] =	vst v6  }
0x13e: {  	v6 =	vld.idx.msk [tilespmem:v8+s14+$0x0], $0xffff  }
0x13f: {  	v8 =	vor.u32 s20, v2;
	_ =	sdelay $0x3  }
0x140: {  	[tilespmem:s3+$0xFFFFFFF0] =	vst v6  }
0x141: {  	v6 =	vld.idx.msk [tilespmem:v8+s14+$0x0], $0xffff  }
0x142: {  	v8 =	vor.u32 s20, v3;
	_ =	sdelay $0x3  }
0x143: {  	[tilespmem:s3+$0x3F0] =	vst v6  }
0x144: {  	v6 =	vld.idx.msk [tilespmem:v8+s14+$0x0], $0xffff  }
0x145: {  	v8 =	vor.u32 s0, v1;
	_ =	sdelay $0x1  }
0x146: {  	v7 =	vxor.u32 $0x80000000, v7  }
0x147: {  	[tilespmem:s3+$0xBF0] =	vst v7  }
0x148: {  	[tilespmem:s3+$0x7F0] =	vst v6  }
0x149: {  	v6 =	vld.idx.msk [tilespmem:v8+s14+$0x0], $0xffff  }
0x14a: {  	v7 =	vor.u32 s0, v2;
	_ =	sdelay $0x3  }
0x14b: {  	[tilespmem:s3+$0x0] =	vst v6  }
0x14c: {  	v6 =	vld.idx.msk [tilespmem:v7+s14+$0x0], $0xffff  }
0x14d: {  	v7 =	vor.u32 s1, v3;
	_ =	sdelay $0x3  }
0x14e: {  	[tilespmem:s3+$0x400] =	vst v6  }
0x14f: {  	v6 =	vld.idx.msk [tilespmem:v7+s14+$0x0], $0xffff;
	_ =	sdelay $0x2  }
0x150: {  	v7 =	vxor.u32 $0x80000000, v10  }
0x151: {  	[tilespmem:s3+$0xC00] =	vst v7  }
0x152: {  	[tilespmem:s3+$0x800] =	vst v6  }
0x153: {  	s21 =	simm.s32 $0x4;
	[tilespmem:$0x1660] =	vst v4  }
0x154: {  	_ =	swait.ge [sflag:s21], $0x1000  }
0x155: {  	[sflag:s21] =	ssyncset.done $0x0  }
0x156: {  	s22 =	simm.s32 $0x5;
	[sflag:s21] =	ssyncadd.s32 $0xFFFFF000  }
0x157: {  	_ =	swait.ge [sflag:s22], $0x400  }
0x158: {  	[sflag:s22] =	ssyncset.done $0x0  }
0x159: {  	s23 =	simm.s32 $0x6;
	[sflag:s22] =	ssyncadd.s32 $0xFFFFFC00  }
0x15a: {  	_ =	swait.ge [sflag:s23], $0x200  }
0x15b: {  	[sflag:s23] =	ssyncset.done $0x0  }
0x15c: {  	s6 =	simm.s32 $0x60;
	[sflag:s23] =	ssyncadd.s32 $0xFFFFFE00  }
0x15d: {  	v6 =	vld [tilespmem:s6+$0x3620];
	_ =	sdelay $0x4  }
0x15e: {  	v6 =	vsub.f32 $0.0e+00, v6;
	_ =	sdelay $0x1  }
0x15f: {  	v7 =	vld [tilespmem:s6+$0x3630];
	v6 =	vmul.f32 $1.442695020e+00, v6  }
0x160: {  	v8 =	vld [tilespmem:s6+$0x3650]  }
0x161: {  	v9 =	vld [tilespmem:s6+$0x3680];
	(erf) = vpow2.f32 v6  }
0x162: {  	s24 =	simm.s32 $0x0;
	v6 =	vld [tilespmem:s6+$0x3670]  }
0x163: {  	v10 =	vor.u32 s24, v1;
	_ =	sdelay $0x1  }
0x164: {  	v7 =	vsub.f32 $0.0e+00, v7  }
0x165: {  	v8 =	vsub.f32 $0.0e+00, v8;
	v9 =	vsub.f32 $0.0e+00, v9  }
0x166: {  	v7 =	vmul.f32 $1.442695020e+00, v7;
	v6 =	vsub.f32 $0.0e+00, v6  }
0x167: {  	v10 =	vld.idx.msk [tilespmem:v10+s17+$0x0], $0xffff;
	v8 =	vmul.f32 $1.442695020e+00, v8  }
0x168: {  	(erf) = vpow2.f32 v7;
	v7 =	vor.u32 s24, v2;
	v6 =	vmul.f32 $1.442695020e+00, v6  }
0x169: {  	(erf) = vpow2.f32 v8;
	v8 =	vmul.f32 $1.442695020e+00, v9;
	v9 =	vpop (erf)  }
0x16a: {  	(erf) = vpow2.f32 v6;
	v6 =	vadd.f32 $1.000000000e+00, v9  }
0x16b: {  	(erf) = vpow2.f32 v8  }
0x16c: {  	[tilespmem:s6+$0x2620] =	vst v10;
	(erf) = vrcp.f32 v6  }
0x16d: {  	v6 =	vld.idx.msk [tilespmem:v7+s17+$0x0], $0xffff  }
0x16e: {  	v7 =	vor.u32 s24, v3;
	_ =	sdelay $0x2  }
0x16f: {  	v8 =	vpop (erf)  }
0x170: {  	v10 =	vpop (erf);
	[tilespmem:s6+$0x2A20] =	vst v6  }
0x171: {  	s25 =	simm.s32 $0x40;
	v6 =	vpop (erf);
	v7 =	vld.idx.msk [tilespmem:v7+s17+$0x0], $0xffff  }
0x172: {  	v13 =	vor.u32 s25, v1;
	v12 =	vpop (erf)  }
0x173: {  	v14 =	vpop (erf)  }
0x174: {  	v14 =	vxor.u32 $0x80000000, v14  }
0x175: {  	[tilespmem:s6+$0x3220] =	vst v14  }
0x176: {  	[tilespmem:s6+$0x2E20] =	vst v7  }
0x177: {  	v7 =	vld.idx.msk [tilespmem:v13+s17+$0x0], $0xffff  }
0x178: {  	v13 =	vor.u32 s25, v2  }
0x179: {  	v11 =	vld [tilespmem:s6+$0x3640];
	v8 =	vadd.f32 $1.000000000e+00, v8;
	_ =	sdelay $0x1  }
0x17a: {  	(erf) = vrcp.f32 v8  }
0x17b: {  	[tilespmem:s6+$0x2630] =	vst v7  }
0x17c: {  	v7 =	vadd.f32 $1.000000000e+00, v10;
	v8 =	vld.idx.msk [tilespmem:v13+s17+$0x0], $0xffff  }
0x17d: {  	v6 =	vadd.f32 $1.000000000e+00, v6;
	v10 =	vsub.f32 $0.0e+00, v11;
	v11 =	vor.u32 s25, v3  }
0x17e: {  	(erf) = vrcp.f32 v7;
	v7 =	vadd.f32 $1.000000000e+00, v12  }
0x17f: {  	v10 =	vmul.f32 $1.442695020e+00, v10;
	(erf) = vrcp.f32 v6  }
0x180: {  	(erf) = vrcp.f32 v7  }
0x181: {  	(erf) = vpow2.f32 v10;
	[tilespmem:s6+$0x2A30] =	vst v8  }
0x182: {  	s26 =	simm.s32 $0x80;
	v6 =	vld.idx.msk [tilespmem:v11+s17+$0x0], $0xffff  }
0x183: {  	v7 =	vor.u32 s26, v1;
	v8 =	vpop (erf)  }
0x184: {  	v8 =	vxor.u32 $0x80000000, v8;
	_ =	sdelay $0x1  }
0x185: {  	[tilespmem:s6+$0x3230] =	vst v8  }
0x186: {  	v8 =	vpop (erf);
	[tilespmem:s6+$0x2E30] =	vst v6  }
0x187: {  	v6 =	vpop (erf);
	v7 =	vld.idx.msk [tilespmem:v7+s17+$0x0], $0xffff  }
0x188: {  	v11 =	vor.u32 s26, v2;
	v10 =	vpop (erf)  }
0x189: {  	v12 =	vpop (erf)  }
0x18a: {  	v12 =	vadd.f32 $1.000000000e+00, v12;
	_ =	sdelay $0x1  }
0x18b: {  	(erf) = vrcp.f32 v12;
	[tilespmem:s6+$0x2640] =	vst v7  }
0x18c: {  	v7 =	vld.idx.msk [tilespmem:v11+s17+$0x0], $0xffff  }
0x18d: {  	v11 =	vor.u32 s26, v3;
	_ =	sdelay $0x3  }
0x18e: {  	[tilespmem:s6+$0x2A40] =	vst v7  }
0x18f: {  	s28 =	simm.s32 $0xC0;
	v7 =	vld.idx.msk [tilespmem:v11+s17+$0x0], $0xffff  }
0x190: {  	v11 =	vor.u32 s28, v1  }
0x191: {  	v12 =	vpop (erf)  }
0x192: {  	v12 =	vxor.u32 $0x80000000, v12  }
0x193: {  	[tilespmem:s6+$0x3240] =	vst v12  }
0x194: {  	[tilespmem:s6+$0x2E40] =	vst v7  }
0x195: {  	v7 =	vld.idx.msk [tilespmem:v11+s17+$0x0], $0xffff  }
0x196: {  	v11 =	vor.u32 s28, v2  }
0x197: {  	v9 =	vld [tilespmem:s6+$0x3660];
	_ =	sdelay $0x2  }
0x198: {  	[tilespmem:s6+$0x2650] =	vst v7  }
0x199: {  	v7 =	vld.idx.msk [tilespmem:v11+s17+$0x0], $0xffff  }
0x19a: {  	v9 =	vsub.f32 $0.0e+00, v9;
	v11 =	vor.u32 s28, v3;
	_ =	sdelay $0x1  }
0x19b: {  	v9 =	vmul.f32 $1.442695020e+00, v9;
	_ =	sdelay $0x1  }
0x19c: {  	(erf) = vpow2.f32 v9;
	[tilespmem:s6+$0x2A50] =	vst v7  }
0x19d: {  	s29 =	simm.s32 $0x100;
	v7 =	vld.idx.msk [tilespmem:v11+s17+$0x0], $0xffff  }
0x19e: {  	v9 =	vor.u32 s29, v1;
	_ =	sdelay $0x1  }
0x19f: {  	v8 =	vxor.u32 $0x80000000, v8  }
0x1a0: {  	[tilespmem:s6+$0x3250] =	vst v8  }
0x1a1: {  	[tilespmem:s6+$0x2E50] =	vst v7  }
0x1a2: {  	v7 =	vld.idx.msk [tilespmem:v9+s17+$0x0], $0xffff  }
0x1a3: {  	v8 =	vor.u32 s29, v2  }
0x1a4: {  	v9 =	vpop (erf)  }
0x1a5: {  	v9 =	vadd.f32 $1.000000000e+00, v9;
	_ =	sdelay $0x1  }
0x1a6: {  	(erf) = vrcp.f32 v9;
	[tilespmem:s6+$0x2660] =	vst v7  }
0x1a7: {  	v7 =	vld.idx.msk [tilespmem:v8+s17+$0x0], $0xffff  }
0x1a8: {  	v8 =	vor.u32 s29, v3;
	_ =	sdelay $0x3  }
0x1a9: {  	[tilespmem:s6+$0x2A60] =	vst v7  }
0x1aa: {  	s30 =	simm.s32 $0x140;
	v7 =	vld.idx.msk [tilespmem:v8+s17+$0x0], $0xffff  }
0x1ab: {  	v8 =	vor.u32 s30, v1  }
0x1ac: {  	v9 =	vpop (erf)  }
0x1ad: {  	v9 =	vxor.u32 $0x80000000, v9  }
0x1ae: {  	[tilespmem:s6+$0x3260] =	vst v9  }
0x1af: {  	[tilespmem:s6+$0x2E60] =	vst v7  }
0x1b0: {  	v7 =	vld.idx.msk [tilespmem:v8+s17+$0x0], $0xffff  }
0x1b1: {  	v8 =	vor.u32 s30, v2;
	_ =	sdelay $0x3  }
0x1b2: {  	[tilespmem:s6+$0x2670] =	vst v7  }
0x1b3: {  	v7 =	vld.idx.msk [tilespmem:v8+s17+$0x0], $0xffff  }
0x1b4: {  	v8 =	vor.u32 s30, v3;
	_ =	sdelay $0x3  }
0x1b5: {  	[tilespmem:s6+$0x2A70] =	vst v7  }
0x1b6: {  	s31 =	simm.s32 $0x180;
	v7 =	vld.idx.msk [tilespmem:v8+s17+$0x0], $0xffff  }
0x1b7: {  	v8 =	vor.u32 s31, v1;
	_ =	sdelay $0x1  }
0x1b8: {  	v6 =	vxor.u32 $0x80000000, v6  }
0x1b9: {  	[tilespmem:s6+$0x3270] =	vst v6  }
0x1ba: {  	[tilespmem:s6+$0x2E70] =	vst v7  }
0x1bb: {  	v6 =	vld.idx.msk [tilespmem:v8+s17+$0x0], $0xffff;
	_ =	sdelay $0x1  }
0x1bc: {  	v7 =	vor.u32 s31, v2;
	_ =	sdelay $0x2  }
0x1bd: {  	s3 =	simm.s32 $0xD0;
	[tilespmem:s6+$0x2680] =	vst v6  }
0x1be: {  	v6 =	vld [tilespmem:s3+$0x3620]  }
0x1bf: {  	v7 =	vld.idx.msk [tilespmem:v7+s17+$0x0], $0xffff  }
0x1c0: {  	v11 =	vor.u32 s31, v3;
	v8 =	vld [tilespmem:s3+$0x3630]  }
0x1c1: {  	v9 =	vld [tilespmem:s3+$0x3640]  }
0x1c2: {  	v12 =	vld [tilespmem:s3+$0x3650]  }
0x1c3: {  	v14 =	vld [tilespmem:s3+$0x3670]  }
0x1c4: {  	v13 =	vld [tilespmem:s3+$0x3660];
	v6 =	vsub.f32 $0.0e+00, v6;
	[tilespmem:s6+$0x2A80] =	vst v7  }
0x1c5: {  	v15 =	vsub.f32 $0.0e+00, v8;
	v8 =	vld.idx.msk [tilespmem:v11+s17+$0x0], $0xffff  }
0x1c6: {  	s4 =	simm.s32 $0x1C0;
	v16 =	vxor.u32 $0x80000000, v10;
	v9 =	vsub.f32 $0.0e+00, v9;
	v10 =	vld [tilespmem:s3+$0x3680];
	v6 =	vmul.f32 $1.442695020e+00, v6  }
0x1c7: {  	v7 =	vor.u32 s4, v1;
	v11 =	vsub.f32 $0.0e+00, v12;
	v15 =	vmul.f32 $1.442695020e+00, v15  }
0x1c8: {  	v12 =	vsub.f32 $0.0e+00, v14;
	v9 =	vmul.f32 $1.442695020e+00, v9;
	(erf) = vpow2.f32 v6  }
0x1c9: {  	s2 =	simm.s32 $0x7;
	s0 =	simm.s32 $0x340;
	s1 =	simm.s32 $0x340;
	[tilespmem:s6+$0x3280] =	vst v16;
	v11 =	vmul.f32 $1.442695020e+00, v11;
	v6 =	vsub.f32 $0.0e+00, v13;
	(erf) = vpow2.f32 v15  }
.LBB2_4:
0x1ca: {  	s2 =	sadd.s32 $0x7, s2  }
0x1cb: {  	p0 =	slt.u32 s2, $0x38;
	v12 =	vmul.f32 $1.442695020e+00, v12;
	v10 =	vsub.f32 $0.0e+00, v10;
	(erf) = vpow2.f32 v11;
	[tilespmem:s6+$0x2E80] =	vst v8;
	s6 =	smov.u32 s3  }
0x1cc: {  	v7 =	vld.idx.msk [tilespmem:v7+s17+$0x0], $0xffff  }
0x1cd: {  	v8 =	vmul.f32 $1.442695020e+00, v10;
	(erf) = vpow2.f32 v12  }
0x1ce: {  	v10 =	vor.u32 s4, v2  }
0x1cf: {  	(erf) = vpow2.f32 v8;
	_ =	sdelay $0x1  }
0x1d0: {  	v8 =	vpop (erf)  }
0x1d1: {  	[tilespmem:s6+$0x2620] =	vst v7;
	v11 =	vadd.f32 $1.000000000e+00, v8;
	v8 =	vpop (erf)  }
0x1d2: {  	v10 =	vld.idx.msk [tilespmem:v10+s17+$0x0], $0xffff;
	v12 =	vadd.f32 $1.000000000e+00, v8  }
0x1d3: {  	(erf) = vrcp.f32 v11;
	v7 =	vpop (erf)  }
0x1d4: {  	v11 =	vor.u32 s4, v3;
	v13 =	vadd.f32 $1.000000000e+00, v7;
	(erf) = vrcp.f32 v12  }
0x1d5: {  	v8 =	vpop (erf)  }
0x1d6: {  	v8 =	vadd.f32 $1.000000000e+00, v8;
	(erf) = vrcp.f32 v13  }
0x1d7: {  	v7 =	vpop (erf)  }
0x1d8: {  	[tilespmem:s6+$0x2A20] =	vst v10;
	v7 =	vadd.f32 $1.000000000e+00, v7;
	(erf) = vrcp.f32 v8  }
0x1d9: {  	s3 =	sadd.s32 $0xFFFFFEC0, s0;
	v8 =	vld.idx.msk [tilespmem:v11+s17+$0x0], $0xffff  }
0x1da: {  	v10 =	vor.u32 s3, v1;
	(erf) = vrcp.f32 v7;
	_ =	sdelay $0x1  }
0x1db: {  	v7 =	vpop (erf)  }
0x1dc: {  	v7 =	vxor.u32 $0x80000000, v7;
	v11 =	vpop (erf)  }
0x1dd: {  	[tilespmem:s6+$0x3220] =	vst v7  }
0x1de: {  	[tilespmem:s6+$0x2E20] =	vst v8;
	v12 =	vpop (erf)  }
0x1df: {  	v10 =	vld.idx.msk [tilespmem:v10+s17+$0x0], $0xffff  }
0x1e0: {  	v13 =	vor.u32 s3, v2;
	v8 =	vpop (erf);
	_ =	sdelay $0x1  }
0x1e1: {  	v7 =	vpop (erf);
	_ =	sdelay $0x2  }
0x1e2: {  	[tilespmem:s6+$0x2630] =	vst v10  }
0x1e3: {  	v10 =	vld.idx.msk [tilespmem:v13+s17+$0x0], $0xffff  }
0x1e4: {  	v13 =	vor.u32 s3, v3;
	_ =	sdelay $0x4  }
0x1e5: {  	[tilespmem:s6+$0x2A30] =	vst v10  }
0x1e6: {  	s3 =	sadd.s32 $0xFFFFFF00, s0;
	v10 =	vld.idx.msk [tilespmem:v13+s17+$0x0], $0xffff  }
0x1e7: {  	v13 =	vor.u32 s3, v1;
	_ =	sdelay $0x1  }
0x1e8: {  	(erf) = vpow2.f32 v9  }
0x1e9: {  	v9 =	vxor.u32 $0x80000000, v11  }
0x1ea: {  	[tilespmem:s6+$0x3230] =	vst v9  }
0x1eb: {  	[tilespmem:s6+$0x2E30] =	vst v10  }
0x1ec: {  	v9 =	vld.idx.msk [tilespmem:v13+s17+$0x0], $0xffff  }
0x1ed: {  	v10 =	vor.u32 s3, v2;
	_ =	sdelay $0x3  }
0x1ee: {  	v11 =	vpop (erf)  }
0x1ef: {  	[tilespmem:s6+$0x2640] =	vst v9;
	v9 =	vadd.f32 $1.000000000e+00, v11  }
0x1f0: {  	v10 =	vld.idx.msk [tilespmem:v10+s17+$0x0], $0xffff  }
0x1f1: {  	v11 =	vor.u32 s3, v3;
	(erf) = vrcp.f32 v9;
	_ =	sdelay $0x4  }
0x1f2: {  	[tilespmem:s6+$0x2A40] =	vst v10  }
0x1f3: {  	s3 =	sadd.s32 $0xFFFFFF40, s0;
	v9 =	vld.idx.msk [tilespmem:v11+s17+$0x0], $0xffff  }
0x1f4: {  	v10 =	vor.u32 s3, v1;
	_ =	sdelay $0x1  }
0x1f5: {  	v11 =	vpop (erf)  }
0x1f6: {  	v11 =	vxor.u32 $0x80000000, v11  }
0x1f7: {  	[tilespmem:s6+$0x3240] =	vst v11  }
0x1f8: {  	[tilespmem:s6+$0x2E40] =	vst v9  }
0x1f9: {  	v9 =	vld.idx.msk [tilespmem:v10+s17+$0x0], $0xffff  }
0x1fa: {  	v10 =	vor.u32 s3, v2;
	_ =	sdelay $0x4  }
0x1fb: {  	[tilespmem:s6+$0x2650] =	vst v9  }
0x1fc: {  	v9 =	vld.idx.msk [tilespmem:v10+s17+$0x0], $0xffff  }
0x1fd: {  	v10 =	vor.u32 s3, v3;
	_ =	sdelay $0x2  }
0x1fe: {  	v6 =	vmul.f32 $1.442695020e+00, v6;
	_ =	sdelay $0x1  }
0x1ff: {  	[tilespmem:s6+$0x2A50] =	vst v9;
	(erf) = vpow2.f32 v6  }
0x200: {  	s3 =	sadd.s32 $0xFFFFFF80, s0;
	v9 =	vxor.u32 $0x80000000, v12;
	v6 =	vld.idx.msk [tilespmem:v10+s17+$0x0], $0xffff  }
0x201: {  	[tilespmem:s6+$0x3250] =	vst v9;
	v9 =	vor.u32 s3, v1;
	_ =	sdelay $0x4  }
0x202: {  	[tilespmem:s6+$0x2E50] =	vst v6  }
0x203: {  	v6 =	vld.idx.msk [tilespmem:v9+s17+$0x0], $0xffff  }
0x204: {  	v9 =	vor.u32 s3, v2;
	v10 =	vpop (erf)  }
0x205: {  	v10 =	vadd.f32 $1.000000000e+00, v10;
	_ =	sdelay $0x1  }
0x206: {  	(erf) = vrcp.f32 v10;
	_ =	sdelay $0x1  }
0x207: {  	[tilespmem:s6+$0x2660] =	vst v6  }
0x208: {  	v6 =	vld.idx.msk [tilespmem:v9+s17+$0x0], $0xffff  }
0x209: {  	v9 =	vor.u32 s3, v3;
	_ =	sdelay $0x4  }
0x20a: {  	[tilespmem:s6+$0x2A60] =	vst v6;
	v6 =	vpop (erf)  }
0x20b: {  	s3 =	sadd.s32 $0xFFFFFFC0, s0;
	v9 =	vld.idx.msk [tilespmem:v9+s17+$0x0], $0xffff;
	v6 =	vxor.u32 $0x80000000, v6  }
0x20c: {  	[tilespmem:s6+$0x3260] =	vst v6;
	v6 =	vor.u32 s3, v1;
	_ =	sdelay $0x4  }
0x20d: {  	[tilespmem:s6+$0x2E60] =	vst v9  }
0x20e: {  	v6 =	vld.idx.msk [tilespmem:v6+s17+$0x0], $0xffff  }
0x20f: {  	v9 =	vor.u32 s3, v2;
	_ =	sdelay $0x4  }
0x210: {  	[tilespmem:s6+$0x2670] =	vst v6  }
0x211: {  	v6 =	vld.idx.msk [tilespmem:v9+s17+$0x0], $0xffff  }
0x212: {  	v9 =	vor.u32 s3, v3;
	_ =	sdelay $0x4  }
0x213: {  	[tilespmem:s6+$0x2A70] =	vst v6  }
0x214: {  	v8 =	vxor.u32 $0x80000000, v8;
	v6 =	vld.idx.msk [tilespmem:v9+s17+$0x0], $0xffff  }
0x215: {  	[tilespmem:s6+$0x3270] =	vst v8;
	v8 =	vor.u32 s0, v1;
	_ =	sdelay $0x4  }
0x216: {  	[tilespmem:s6+$0x2E70] =	vst v6  }
0x217: {  	v6 =	vld.idx.msk [tilespmem:v8+s17+$0x0], $0xffff  }
0x218: {  	v8 =	vor.u32 s0, v2;
	_ =	sdelay $0x4  }
0x219: {  	s0 =	sadd.s32 $0x1C0, s0;
	[tilespmem:s6+$0x2680] =	vst v6  }
0x21a: {  	s3 =	sshra.s32 s0, $0x2;
	v6 =	vld.idx.msk [tilespmem:v8+s17+$0x0], $0xffff  }
0x21b: {  	v9 =	vor.u32 s1, v3;
	s1 =	smov.u32 s0;
	v8 =	vld [tilespmem:s3+$0x3620]  }
0x21c: {  	v10 =	vld [tilespmem:s3+$0x3630]  }
0x21d: {  	v11 =	vld [tilespmem:s3+$0x3640]  }
0x21e: {  	v12 =	vld [tilespmem:s3+$0x3650]  }
0x21f: {  	v13 =	vld [tilespmem:s3+$0x3660]  }
0x220: {  	v14 =	vsub.f32 $0.0e+00, v8;
	v15 =	vld [tilespmem:s3+$0x3670];
	[tilespmem:s6+$0x2A80] =	vst v6  }
.Ltmp1:
0x221: {  	v7 =	vxor.u32 $0x80000000, v7;
	v6 =	vsub.f32 $0.0e+00, v10;
	v8 =	vld.idx.msk [tilespmem:v9+s17+$0x0], $0xffff;
	(pc) =	sbr.rel @p0 .LBB2_4-.Ltmp1, $4  }
0x222: {  	s4 =	sadd.s32 $0xFFFFFE80, s0;
	v14 =	vmul.f32 $1.442695020e+00, v14;
	v9 =	vsub.f32 $0.0e+00, v11;
	v10 =	vld [tilespmem:s3+$0x3680];
	[tilespmem:s6+$0x3280] =	vst v7  }
0x223: {  	v7 =	vor.u32 s4, v1;
	v16 =	vmul.f32 $1.442695020e+00, v6;
	v11 =	vsub.f32 $0.0e+00, v12  }
0x224: {  	v9 =	vmul.f32 $1.442695020e+00, v9;
	v6 =	vsub.f32 $0.0e+00, v13;
	(erf) = vpow2.f32 v14  }
0x225: {  	v11 =	vmul.f32 $1.442695020e+00, v11;
	v12 =	vsub.f32 $0.0e+00, v15;
	(erf) = vpow2.f32 v16  }
0x226: {  	_ =	sdelay $0x2  }
0x227: {  	[tilespmem:s6+$0x2E80] =	vst v8  }
0x228: {  	v7 =	vld.idx.msk [tilespmem:v7+s17+$0x0], $0xffff  }
0x229: {  	v34 =	vor.u32 s4, v2  }
0x22a: {  	v32 =	vsub.f32 $0.0e+00, v10  }
0x22b: {  	v33 =	vmul.f32 $1.442695020e+00, v12  }
0x22c: {  	(erf) = vpow2.f32 v11;
	v8 =	vmul.f32 $1.442695020e+00, v32;
	v35 =	vpop (erf)  }
0x22d: {  	[tilespmem:s3+$0x2620] =	vst v7;
	(erf) = vpow2.f32 v33;
	v36 =	vadd.f32 $1.000000000e+00, v35  }
0x22e: {  	v7 =	vld.idx.msk [tilespmem:v34+s17+$0x0], $0xffff;
	(erf) = vpow2.f32 v8  }
0x22f: {  	v37 =	vor.u32 s4, v3;
	(erf) = vrcp.f32 v36;
	_ =	sdelay $0x3  }
0x230: {  	[tilespmem:s3+$0x2A20] =	vst v7  }
0x231: {  	v38 =	vpop (erf);
	v8 =	vld.idx.msk [tilespmem:v37+s17+$0x0], $0xffff  }
0x232: {  	s2 =	sadd.s32 $0xFFFFFEC0, s0;
	v39 =	vpop (erf)  }
0x233: {  	v13 =	vor.u32 s2, v1;
	v7 =	vpop (erf)  }
0x234: {  	v40 =	vpop (erf)  }
0x235: {  	v14 =	vpop (erf)  }
0x236: {  	[tilespmem:s3+$0x2E20] =	vst v8;
	v14 =	vxor.u32 $0x80000000, v14  }
0x237: {  	[tilespmem:s3+$0x3220] =	vst v14  }
0x238: {  	v8 =	vld.idx.msk [tilespmem:v13+s17+$0x0], $0xffff  }
0x239: {  	v41 =	vor.u32 s2, v2;
	_ =	sdelay $0x1  }
0x23a: {  	v10 =	vadd.f32 $1.000000000e+00, v38;
	_ =	sdelay $0x1  }
0x23b: {  	(erf) = vrcp.f32 v10;
	[tilespmem:s3+$0x2630] =	vst v8  }
0x23c: {  	v42 =	vadd.f32 $1.000000000e+00, v39;
	v43 =	vld.idx.msk [tilespmem:v41+s17+$0x0], $0xffff  }
0x23d: {  	v44 =	vor.u32 s2, v3;
	v7 =	vadd.f32 $1.000000000e+00, v7  }
0x23e: {  	(erf) = vrcp.f32 v42;
	v45 =	vadd.f32 $1.000000000e+00, v40  }
0x23f: {  	(erf) = vrcp.f32 v7  }
0x240: {  	(erf) = vrcp.f32 v45  }
0x241: {  	(erf) = vpow2.f32 v9;
	[tilespmem:s3+$0x2A30] =	vst v43  }
0x242: {  	s28 =	sadd.s32 $0xFFFFFF00, s0;
	v7 =	vld.idx.msk [tilespmem:v44+s17+$0x0], $0xffff  }
0x243: {  	v46 =	vor.u32 s28, v1  }
0x244: {  	v47 =	vpop (erf)  }
0x245: {  	v9 =	vxor.u32 $0x80000000, v47  }
0x246: {  	[tilespmem:s3+$0x3230] =	vst v9  }
0x247: {  	v48 =	vpop (erf);
	[tilespmem:s3+$0x2E30] =	vst v7  }
0x248: {  	v7 =	vpop (erf);
	v8 =	vld.idx.msk [tilespmem:v46+s17+$0x0], $0xffff  }
0x249: {  	v50 =	vor.u32 s28, v2;
	v49 =	vpop (erf)  }
0x24a: {  	v51 =	vpop (erf)  }
0x24b: {  	v12 =	vadd.f32 $1.000000000e+00, v51;
	_ =	sdelay $0x1  }
0x24c: {  	(erf) = vrcp.f32 v12;
	[tilespmem:s3+$0x2640] =	vst v8  }
0x24d: {  	v8 =	vld.idx.msk [tilespmem:v50+s17+$0x0], $0xffff  }
0x24e: {  	v52 =	vor.u32 s28, v3;
	_ =	sdelay $0x3  }
0x24f: {  	[tilespmem:s3+$0x2A40] =	vst v8  }
0x250: {  	s29 =	sadd.s32 $0xFFFFFF40, s0;
	v8 =	vld.idx.msk [tilespmem:v52+s17+$0x0], $0xffff  }
0x251: {  	v53 =	vor.u32 s29, v1  }
0x252: {  	v12 =	vpop (erf)  }
0x253: {  	v12 =	vxor.u32 $0x80000000, v12  }
0x254: {  	[tilespmem:s3+$0x3240] =	vst v12  }
0x255: {  	[tilespmem:s3+$0x2E40] =	vst v8  }
0x256: {  	v8 =	vld.idx.msk [tilespmem:v53+s17+$0x0], $0xffff  }
0x257: {  	v54 =	vor.u32 s29, v2;
	_ =	sdelay $0x3  }
0x258: {  	[tilespmem:s3+$0x2650] =	vst v8  }
0x259: {  	v8 =	vld.idx.msk [tilespmem:v54+s17+$0x0], $0xffff  }
0x25a: {  	v55 =	vor.u32 s29, v3;
	_ =	sdelay $0x1  }
0x25b: {  	v6 =	vmul.f32 $1.442695020e+00, v6;
	_ =	sdelay $0x1  }
0x25c: {  	(erf) = vpow2.f32 v6;
	[tilespmem:s3+$0x2A50] =	vst v8  }
0x25d: {  	s30 =	sadd.s32 $0xFFFFFF80, s0;
	v6 =	vld.idx.msk [tilespmem:v55+s17+$0x0], $0xffff  }
0x25e: {  	v56 =	vor.u32 s30, v1;
	_ =	sdelay $0x1  }
0x25f: {  	v9 =	vxor.u32 $0x80000000, v48  }
0x260: {  	[tilespmem:s3+$0x3250] =	vst v9  }
0x261: {  	[tilespmem:s3+$0x2E50] =	vst v6  }
0x262: {  	v6 =	vld.idx.msk [tilespmem:v56+s17+$0x0], $0xffff  }
0x263: {  	v57 =	vor.u32 s30, v2  }
0x264: {  	v58 =	vpop (erf)  }
0x265: {  	v9 =	vadd.f32 $1.000000000e+00, v58;
	_ =	sdelay $0x1  }
0x266: {  	(erf) = vrcp.f32 v9;
	[tilespmem:s3+$0x2660] =	vst v6  }
0x267: {  	v6 =	vld.idx.msk [tilespmem:v57+s17+$0x0], $0xffff  }
0x268: {  	v59 =	vor.u32 s30, v3;
	_ =	sdelay $0x3  }
0x269: {  	[tilespmem:s3+$0x2A60] =	vst v6  }
0x26a: {  	s31 =	sadd.s32 $0xFFFFFFC0, s0;
	v6 =	vld.idx.msk [tilespmem:v59+s17+$0x0], $0xffff  }
0x26b: {  	v60 =	vor.u32 s31, v1  }
0x26c: {  	v9 =	vpop (erf)  }
0x26d: {  	v9 =	vxor.u32 $0x80000000, v9  }
0x26e: {  	[tilespmem:s3+$0x3260] =	vst v9  }
0x26f: {  	[tilespmem:s3+$0x2E60] =	vst v6  }
0x270: {  	v6 =	vld.idx.msk [tilespmem:v60+s17+$0x0], $0xffff  }
0x271: {  	v61 =	vor.u32 s31, v2;
	_ =	sdelay $0x3  }
0x272: {  	[tilespmem:s3+$0x2670] =	vst v6  }
0x273: {  	v6 =	vld.idx.msk [tilespmem:v61+s17+$0x0], $0xffff  }
0x274: {  	v62 =	vor.u32 s31, v3;
	_ =	sdelay $0x3  }
0x275: {  	[tilespmem:s3+$0x2A70] =	vst v6  }
0x276: {  	v6 =	vld.idx.msk [tilespmem:v62+s17+$0x0], $0xffff  }
0x277: {  	v63 =	vor.u32 s0, v1;
	_ =	sdelay $0x1  }
0x278: {  	v7 =	vxor.u32 $0x80000000, v7  }
0x279: {  	[tilespmem:s3+$0x3270] =	vst v7  }
0x27a: {  	[tilespmem:s3+$0x2E70] =	vst v6  }
0x27b: {  	v6 =	vld.idx.msk [tilespmem:v63+s17+$0x0], $0xffff  }
0x27c: {  	v7 =	vor.u32 s0, v2;
	_ =	sdelay $0x3  }
0x27d: {  	[tilespmem:s3+$0x2680] =	vst v6  }
0x27e: {  	v6 =	vld.idx.msk [tilespmem:v7+s17+$0x0], $0xffff  }
0x27f: {  	v7 =	vor.u32 s1, v3;
	_ =	sdelay $0x3  }
0x280: {  	[tilespmem:s3+$0x2A80] =	vst v6  }
0x281: {  	v6 =	vld.idx.msk [tilespmem:v7+s17+$0x0], $0xffff;
	_ =	sdelay $0x2  }
0x282: {  	v7 =	vxor.u32 $0x80000000, v49  }
0x283: {  	[tilespmem:s3+$0x3280] =	vst v7  }
0x284: {  	[tilespmem:s3+$0x2E80] =	vst v6  }
0x285: {  	s6 =	simm.s32 $0x0;
	[tilespmem:$0x3CE0] =	vst v4  }
.LBB2_6:
0x286: {  	s18 =	simm.s32 $0x32C0  }
0x287: {  	v19 =	vld [tilespmem:s18+$0x10]  }
0x288: {  	s2 =	simm.s32 $0x2EC0;
	v20 =	vld [tilespmem:s18+$0x20]  }
0x289: {  	s4 =	simm.s32 $0x2AC0;
	v21 =	vld [tilespmem:s2+$0x20]  }
0x28a: {  	s3 =	simm.s32 $0x26C0;
	v22 =	vld [tilespmem:s4+$0x20]  }
0x28b: {  	s19 =	simm.s32 $0x440;
	v23 =	vld [tilespmem:s3+$0x20]  }
0x28c: {  	v24 =	vld [tilespmem:s19+$0xFFFFFFF0]  }
0x28d: {  	s0 =	sshll.u32 s6, $0x2;
	v25 =	vld [tilespmem:s2+$0x10]  }
0x28e: {  	v9 =	vmov s0;
	v26 =	vld [tilespmem:s3+$0x10]  }
0x28f: {  	v27 =	vld [tilespmem:s3+$0x0]  }
0x290: {  	v28 =	vld [tilespmem:s4+$0xFFFFFFF0];
	v10 =	vor.u32 $0x1, v9  }
0x291: {  	v34 =	vld [tilespmem:s3+$0xFFFFFFC0];
	v11 =	vor.u32 $0x2, v9  }
0x292: {  	v53 =	vld [tilespmem:s3+$0x30]  }
0x293: {  	v7 =	vld.idx.msk [tilespmem:v9+s5+$0x0], $0xffff  }
0x294: {  	v9 =	vld.idx.msk [tilespmem:v9+s8+$0x0], $0xffff  }
0x295: {  	v8 =	vld.idx.msk [tilespmem:v10+s5+$0x0], $0xffff  }
0x296: {  	v6 =	vld.idx.msk [tilespmem:v11+s5+$0x0], $0xffff;
	s5 =	simm.s32 $0x80  }
0x297: {  	v10 =	vld.idx.msk [tilespmem:v10+s8+$0x0], $0xffff;
	s7 =	sand.u32 $0x3FFFFF80, s5  }
0x298: {  	v11 =	vld.idx.msk [tilespmem:v11+s8+$0x0], $0xffff;
	s10 =	sadd.s32 $0x2680, s7  }
0x299: {  	s11 =	sadd.s32 $0x2A80, s7;
	v12 =	vld [tilespmem:s10+$0x0]  }
0x29a: {  	s1 =	sadd.s32 $0x400, s7;
	v13 =	vld [tilespmem:s11+$0x0]  }
0x29b: {  	s15 =	sadd.s32 $0x0, s7;
	v15 =	vld [tilespmem:s1+$0x0]  }
0x29c: {  	s12 =	sadd.s32 $0x2E80, s7;
	v17 =	vld [tilespmem:s15+$0x0];
	v23 =	vsub.f32 v23, v9;
	v26 =	vsub.f32 v26, v9  }
0x29d: {  	v14 =	vld [tilespmem:s12+$0x0];
	v27 =	vsub.f32 v27, v9;
	v34 =	vsub.f32 v34, v9  }
0x29e: {  	v35 =	vld [tilespmem:s19+$0xFFFFFFC0];
	s13 =	sadd.s32 $0x800, s7;
	v58 =	vsub.f32 v53, v9;
	v22 =	vsub.f32 v22, v10  }
0x29f: {  	v16 =	vld [tilespmem:s13+$0x0];
	v24 =	vsub.f32 v24, v8;
	v28 =	vsub.f32 v28, v10  }
0x2a0: {  	v52 =	vld [tilespmem:s4+$0x30];
	v13 =	vsub.f32 v13, v10;
	v12 =	vsub.f32 v12, v9  }
0x2a1: {  	v31 =	vimm.s32 $0x0;
	v30 =	vld [tilespmem:s3+$0xFFFFFFE0];
	s8 =	simm.s32 $0x840;
	v15 =	vsub.f32 v15, v8;
	v17 =	vsub.f32 v17, v7  }
0x2a2: {  	v51 =	vld [tilespmem:s8+$0xFFFFFFE0];
	s16 =	sadd.s32 $0xC00, s7;
	v14 =	vsub.f32 v14, v11;
	v12 =	vand.u32 $0x7FFFFFFF, v12;
	v13 =	vand.u32 $0x7FFFFFFF, v13  }
0x2a3: {  	v18 =	vld [tilespmem:s16+$0x0];
	s11 =	simm.s32 $0x0;
	v12 =	vadd.f32 v13, v12;
	v13 =	vand.u32 $0x7FFFFFFF, v15;
	v15 =	vand.u32 $0x7FFFFFFF, v17  }
0x2a4: {  	s10 =	simm.s32 $0x40;
	v49 =	vor.u32 s11, v0;
	v16 =	vsub.f32 v16, v6;
	v13 =	vadd.f32 v13, v15;
	v15 =	vld [tilespmem:s4+$0x10]  }
0x2a5: {  	v46 =	vld [tilespmem:s10+$0xFFFFFFE0];
	v45 =	vsub.f32 v35, v8;
	v56 =	vsub.f32 v52, v10;
	v14 =	vand.u32 $0x7FFFFFFF, v14  }
0x2a6: {  	v16 =	vand.u32 $0x7FFFFFFF, v16;
	v12 =	vadd.f32 v14, v12;
	v14 =	vsub.f32 v21, v11;
	v21 =	vld [tilespmem:s2+$0x0]  }
0x2a7: {  	v23 =	vand.u32 $0x7FFFFFFF, v23;
	v13 =	vadd.f32 v16, v13;
	v16 =	vand.u32 $0x7FFFFFFF, v22;
	v22 =	vld [tilespmem:s4+$0x0]  }
0x2a8: {  	v37 =	vld [tilespmem:s10+$0xFFFFFFD0];
	v27 =	vand.u32 $0x7FFFFFFF, v27;
	v55 =	vsub.f32 v51, v6;
	v16 =	vadd.f32 v16, v23  }
0x2a9: {  	v23 =	vsub.f32 v25, v11;
	v25 =	vld [tilespmem:s2+$0xFFFFFFF0];
	v14 =	vand.u32 $0x7FFFFFFF, v14;
	v15 =	vsub.f32 v15, v10  }
0x2aa: {  	v34 =	vand.u32 $0x7FFFFFFF, v34;
	v13 =	vadd.f32 v13, v18;
	v18 =	vld [tilespmem:s19+$0xFFFFFFE0];
	v14 =	vadd.f32 v14, v16  }
0x2ab: {  	v35 =	vsub.f32 v46, v7;
	v16 =	vld [tilespmem:s3+$0xFFFFFFF0];
	v29 =	vsub.f32 v21, v11;
	v15 =	vand.u32 $0x7FFFFFFF, v15  }
0x2ac: {  	v21 =	vsub.f32 v22, v10;
	v22 =	vand.u32 $0x7FFFFFFF, v26;
	v20 =	vadd.f32 v14, v20;
	v14 =	vld [tilespmem:s2+$0xFFFFFFE0]  }
0x2ad: {  	v61 =	vand.u32 $0x7FFFFFFF, v58;
	v47 =	vsub.f32 v37, v7;
	v15 =	vadd.f32 v15, v22;
	v22 =	vld [tilespmem:s4+$0xFFFFFFE0]  }
0x2ae: {  	v17 =	vld [tilespmem:s18+$0xFFFFFFF0];
	v35 =	vand.u32 $0x7FFFFFFF, v35;
	v23 =	vand.u32 $0x7FFFFFFF, v23;
	v25 =	vsub.f32 v25, v11  }
0x2af: {  	v21 =	vand.u32 $0x7FFFFFFF, v21;
	v18 =	vsub.f32 v18, v8;
	v15 =	vadd.f32 v23, v15;
	v23 =	vld [tilespmem:s2+$0xFFFFFFD0]  }
0x2b0: {  	v16 =	vsub.f32 v16, v9;
	v27 =	vadd.f32 v21, v27;
	v21 =	vand.u32 $0x7FFFFFFF, v24;
	v24 =	vld [tilespmem:s19+$0xFFFFFFD0]  }
0x2b1: {  	v18 =	vand.u32 $0x7FFFFFFF, v18;
	v32 =	vadd.f32 v15, v19;
	v19 =	vld [tilespmem:s4+$0xFFFFFFD0];
	v33 =	vsub.f32 v14, v11  }
0x2b2: {  	v14 =	vand.u32 $0x7FFFFFFF, v16;
	v15 =	vand.u32 $0x7FFFFFFF, v28;
	v16 =	vld [tilespmem:s3+$0xFFFFFFD0];
	v22 =	vsub.f32 v22, v10  }
0x2b3: {  	v28 =	vld [tilespmem:s2+$0xFFFFFFC0];
	v15 =	vadd.f32 v15, v14;
	v14 =	vand.u32 $0x7FFFFFFF, v29;
	v29 =	vsub.f32 v30, v9  }
0x2b4: {  	v25 =	vand.u32 $0x7FFFFFFF, v25;
	v35 =	vadd.f32 v18, v35;
	v30 =	vld [tilespmem:s4+$0xFFFFFFC0];
	v23 =	vsub.f32 v23, v11  }
0x2b5: {  	v25 =	vadd.f32 v25, v15;
	v29 =	vand.u32 $0x7FFFFFFF, v29;
	v22 =	vand.u32 $0x7FFFFFFF, v22  }
0x2b6: {  	v60 =	vand.u32 $0x7FFFFFFF, v56;
	v24 =	vsub.f32 v24, v8;
	v22 =	vadd.f32 v22, v29;
	v29 =	vld [tilespmem:s10+$0xFFFFFFC0]  }
0x2b7: {  	s9 =	simm.s32 $0x10;
	v44 =	vld [tilespmem:s8+$0xFFFFFFC0];
	v33 =	vand.u32 $0x7FFFFFFF, v33;
	v19 =	vsub.f32 v19, v10;
	v36 =	vsub.f32 v16, v9  }
0x2b8: {  	v25 =	vadd.f32 v25, v17;
	v28 =	vsub.f32 v28, v11;
	v17 =	vor.u32 s9, v0  }
0x2b9: {  	v23 =	vand.u32 $0x7FFFFFFF, v23;
	v22 =	vadd.f32 v33, v22;
	v30 =	vsub.f32 v30, v10  }
0x2ba: {  	v38 =	vld [tilespmem:s18+$0xFFFFFFC0];
	v33 =	vand.u32 $0x7FFFFFFF, v45;
	v43 =	vand.u32 $0x7FFFFFFF, v36;
	v19 =	vand.u32 $0x7FFFFFFF, v19  }
0x2bb: {  	v48 =	vld [tilespmem:s18+$0xFFFFFFD0];
	v19 =	vadd.f32 v19, v43;
	v30 =	vand.u32 $0x7FFFFFFF, v30;
	v29 =	vsub.f32 v29, v7  }
0x2bc: {  	v50 =	vld [tilespmem:s18+$0xFFFFFFE0];
	s9 =	simm.s32 $0xC40;
	v28 =	vand.u32 $0x7FFFFFFF, v28;
	v36 =	vsub.f32 v44, v6;
	v30 =	vadd.f32 v30, v34  }
0x2bd: {  	v39 =	vld [tilespmem:s9+$0xFFFFFFC0];
	v19 =	vadd.f32 v23, v19;
	v23 =	vand.u32 $0x7FFFFFFF, v24;
	v29 =	vand.u32 $0x7FFFFFFF, v29  }
0x2be: {  	v24 =	vld [tilespmem:s8+$0xFFFFFFD0];
	v28 =	vadd.f32 v28, v30;
	v30 =	vand.u32 $0x7FFFFFFF, v47;
	v29 =	vadd.f32 v33, v29  }
0x2bf: {  	v27 =	vadd.f32 v14, v27;
	v30 =	vadd.f32 v23, v30;
	v23 =	vand.u32 $0x7FFFFFFF, v36  }
0x2c0: {  	s24 =	simm.s32 $0x50;
	s25 =	simm.s32 $0x30;
	s26 =	simm.s32 $0x20;
	v26 =	vimm.f32 $3.000000010e+38;
	v28 =	vadd.f32 v28, v38;
	v23 =	vadd.f32 v23, v29;
	v29 =	vld [tilespmem:s10+$0xFFFFFFF0]  }
0x2c1: {  	v59 =	vld [tilespmem:s19+$0x30];
	v14 =	vor.u32 s24, v0;
	v15 =	vor.u32 s25, v0;
	v16 =	vor.u32 s26, v0  }
0x2c2: {  	v19 =	vadd.f32 v19, v48;
	vm4 =	vlt.f32 v28, v26;
	v23 =	vadd.f32 v23, v39  }
0x2c3: {  	v22 =	vadd.f32 v22, v50;
	v24 =	vsub.f32 v24, v6;
	v18 =	vsel vm4, v28, v26;
	v28 =	vld [tilespmem:s18+$0x0]  }
0x2c4: {  	v54 =	vsel vm4, v49, v31;
	vm4 =	vlt.f32 v19, v18;
	vm5 =	vlt.f32 v23, v26  }
0x2c5: {  	v18 =	vsel vm4, v19, v18;
	v23 =	vsel vm5, v23, v26;
	v26 =	vsub.f32 v29, v7;
	v29 =	vld [tilespmem:s19+$0x0]  }
0x2c6: {  	v33 =	vsub.f32 v59, v8;
	vm7 =	vlt.f32 v22, v18;
	v19 =	vsel vm5, v49, v31;
	v31 =	vld [tilespmem:s10+$0x0]  }
0x2c7: {  	v24 =	vand.u32 $0x7FFFFFFF, v24;
	v57 =	vsel vm4, v17, v54;
	v18 =	vsel vm7, v22, v18;
	v22 =	vld [tilespmem:s8+$0xFFFFFFF0]  }
0x2c8: {  	v62 =	vld [tilespmem:s9+$0xFFFFFFE0];
	v37 =	vadd.f32 v24, v30;
	vm8 =	vlt.f32 v25, v18;
	v28 =	vadd.f32 v27, v28  }
0x2c9: {  	v40 =	vld [tilespmem:s2+$0x30];
	v36 =	vsel vm7, v16, v57;
	v26 =	vand.u32 $0x7FFFFFFF, v26;
	v18 =	vsel vm8, v25, v18  }
0x2ca: {  	v42 =	vld [tilespmem:s19+$0x10];
	v25 =	vand.u32 $0x7FFFFFFF, v55;
	v36 =	vsel vm8, v15, v36;
	vm6 =	vlt.f32 v28, v18  }
0x2cb: {  	v44 =	vld [tilespmem:s10+$0x10];
	v35 =	vadd.f32 v25, v35;
	v29 =	vsub.f32 v29, v8;
	v18 =	vsel vm6, v28, v18  }
0x2cc: {  	s20 =	simm.s32 $0x0;
	v34 =	vld [tilespmem:s8+$0x10];
	v63 =	vsub.f32 v31, v7;
	vm5 =	vlt.f32 v32, v18;
	v22 =	vsub.f32 v22, v6  }
0x2cd: {  	s29 =	simm.s32 $0x40;
	s21 =	simm.s32 $0xD0;
	s22 =	simm.s32 $0xCD0;
	v38 =	vld [tilespmem:s9+$0x0];
	v30 =	vadd.f32 v35, v62;
	v32 =	vsel vm5, v32, v18;
	v29 =	vand.u32 $0x7FFFFFFF, v29  }
0x2ce: {  	s23 =	simm.s32 $0x8D0;
	s31 =	simm.s32 $0x2F50;
	s28 =	simm.s32 $0x70;
	v28 =	vld [tilespmem:s8+$0x0];
	v43 =	vand.u32 $0x7FFFFFFF, v63;
	v18 =	vor.u32 s29, v0;
	vm4 =	vlt.f32 v20, v32  }
0x2cf: {  	s0 =	simm.s32 $0x3290;
	s12 =	simm.s32 $0x2750;
	s15 =	simm.s32 $0x810;
	v31 =	vld [tilespmem:s9+$0xFFFFFFF0];
	v41 =	vand.u32 $0x7FFFFFFF, v22;
	v22 =	vsel vm4, v20, v32;
	v20 =	vadd.f32 v21, v26  }
0x2d0: {  	s1 =	simm.s32 $0x2690;
	s13 =	simm.s32 $0x110;
	s11 =	simm.s32 $0x3280;
	v27 =	vld [tilespmem:s9+$0xFFFFFFD0];
	v21 =	vsel vm6, v18, v36;
	v36 =	vadd.f32 v29, v43;
	v29 =	vadd.f32 v60, v61  }
0x2d1: {  	s30 =	simm.s32 $0x60;
	s2 =	simm.s32 $0x2B50;
	s3 =	simm.s32 $0x2A90;
	v25 =	vand.u32 $0x7FFFFFFF, v33;
	v33 =	vld [tilespmem:s10+$0x20];
	v32 =	vsub.f32 v40, v11;
	v40 =	vsub.f32 v42, v8  }
0x2d2: {  	s4 =	simm.s32 $0x2E90;
	s24 =	simm.s32 $0x4D0;
	s25 =	simm.s32 $0x3350;
	v35 =	vld [tilespmem:s19+$0x20];
	v24 =	vsel vm5, v14, v21;
	v21 =	vor.u32 s30, v0;
	v39 =	vadd.f32 v41, v20  }
0x2d3: {  	s26 =	simm.s32 $0x0;
	v26 =	vld [tilespmem:s18+$0x30];
	s18 =	simm.s32 $0xC10;
	v24 =	vsel vm4, v21, v24;
	v41 =	vsub.f32 v44, v7;
	v20 =	vor.u32 s5, v0;
	s5 =	simm.s32 $0x410  }
.LBB2_7:
0x2d4: {  	s29 =	sand.u32 $0x3FFFFF80, s13;
	s20 =	sadd.s32 $0x9, s20;
	v31 =	vadd.f32 v39, v31;
	v39 =	vsub.f32 v28, v6;
	v42 =	vld [tilespmem:s10+$0x30];
	v28 =	vor.u32 s28, v0;
	s26 =	sadd.s32 $0x10, s26  }
0x2d5: {  	v27 =	vadd.f32 v37, v27;
	s30 =	sadd.s32 s29, s5;
	s10 =	sadd.s32 s29, s1;
	p0 =	slt.u32 s20, $0x36;
	v37 =	vand.u32 $0x7FFFFFFF, v41;
	v40 =	vand.u32 $0x7FFFFFFF, v40;
	v41 =	vld [tilespmem:s8+$0x20]  }
0x2d6: {  	s28 =	smov.u32 s24;
	s16 =	sadd.s32 s29, s3;
	v34 =	vsub.f32 v34, v6;
	v43 =	vld [tilespmem:s10+$0x0];
	v39 =	vand.u32 $0x7FFFFFFF, v39;
	v37 =	vadd.f32 v40, v37;
	s10 =	smov.u32 s21  }
0x2d7: {  	v32 =	vand.u32 $0x7FFFFFFF, v32;
	vm4 =	vlt.f32 v27, v23;
	v40 =	vld [tilespmem:s16+$0x0];
	s16 =	sadd.s32 s29, s4;
	v36 =	vadd.f32 v39, v36  }
0x2d8: {  	s19 =	sadd.s32 s29, s26;
	v23 =	vsel vm4, v27, v23;
	v17 =	vsel vm4, v17, v19;
	v19 =	vsub.f32 v33, v7;
	v39 =	vld [tilespmem:s16+$0x0]  }
0x2d9: {  	v35 =	vsub.f32 v35, v8;
	vm4 =	vlt.f32 v30, v23;
	v27 =	vld [tilespmem:s30+$0x0];
	v33 =	vadd.f32 v36, v38  }
0x2da: {  	s11 =	sadd.s32 s7, s11;
	s7 =	smov.u32 s29;
	v23 =	vsel vm4, v30, v23;
	v16 =	vsel vm4, v16, v17;
	v17 =	vsub.f32 v42, v7;
	v30 =	vld [tilespmem:s8+$0x30];
	s8 =	smov.u32 s23  }
0x2db: {  	v29 =	vadd.f32 v32, v29;
	v34 =	vand.u32 $0x7FFFFFFF, v34;
	s16 =	sadd.s32 s7, s15;
	v19 =	vand.u32 $0x7FFFFFFF, v19;
	v32 =	vld [tilespmem:s11+$0x0];
	s11 =	smov.u32 s0  }
0x2dc: {  	v35 =	vand.u32 $0x7FFFFFFF, v35;
	vm4 =	vlt.f32 v31, v23;
	v36 =	vld [tilespmem:s16+$0x0];
	v38 =	vsub.f32 v40, v10  }
0x2dd: {  	v26 =	vadd.f32 v29, v26;
	v23 =	vsel vm4, v31, v23;
	v40 =	vsub.f32 v43, v9  }
0x2de: {  	v17 =	vand.u32 $0x7FFFFFFF, v17;
	v29 =	vsub.f32 v39, v11;
	v27 =	vsub.f32 v27, v8  }
0x2df: {  	v39 =	vsub.f32 v41, v6;
	v31 =	vand.u32 $0x7FFFFFFF, v40;
	v38 =	vand.u32 $0x7FFFFFFF, v38;
	v40 =	vld [tilespmem:s9+$0x20]  }
0x2e0: {  	v15 =	vsel vm4, v15, v16;
	vm4 =	vlt.f32 v33, v23;
	v16 =	vld [tilespmem:s9+$0x10];
	v32 =	vadd.f32 v12, v32  }
0x2e1: {  	v23 =	vsel vm4, v33, v23;
	v30 =	vsub.f32 v30, v6;
	v12 =	vadd.f32 v38, v31;
	v31 =	vld [tilespmem:s9+$0x30];
	s9 =	smov.u32 s22  }
0x2e2: {  	s16 =	sadd.s32 s7, s18;
	v15 =	vsel vm4, v18, v15;
	v18 =	vadd.f32 v35, v19;
	v27 =	vand.u32 $0x7FFFFFFF, v27;
	v33 =	vld [tilespmem:s19+$0x0]  }
0x2e3: {  	v17 =	vadd.f32 v25, v17;
	vm4 =	vlt.f32 v26, v22;
	v19 =	vand.u32 $0x7FFFFFFF, v39;
	v35 =	vld [tilespmem:s16+$0x0]  }
0x2e4: {  	v34 =	vadd.f32 v34, v37;
	v29 =	vand.u32 $0x7FFFFFFF, v29;
	v18 =	vadd.f32 v19, v18;
	v25 =	vld [tilespmem:s25+$0x10]  }
0x2e5: {  	v22 =	vsel vm4, v26, v22;
	v19 =	vand.u32 $0x7FFFFFFF, v30;
	v12 =	vadd.f32 v29, v12;
	v37 =	vld [tilespmem:s25+$0x20]  }
0x2e6: {  	v24 =	vsel vm4, v28, v24;
	v18 =	vadd.f32 v18, v40;
	v16 =	vadd.f32 v34, v16;
	v26 =	vld [tilespmem:s31+$0x20]  }
0x2e7: {  	v17 =	vadd.f32 v19, v17;
	vm4 =	vlt.f32 v32, v22;
	v29 =	vld [tilespmem:s2+$0x20];
	v30 =	vsub.f32 v33, v7  }
0x2e8: {  	v19 =	vsel vm4, v32, v22;
	v22 =	vsel vm4, v20, v24;
	vm5 =	vlt.f32 v16, v23;
	v33 =	vld [tilespmem:s12+$0x20]  }
0x2e9: {  	v16 =	vsel vm5, v16, v23;
	v14 =	vsel vm5, v14, v15;
	v15 =	vadd.f32 v17, v31;
	v24 =	vld [tilespmem:s24+$0xFFFFFFF0]  }
0x2ea: {  	v23 =	vand.u32 $0x7FFFFFFF, v30;
	v30 =	vsub.f32 v36, v6;
	vm4 =	vlt.f32 v18, v16;
	v17 =	vld [tilespmem:s31+$0x10]  }
0x2eb: {  	v23 =	vadd.f32 v27, v23;
	v16 =	vsel vm4, v18, v16;
	v31 =	vld [tilespmem:s25+$0xFFFFFFF0];
	v26 =	vsub.f32 v26, v11  }
0x2ec: {  	v14 =	vsel vm4, v21, v14;
	v18 =	vld [tilespmem:s2+$0x10];
	v27 =	vsub.f32 v29, v10;
	v29 =	vand.u32 $0x7FFFFFFF, v30  }
0x2ed: {  	vm4 =	vlt.f32 v15, v16;
	v30 =	vld [tilespmem:s12+$0x10];
	v21 =	vsub.f32 v33, v9;
	v29 =	vadd.f32 v29, v23  }
0x2ee: {  	v15 =	vsel vm4, v15, v16;
	v23 =	vsub.f32 v24, v8;
	v32 =	vld [tilespmem:s31+$0x0];
	v24 =	vand.u32 $0x7FFFFFFF, v27  }
0x2ef: {  	v14 =	vsel vm4, v28, v14;
	v16 =	vld [tilespmem:s2+$0x0];
	v17 =	vsub.f32 v17, v11;
	v27 =	vand.u32 $0x7FFFFFFF, v21  }
0x2f0: {  	vm4 =	vlt.f32 v13, v15;
	v21 =	vand.u32 $0x7FFFFFFF, v23;
	v28 =	vld [tilespmem:s12+$0x0];
	v24 =	vadd.f32 v24, v27  }
0x2f1: {  	v26 =	vand.u32 $0x7FFFFFFF, v26;
	v23 =	vsel vm4, v13, v15;
	v27 =	vld [tilespmem:s31+$0xFFFFFFF0];
	v18 =	vsub.f32 v18, v10  }
0x2f2: {  	v15 =	vld [tilespmem:s2+$0xFFFFFFF0];
	v30 =	vsub.f32 v30, v9;
	v26 =	vadd.f32 v26, v24;
	v24 =	vsel vm4, v20, v14  }
0x2f3: {  	v13 =	vadd.f32 v29, v35;
	v33 =	vld [tilespmem:s12+$0xFFFFFFF0];
	v32 =	vsub.f32 v32, v11;
	v14 =	vand.u32 $0x7FFFFFFF, v18  }
0x2f4: {  	s16 =	sadd.s32 $0xFFFFFFD0, s13;
	v29 =	vld [tilespmem:s24+$0xFFFFFFE0];
	v16 =	vsub.f32 v16, v10;
	v18 =	vand.u32 $0x7FFFFFFF, v30;
	v20 =	vadd.f32 v26, v37  }
0x2f5: {  	v26 =	vld [tilespmem:s31+$0xFFFFFFE0];
	v28 =	vsub.f32 v28, v9;
	v18 =	vadd.f32 v14, v18;
	v14 =	vor.u32 s16, v0  }
0x2f6: {  	v17 =	vand.u32 $0x7FFFFFFF, v17;
	v30 =	vld [tilespmem:s2+$0xFFFFFFE0];
	v27 =	vsub.f32 v27, v11;
	v16 =	vand.u32 $0x7FFFFFFF, v16  }
0x2f7: {  	s16 =	sadd.s32 $0xFFFFFFC0, s13;
	v34 =	vld [tilespmem:s12+$0xFFFFFFE0];
	v35 =	vsub.f32 v15, v10;
	v15 =	vand.u32 $0x7FFFFFFF, v28;
	v17 =	vadd.f32 v17, v18  }
0x2f8: {  	s19 =	sadd.s32 $0xFFFFFFB0, s13;
	v18 =	vor.u32 s16, v0;
	v28 =	vld [tilespmem:s31+$0xFFFFFFD0];
	v33 =	vsub.f32 v33, v9;
	v16 =	vadd.f32 v16, v15  }
0x2f9: {  	v15 =	vor.u32 s19, v0;
	v36 =	vld [tilespmem:s24+$0xFFFFFFD0];
	v29 =	vsub.f32 v29, v8;
	v25 =	vadd.f32 v17, v25  }
0x2fa: {  	v35 =	vand.u32 $0x7FFFFFFF, v35;
	v17 =	vld [tilespmem:s2+$0xFFFFFFD0];
	v26 =	vsub.f32 v26, v11;
	v33 =	vand.u32 $0x7FFFFFFF, v33  }
0x2fb: {  	v32 =	vand.u32 $0x7FFFFFFF, v32;
	v37 =	vld [tilespmem:s12+$0xFFFFFFD0];
	v30 =	vsub.f32 v30, v10;
	v33 =	vadd.f32 v35, v33  }
0x2fc: {  	s16 =	sadd.s32 $0xFFFFFFA0, s13;
	v27 =	vand.u32 $0x7FFFFFFF, v27;
	v32 =	vadd.f32 v32, v16;
	v35 =	vld [tilespmem:s31+$0xFFFFFFC0];
	v34 =	vsub.f32 v34, v9  }
0x2fd: {  	v16 =	vor.u32 s16, v0;
	v38 =	vld [tilespmem:s2+$0xFFFFFFC0];
	v28 =	vsub.f32 v28, v11;
	v27 =	vadd.f32 v27, v33  }
0x2fe: {  	s16 =	sadd.s32 $0xFFFFFF90, s13;
	v30 =	vand.u32 $0x7FFFFFFF, v30;
	v33 =	vld [tilespmem:s12+$0xFFFFFFC0];
	v36 =	vsub.f32 v36, v8;
	v34 =	vand.u32 $0x7FFFFFFF, v34  }
0x2ff: {  	v39 =	vld [tilespmem:s24+$0xFFFFFFC0];
	v40 =	vsub.f32 v17, v10;
	v17 =	vor.u32 s16, v0;
	v30 =	vadd.f32 v30, v34  }
0x300: {  	v26 =	vand.u32 $0x7FFFFFFF, v26;
	s16 =	sadd.s32 $0xFFFFFF80, s13;
	v31 =	vadd.f32 v27, v31;
	v34 =	vld [tilespmem:s21+$0xFFFFFFC0];
	v37 =	vsub.f32 v37, v9  }
0x301: {  	v27 =	vsub.f32 v35, v11;
	v35 =	vor.u32 s16, v0;
	v41 =	vld [tilespmem:s21+$0xFFFFFFD0];
	v26 =	vadd.f32 v26, v30  }
0x302: {  	v40 =	vand.u32 $0x7FFFFFFF, v40;
	v30 =	vld [tilespmem:s23+$0xFFFFFFC0];
	v38 =	vsub.f32 v38, v10;
	v37 =	vand.u32 $0x7FFFFFFF, v37  }
0x303: {  	v36 =	vand.u32 $0x7FFFFFFF, v36;
	v33 =	vsub.f32 v33, v9;
	v42 =	vld [tilespmem:s23+$0xFFFFFFD0];
	v37 =	vadd.f32 v40, v37  }
0x304: {  	v28 =	vand.u32 $0x7FFFFFFF, v28;
	v39 =	vsub.f32 v39, v8;
	v38 =	vand.u32 $0x7FFFFFFF, v38;
	v40 =	vld [tilespmem:s21+$0xFFFFFFE0]  }
0x305: {  	v34 =	vsub.f32 v34, v7;
	v33 =	vand.u32 $0x7FFFFFFF, v33;
	v43 =	vld [tilespmem:s25+$0xFFFFFFC0];
	v28 =	vadd.f32 v28, v37  }
0x306: {  	v37 =	vand.u32 $0x7FFFFFFF, v39;
	v33 =	vadd.f32 v38, v33;
	v38 =	vsub.f32 v41, v7;
	v39 =	vld [tilespmem:s25+$0xFFFFFFD0]  }
0x307: {  	v27 =	vand.u32 $0x7FFFFFFF, v27;
	v34 =	vand.u32 $0x7FFFFFFF, v34;
	v30 =	vsub.f32 v30, v6;
	v41 =	vld [tilespmem:s22+$0xFFFFFFC0]  }
0x308: {  	v34 =	vadd.f32 v37, v34;
	v27 =	vadd.f32 v27, v33;
	v33 =	vand.u32 $0x7FFFFFFF, v38;
	v37 =	vld [tilespmem:s25+$0xFFFFFFE0]  }
0x309: {  	v30 =	vand.u32 $0x7FFFFFFF, v30;
	v33 =	vadd.f32 v36, v33;
	v36 =	vsub.f32 v40, v7;
	v38 =	vld [tilespmem:s23+$0xFFFFFFE0]  }
0x30a: {  	v29 =	vand.u32 $0x7FFFFFFF, v29;
	v30 =	vadd.f32 v30, v34;
	v27 =	vadd.f32 v27, v43;
	v34 =	vld [tilespmem:s21+$0xFFFFFFF0]  }
0x30b: {  	v40 =	vsub.f32 v42, v6;
	v28 =	vadd.f32 v28, v39;
	v36 =	vand.u32 $0x7FFFFFFF, v36;
	v39 =	vld [tilespmem:s2+$0x30]  }
0x30c: {  	v30 =	vadd.f32 v30, v41;
	vm4 =	vlt.f32 v27, v19;
	v29 =	vadd.f32 v29, v36;
	v36 =	vld [tilespmem:s12+$0x30]  }
0x30d: {  	v19 =	vsel vm4, v27, v19;
	v22 =	vsel vm4, v35, v22;
	v26 =	vadd.f32 v26, v37;
	v37 =	vld [tilespmem:s25+$0x0]  }
0x30e: {  	vm4 =	vlt.f32 v30, v23;
	vm5 =	vlt.f32 v28, v19;
	v38 =	vsub.f32 v38, v6  }
0x30f: {  	v23 =	vsel vm4, v30, v23;
	v27 =	vsel vm5, v28, v19;
	v28 =	vsub.f32 v34, v7;
	v30 =	vld [tilespmem:s24+$0x0]  }
0x310: {  	v19 =	vsel vm4, v35, v24;
	vm4 =	vlt.f32 v26, v27;
	v24 =	vld [tilespmem:s21+$0x0];
	v34 =	vsub.f32 v39, v10  }
0x311: {  	v35 =	vand.u32 $0x7FFFFFFF, v40;
	v22 =	vsel vm5, v17, v22;
	v26 =	vsel vm4, v26, v27;
	v39 =	vld [tilespmem:s23+$0xFFFFFFF0]  }
0x312: {  	v36 =	vsub.f32 v36, v9;
	v27 =	vld [tilespmem:s22+$0xFFFFFFD0];
	vm6 =	vlt.f32 v31, v26;
	v32 =	vadd.f32 v32, v37  }
0x313: {  	v37 =	vand.u32 $0x7FFFFFFF, v38;
	v40 =	vand.u32 $0x7FFFFFFF, v34;
	v26 =	vsel vm6, v31, v26;
	v38 =	vld [tilespmem:s24+$0x30]  }
0x314: {  	v41 =	vand.u32 $0x7FFFFFFF, v36;
	v30 =	vsub.f32 v30, v8;
	vm5 =	vlt.f32 v32, v26;
	v42 =	vld [tilespmem:s31+$0x30]  }
0x315: {  	v22 =	vsel vm4, v16, v22;
	v36 =	vand.u32 $0x7FFFFFFF, v28;
	v34 =	vld [tilespmem:s22+$0xFFFFFFE0];
	v26 =	vsel vm5, v32, v26  }
0x316: {  	v29 =	vadd.f32 v37, v29;
	v24 =	vsub.f32 v24, v7;
	v28 =	vld [tilespmem:s23+$0x0];
	vm7 =	vlt.f32 v25, v26  }
0x317: {  	v32 =	vsub.f32 v39, v6;
	v39 =	vand.u32 $0x7FFFFFFF, v30;
	v43 =	vld [tilespmem:s24+$0x10];
	v25 =	vsel vm7, v25, v26  }
0x318: {  	s21 =	sadd.s32 $0x90, s21;
	v26 =	vsel vm6, v15, v22;
	v31 =	vld [tilespmem:s22+$0xFFFFFFF0];
	vm4 =	vlt.f32 v20, v25;
	v30 =	vsub.f32 v38, v8  }
0x319: {  	s23 =	sadd.s32 $0x90, s23;
	v24 =	vand.u32 $0x7FFFFFFF, v24;
	s24 =	sadd.s32 $0x90, s24;
	v32 =	vand.u32 $0x7FFFFFFF, v32;
	s22 =	sadd.s32 $0x90, s22;
	v44 =	vld [tilespmem:s10+$0x10];
	v22 =	vsel vm4, v20, v25  }
.Ltmp2:
0x31a: {  	s12 =	sadd.s32 $0x90, s12;
	v20 =	vadd.f32 v21, v36;
	v21 =	vsel vm5, v18, v26;
	v25 =	vand.u32 $0x7FFFFFFF, v30;
	v26 =	vld [tilespmem:s25+$0x30];
	s25 =	sadd.s32 $0x90, s25;
	(pc) =	sbr.rel @p0 .LBB2_7-.Ltmp2, $4  }
0x31b: {  	s16 =	sadd.s32 $0xFFFFFFE0, s13;
	s2 =	sadd.s32 $0x90, s2;
	v37 =	vadd.f32 v35, v33;
	s31 =	sadd.s32 $0x90, s31;
	v30 =	vadd.f32 v29, v34;
	v38 =	vsel vm7, v14, v21;
	v34 =	vld [tilespmem:s8+$0x10]  }
0x31c: {  	s3 =	sadd.s32 $0x10, s3;
	s4 =	sadd.s32 $0x10, s4;
	s0 =	sadd.s32 $0x10, s0;
	v36 =	vadd.f32 v39, v24;
	v21 =	vor.u32 s16, v0;
	v29 =	vadd.f32 v40, v41;
	v33 =	vld [tilespmem:s10+$0x20]  }
0x31d: {  	s1 =	sadd.s32 $0x10, s1;
	s15 =	sadd.s32 $0x10, s15;
	s18 =	sadd.s32 $0x10, s18;
	v39 =	vadd.f32 v32, v20;
	v24 =	vsel vm4, v21, v38;
	v32 =	vsub.f32 v42, v11;
	v35 =	vld [tilespmem:s28+$0x20]  }
0x31e: {  	s5 =	sadd.s32 $0x10, s5;
	v20 =	vor.u32 s13, v0;
	v40 =	vsub.f32 v43, v8;
	s28 =	sadd.s32 $0xFFFFFFF0, s13;
	s13 =	sadd.s32 $0x90, s13;
	v38 =	vld [tilespmem:s9+$0x0];
	v41 =	vsub.f32 v44, v7  }
0x31f: {  	v9 =	vsub.f32 v28, v6;
	v10 =	vld [tilespmem:s10+$0x30];
	v11 =	vadd.f32 v37, v27  }
0x320: {  	v43 =	vadd.f32 v39, v31;
	v46 =	vld [tilespmem:s8+$0x20];
	v44 =	vand.u32 $0x7FFFFFFF, v41;
	v45 =	vand.u32 $0x7FFFFFFF, v40  }
0x321: {  	v49 =	vld [tilespmem:s8+$0x30];
	v47 =	vsub.f32 v34, v6;
	v9 =	vand.u32 $0x7FFFFFFF, v9;
	v28 =	vadd.f32 v45, v44  }
0x322: {  	v50 =	vld [tilespmem:s9+$0x10];
	vm4 =	vlt.f32 v11, v23;
	v48 =	vsub.f32 v33, v7;
	v9 =	vadd.f32 v9, v36  }
0x323: {  	v11 =	vsel vm4, v11, v23;
	v8 =	vsub.f32 v35, v8;
	v51 =	vand.u32 $0x7FFFFFFF, v47  }
0x324: {  	vm5 =	vlt.f32 v30, v11;
	v23 =	vand.u32 $0x7FFFFFFF, v48;
	v54 =	vadd.f32 v51, v28  }
0x325: {  	v9 =	vadd.f32 v9, v38;
	v11 =	vsel vm5, v30, v11;
	v7 =	vsub.f32 v10, v7  }
0x326: {  	v53 =	vld [tilespmem:s9+$0x20];
	v8 =	vand.u32 $0x7FFFFFFF, v8;
	v52 =	vsub.f32 v46, v6;
	v6 =	vsub.f32 v49, v6  }
0x327: {  	vm6 =	vlt.f32 v43, v11;
	v8 =	vadd.f32 v8, v23;
	v10 =	vadd.f32 v54, v50  }
0x328: {  	v55 =	vld [tilespmem:s9+$0x30];
	v11 =	vsel vm6, v43, v11;
	v7 =	vand.u32 $0x7FFFFFFF, v7;
	v27 =	vand.u32 $0x7FFFFFFF, v52  }
0x329: {  	v7 =	vadd.f32 v25, v7;
	vm7 =	vlt.f32 v9, v11;
	v8 =	vadd.f32 v27, v8  }
0x32a: {  	v6 =	vand.u32 $0x7FFFFFFF, v6;
	v9 =	vsel vm7, v9, v11  }
0x32b: {  	s0 =	sadd.s32 s7, s11;
	v8 =	vadd.f32 v8, v53;
	v6 =	vadd.f32 v6, v7;
	vm8 =	vlt.f32 v10, v9  }
0x32c: {  	v56 =	vld [tilespmem:s0+$0x0];
	v7 =	vand.u32 $0x7FFFFFFF, v32;
	v9 =	vsel vm8, v10, v9  }
0x32d: {  	v7 =	vadd.f32 v7, v29;
	v6 =	vadd.f32 v6, v55;
	vm9 =	vlt.f32 v8, v9  }
0x32e: {  	v8 =	vsel vm9, v8, v9  }
0x32f: {  	v7 =	vadd.f32 v7, v26;
	vm10 =	vlt.f32 v6, v8  }
0x330: {  	v6 =	vsel vm10, v6, v8  }
0x331: {  	v57 =	vadd.f32 v12, v56;
	vm11 =	vlt.f32 v7, v22;
	vm12 =	vlt.f32 v13, v6  }
0x332: {  	v7 =	vsel vm11, v7, v22;
	v6 =	vsel vm12, v13, v6  }
0x333: {  	vm13 =	vlt.f32 v57, v7;
	(xrf0) =	vmin.scan.msk.f32 $0xffff, v6  }
0x334: {  	v7 =	vsel vm13, v57, v7  }
0x335: {  	(xrf0) =	vmin.scan.msk.f32 $0xffff, v7;
	_ =	sdelay $0x1  }
0x336: {  	v58 =	vsel vm4, v17, v19  }
0x337: {  	v8 =	vsel vm5, v16, v58  }
0x338: {  	v8 =	vsel vm6, v15, v8;
	v59, _, _ =	vpop (xrf0)  }
0x339: {  	v8 =	vsel vm7, v18, v8;
	v9 =	vbroadcast v59, $0xF  }
0x33a: {  	v60 =	vor.u32 s28, v0;
	v8 =	vsel vm8, v14, v8;
	v61, _, _ =	vpop (xrf0)  }
0x33b: {  	v8 =	vsel vm9, v21, v8;
	vm4 =	veq.f32 v6, v9;
	v6 =	vbroadcast v61, $0xF  }
0x33c: {  	v8 =	vsel vm10, v60, v8;
	v9 =	vmctz.xlane vm4  }
0x33d: {  	v8 =	vsel vm12, v20, v8;
	vm4 =	veq.f32 v7, v6  }
0x33e: {  	v6 =	vsel vm11, v60, v24;
	v7 =	vperm.xlane v8, v9;
	v62 =	vmctz.xlane vm4  }
0x33f: {  	v6 =	vsel vm13, v20, v6  }
0x340: {  	v63 =	vmov s6;
	v6 =	vperm.xlane v6, v62  }
0x341: {  	s6 =	sadd.s32 $0x1, s6  }
0x342: {  	p0 =	sne.s32 s6, $0x64  }
.Ltmp3:
0x343: {  	s28 =	simm.s32 $0xC00;
	(pc) =	sbr.rel @p0 .LBB2_6-.Ltmp3, $4  }
0x344: {  	s29 =	simm.s32 $0x1600;
	[tilespmem:v7+s28+$0x0] =	vst.idx.msk $0x1, v5  }
0x345: {  	s30 =	simm.s32 $0x3280;
	[tilespmem:v63+s29+$0x0] =	vst.idx.msk $0x1, v7  }
0x346: {  	s31 =	simm.s32 $0x3C80;
	[tilespmem:v6+s30+$0x0] =	vst.idx.msk $0x1, v5  }
0x347: {  	s5 =	simm.s32 $0x1400;
	s8 =	simm.s32 $0x3A80;
	[tilespmem:v63+s31+$0x0] =	vst.idx.msk $0x1, v6  }
0x348: {  	v11 =	vld [tilespmem:$0x1600];
	_ =	sdelay $0x6  }
0x349: {  	s0 =	simm.s32 $0x0;
	v10 =	vld.idx.msk [tilespmem:v1+s5+$0x0], $0xffff  }
0x34a: {  	s2 =	simm.s32 $0x400;
	v6 =	vld.idx.msk [tilespmem:v11+s0+$0x0], $0xffff  }
0x34b: {  	v8 =	vld.idx.msk [tilespmem:v11+s2+$0x0], $0xffff  }
0x34c: {  	v14 =	vld.idx.msk [tilespmem:v2+s5+$0x0], $0xffff;
	_ =	sdelay $0x3  }
0x34d: {  	v7 =	vmul.f32 v6, v6;
	v9 =	vmul.f32 v8, v8  }
0x34e: {  	v35 =	vmul.f32 v10, v10;
	v12 =	vmul.f32 v14, v14  }
0x34f: {  	v7 =	vadd.f32 v9, v7  }
0x350: {  	v9 =	vadd.f32 v12, v35  }
0x351: {  	v7 =	vmax.f32 v7, $1.000000020e-24  }
0x352: {  	v9 =	vmax.f32 v9, $1.000000020e-24;
	v13 =	vshra.s32 v7, $0x1  }
0x353: {  	v7 =	vmul.f32 $5.000000000e-01, v7;
	v15 =	vshra.s32 v9, $0x1;
	v16 =	vmul.f32 $5.000000000e-01, v9  }
0x354: {  	v36 =	vsub.s32 $0x5F3759DF, v13;
	v37 =	vsub.s32 $0x5F3759DF, v15  }
0x355: {  	v13 =	vmul.f32 v36, v7;
	v17 =	vmul.f32 v37, v16;
	_ =	sdelay $0x1  }
0x356: {  	v13 =	vmul.f32 v36, v13;
	v39 =	vmul.f32 v37, v17;
	_ =	sdelay $0x1  }
0x357: {  	v38 =	vsub.f32 $1.500000000e+00, v13;
	v13 =	vld [tilespmem:$0x1610];
	v18 =	vsub.f32 $1.500000000e+00, v39  }
0x358: {  	v15 =	vor.u32 $0x40, v1  }
0x359: {  	v9 =	vmul.f32 v37, v18;
	v18 =	vor.u32 $0x41, v1  }
0x35a: {  	v12 =	vmul.f32 v36, v38  }
0x35b: {  	v19 =	vmul.f32 v9, v16  }
0x35c: {  	v40 =	vmul.f32 v12, v7  }
0x35d: {  	v41 =	vmul.f32 v19, v9;
	v19 =	vld.idx.msk [tilespmem:v15+s5+$0x0], $0xffff  }
0x35e: {  	v17 =	vmul.f32 v40, v12;
	v26 =	vld.idx.msk [tilespmem:v18+s5+$0x0], $0xffff  }
0x35f: {  	v21 =	vld.idx.msk [tilespmem:v13+s0+$0x0], $0xffff  }
0x360: {  	v17 =	vsub.f32 $1.500000000e+00, v17;
	v25 =	vld.idx.msk [tilespmem:v13+s2+$0x0], $0xffff;
	_ =	sdelay $0x1  }
0x361: {  	v17 =	vmul.f32 v17, v12;
	v12 =	vld [tilespmem:$0x1620]  }
0x362: {  	v23 =	vmul.f32 v19, v19  }
0x363: {  	v20 =	vsub.f32 $1.500000000e+00, v41;
	v7 =	vmul.f32 v17, v7;
	v24 =	vmul.f32 v26, v26  }
0x364: {  	v42 =	vmul.f32 v21, v21;
	v43 =	vmul.f32 v25, v25  }
0x365: {  	v22 =	vmul.f32 v20, v9;
	v7 =	vmul.f32 v7, v17  }
0x366: {  	v9 =	vor.u32 $0x80, v1;
	v23 =	vadd.f32 v24, v23;
	v20 =	vadd.f32 v43, v42  }
0x367: {  	v27 =	vsub.f32 $1.500000000e+00, v7;
	v7 =	vor.u32 $0x81, v1  }
0x368: {  	v6 =	vmul.f32 v10, v6;
	v23 =	vmax.f32 v23, $1.000000020e-24;
	v20 =	vmax.f32 v20, $1.000000020e-24  }
0x369: {  	v29 =	vshra.s32 v23, $0x1;
	v23 =	vmul.f32 $5.000000000e-01, v23;
	v24 =	vmul.f32 v27, v17;
	v17 =	vld.idx.msk [tilespmem:v12+s0+$0x0], $0xffff  }
0x36a: {  	v44 =	vshra.s32 v20, $0x1;
	v28 =	vmul.f32 $5.000000000e-01, v20;
	v20 =	vld.idx.msk [tilespmem:v12+s2+$0x0], $0xffff;
	v29 =	vsub.s32 $0x5F3759DF, v29  }
0x36b: {  	v8 =	vmul.f32 v14, v8;
	v32 =	vld.idx.msk [tilespmem:v9+s5+$0x0], $0xffff;
	v27 =	vsub.s32 $0x5F3759DF, v44;
	v31 =	vmul.f32 v29, v23  }
0x36c: {  	v16 =	vmul.f32 v22, v16;
	v30 =	vmul.f32 v27, v28;
	v34 =	vld.idx.msk [tilespmem:v7+s5+$0x0], $0xffff  }
0x36d: {  	v19 =	vmul.f32 v19, v21;
	v46 =	vmul.f32 v29, v31  }
0x36e: {  	v16 =	vmul.f32 v16, v22;
	v45 =	vmul.f32 v27, v30  }
0x36f: {  	v47 =	vmul.f32 v17, v17;
	v48 =	vmul.f32 v20, v20;
	v49 =	vsub.f32 $1.500000000e+00, v46  }
0x370: {  	v16 =	vsub.f32 $1.500000000e+00, v16;
	v51 =	vmul.f32 v32, v32;
	v10 =	vsub.f32 $1.500000000e+00, v45  }
0x371: {  	v50 =	vadd.f32 v48, v47;
	v14 =	vmul.f32 v29, v49;
	v52 =	vmul.f32 v34, v34  }
0x372: {  	v6 =	vadd.f32 v8, v6;
	v33 =	vmul.f32 v16, v22;
	v10 =	vmul.f32 v27, v10  }
0x373: {  	v16 =	vmax.f32 v50, $1.000000020e-24;
	v55 =	vmul.f32 v14, v23;
	v22 =	vadd.f32 v52, v51  }
0x374: {  	v27 =	vmul.f32 v10, v28;
	v54 =	vshra.s32 v16, $0x1;
	v35 =	vmul.f32 $5.000000000e-01, v16  }
0x375: {  	v53 =	vmul.f32 v33, v24;
	v29 =	vsub.s32 $0x5F3759DF, v54;
	v58 =	vmul.f32 v55, v14  }
0x376: {  	v16 =	vld [tilespmem:$0x1630];
	v22 =	vmax.f32 v22, $1.000000020e-24;
	v56 =	vmul.f32 v29, v35;
	v57 =	vmul.f32 v27, v10  }
0x377: {  	v36 =	vshra.s32 v22, $0x1;
	v37 =	vmul.f32 $5.000000000e-01, v22;
	v27 =	vsub.f32 $1.500000000e+00, v58  }
0x378: {  	v36 =	vsub.s32 $0x5F3759DF, v36;
	v59 =	vmul.f32 v29, v56;
	v22 =	vsub.f32 $1.500000000e+00, v57  }
0x379: {  	s1 =	simm.s32 $0x800;
	v60 =	vmul.f32 v36, v37;
	v27 =	vmul.f32 v27, v14  }
0x37a: {  	v62 =	vld.idx.msk [tilespmem:v11+s1+$0x0], $0xffff;
	v38 =	vmul.f32 v53, v6;
	v6 =	vsub.f32 $1.500000000e+00, v59;
	v10 =	vmul.f32 v22, v10  }
0x37b: {  	v22 =	vor.u32 $0xC0, v1;
	v61 =	vmul.f32 v36, v60;
	v42 =	vmul.f32 v27, v23  }
0x37c: {  	v63 =	vld.idx.msk [tilespmem:v3+s5+$0x0], $0xffff;
	v23 =	vor.u32 $0xC1, v1;
	v6 =	vmul.f32 v29, v6;
	v41 =	vmul.f32 v10, v28  }
0x37d: {  	v25 =	vmul.f32 v26, v25;
	v50 =	vld.idx.msk [tilespmem:v13+s1+$0x0], $0xffff;
	v8 =	vsub.f32 $1.500000000e+00, v61;
	v39 =	vmul.f32 v42, v27  }
0x37e: {  	v28 =	vld.idx.msk [tilespmem:v16+s2+$0x0], $0xffff;
	v43 =	vmul.f32 v6, v35;
	v44 =	vmul.f32 v41, v10  }
0x37f: {  	v41 =	vmul.f32 v24, v62;
	v24 =	vld [tilespmem:$0x1640];
	v8 =	vmul.f32 v36, v8  }
0x380: {  	v17 =	vmul.f32 v32, v17;
	v46 =	vsub.f32 $1.500000000e+00, v39;
	v30 =	vld.idx.msk [tilespmem:v22+s5+$0x0], $0xffff;
	v31 =	vmul.f32 v43, v6  }
0x381: {  	v29 =	vmul.f32 v33, v63;
	v45 =	vsub.f32 $1.500000000e+00, v44;
	v33 =	vld.idx.msk [tilespmem:v23+s5+$0x0], $0xffff;
	v40 =	vmul.f32 v8, v37  }
0x382: {  	v20 =	vmul.f32 v34, v20;
	v14 =	vld.idx.msk [tilespmem:v16+s0+$0x0], $0xffff;
	v36 =	vmul.f32 v46, v27;
	v31 =	vsub.f32 $1.500000000e+00, v31  }
0x383: {  	v48 =	vmul.f32 v45, v10;
	v47 =	vmul.f32 v40, v8  }
0x384: {  	v19 =	vadd.f32 v25, v19;
	v53 =	vmul.f32 v28, v28;
	v49 =	vmul.f32 v31, v6  }
0x385: {  	v51 =	vmul.f32 v36, v48;
	v54 =	vmul.f32 v30, v30;
	v6 =	vsub.f32 $1.500000000e+00, v47  }
0x386: {  	v38 =	vsub.f32 $1.000000000e+00, v38;
	v40 =	vmul.f32 v48, v50;
	v42 =	vmul.f32 v33, v33  }
0x387: {  	v10 =	vor.u32 $0x42, v1;
	v30 =	vmul.f32 v30, v14;
	v52 =	vmul.f32 v6, v8  }
0x388: {  	v31 =	vmul.f32 v49, v35;
	v6 =	vmul.f32 v14, v14;
	v55 =	vadd.f32 v42, v54  }
0x389: {  	v26 =	vmul.f32 v51, v19;
	v19 =	vld.idx.msk [tilespmem:v24+s2+$0x0], $0xffff;
	v8 =	vor.u32 $0x100, v1;
	v37 =	vmul.f32 v52, v37  }
0x38a: {  	v25 =	vadd.f32 v53, v6;
	v6 =	vor.u32 $0x101, v1;
	v39 =	vmax.f32 v55, $1.000000020e-24  }
0x38b: {  	v56 =	vmul.f32 v31, v49;
	v31 =	vld.idx.msk [tilespmem:v24+s0+$0x0], $0xffff;
	v59 =	vshra.s32 v39, $0x1;
	v39 =	vmul.f32 $5.000000000e-01, v39  }
0x38c: {  	v37 =	vmul.f32 v37, v52;
	v25 =	vmax.f32 v25, $1.000000020e-24;
	v42 =	vsub.s32 $0x5F3759DF, v59  }
0x38d: {  	v43 =	vld.idx.msk [tilespmem:v10+s5+$0x0], $0xffff;
	v57 =	vshra.s32 v25, $0x1;
	v44 =	vmul.f32 $5.000000000e-01, v25;
	v60 =	vmul.f32 v42, v39  }
0x38e: {  	v53 =	vmul.f32 v19, v19;
	v45 =	vld.idx.msk [tilespmem:v8+s5+$0x0], $0xffff;
	v58 =	vsub.s32 $0x5F3759DF, v57;
	v37 =	vsub.f32 $1.500000000e+00, v37  }
0x38f: {  	v46 =	vsub.f32 $1.500000000e+00, v56;
	v47 =	vmul.f32 v58, v44;
	v27 =	vld.idx.msk [tilespmem:v6+s5+$0x0], $0xffff;
	v62 =	vmul.f32 v42, v60  }
0x390: {  	v38 =	vand.u32 $0x7FFFFFFF, v38;
	v35 =	vmul.f32 v37, v52;
	v52 =	vmul.f32 v31, v31  }
0x391: {  	v17 =	vadd.f32 v20, v17;
	v21 =	vmul.f32 v46, v49;
	v61 =	vmul.f32 v58, v47  }
0x392: {  	v36 =	vmul.f32 v36, v43;
	v55 =	vsub.f32 $1.500000000e+00, v62;
	v54 =	vadd.f32 v53, v52  }
0x393: {  	v48 =	vmul.f32 v45, v45;
	v57 =	vmul.f32 v35, v21;
	v63 =	vsub.f32 $1.500000000e+00, v61  }
0x394: {  	v34 =	vmul.f32 v42, v55;
	v49 =	vmul.f32 v27, v27;
	v32 =	vmax.f32 v54, $1.000000020e-24  }
0x395: {  	v25 =	vmul.f32 v58, v63;
	v59 =	vshra.s32 v32, $0x1;
	v47 =	vmul.f32 $5.000000000e-01, v32  }
0x396: {  	v62 =	vmul.f32 v34, v39;
	v56 =	vadd.f32 v49, v48;
	v42 =	vsub.s32 $0x5F3759DF, v59  }
0x397: {  	v29 =	vsub.f32 v41, v29;
	v43 =	vmul.f32 v57, v17;
	v63 =	vmul.f32 v42, v47  }
0x398: {  	s3 =	simm.s32 $0x1000;
	v58 =	vmul.f32 v25, v44;
	v53 =	vmul.f32 v62, v34;
	v37 =	vmax.f32 v56, $1.000000020e-24  }
0x399: {  	v11 =	vld.idx.msk [tilespmem:v11+s3+$0x0], $0xffff;
	v60 =	vshra.s32 v37, $0x1;
	v37 =	vmul.f32 $5.000000000e-01, v37;
	v54 =	vmul.f32 v42, v63  }
0x39a: {  	v61 =	vld.idx.msk [tilespmem:v12+s1+$0x0], $0xffff;
	v52 =	vmul.f32 v58, v25;
	v57 =	vsub.f32 $1.500000000e+00, v53;
	v32 =	vsub.s32 $0x5F3759DF, v60  }
0x39b: {  	v28 =	vmul.f32 v33, v28;
	v50 =	vmul.f32 v32, v37;
	v58 =	vsub.f32 $1.500000000e+00, v54  }
0x39c: {  	v26 =	vsub.f32 $1.000000000e+00, v26;
	v56 =	vsub.f32 $1.500000000e+00, v52;
	v34 =	vmul.f32 v57, v34  }
0x39d: {  	v17 =	vor.u32 $0x82, v1;
	v55 =	vmul.f32 v32, v50;
	v42 =	vmul.f32 v42, v58  }
0x39e: {  	v48 =	vadd.f32 $0.0e+00, v11;
	v41 =	vmul.f32 v56, v25;
	v25 =	vld [tilespmem:$0x1650];
	v20 =	vmul.f32 v34, v39  }
0x39f: {  	v46 =	vmul.f32 v21, v61;
	v59 =	vsub.f32 $1.500000000e+00, v55;
	v21 =	vmul.f32 v42, v47  }
0x3a0: {  	v11 =	vor.u32 $0xC2, v1;
	v60 =	vmul.f32 v41, v44;
	v20 =	vmul.f32 v20, v34  }
0x3a1: {  	v51 =	vld.idx.msk [tilespmem:v16+s1+$0x0], $0xffff;
	v61 =	vand.u32 $0x7FFFFFFF, v26;
	v32 =	vmul.f32 v32, v59;
	v21 =	vmul.f32 v21, v42  }
0x3a2: {  	v26 =	vld [tilespmem:$0x1660];
	v56 =	vmul.f32 v60, v41;
	v59 =	vsub.f32 $1.500000000e+00, v20;
	v20 =	vor.u32 $0x140, v1  }
0x3a3: {  	v58 =	vld.idx.msk [tilespmem:v17+s5+$0x0], $0xffff;
	v62 =	vmul.f32 v32, v37;
	v52 =	vsub.f32 $1.500000000e+00, v21;
	v21 =	vor.u32 $0x141, v1  }
0x3a4: {  	v31 =	vmul.f32 v45, v31;
	v49 =	vand.u32 $0x7FFFFFFF, v29;
	v44 =	vld.idx.msk [tilespmem:v13+s3+$0x0], $0xffff;
	v29 =	vsub.f32 $1.500000000e+00, v56  }
0x3a5: {  	v14 =	vor.u32 $0x181, v1;
	v60 =	vld.idx.msk [tilespmem:v11+s5+$0x0], $0xffff;
	v57 =	vmul.f32 v62, v32;
	v39 =	vmul.f32 v52, v42  }
0x3a6: {  	v63 =	vsub.f32 v40, v36;
	v38 =	vadd.f32 v61, v38;
	v41 =	vmul.f32 v29, v41;
	v29 =	vld.idx.msk [tilespmem:v25+s0+$0x0], $0xffff  }
0x3a7: {  	v13 =	vor.u32 $0x180, v1;
	v36 =	vsub.f32 $1.500000000e+00, v57;
	v61 =	vmul.f32 v39, v47;
	v47 =	vld.idx.msk [tilespmem:v20+s5+$0x0], $0xffff  }
0x3a8: {  	v19 =	vmul.f32 v27, v19;
	v34 =	vmul.f32 v59, v34;
	v50 =	vld.idx.msk [tilespmem:v21+s5+$0x0], $0xffff  }
0x3a9: {  	v53 =	vand.u32 $0x7FFFFFFF, v63;
	v35 =	vmul.f32 v35, v58;
	v36 =	vmul.f32 v36, v32;
	v32 =	vld.idx.msk [tilespmem:v25+s2+$0x0], $0xffff  }
0x3aa: {  	v49 =	vadd.f32 v53, v49;
	v53 =	vld.idx.msk [tilespmem:v26+s2+$0x0], $0xffff;
	v62 =	vmul.f32 v34, v41;
	v40 =	vmul.f32 v41, v51  }
0x3ab: {  	v44 =	vadd.f32 v44, v48;
	v48 =	vld.idx.msk [tilespmem:v14+s5+$0x0], $0xffff;
	v34 =	vmul.f32 v34, v60;
	v37 =	vmul.f32 v36, v37  }
0x3ac: {  	v28 =	vadd.f32 v28, v30;
	v41 =	vld.idx.msk [tilespmem:v13+s5+$0x0], $0xffff;
	v63 =	vmul.f32 v61, v39;
	v60 =	vmul.f32 v47, v47  }
0x3ad: {  	v43 =	vsub.f32 $1.000000000e+00, v43;
	v56 =	vmul.f32 v37, v36;
	v37 =	vld.idx.msk [tilespmem:v26+s0+$0x0], $0xffff;
	v61 =	vmul.f32 v50, v50  }
0x3ae: {  	v57 =	vmul.f32 v29, v29;
	v30 =	vsub.f32 $1.500000000e+00, v63;
	v58 =	vmul.f32 v32, v32  }
0x3af: {  	v28 =	vmul.f32 v62, v28;
	v33 =	vsub.f32 $1.500000000e+00, v56;
	v63 =	vadd.f32 v61, v60  }
0x3b0: {  	v54 =	vmul.f32 v48, v48;
	v30 =	vmul.f32 v30, v39;
	v59 =	vadd.f32 v58, v57  }
0x3b1: {  	v58 =	vmul.f32 v53, v53;
	v33 =	vmul.f32 v33, v36;
	v39 =	vmax.f32 v63, $1.000000020e-24  }
0x3b2: {  	v62 =	vmax.f32 v59, $1.000000020e-24;
	v57 =	vmul.f32 v37, v37;
	v59 =	vmul.f32 v41, v41  }
0x3b3: {  	v60 =	vshra.s32 v39, $0x1;
	v42 =	vmul.f32 $5.000000000e-01, v62;
	v36 =	vshra.s32 v62, $0x1  }
0x3b4: {  	v39 =	vmul.f32 $5.000000000e-01, v39;
	v36 =	vsub.s32 $0x5F3759DF, v36;
	v45 =	vadd.f32 v58, v57  }
0x3b5: {  	v51 =	vsub.s32 $0x5F3759DF, v60;
	v52 =	vadd.f32 v54, v59;
	v55 =	vmul.f32 v36, v42  }
0x3b6: {  	v19 =	vadd.f32 v19, v31;
	v62 =	vmul.f32 v51, v39;
	v45 =	vmax.f32 v45, $1.000000020e-24  }
0x3b7: {  	v52 =	vmax.f32 v52, $1.000000020e-24;
	v61 =	vmul.f32 v36, v55;
	v56 =	vshra.s32 v45, $0x1  }
0x3b8: {  	v45 =	vmul.f32 $5.000000000e-01, v45;
	v57 =	vshra.s32 v52, $0x1;
	v52 =	vmul.f32 $5.000000000e-01, v52  }
0x3b9: {  	v55 =	vmul.f32 v51, v62;
	v56 =	vsub.s32 $0x5F3759DF, v56;
	v57 =	vsub.s32 $0x5F3759DF, v57  }
0x3ba: {  	v12 =	vld.idx.msk [tilespmem:v12+s3+$0x0], $0xffff;
	v35 =	vsub.f32 v46, v35;
	v63 =	vmul.f32 v56, v45;
	v58 =	vmul.f32 v57, v52  }
0x3bb: {  	v43 =	vand.u32 $0x7FFFFFFF, v43;
	v54 =	vsub.f32 $1.500000000e+00, v61;
	v55 =	vsub.f32 $1.500000000e+00, v55  }
0x3bc: {  	v38 =	vadd.f32 v43, v38;
	v60 =	vmul.f32 v56, v63;
	v61 =	vmul.f32 v57, v58  }
0x3bd: {  	v35 =	vand.u32 $0x7FFFFFFF, v35;
	v36 =	vmul.f32 v36, v54;
	v51 =	vmul.f32 v51, v55  }
0x3be: {  	v29 =	vmul.f32 v47, v29;
	v62 =	vsub.f32 $1.500000000e+00, v60;
	v63 =	vsub.f32 $1.500000000e+00, v61  }
0x3bf: {  	v44 =	vadd.f32 v12, v44;
	v54 =	vmul.f32 v36, v42;
	v55 =	vmul.f32 v51, v39  }
0x3c0: {  	v12 =	vor.u32 $0x102, v1;
	v27 =	vmul.f32 v56, v62;
	v43 =	vmul.f32 v57, v63  }
0x3c1: {  	v35 =	vadd.f32 v35, v49;
	v58 =	vmul.f32 v54, v36;
	v59 =	vmul.f32 v55, v51  }
0x3c2: {  	v34 =	vsub.f32 v40, v34;
	v60 =	vmul.f32 v27, v45;
	v61 =	vmul.f32 v43, v52  }
0x3c3: {  	v32 =	vmul.f32 v50, v32;
	v37 =	vmul.f32 v41, v37;
	v40 =	vsub.f32 $1.500000000e+00, v58  }
0x3c4: {  	v46 =	vsub.f32 $1.500000000e+00, v59;
	v63 =	vmul.f32 v60, v27;
	v56 =	vmul.f32 v61, v43  }
0x3c5: {  	v28 =	vsub.f32 $1.000000000e+00, v28;
	v62 =	vmul.f32 v33, v30;
	v36 =	vmul.f32 v40, v36  }
0x3c6: {  	v57 =	vld.idx.msk [tilespmem:v24+s1+$0x0], $0xffff;
	v40 =	vmul.f32 v46, v51;
	v58 =	vsub.f32 $1.500000000e+00, v63;
	v59 =	vsub.f32 $1.500000000e+00, v56  }
0x3c7: {  	v34 =	vand.u32 $0x7FFFFFFF, v34;
	v46 =	vmul.f32 v62, v19;
	v42 =	vmul.f32 v36, v42  }
0x3c8: {  	v28 =	vand.u32 $0x7FFFFFFF, v28;
	v60 =	vld.idx.msk [tilespmem:v12+s5+$0x0], $0xffff;
	v27 =	vmul.f32 v58, v27;
	v31 =	vmul.f32 v59, v43  }
0x3c9: {  	v19 =	vor.u32 $0x142, v1;
	v39 =	vmul.f32 v40, v39;
	v61 =	vmul.f32 v42, v36  }
0x3ca: {  	v28 =	vadd.f32 v28, v38;
	v62 =	vld.idx.msk [tilespmem:v16+s3+$0x0], $0xffff;
	v63 =	vmul.f32 v27, v45;
	v54 =	vmul.f32 v31, v52  }
0x3cb: {  	v16 =	vor.u32 $0x182, v1;
	v30 =	vmul.f32 v30, v57;
	v39 =	vmul.f32 v39, v40  }
0x3cc: {  	v24 =	vld.idx.msk [tilespmem:v24+s3+$0x0], $0xffff;
	v38 =	vsub.f32 $1.500000000e+00, v61;
	v43 =	vmul.f32 v63, v27;
	v45 =	vmul.f32 v54, v31  }
0x3cd: {  	v56 =	vld.idx.msk [tilespmem:v25+s1+$0x0], $0xffff;
	v33 =	vmul.f32 v33, v60;
	v39 =	vsub.f32 $1.500000000e+00, v39;
	v61 =	vsub.f32 $1.000000000e+00, v46  }
0x3ce: {  	v60 =	vld.idx.msk [tilespmem:v19+s5+$0x0], $0xffff;
	v46 =	vmul.f32 v48, v53;
	v58 =	vsub.f32 $1.500000000e+00, v43;
	v59 =	vsub.f32 $1.500000000e+00, v45  }
0x3cf: {  	v42 =	vadd.f32 v62, v44;
	v62 =	vld.idx.msk [tilespmem:v26+s1+$0x0], $0xffff;
	v55 =	vmul.f32 v38, v36;
	v57 =	vmul.f32 v39, v40  }
0x3d0: {  	v34 =	vadd.f32 v34, v35;
	v63 =	vld.idx.msk [tilespmem:v16+s5+$0x0], $0xffff;
	v27 =	vmul.f32 v58, v27;
	v31 =	vmul.f32 v59, v31  }
0x3d1: {  	v29 =	vadd.f32 v32, v29;
	v30 =	vsub.f32 v30, v33;
	v48 =	vmul.f32 v57, v55  }
0x3d2: {  	v24 =	vadd.f32 v24, v42;
	v37 =	vadd.f32 v46, v37;
	v49 =	vmul.f32 v31, v27  }
0x3d3: {  	v47 =	vand.u32 $0x7FFFFFFF, v61;
	v50 =	vmul.f32 v55, v56;
	v29 =	vmul.f32 v48, v29  }
0x3d4: {  	v28 =	vadd.f32 v47, v28;
	v51 =	vmul.f32 v57, v60;
	v52 =	vmul.f32 v49, v37  }
0x3d5: {  	v29 =	vsub.f32 $1.000000000e+00, v29;
	v27 =	vmul.f32 v27, v62;
	v31 =	vmul.f32 v31, v63  }
0x3d6: {  	v25 =	vld.idx.msk [tilespmem:v25+s3+$0x0], $0xffff;
	v30 =	vand.u32 $0x7FFFFFFF, v30;
	v32 =	vsub.f32 v50, v51;
	v53 =	vsub.f32 $1.000000000e+00, v52  }
0x3d7: {  	v26 =	vld.idx.msk [tilespmem:v26+s3+$0x0], $0xffff;
	v30 =	vadd.f32 v30, v34;
	v29 =	vand.u32 $0x7FFFFFFF, v29;
	v27 =	vsub.f32 v27, v31  }
0x3d8: {  	v54 =	vand.u32 $0x7FFFFFFF, v32;
	v28 =	vadd.f32 v29, v28;
	v55 =	vand.u32 $0x7FFFFFFF, v53  }
0x3d9: {  	v30 =	vadd.f32 v54, v30;
	v27 =	vand.u32 $0x7FFFFFFF, v27;
	v29 =	vnsel vm0, $0x0, v55  }
0x3da: {  	v27 =	vnsel vm0, $0x0, v27;
	v28 =	vadd.f32 v29, v28  }
0x3db: {  	v24 =	vadd.f32 v25, v24;
	v56 =	vadd.f32 v27, v30  }
0x3dc: {  	v26 =	vnsel vm0, $0x0, v26;
	(xrf2) =	vadd.scan.msk.f32 $0xffff, v28  }
0x3dd: {  	v24 =	vadd.f32 v26, v24;
	(xrf2) =	vadd.scan.msk.f32 $0xffff, v56;
	_ =	sdelay $0x1  }
0x3de: {  	(xrf2) =	vadd.scan.msk.f32 $0xffff, v24;
	_ =	sdelay $0x6  }
0x3df: {  	v57, _, _ =	vpop (xrf2)  }
0x3e0: {  	v25, _, _ =	vpop (xrf2)  }
0x3e1: {  	v24 =	vbroadcast v57, $0xF;
	v25 =	vbroadcast v25, $0xF  }
0x3e2: {  	v58, _, _ =	vpop (xrf2)  }
0x3e3: {  	v24 =	vnsel vm1, $0x0, v24;
	v26 =	vbroadcast v58, $0xF;
	v25 =	vnsel vm2, $0x0, v25  }
0x3e4: {  	v24 =	vadd.f32 v24, v25  }
0x3e5: {  	v59 =	vnsel vm3, $0x0, v26  }
0x3e6: {  	v24 =	vadd.f32 v24, v59;
	_ =	sdelay $0x1  }
0x3e7: {  	s26 =	rddreg [dreg:$0x8];
	s6 =	simm.s32 $0x4D00;
	s7 =	simm.s32 $0x7;
	[tilespmem:$0x4D00] =	vst v24  }
0x3e8: {  	[hbm4b:s26+s0] =	stream.linear.scatter [tilespmem:s6], [sflag:$0x7], $0x80, $0x38;
	[tilespmem:$0x4D80] =	vst v63  }
0x3e9: {  	_ =	swait.ge [sflag:s7], $0x80  }
0x3ea: {  	[sflag:s7] =	ssyncset.done $0x0  }
0x3eb: {  	[sflag:s7] =	ssyncadd.s32 $0xFFFFFF80  }
0x3ec: {  	v25 =	vld [tilespmem:$0x3C80];
	_ =	sdelay $0x3  }
0x3ed: {  	v62 =	vld.idx.msk [tilespmem:v1+s8+$0x0], $0xffff  }
0x3ee: {  	v63 =	vld.idx.msk [tilespmem:v2+s8+$0x0], $0xffff;
	_ =	sdelay $0x1  }
0x3ef: {  	s28 =	simm.s32 $0x2680  }
0x3f0: {  	s9 =	simm.s32 $0x2A80;
	v60 =	vld.idx.msk [tilespmem:v25+s28+$0x0], $0xffff  }
0x3f1: {  	v61 =	vld.idx.msk [tilespmem:v25+s9+$0x0], $0xffff  }
0x3f2: {  	v24 =	vld [tilespmem:$0x3C90];
	v36 =	vmul.f32 v62, v62;
	v37 =	vmul.f32 v63, v63;
	_ =	sdelay $0x1  }
0x3f3: {  	v31 =	vadd.f32 v37, v36;
	_ =	sdelay $0x1  }
0x3f4: {  	v31 =	vmax.f32 v31, $1.000000020e-24;
	v34 =	vmul.f32 v60, v60;
	v35 =	vmul.f32 v61, v61  }
0x3f5: {  	v40 =	vshra.s32 v31, $0x1;
	v31 =	vmul.f32 $5.000000000e-01, v31  }
0x3f6: {  	v26 =	vadd.f32 v35, v34;
	v34 =	vsub.s32 $0x5F3759DF, v40  }
0x3f7: {  	v41 =	vmul.f32 v34, v31  }
0x3f8: {  	v36 =	vld.idx.msk [tilespmem:v24+s28+$0x0], $0xffff;
	v26 =	vmax.f32 v26, $1.000000020e-24  }
0x3f9: {  	v37 =	vld.idx.msk [tilespmem:v24+s9+$0x0], $0xffff;
	v38 =	vshra.s32 v26, $0x1;
	v26 =	vmul.f32 $5.000000000e-01, v26;
	v35 =	vmul.f32 v34, v41  }
0x3fa: {  	v18 =	vld.idx.msk [tilespmem:v18+s8+$0x0], $0xffff;
	v32 =	vsub.s32 $0x5F3759DF, v38  }
0x3fb: {  	v39 =	vmul.f32 v32, v26;
	v42 =	vsub.f32 $1.500000000e+00, v35;
	v35 =	vld.idx.msk [tilespmem:v15+s8+$0x0], $0xffff;
	_ =	sdelay $0x1  }
0x3fc: {  	v33 =	vmul.f32 v32, v39  }
0x3fd: {  	v44 =	vmul.f32 v36, v36;
	v45 =	vmul.f32 v37, v37  }
0x3fe: {  	v33 =	vsub.f32 $1.500000000e+00, v33  }
0x3ff: {  	v47 =	vmul.f32 v18, v18;
	v38 =	vadd.f32 v45, v44;
	v46 =	vmul.f32 v35, v35  }
0x400: {  	v32 =	vmul.f32 v32, v33;
	v33 =	vmul.f32 v34, v42  }
0x401: {  	v29 =	vmul.f32 v62, v60;
	v28 =	vmul.f32 v63, v61;
	v49 =	vmax.f32 v38, $1.000000020e-24  }
0x402: {  	v48 =	vadd.f32 v47, v46;
	v43 =	vmul.f32 v32, v26;
	v34 =	vmul.f32 v33, v31  }
0x403: {  	v18 =	vmul.f32 v18, v37;
	v51 =	vshra.s32 v49, $0x1;
	v52 =	vmul.f32 $5.000000000e-01, v49  }
0x404: {  	v30 =	vld.idx.msk [tilespmem:v9+s8+$0x0], $0xffff;
	v50 =	vmax.f32 v48, $1.000000020e-24;
	v15 =	vmul.f32 v43, v32;
	v34 =	vmul.f32 v34, v33  }
0x405: {  	v9 =	vld [tilespmem:$0x3CB0];
	v54 =	vsub.s32 $0x5F3759DF, v51;
	v53 =	vshra.s32 v50, $0x1;
	v38 =	vmul.f32 $5.000000000e-01, v50  }
0x406: {  	v55 =	vsub.s32 $0x5F3759DF, v53;
	v15 =	vsub.f32 $1.500000000e+00, v15;
	v34 =	vsub.f32 $1.500000000e+00, v34  }
0x407: {  	v56 =	vmul.f32 v54, v52;
	v57 =	vmul.f32 v55, v38  }
0x408: {  	v32 =	vmul.f32 v15, v32;
	v33 =	vmul.f32 v34, v33;
	v15 =	vld [tilespmem:$0x3CA0]  }
0x409: {  	v41 =	vmul.f32 v54, v56;
	v42 =	vmul.f32 v55, v57  }
0x40a: {  	v26 =	vmul.f32 v32, v26;
	v31 =	vmul.f32 v33, v31  }
0x40b: {  	v45 =	vmul.f32 v30, v30;
	v41 =	vsub.f32 $1.500000000e+00, v41;
	v42 =	vsub.f32 $1.500000000e+00, v42  }
0x40c: {  	v26 =	vmul.f32 v26, v32;
	v31 =	vmul.f32 v31, v33  }
0x40d: {  	v28 =	vadd.f32 v28, v29;
	v29 =	vld.idx.msk [tilespmem:v9+s9+$0x0], $0xffff;
	v34 =	vmul.f32 v54, v41;
	v39 =	vmul.f32 v55, v42  }
0x40e: {  	s10 =	simm.s32 $0x2E80;
	v35 =	vmul.f32 v35, v36;
	v42 =	vld.idx.msk [tilespmem:v7+s8+$0x0], $0xffff;
	v26 =	vsub.f32 $1.500000000e+00, v26;
	v31 =	vsub.f32 $1.500000000e+00, v31  }
0x40f: {  	v58 =	vmul.f32 v34, v52;
	v7 =	vld.idx.msk [tilespmem:v25+s10+$0x0], $0xffff;
	v59 =	vmul.f32 v39, v38  }
0x410: {  	v32 =	vmul.f32 v26, v32;
	v31 =	vmul.f32 v31, v33;
	v26 =	vld.idx.msk [tilespmem:v15+s28+$0x0], $0xffff  }
0x411: {  	v27 =	vld.idx.msk [tilespmem:v15+s9+$0x0], $0xffff;
	v33 =	vmul.f32 v58, v34;
	v41 =	vmul.f32 v59, v39  }
0x412: {  	v54 =	vmul.f32 v29, v29;
	v60 =	vmul.f32 v31, v32  }
0x413: {  	v46 =	vmul.f32 v42, v42;
	v33 =	vsub.f32 $1.500000000e+00, v33;
	v41 =	vsub.f32 $1.500000000e+00, v41  }
0x414: {  	v32 =	vmul.f32 v32, v7;
	v43 =	vmul.f32 v60, v28  }
0x415: {  	v33 =	vmul.f32 v33, v34;
	v61 =	vmul.f32 v41, v39  }
0x416: {  	v40 =	vadd.f32 v46, v45;
	v46 =	vld.idx.msk [tilespmem:v23+s8+$0x0], $0xffff;
	v62 =	vmul.f32 v26, v26;
	v63 =	vmul.f32 v27, v27  }
0x417: {  	v26 =	vmul.f32 v30, v26;
	v27 =	vmul.f32 v42, v27  }
0x418: {  	v40 =	vmax.f32 v40, $1.000000020e-24;
	v44 =	vmul.f32 v33, v52;
	v38 =	vmul.f32 v61, v38  }
0x419: {  	v50 =	vshra.s32 v40, $0x1;
	v40 =	vmul.f32 $5.000000000e-01, v40;
	v28 =	vadd.f32 v63, v62  }
0x41a: {  	v51 =	vsub.s32 $0x5F3759DF, v50;
	v7 =	vmul.f32 v44, v33;
	v38 =	vmul.f32 v38, v61  }
0x41b: {  	v44 =	vld.idx.msk [tilespmem:v22+s8+$0x0], $0xffff;
	v52 =	vmul.f32 v51, v40;
	v57 =	vmul.f32 v46, v46;
	v47 =	vmax.f32 v28, $1.000000020e-24  }
0x41c: {  	v28 =	vld.idx.msk [tilespmem:v9+s28+$0x0], $0xffff;
	v7 =	vsub.f32 $1.500000000e+00, v7;
	v48 =	vshra.s32 v47, $0x1;
	v39 =	vmul.f32 $5.000000000e-01, v47  }
0x41d: {  	v63 =	vld.idx.msk [tilespmem:v24+s10+$0x0], $0xffff;
	v38 =	vsub.f32 $1.500000000e+00, v38;
	v22 =	vmul.f32 v51, v52;
	v41 =	vsub.s32 $0x5F3759DF, v48  }
0x41e: {  	v29 =	vmul.f32 v46, v29;
	v49 =	vmul.f32 v41, v39  }
0x41f: {  	v10 =	vld.idx.msk [tilespmem:v10+s8+$0x0], $0xffff;
	v23 =	vmul.f32 v7, v33;
	v33 =	vmul.f32 v38, v61;
	v22 =	vsub.f32 $1.500000000e+00, v22  }
0x420: {  	v56 =	vmul.f32 v44, v44;
	v7 =	vmul.f32 v41, v49  }
0x421: {  	v53 =	vmul.f32 v28, v28;
	v34 =	vmul.f32 v51, v22  }
0x422: {  	s4 =	simm.s32 $0x3680;
	v50 =	vmul.f32 v23, v63;
	v28 =	vmul.f32 v44, v28;
	v59 =	vadd.f32 v57, v56  }
0x423: {  	v25 =	vld.idx.msk [tilespmem:v25+s4+$0x0], $0xffff;
	v55 =	vsub.f32 $1.500000000e+00, v7;
	v38 =	vadd.f32 v54, v53;
	v56 =	vmul.f32 v34, v40  }
0x424: {  	v7 =	vld [tilespmem:$0x3CC0];
	v54 =	vmul.f32 v33, v10;
	v61 =	vmax.f32 v59, $1.000000020e-24;
	v59 =	vmul.f32 v33, v23  }
0x425: {  	v36 =	vmul.f32 v41, v55;
	v58 =	vmax.f32 v38, $1.000000020e-24;
	v62 =	vshra.s32 v61, $0x1  }
0x426: {  	v47 =	vld.idx.msk [tilespmem:v3+s8+$0x0], $0xffff;
	v49 =	vmul.f32 $5.000000000e-01, v61;
	v60 =	vshra.s32 v58, $0x1;
	v37 =	vmul.f32 $5.000000000e-01, v58  }
0x427: {  	v48 =	vsub.s32 $0x5F3759DF, v62;
	v41 =	vmul.f32 v36, v39;
	v38 =	vsub.s32 $0x5F3759DF, v60  }
0x428: {  	v35 =	vadd.f32 v18, v35;
	v58 =	vmul.f32 v48, v49;
	v45 =	vmul.f32 v38, v37  }
0x429: {  	v25 =	vadd.f32 $0.0e+00, v25;
	v10 =	vld.idx.msk [tilespmem:v6+s8+$0x0], $0xffff;
	v55 =	vmul.f32 v41, v36;
	v41 =	vmul.f32 v56, v34  }
0x42a: {  	v43 =	vsub.f32 $1.000000000e+00, v43;
	v23 =	vld.idx.msk [tilespmem:v8+s8+$0x0], $0xffff;
	v57 =	vmul.f32 v38, v45;
	v45 =	vmul.f32 v48, v58  }
0x42b: {  	v31 =	vmul.f32 v31, v47;
	v60 =	vsub.f32 $1.500000000e+00, v55;
	v41 =	vsub.f32 $1.500000000e+00, v41  }
0x42c: {  	v35 =	vmul.f32 v59, v35;
	v22 =	vld.idx.msk [tilespmem:v7+s28+$0x0], $0xffff;
	v61 =	vsub.f32 $1.500000000e+00, v57;
	v62 =	vsub.f32 $1.500000000e+00, v45  }
0x42d: {  	v43 =	vand.u32 $0x7FFFFFFF, v43;
	v18 =	vld.idx.msk [tilespmem:v7+s9+$0x0], $0xffff;
	v36 =	vmul.f32 v60, v36;
	v34 =	vmul.f32 v41, v34  }
0x42e: {  	v31 =	vsub.f32 v32, v31;
	v38 =	vmul.f32 v38, v61;
	v48 =	vmul.f32 v48, v62  }
0x42f: {  	v28 =	vadd.f32 v29, v28;
	v61 =	vmul.f32 v23, v23;
	v62 =	vmul.f32 v10, v10  }
0x430: {  	v31 =	vand.u32 $0x7FFFFFFF, v31;
	v39 =	vmul.f32 v36, v39;
	v40 =	vmul.f32 v34, v40  }
0x431: {  	v35 =	vsub.f32 $1.000000000e+00, v35;
	v63 =	vmul.f32 v38, v37;
	v51 =	vmul.f32 v22, v22  }
0x432: {  	v52 =	vmul.f32 v18, v18;
	v53 =	vmul.f32 v48, v49;
	v41 =	vadd.f32 v62, v61  }
0x433: {  	v62 =	vadd.f32 v27, v26;
	v22 =	vmul.f32 v23, v22;
	v32 =	vmul.f32 v63, v38  }
0x434: {  	v39 =	vmul.f32 v39, v36;
	v6 =	vmul.f32 v40, v34;
	v45 =	vadd.f32 v52, v51  }
0x435: {  	v10 =	vmul.f32 v10, v18;
	v56 =	vmul.f32 v53, v48;
	v32 =	vsub.f32 $1.500000000e+00, v32  }
0x436: {  	v55 =	vsub.f32 $1.500000000e+00, v39;
	v6 =	vsub.f32 $1.500000000e+00, v6;
	v57 =	vmax.f32 v45, $1.000000020e-24  }
0x437: {  	v20 =	vld.idx.msk [tilespmem:v20+s8+$0x0], $0xffff;
	v58 =	vshra.s32 v57, $0x1;
	v32 =	vmul.f32 v32, v38;
	v38 =	vmul.f32 $5.000000000e-01, v57  }
0x438: {  	v39 =	vsub.f32 $1.500000000e+00, v56;
	v34 =	vmul.f32 v6, v34;
	v6 =	vld [tilespmem:$0x3CD0];
	v60 =	vsub.s32 $0x5F3759DF, v58  }
0x439: {  	v63 =	vsub.f32 v50, v54;
	v33 =	vmul.f32 v55, v36;
	v55 =	vld.idx.msk [tilespmem:v15+s10+$0x0], $0xffff;
	v40 =	vmul.f32 v60, v38  }
0x43a: {  	v21 =	vld.idx.msk [tilespmem:v21+s8+$0x0], $0xffff;
	v53 =	vmax.f32 v41, $1.000000020e-24;
	v39 =	vmul.f32 v39, v48;
	v59 =	vmul.f32 v32, v37  }
0x43b: {  	v13 =	vld.idx.msk [tilespmem:v13+s8+$0x0], $0xffff;
	v54 =	vshra.s32 v53, $0x1;
	v47 =	vand.u32 $0x7FFFFFFF, v63;
	v48 =	vmul.f32 v60, v40  }
0x43c: {  	v14 =	vld.idx.msk [tilespmem:v14+s8+$0x0], $0xffff;
	v57 =	vsub.s32 $0x5F3759DF, v54;
	v50 =	vmul.f32 v39, v49;
	v36 =	vmul.f32 v59, v32  }
0x43d: {  	v41 =	vld.idx.msk [tilespmem:v24+s4+$0x0], $0xffff;
	v61 =	vmul.f32 v34, v33;
	v40 =	vmul.f32 $5.000000000e-01, v53;
	v8 =	vsub.f32 $1.500000000e+00, v48  }
0x43e: {  	v63 =	vld.idx.msk [tilespmem:v9+s10+$0x0], $0xffff;
	v52 =	vmul.f32 v50, v39;
	v33 =	vmul.f32 v33, v55;
	v51 =	vsub.f32 $1.500000000e+00, v36  }
0x43f: {  	v35 =	vand.u32 $0x7FFFFFFF, v35;
	v15 =	vld.idx.msk [tilespmem:v15+s4+$0x0], $0xffff;
	v59 =	vmul.f32 v57, v40;
	v37 =	vmul.f32 v60, v8  }
0x440: {  	v56 =	vsub.f32 $1.500000000e+00, v52;
	v52 =	vmul.f32 v61, v62;
	v30 =	vmul.f32 v51, v32;
	v8 =	vld [tilespmem:$0x3CE0]  }
0x441: {  	v35 =	vadd.f32 v35, v43;
	v24 =	vld.idx.msk [tilespmem:v6+s9+$0x0], $0xffff;
	v51 =	vmul.f32 v57, v59;
	v58 =	vmul.f32 v37, v38  }
0x442: {  	v10 =	vadd.f32 v10, v22;
	v61 =	vmul.f32 v20, v20;
	v60 =	vld.idx.msk [tilespmem:v17+s8+$0x0], $0xffff;
	v39 =	vmul.f32 v56, v39  }
0x443: {  	v62 =	vmul.f32 v21, v21;
	v17 =	vld.idx.msk [tilespmem:v6+s28+$0x0], $0xffff;
	v36 =	vsub.f32 $1.500000000e+00, v51;
	v50 =	vmul.f32 v58, v37  }
0x444: {  	v54 =	vsub.f32 $1.000000000e+00, v52;
	v52 =	vmul.f32 v13, v13;
	v53 =	vmul.f32 v39, v30  }
0x445: {  	v11 =	vld.idx.msk [tilespmem:v11+s8+$0x0], $0xffff;
	v26 =	vmul.f32 v30, v63;
	v32 =	vmul.f32 v57, v36;
	v27 =	vsub.f32 $1.500000000e+00, v50  }
0x446: {  	v25 =	vadd.f32 v41, v25;
	v28 =	vmul.f32 v53, v28;
	v58 =	vmul.f32 v24, v24  }
0x447: {  	v31 =	vadd.f32 v47, v31;
	v53 =	vmul.f32 v14, v14;
	v27 =	vmul.f32 v27, v37  }
0x448: {  	v15 =	vadd.f32 v15, v25;
	v34 =	vmul.f32 v34, v60;
	v57 =	vmul.f32 v17, v17;
	v43 =	vld.idx.msk [tilespmem:v8+s9+$0x0], $0xffff  }
0x449: {  	v48 =	vadd.f32 v62, v61;
	v56 =	vmul.f32 v32, v40;
	v55 =	vmul.f32 v27, v38;
	v38 =	vld.idx.msk [tilespmem:v8+s28+$0x0], $0xffff  }
0x44a: {  	v11 =	vmul.f32 v39, v11;
	v42 =	vadd.f32 v53, v52;
	v60 =	vadd.f32 v58, v57  }
0x44b: {  	v17 =	vmul.f32 v20, v17;
	v33 =	vsub.f32 v33, v34;
	v59 =	vmul.f32 v56, v32  }
0x44c: {  	v37 =	vmax.f32 v48, $1.000000020e-24;
	v42 =	vmax.f32 v42, $1.000000020e-24;
	v47 =	vmax.f32 v60, $1.000000020e-24  }
0x44d: {  	v60 =	vshra.s32 v42, $0x1;
	v42 =	vmul.f32 $5.000000000e-01, v42;
	v63 =	vsub.f32 $1.500000000e+00, v59  }
0x44e: {  	v49 =	vshra.s32 v47, $0x1;
	v51 =	vmul.f32 v43, v43;
	v50 =	vmul.f32 v38, v38  }
0x44f: {  	v34 =	vmul.f32 $5.000000000e-01, v47;
	v48 =	vsub.s32 $0x5F3759DF, v60;
	v39 =	vsub.s32 $0x5F3759DF, v49  }
0x450: {  	v62 =	vmul.f32 v48, v42;
	v29 =	vmul.f32 v55, v27;
	v41 =	vadd.f32 v51, v50  }
0x451: {  	v36 =	vand.u32 $0x7FFFFFFF, v54;
	v30 =	vmul.f32 v63, v32;
	v54 =	vmul.f32 v39, v34  }
0x452: {  	v55 =	vshra.s32 v37, $0x1;
	v37 =	vmul.f32 $5.000000000e-01, v37;
	v41 =	vmax.f32 v41, $1.000000020e-24  }
0x453: {  	v56 =	vsub.s32 $0x5F3759DF, v55;
	v57 =	vshra.s32 v41, $0x1;
	v41 =	vmul.f32 $5.000000000e-01, v41  }
0x454: {  	v58 =	vmul.f32 v56, v37;
	v32 =	vmul.f32 v39, v54;
	v45 =	vsub.s32 $0x5F3759DF, v57  }
0x455: {  	v9 =	vld.idx.msk [tilespmem:v9+s4+$0x0], $0xffff;
	v14 =	vmul.f32 v14, v43;
	v29 =	vsub.f32 $1.500000000e+00, v29;
	v59 =	vmul.f32 v45, v41  }
0x456: {  	v40 =	vmul.f32 v30, v40;
	v46 =	vmul.f32 v56, v58;
	v63 =	vsub.f32 $1.500000000e+00, v32  }
0x457: {  	v35 =	vadd.f32 v36, v35;
	v50 =	vmul.f32 v48, v62;
	v61 =	vmul.f32 v45, v59  }
0x458: {  	v27 =	vmul.f32 v29, v27;
	v49 =	vsub.f32 $1.500000000e+00, v46;
	v29 =	vmul.f32 v39, v63  }
0x459: {  	v51 =	vmul.f32 v40, v30;
	v52 =	vsub.f32 $1.500000000e+00, v50;
	v36 =	vsub.f32 $1.500000000e+00, v61  }
0x45a: {  	v9 =	vadd.f32 v9, v15;
	v32 =	vmul.f32 v56, v49;
	v53 =	vmul.f32 v29, v34  }
0x45b: {  	v33 =	vand.u32 $0x7FFFFFFF, v33;
	v54 =	vmul.f32 v48, v52;
	v36 =	vmul.f32 v45, v36  }
0x45c: {  	v31 =	vadd.f32 v33, v31;
	v44 =	vmul.f32 v32, v37;
	v33 =	vmul.f32 v53, v29  }
0x45d: {  	v11 =	vsub.f32 v26, v11;
	v57 =	vmul.f32 v54, v42;
	v55 =	vmul.f32 v36, v41  }
0x45e: {  	v13 =	vmul.f32 v13, v38;
	v44 =	vmul.f32 v44, v32;
	v33 =	vsub.f32 $1.500000000e+00, v33  }
0x45f: {  	v39 =	vsub.f32 $1.500000000e+00, v51;
	v60 =	vmul.f32 v57, v54;
	v56 =	vmul.f32 v55, v36  }
0x460: {  	v49 =	vmul.f32 v21, v24;
	v58 =	vsub.f32 $1.500000000e+00, v44;
	v29 =	vmul.f32 v33, v29  }
0x461: {  	v62 =	vld.idx.msk [tilespmem:v7+s10+$0x0], $0xffff;
	v30 =	vmul.f32 v39, v30;
	v26 =	vsub.f32 $1.500000000e+00, v60;
	v59 =	vsub.f32 $1.500000000e+00, v56  }
0x462: {  	v28 =	vsub.f32 $1.000000000e+00, v28;
	v32 =	vmul.f32 v58, v32;
	v33 =	vmul.f32 v29, v34  }
0x463: {  	v12 =	vld.idx.msk [tilespmem:v12+s8+$0x0], $0xffff;
	v11 =	vand.u32 $0x7FFFFFFF, v11;
	v25 =	vmul.f32 v26, v54;
	v61 =	vmul.f32 v59, v36  }
0x464: {  	v28 =	vand.u32 $0x7FFFFFFF, v28;
	v63 =	vmul.f32 v32, v37;
	v37 =	vmul.f32 v33, v29  }
0x465: {  	v28 =	vadd.f32 v28, v35;
	v40 =	vmul.f32 v61, v41;
	v41 =	vmul.f32 v25, v42  }
0x466: {  	v11 =	vadd.f32 v11, v31;
	v23 =	vmul.f32 v27, v62;
	v39 =	vmul.f32 v63, v32  }
0x467: {  	v22 =	vsub.f32 $1.500000000e+00, v37;
	v44 =	vmul.f32 v40, v61;
	v45 =	vmul.f32 v41, v25  }
0x468: {  	v16 =	vld.idx.msk [tilespmem:v16+s8+$0x0], $0xffff;
	v12 =	vmul.f32 v30, v12;
	v36 =	vmul.f32 v30, v27;
	v42 =	vsub.f32 $1.500000000e+00, v39  }
0x469: {  	v46 =	vld.idx.msk [tilespmem:v6+s10+$0x0], $0xffff;
	v22 =	vmul.f32 v22, v29;
	v27 =	vsub.f32 $1.500000000e+00, v44;
	v47 =	vsub.f32 $1.500000000e+00, v45  }
0x46a: {  	v48 =	vld.idx.msk [tilespmem:v19+s8+$0x0], $0xffff;
	v12 =	vsub.f32 v23, v12;
	v10 =	vmul.f32 v36, v10;
	v26 =	vmul.f32 v42, v32  }
0x46b: {  	v50 =	vld.idx.msk [tilespmem:v8+s10+$0x0], $0xffff;
	v17 =	vadd.f32 v49, v17;
	v18 =	vmul.f32 v27, v61;
	v51 =	vmul.f32 v47, v25  }
0x46c: {  	v12 =	vand.u32 $0x7FFFFFFF, v12;
	v10 =	vsub.f32 $1.000000000e+00, v10;
	v52 =	vmul.f32 v26, v22  }
0x46d: {  	v7 =	vld.idx.msk [tilespmem:v7+s4+$0x0], $0xffff;
	v13 =	vadd.f32 v14, v13;
	v11 =	vadd.f32 v12, v11;
	v53 =	vmul.f32 v51, v18  }
0x46e: {  	v54 =	vmul.f32 v22, v46;
	v10 =	vand.u32 $0x7FFFFFFF, v10;
	v17 =	vmul.f32 v52, v17  }
0x46f: {  	v55 =	vmul.f32 v26, v48;
	v10 =	vadd.f32 v10, v28;
	v13 =	vmul.f32 v53, v13  }
0x470: {  	v56 =	vsub.f32 $1.000000000e+00, v17;
	v57 =	vmul.f32 v18, v50;
	v16 =	vmul.f32 v51, v16  }
0x471: {  	v6 =	vld.idx.msk [tilespmem:v6+s4+$0x0], $0xffff;
	v12 =	vsub.f32 v54, v55;
	v13 =	vsub.f32 $1.000000000e+00, v13  }
0x472: {  	v8 =	vld.idx.msk [tilespmem:v8+s4+$0x0], $0xffff;
	v7 =	vadd.f32 v7, v9;
	v58 =	vand.u32 $0x7FFFFFFF, v56;
	v59 =	vsub.f32 v57, v16  }
0x473: {  	v12 =	vand.u32 $0x7FFFFFFF, v12;
	v9 =	vadd.f32 v58, v10;
	v60 =	vand.u32 $0x7FFFFFFF, v13  }
0x474: {  	v11 =	vadd.f32 v12, v11;
	v61 =	vand.u32 $0x7FFFFFFF, v59;
	v10 =	vnsel vm0, $0x0, v60  }
0x475: {  	v62 =	vnsel vm0, $0x0, v61;
	v9 =	vadd.f32 v10, v9  }
0x476: {  	v6 =	vadd.f32 v6, v7;
	v7 =	vadd.f32 v62, v11  }
0x477: {  	v8 =	vnsel vm0, $0x0, v8;
	(xrf2) =	vadd.scan.msk.f32 $0xffff, v9  }
0x478: {  	v6 =	vadd.f32 v8, v6;
	(xrf2) =	vadd.scan.msk.f32 $0xffff, v7;
	_ =	sdelay $0x1  }
0x479: {  	(xrf2) =	vadd.scan.msk.f32 $0xffff, v6;
	_ =	sdelay $0x6  }
0x47a: {  	v6, _, _ =	vpop (xrf2)  }
0x47b: {  	v7, _, _ =	vpop (xrf2)  }
0x47c: {  	v6 =	vbroadcast v6, $0xF;
	v7 =	vbroadcast v7, $0xF  }
0x47d: {  	v63, _, _ =	vpop (xrf2)  }
0x47e: {  	v6 =	vnsel vm1, $0x0, v6;
	v8 =	vbroadcast v63, $0xF;
	v7 =	vnsel vm2, $0x0, v7  }
0x47f: {  	v6 =	vadd.f32 v6, v7  }
0x480: {  	v7 =	vnsel vm3, $0x0, v8  }
0x481: {  	v6 =	vadd.f32 v6, v7;
	_ =	sdelay $0x1  }
0x482: {  	s29 =	rddreg [dreg:$0x9];
	[tilespmem:$0x4D00] =	vst v6  }
0x483: {  	[hbm4b:s29+s0] =	stream.linear.scatter [tilespmem:s6], [sflag:$0x7], $0x80, $0x38;
	[tilespmem:$0x4D80] =	vst v63  }
0x484: {  	_ =	swait.ge [sflag:s7], $0x80  }
0x485: {  	s30 =	rddreg [dreg:$0xb]  }
0x486: {  	s31 =	rddreg [dreg:$0xa];
	s1 =	sadd.s32 $0x1, s30  }
0x487: {  	p0 =	sne.s32 s1, s31  }
.Ltmp4:
0x488: {  	_ = 	snop;
	(pc) =	sbr.rel @p0 .LBB2_1-.Ltmp4, $3  }
0x489: {  	_ =	sdelay $0x1  }
0x48a: {  	[sflag:s7] =	ssyncset.done $0x0  }
0x48b: {  	[sflag:s7] =	ssyncadd.s32 $0xFFFFFF80  }
0x48c: {  	_ =	sfence.sel $0x180000  }
0x48d: {  	[bflag:$0x0] =	sbarrier.arrive $0xFFFF  }
0x48e: {  	_ =	strace $0x90000047  }
0x48f: {  	s0 =	stileid.u32;
	[bflag:$0x2] =	sbarrier.arrive $0xFFFF  }
0x490: {  	p0 =	sne.s32 s0, $0x0;
	s0 =	rddreg [dreg:$0x1]  }
0x491: {  	s0 =	sadd.s32 @!p0 $0x100000, s0  }
0x492: {  	[sflag:s0] =	ssyncadd.tile.s32 @!p0 $0x1;
	_ =	shalt  }
.Lfunc_end2:
_tile_overlayer_lowered:
.L_overlay_start_2:
0x493: {  	(tag) =	ssettag $0x2  }
0x494: {  	s0 =	rddreg [dreg:$0x0];
	s2 =	stileid.u32  }
0x495: {  	s1 =	rddreg [dreg:$0x1];
	p0 =	sne.s32 s2, $0x0  }
0x496: {  	s3 =	rddreg [dreg:$0x2];
	[bflag:$0x3] =	sbarrier.arrive $0xFFFF;
	s2 =	simm.s32 @!p0 $0x1C07  }
0x497: {  	[timem:s3], [sflag:s2] =	dma.local @!p0 [hbm:s0], s1  }
0x498: {  	s0 =	simm.s32 @!p0 $0x7  }
0x499: {  	_ =	swait.ge @!p0 [sflag:s0], s1  }
0x49a: {  	s1 =	ssub.s32 @!p0 $0x0, s1;
	[sflag:s0] =	ssyncset.done @!p0 $0x0  }
0x49b: {  	[sflag:s0] =	ssyncadd.s32 @!p0 s1  }
0x49c: {  	[bflag:$0x3] =	sbarrier.arrive $0xFFFF  }
0x49d: {  	_ =	shalt  }

</sc_bundles>
